<compile_context>
chip_gen: v7x
topology: tpu7x:2x2x1
jax: 0.10.2.dev20260603
libtpu: 0.0.44.dev20260713+nightly
codegen_flags: <defaults>
</compile_context>

<pallas_src>
import jax
import jax.numpy as jnp
from jax import lax
from jax.experimental import pallas as pl
from jax.experimental.pallas import tpu as pltpu
from jax.experimental.pallas import tpu_sc as plsc

B = 16
L = 2048
D = 6
H = 32
T = B * L

_LN = 16
_CHUNK = 1024
_G = 4
_BLK = _G * _LN
_NBLK = _CHUNK // _BLK
_NVEC = _CHUNK // _LN


def _sc_body(xf, wtabf, out_hbm,
             xv, wtab, zv, rv, padv, outv, shared, allv):
    c = lax.axis_index("c")
    s = lax.axis_index("s")
    wid = c * 16 + s
    iota = lax.iota(jnp.int32, _LN)

    for d in range(D):
        pltpu.sync_copy(xf.at[d, pl.ds(wid * _CHUNK, _CHUNK)],
                        xv.at[pl.ds(d * _CHUNK, _CHUNK)])
    pltpu.sync_copy(wtabf, wtab)

    def blk(i, carry):
        base = i * _BLK
        xs = []
        for g in range(_G):
            xs.append([xv[pl.ds(d * _CHUNK + base + g * _LN, _LN)]
                       for d in range(D)])
        raccs = [jnp.zeros((_LN,), jnp.float32) for _ in range(_G)]
        zaccs = [jnp.zeros((_LN,), jnp.float32) for _ in range(_G)]
        for j in range(H):
            w1j = [wtab[pl.ds((j * 9 + d) * _LN, _LN)] for d in range(D)]
            b1j = wtab[pl.ds((j * 9 + 6) * _LN, _LN)]
            wrj = wtab[pl.ds((j * 9 + 7) * _LN, _LN)]
            wzj = wtab[pl.ds((j * 9 + 8) * _LN, _LN)]
            for g in range(_G):
                h = b1j
                for d in range(D):
                    h = h + xs[g][d] * w1j[d]
                h = jnp.maximum(h, 0.0)
                raccs[g] = raccs[g] + h * wrj
                zaccs[g] = zaccs[g] + h * wzj
        for g in range(_G):
            zv[pl.ds(i * _BLK + g * _LN, _LN)] = zaccs[g]
            rv[pl.ds(i * _BLK + g * _LN, _LN)] = raccs[g]
        return carry

    lax.fori_loop(0, _NBLK, blk, 0)

    def max_body(k, m):
        return jnp.maximum(m, zv[pl.ds(k * _LN, _LN)])

    m = lax.fori_loop(0, _NVEC, max_body,
                      jnp.full((_LN,), -jnp.inf, jnp.float32))
    m_loc = m[0]
    for i in range(1, _LN):
        m_loc = jnp.maximum(m_loc, m[i])
    mv = jnp.full((_LN,), m_loc, jnp.float32)

    def acc_body(k, carry):
        acc_e, acc_er = carry
        e = jnp.exp(zv[pl.ds(k * _LN, _LN)] - mv)
        return acc_e + e, acc_er + e * rv[pl.ds(k * _LN, _LN)]

    acc_e, acc_er = lax.fori_loop(
        0, _NVEC, acc_body,
        (jnp.zeros((_LN,), jnp.float32), jnp.zeros((_LN,), jnp.float32)))
    sum_e = acc_e[0]
    sum_er = acc_er[0]
    for i in range(1, _LN):
        sum_e = sum_e + acc_e[i]
        sum_er = sum_er + acc_er[i]

    part = jnp.where(iota == 0, jnp.full((_LN,), m_loc, jnp.float32),
                     jnp.where(iota == 1, jnp.full((_LN,), sum_e, jnp.float32),
                               jnp.full((_LN,), sum_er, jnp.float32)))
    padv[...] = part
    pltpu.sync_copy(padv, shared.at[pl.ds(s * _LN, _LN)])

    plsc.subcore_barrier()

    @pl.when(s == 0)
    def _emit():
        pltpu.sync_copy(shared, allv)
        idx = (iota & 7) * (2 * _LN)
        m1 = plsc.load_gather(allv, [idx])
        s1 = plsc.load_gather(allv, [idx + 1])
        p1 = plsc.load_gather(allv, [idx + 2])
        m2 = plsc.load_gather(allv, [idx + _LN])
        s2 = plsc.load_gather(allv, [idx + _LN + 1])
        p2 = plsc.load_gather(allv, [idx + _LN + 2])
        mm = jnp.maximum(m1, m2)
        e1 = jnp.exp(m1 - mm)
        e2 = jnp.exp(m2 - mm)
        denom = s1 * e1 + s2 * e2
        num = p1 * e1 + p2 * e2
        outv[...] = num / denom
        pltpu.sync_copy(outv, out_hbm.at[c])


def kernel(x, xlens, W1, b1, Wr, br, Wz, bz):
    del xlens
    del bz
    mesh = plsc.VectorSubcoreMesh(core_axis_name="c", subcore_axis_name="s")
    f = pl.kernel(
        _sc_body,
        mesh=mesh,
        compiler_params=pltpu.CompilerParams(needs_layout_passes=False),
        out_type=jax.ShapeDtypeStruct((2, _LN), jnp.float32),
        scratch_types=[
            pltpu.VMEM((D * _CHUNK,), jnp.float32),
            pltpu.VMEM((H * 9 * _LN,), jnp.float32),
            pltpu.VMEM((_CHUNK,), jnp.float32),
            pltpu.VMEM((_CHUNK,), jnp.float32),
            pltpu.VMEM((_LN,), jnp.float32),
            pltpu.VMEM((_LN,), jnp.float32),
            pltpu.VMEM_SHARED((16 * _LN,), jnp.float32),
            pltpu.VMEM((16 * _LN,), jnp.float32),
        ],
    )
    wcat = jnp.concatenate(
        [W1.T, b1[:, None], Wr, Wz], axis=1).reshape(H * 9, 1)
    wtabf = jnp.broadcast_to(wcat, (H * 9, _LN)).reshape(H * 9 * _LN)
    o = f(x.T, wtabf)
    return jnp.concatenate([o[0, :8], o[1, :8]]) + br[0]

# --- scband reference (transcript-rebuilt; emitter-appended) ---
"""Pipeline reference for scband-strength-net-81080392614771 (READ-ONLY COPY).

The authoritative reference and input builder live on the scoring server;
editing this copy changes nothing except your own understanding.
"""

import jax, jax.numpy as jnp
import numpy as np

B = 16
L = 2048
T = B * L
D = 6
H = 32


def setup_inputs(seed: int = 0) -> dict:
    key = jax.random.key(seed)
    ks = jax.random.split(key, 7)
    x = jax.random.normal(ks[0], (T, D), dtype=jnp.float32)
    # equal-length ragged segments so that sum(xlens) == T exactly
    xlens = jnp.full((B,), L, dtype=jnp.int32)
    W1 = jax.random.normal(ks[1], (D, H), dtype=jnp.float32) * (1.0 / np.sqrt(D))
    b1 = jnp.zeros((H,), dtype=jnp.float32)
    Wr = jax.random.normal(ks[2], (H, 1), dtype=jnp.float32) * (1.0 / np.sqrt(H))
    br = jnp.zeros((1,), dtype=jnp.float32)
    Wz = jax.random.normal(ks[3], (H, 1), dtype=jnp.float32) * (1.0 / np.sqrt(H))
    bz = jnp.zeros((1,), dtype=jnp.float32)
    return {"x": x, "xlens": xlens, "W1": W1, "b1": b1, "Wr": Wr, "br": br, "Wz": Wz, "bz": bz}


def reference(x, xlens, W1, b1, Wr, br, Wz, bz):
    # layer1: Linear(D, H) + ReLU
    h = jax.nn.relu(x @ W1 + b1)
    # rating and weights heads, squeeze(-1)
    r = (h @ Wr + br)[:, 0]
    z = (h @ Wz + bz)[:, 0]
    # ragged per-sequence softmax(z) weighted sum of r (segment ops)
    seg = jnp.repeat(jnp.arange(B, dtype=jnp.int32), xlens, total_repeat_length=T)
    zmax = jax.ops.segment_max(z, seg, num_segments=B)
    e = jnp.exp(z - zmax[seg])
    denom = jax.ops.segment_sum(e, seg, num_segments=B)
    w = e / denom[seg]
    pred = jax.ops.segment_sum(w * r, seg, num_segments=B)
    return pred

if __name__ == "__main__":
    import jax
    _d = setup_inputs()
    print(jax.jit(kernel)(*tuple(_d.values())))

</pallas_src>

<mosaic_0001>
#map = affine_map<(d0, d1) -> (0, 0)>
#map1 = affine_map<(d0, d1) -> (0)>
module attributes {stable_mosaic.version = 14 : i64} {
  func.func @_sc_body(%arg0: i32, %arg1: i32, %arg2: memref<6x32768xf32, #tpu.memory_space<hbm>>, %arg3: memref<4608xf32, #tpu.memory_space<hbm>>, %arg4: memref<2x16xf32, #tpu.memory_space<hbm>>, %arg5: memref<6144xf32, #tpu.memory_space<vmem>>, %arg6: memref<4608xf32, #tpu.memory_space<vmem>>, %arg7: memref<1024xf32, #tpu.memory_space<vmem>>, %arg8: memref<1024xf32, #tpu.memory_space<vmem>>, %arg9: memref<16xf32, #tpu.memory_space<vmem>>, %arg10: memref<16xf32, #tpu.memory_space<vmem>>, %arg11: memref<256xf32, #tpu.memory_space<vmem_shared>>, %arg12: memref<256xf32, #tpu.memory_space<vmem>>) attributes {dimension_semantics = [#tpu.dimension_semantics<core_parallel>, #tpu.dimension_semantics<subcore_parallel>], iteration_bounds = array<i64: 2, 16>, scalar_prefetch = 0 : i64, scratch_operands = 8 : i64, tpu.core_type = #tpu.core_type<sc_vector_subcore>, window_params = [{transform_indices = #map}, {transform_indices = #map1}, {transform_indices = #map}]} {
    %mul3A = arith.constant 16 : i32
    %mul3A_0 = arith.muli %arg0, %mul3A : i32
    %add3A = arith.addi %mul3A_0, %arg1 : i32
    %iota3A = tpu.iota {dimensions = array<i32: 0>} : vector<16xi32>
    %mul3A_1 = arith.constant 1024 : i32
    %mul3A_2 = arith.muli %add3A, %mul3A_1 : i32
    %run_scoped3A = arith.constant 0 : i32
    "tpu.region"() ({
      %run_scoped3A_194 = tpu.sem_alloc : memref<!tpu.dma_semaphore, #tpu.memory_space<semaphore_mem>>
      %dma_start3A = arith.constant 0 : i32
      %dma_start3A_195 = tpu.memref_slice %arg5[%dma_start3A] : memref<6144xf32, #tpu.memory_space<vmem>> -> memref<1024xf32, #tpu.memory_space<vmem>>
      %dma_start3A_196 = tpu.memref_slice %arg2[%run_scoped3A, %mul3A_2] : memref<6x32768xf32, #tpu.memory_space<hbm>> -> memref<1x1024xf32, #tpu.memory_space<hbm>>
      %dma_start3A_197 = tpu.memref_squeeze %dma_start3A_196 : memref<1x1024xf32, #tpu.memory_space<hbm>> -> memref<1024xf32, #tpu.memory_space<hbm>>
      %dma_start3A_198 = arith.constant 0 : i32
      %dma_start3A_199 = tpu.memref_slice %arg5[%dma_start3A_198] : memref<6144xf32, #tpu.memory_space<vmem>> -> memref<1024xf32, #tpu.memory_space<vmem>>
      %dma_start3A_200 = tpu.memref_slice %arg2[%run_scoped3A, %mul3A_2] : memref<6x32768xf32, #tpu.memory_space<hbm>> -> memref<1x1024xf32, #tpu.memory_space<hbm>>
      %dma_start3A_201 = tpu.memref_squeeze %dma_start3A_200 : memref<1x1024xf32, #tpu.memory_space<hbm>> -> memref<1024xf32, #tpu.memory_space<hbm>>
      tpu.enqueue_dma source(%dma_start3A_201 : memref<1024xf32, #tpu.memory_space<hbm>>) target(%dma_start3A_199 : memref<1024xf32, #tpu.memory_space<vmem>>) target_semaphore(%run_scoped3A_194 : memref<!tpu.dma_semaphore, #tpu.memory_space<semaphore_mem>>)
      %dma_wait3A = arith.constant 0 : i32
      %dma_wait3A_202 = tpu.memref_slice %arg5[%dma_wait3A] : memref<6144xf32, #tpu.memory_space<vmem>> -> memref<1024xf32, #tpu.memory_space<vmem>>
      %dma_wait3A_203 = tpu.memref_slice %arg2[%run_scoped3A, %mul3A_2] : memref<6x32768xf32, #tpu.memory_space<hbm>> -> memref<1x1024xf32, #tpu.memory_space<hbm>>
      %dma_wait3A_204 = tpu.memref_squeeze %dma_wait3A_203 : memref<1x1024xf32, #tpu.memory_space<hbm>> -> memref<1024xf32, #tpu.memory_space<hbm>>
      %dma_wait3A_205 = arith.constant 0 : i32
      %dma_wait3A_206 = tpu.memref_slice %arg5[%dma_wait3A_205] : memref<6144xf32, #tpu.memory_space<vmem>> -> memref<1024xf32, #tpu.memory_space<vmem>>
      %dma_wait3A_207 = tpu.memref_slice %arg2[%run_scoped3A, %mul3A_2] : memref<6x32768xf32, #tpu.memory_space<hbm>> -> memref<1x1024xf32, #tpu.memory_space<hbm>>
      %dma_wait3A_208 = tpu.memref_squeeze %dma_wait3A_207 : memref<1x1024xf32, #tpu.memory_space<hbm>> -> memref<1024xf32, #tpu.memory_space<hbm>>
      tpu.wait_dma2 semaphore(%run_scoped3A_194 : memref<!tpu.dma_semaphore, #tpu.memory_space<semaphore_mem>>) src(%dma_wait3A_208 : memref<1024xf32, #tpu.memory_space<hbm>>) dst(%dma_wait3A_206 : memref<1024xf32, #tpu.memory_space<vmem>>)
      tpu.yield
    }) : () -> ()
    %mul3A_3 = arith.constant 1024 : i32
    %mul3A_4 = arith.muli %add3A, %mul3A_3 : i32
    %run_scoped3A_5 = arith.constant 1 : i32
    "tpu.region"() ({
      %run_scoped3A_194 = tpu.sem_alloc : memref<!tpu.dma_semaphore, #tpu.memory_space<semaphore_mem>>
      %dma_start3A = arith.constant 1024 : i32
      %dma_start3A_195 = tpu.memref_slice %arg5[%dma_start3A] : memref<6144xf32, #tpu.memory_space<vmem>> -> memref<1024xf32, #tpu.memory_space<vmem>>
      %dma_start3A_196 = tpu.memref_slice %arg2[%run_scoped3A_5, %mul3A_4] : memref<6x32768xf32, #tpu.memory_space<hbm>> -> memref<1x1024xf32, #tpu.memory_space<hbm>>
      %dma_start3A_197 = tpu.memref_squeeze %dma_start3A_196 : memref<1x1024xf32, #tpu.memory_space<hbm>> -> memref<1024xf32, #tpu.memory_space<hbm>>
      %dma_start3A_198 = arith.constant 1024 : i32
      %dma_start3A_199 = tpu.memref_slice %arg5[%dma_start3A_198] : memref<6144xf32, #tpu.memory_space<vmem>> -> memref<1024xf32, #tpu.memory_space<vmem>>
      %dma_start3A_200 = tpu.memref_slice %arg2[%run_scoped3A_5, %mul3A_4] : memref<6x32768xf32, #tpu.memory_space<hbm>> -> memref<1x1024xf32, #tpu.memory_space<hbm>>
      %dma_start3A_201 = tpu.memref_squeeze %dma_start3A_200 : memref<1x1024xf32, #tpu.memory_space<hbm>> -> memref<1024xf32, #tpu.memory_space<hbm>>
      tpu.enqueue_dma source(%dma_start3A_201 : memref<1024xf32, #tpu.memory_space<hbm>>) target(%dma_start3A_199 : memref<1024xf32, #tpu.memory_space<vmem>>) target_semaphore(%run_scoped3A_194 : memref<!tpu.dma_semaphore, #tpu.memory_space<semaphore_mem>>)
      %dma_wait3A = arith.constant 1024 : i32
      %dma_wait3A_202 = tpu.memref_slice %arg5[%dma_wait3A] : memref<6144xf32, #tpu.memory_space<vmem>> -> memref<1024xf32, #tpu.memory_space<vmem>>
      %dma_wait3A_203 = tpu.memref_slice %arg2[%run_scoped3A_5, %mul3A_4] : memref<6x32768xf32, #tpu.memory_space<hbm>> -> memref<1x1024xf32, #tpu.memory_space<hbm>>
      %dma_wait3A_204 = tpu.memref_squeeze %dma_wait3A_203 : memref<1x1024xf32, #tpu.memory_space<hbm>> -> memref<1024xf32, #tpu.memory_space<hbm>>
      %dma_wait3A_205 = arith.constant 1024 : i32
      %dma_wait3A_206 = tpu.memref_slice %arg5[%dma_wait3A_205] : memref<6144xf32, #tpu.memory_space<vmem>> -> memref<1024xf32, #tpu.memory_space<vmem>>
      %dma_wait3A_207 = tpu.memref_slice %arg2[%run_scoped3A_5, %mul3A_4] : memref<6x32768xf32, #tpu.memory_space<hbm>> -> memref<1x1024xf32, #tpu.memory_space<hbm>>
      %dma_wait3A_208 = tpu.memref_squeeze %dma_wait3A_207 : memref<1x1024xf32, #tpu.memory_space<hbm>> -> memref<1024xf32, #tpu.memory_space<hbm>>
      tpu.wait_dma2 semaphore(%run_scoped3A_194 : memref<!tpu.dma_semaphore, #tpu.memory_space<semaphore_mem>>) src(%dma_wait3A_208 : memref<1024xf32, #tpu.memory_space<hbm>>) dst(%dma_wait3A_206 : memref<1024xf32, #tpu.memory_space<vmem>>)
      tpu.yield
    }) : () -> ()
    %mul3A_6 = arith.constant 1024 : i32
    %mul3A_7 = arith.muli %add3A, %mul3A_6 : i32
    %run_scoped3A_8 = arith.constant 2 : i32
    "tpu.region"() ({
      %run_scoped3A_194 = tpu.sem_alloc : memref<!tpu.dma_semaphore, #tpu.memory_space<semaphore_mem>>
      %dma_start3A = arith.constant 2048 : i32
      %dma_start3A_195 = tpu.memref_slice %arg5[%dma_start3A] : memref<6144xf32, #tpu.memory_space<vmem>> -> memref<1024xf32, #tpu.memory_space<vmem>>
      %dma_start3A_196 = tpu.memref_slice %arg2[%run_scoped3A_8, %mul3A_7] : memref<6x32768xf32, #tpu.memory_space<hbm>> -> memref<1x1024xf32, #tpu.memory_space<hbm>>
      %dma_start3A_197 = tpu.memref_squeeze %dma_start3A_196 : memref<1x1024xf32, #tpu.memory_space<hbm>> -> memref<1024xf32, #tpu.memory_space<hbm>>
      %dma_start3A_198 = arith.constant 2048 : i32
      %dma_start3A_199 = tpu.memref_slice %arg5[%dma_start3A_198] : memref<6144xf32, #tpu.memory_space<vmem>> -> memref<1024xf32, #tpu.memory_space<vmem>>
      %dma_start3A_200 = tpu.memref_slice %arg2[%run_scoped3A_8, %mul3A_7] : memref<6x32768xf32, #tpu.memory_space<hbm>> -> memref<1x1024xf32, #tpu.memory_space<hbm>>
      %dma_start3A_201 = tpu.memref_squeeze %dma_start3A_200 : memref<1x1024xf32, #tpu.memory_space<hbm>> -> memref<1024xf32, #tpu.memory_space<hbm>>
      tpu.enqueue_dma source(%dma_start3A_201 : memref<1024xf32, #tpu.memory_space<hbm>>) target(%dma_start3A_199 : memref<1024xf32, #tpu.memory_space<vmem>>) target_semaphore(%run_scoped3A_194 : memref<!tpu.dma_semaphore, #tpu.memory_space<semaphore_mem>>)
      %dma_wait3A = arith.constant 2048 : i32
      %dma_wait3A_202 = tpu.memref_slice %arg5[%dma_wait3A] : memref<6144xf32, #tpu.memory_space<vmem>> -> memref<1024xf32, #tpu.memory_space<vmem>>
      %dma_wait3A_203 = tpu.memref_slice %arg2[%run_scoped3A_8, %mul3A_7] : memref<6x32768xf32, #tpu.memory_space<hbm>> -> memref<1x1024xf32, #tpu.memory_space<hbm>>
      %dma_wait3A_204 = tpu.memref_squeeze %dma_wait3A_203 : memref<1x1024xf32, #tpu.memory_space<hbm>> -> memref<1024xf32, #tpu.memory_space<hbm>>
      %dma_wait3A_205 = arith.constant 2048 : i32
      %dma_wait3A_206 = tpu.memref_slice %arg5[%dma_wait3A_205] : memref<6144xf32, #tpu.memory_space<vmem>> -> memref<1024xf32, #tpu.memory_space<vmem>>
      %dma_wait3A_207 = tpu.memref_slice %arg2[%run_scoped3A_8, %mul3A_7] : memref<6x32768xf32, #tpu.memory_space<hbm>> -> memref<1x1024xf32, #tpu.memory_space<hbm>>
      %dma_wait3A_208 = tpu.memref_squeeze %dma_wait3A_207 : memref<1x1024xf32, #tpu.memory_space<hbm>> -> memref<1024xf32, #tpu.memory_space<hbm>>
      tpu.wait_dma2 semaphore(%run_scoped3A_194 : memref<!tpu.dma_semaphore, #tpu.memory_space<semaphore_mem>>) src(%dma_wait3A_208 : memref<1024xf32, #tpu.memory_space<hbm>>) dst(%dma_wait3A_206 : memref<1024xf32, #tpu.memory_space<vmem>>)
      tpu.yield
    }) : () -> ()
    %mul3A_9 = arith.constant 1024 : i32
    %mul3A_10 = arith.muli %add3A, %mul3A_9 : i32
    %run_scoped3A_11 = arith.constant 3 : i32
    "tpu.region"() ({
      %run_scoped3A_194 = tpu.sem_alloc : memref<!tpu.dma_semaphore, #tpu.memory_space<semaphore_mem>>
      %dma_start3A = arith.constant 3072 : i32
      %dma_start3A_195 = tpu.memref_slice %arg5[%dma_start3A] : memref<6144xf32, #tpu.memory_space<vmem>> -> memref<1024xf32, #tpu.memory_space<vmem>>
      %dma_start3A_196 = tpu.memref_slice %arg2[%run_scoped3A_11, %mul3A_10] : memref<6x32768xf32, #tpu.memory_space<hbm>> -> memref<1x1024xf32, #tpu.memory_space<hbm>>
      %dma_start3A_197 = tpu.memref_squeeze %dma_start3A_196 : memref<1x1024xf32, #tpu.memory_space<hbm>> -> memref<1024xf32, #tpu.memory_space<hbm>>
      %dma_start3A_198 = arith.constant 3072 : i32
      %dma_start3A_199 = tpu.memref_slice %arg5[%dma_start3A_198] : memref<6144xf32, #tpu.memory_space<vmem>> -> memref<1024xf32, #tpu.memory_space<vmem>>
      %dma_start3A_200 = tpu.memref_slice %arg2[%run_scoped3A_11, %mul3A_10] : memref<6x32768xf32, #tpu.memory_space<hbm>> -> memref<1x1024xf32, #tpu.memory_space<hbm>>
      %dma_start3A_201 = tpu.memref_squeeze %dma_start3A_200 : memref<1x1024xf32, #tpu.memory_space<hbm>> -> memref<1024xf32, #tpu.memory_space<hbm>>
      tpu.enqueue_dma source(%dma_start3A_201 : memref<1024xf32, #tpu.memory_space<hbm>>) target(%dma_start3A_199 : memref<1024xf32, #tpu.memory_space<vmem>>) target_semaphore(%run_scoped3A_194 : memref<!tpu.dma_semaphore, #tpu.memory_space<semaphore_mem>>)
      %dma_wait3A = arith.constant 3072 : i32
      %dma_wait3A_202 = tpu.memref_slice %arg5[%dma_wait3A] : memref<6144xf32, #tpu.memory_space<vmem>> -> memref<1024xf32, #tpu.memory_space<vmem>>
      %dma_wait3A_203 = tpu.memref_slice %arg2[%run_scoped3A_11, %mul3A_10] : memref<6x32768xf32, #tpu.memory_space<hbm>> -> memref<1x1024xf32, #tpu.memory_space<hbm>>
      %dma_wait3A_204 = tpu.memref_squeeze %dma_wait3A_203 : memref<1x1024xf32, #tpu.memory_space<hbm>> -> memref<1024xf32, #tpu.memory_space<hbm>>
      %dma_wait3A_205 = arith.constant 3072 : i32
      %dma_wait3A_206 = tpu.memref_slice %arg5[%dma_wait3A_205] : memref<6144xf32, #tpu.memory_space<vmem>> -> memref<1024xf32, #tpu.memory_space<vmem>>
      %dma_wait3A_207 = tpu.memref_slice %arg2[%run_scoped3A_11, %mul3A_10] : memref<6x32768xf32, #tpu.memory_space<hbm>> -> memref<1x1024xf32, #tpu.memory_space<hbm>>
      %dma_wait3A_208 = tpu.memref_squeeze %dma_wait3A_207 : memref<1x1024xf32, #tpu.memory_space<hbm>> -> memref<1024xf32, #tpu.memory_space<hbm>>
      tpu.wait_dma2 semaphore(%run_scoped3A_194 : memref<!tpu.dma_semaphore, #tpu.memory_space<semaphore_mem>>) src(%dma_wait3A_208 : memref<1024xf32, #tpu.memory_space<hbm>>) dst(%dma_wait3A_206 : memref<1024xf32, #tpu.memory_space<vmem>>)
      tpu.yield
    }) : () -> ()
    %mul3A_12 = arith.constant 1024 : i32
    %mul3A_13 = arith.muli %add3A, %mul3A_12 : i32
    %run_scoped3A_14 = arith.constant 4 : i32
    "tpu.region"() ({
      %run_scoped3A_194 = tpu.sem_alloc : memref<!tpu.dma_semaphore, #tpu.memory_space<semaphore_mem>>
      %dma_start3A = arith.constant 4096 : i32
      %dma_start3A_195 = tpu.memref_slice %arg5[%dma_start3A] : memref<6144xf32, #tpu.memory_space<vmem>> -> memref<1024xf32, #tpu.memory_space<vmem>>
      %dma_start3A_196 = tpu.memref_slice %arg2[%run_scoped3A_14, %mul3A_13] : memref<6x32768xf32, #tpu.memory_space<hbm>> -> memref<1x1024xf32, #tpu.memory_space<hbm>>
      %dma_start3A_197 = tpu.memref_squeeze %dma_start3A_196 : memref<1x1024xf32, #tpu.memory_space<hbm>> -> memref<1024xf32, #tpu.memory_space<hbm>>
      %dma_start3A_198 = arith.constant 4096 : i32
      %dma_start3A_199 = tpu.memref_slice %arg5[%dma_start3A_198] : memref<6144xf32, #tpu.memory_space<vmem>> -> memref<1024xf32, #tpu.memory_space<vmem>>
      %dma_start3A_200 = tpu.memref_slice %arg2[%run_scoped3A_14, %mul3A_13] : memref<6x32768xf32, #tpu.memory_space<hbm>> -> memref<1x1024xf32, #tpu.memory_space<hbm>>
      %dma_start3A_201 = tpu.memref_squeeze %dma_start3A_200 : memref<1x1024xf32, #tpu.memory_space<hbm>> -> memref<1024xf32, #tpu.memory_space<hbm>>
      tpu.enqueue_dma source(%dma_start3A_201 : memref<1024xf32, #tpu.memory_space<hbm>>) target(%dma_start3A_199 : memref<1024xf32, #tpu.memory_space<vmem>>) target_semaphore(%run_scoped3A_194 : memref<!tpu.dma_semaphore, #tpu.memory_space<semaphore_mem>>)
      %dma_wait3A = arith.constant 4096 : i32
      %dma_wait3A_202 = tpu.memref_slice %arg5[%dma_wait3A] : memref<6144xf32, #tpu.memory_space<vmem>> -> memref<1024xf32, #tpu.memory_space<vmem>>
      %dma_wait3A_203 = tpu.memref_slice %arg2[%run_scoped3A_14, %mul3A_13] : memref<6x32768xf32, #tpu.memory_space<hbm>> -> memref<1x1024xf32, #tpu.memory_space<hbm>>
      %dma_wait3A_204 = tpu.memref_squeeze %dma_wait3A_203 : memref<1x1024xf32, #tpu.memory_space<hbm>> -> memref<1024xf32, #tpu.memory_space<hbm>>
      %dma_wait3A_205 = arith.constant 4096 : i32
      %dma_wait3A_206 = tpu.memref_slice %arg5[%dma_wait3A_205] : memref<6144xf32, #tpu.memory_space<vmem>> -> memref<1024xf32, #tpu.memory_space<vmem>>
      %dma_wait3A_207 = tpu.memref_slice %arg2[%run_scoped3A_14, %mul3A_13] : memref<6x32768xf32, #tpu.memory_space<hbm>> -> memref<1x1024xf32, #tpu.memory_space<hbm>>
      %dma_wait3A_208 = tpu.memref_squeeze %dma_wait3A_207 : memref<1x1024xf32, #tpu.memory_space<hbm>> -> memref<1024xf32, #tpu.memory_space<hbm>>
      tpu.wait_dma2 semaphore(%run_scoped3A_194 : memref<!tpu.dma_semaphore, #tpu.memory_space<semaphore_mem>>) src(%dma_wait3A_208 : memref<1024xf32, #tpu.memory_space<hbm>>) dst(%dma_wait3A_206 : memref<1024xf32, #tpu.memory_space<vmem>>)
      tpu.yield
    }) : () -> ()
    %mul3A_15 = arith.constant 1024 : i32
    %mul3A_16 = arith.muli %add3A, %mul3A_15 : i32
    %run_scoped3A_17 = arith.constant 5 : i32
    "tpu.region"() ({
      %run_scoped3A_194 = tpu.sem_alloc : memref<!tpu.dma_semaphore, #tpu.memory_space<semaphore_mem>>
      %dma_start3A = arith.constant 5120 : i32
      %dma_start3A_195 = tpu.memref_slice %arg5[%dma_start3A] : memref<6144xf32, #tpu.memory_space<vmem>> -> memref<1024xf32, #tpu.memory_space<vmem>>
      %dma_start3A_196 = tpu.memref_slice %arg2[%run_scoped3A_17, %mul3A_16] : memref<6x32768xf32, #tpu.memory_space<hbm>> -> memref<1x1024xf32, #tpu.memory_space<hbm>>
      %dma_start3A_197 = tpu.memref_squeeze %dma_start3A_196 : memref<1x1024xf32, #tpu.memory_space<hbm>> -> memref<1024xf32, #tpu.memory_space<hbm>>
      %dma_start3A_198 = arith.constant 5120 : i32
      %dma_start3A_199 = tpu.memref_slice %arg5[%dma_start3A_198] : memref<6144xf32, #tpu.memory_space<vmem>> -> memref<1024xf32, #tpu.memory_space<vmem>>
      %dma_start3A_200 = tpu.memref_slice %arg2[%run_scoped3A_17, %mul3A_16] : memref<6x32768xf32, #tpu.memory_space<hbm>> -> memref<1x1024xf32, #tpu.memory_space<hbm>>
      %dma_start3A_201 = tpu.memref_squeeze %dma_start3A_200 : memref<1x1024xf32, #tpu.memory_space<hbm>> -> memref<1024xf32, #tpu.memory_space<hbm>>
      tpu.enqueue_dma source(%dma_start3A_201 : memref<1024xf32, #tpu.memory_space<hbm>>) target(%dma_start3A_199 : memref<1024xf32, #tpu.memory_space<vmem>>) target_semaphore(%run_scoped3A_194 : memref<!tpu.dma_semaphore, #tpu.memory_space<semaphore_mem>>)
      %dma_wait3A = arith.constant 5120 : i32
      %dma_wait3A_202 = tpu.memref_slice %arg5[%dma_wait3A] : memref<6144xf32, #tpu.memory_space<vmem>> -> memref<1024xf32, #tpu.memory_space<vmem>>
      %dma_wait3A_203 = tpu.memref_slice %arg2[%run_scoped3A_17, %mul3A_16] : memref<6x32768xf32, #tpu.memory_space<hbm>> -> memref<1x1024xf32, #tpu.memory_space<hbm>>
      %dma_wait3A_204 = tpu.memref_squeeze %dma_wait3A_203 : memref<1x1024xf32, #tpu.memory_space<hbm>> -> memref<1024xf32, #tpu.memory_space<hbm>>
      %dma_wait3A_205 = arith.constant 5120 : i32
      %dma_wait3A_206 = tpu.memref_slice %arg5[%dma_wait3A_205] : memref<6144xf32, #tpu.memory_space<vmem>> -> memref<1024xf32, #tpu.memory_space<vmem>>
      %dma_wait3A_207 = tpu.memref_slice %arg2[%run_scoped3A_17, %mul3A_16] : memref<6x32768xf32, #tpu.memory_space<hbm>> -> memref<1x1024xf32, #tpu.memory_space<hbm>>
      %dma_wait3A_208 = tpu.memref_squeeze %dma_wait3A_207 : memref<1x1024xf32, #tpu.memory_space<hbm>> -> memref<1024xf32, #tpu.memory_space<hbm>>
      tpu.wait_dma2 semaphore(%run_scoped3A_194 : memref<!tpu.dma_semaphore, #tpu.memory_space<semaphore_mem>>) src(%dma_wait3A_208 : memref<1024xf32, #tpu.memory_space<hbm>>) dst(%dma_wait3A_206 : memref<1024xf32, #tpu.memory_space<vmem>>)
      tpu.yield
    }) : () -> ()
    "tpu.region"() ({
      %run_scoped3A_194 = tpu.sem_alloc : memref<!tpu.dma_semaphore, #tpu.memory_space<semaphore_mem>>
      tpu.enqueue_dma source(%arg3 : memref<4608xf32, #tpu.memory_space<hbm>>) target(%arg6 : memref<4608xf32, #tpu.memory_space<vmem>>) target_semaphore(%run_scoped3A_194 : memref<!tpu.dma_semaphore, #tpu.memory_space<semaphore_mem>>)
      tpu.wait_dma2 semaphore(%run_scoped3A_194 : memref<!tpu.dma_semaphore, #tpu.memory_space<semaphore_mem>>) src(%arg3 : memref<4608xf32, #tpu.memory_space<hbm>>) dst(%arg6 : memref<4608xf32, #tpu.memory_space<vmem>>)
      tpu.yield
    }) : () -> ()
    %scan3A = arith.constant 0 : i32
    %scan3A_18 = arith.constant 0 : i32
    %scan3A_19 = arith.constant 16 : i32
    %scan3A_20 = arith.addi %scan3A_18, %scan3A_19 : i32
    %scan3A_21 = arith.constant 1 : i32
    scf.for %scan3A_194 = %scan3A_18 to %scan3A_20 step %scan3A_21  : i32 {
      %mul3A_195 = arith.constant 64 : i32
      %mul3A_196 = arith.muli %scan3A_194, %mul3A_195 : i32
      %add3A_197 = arith.constant 0 : i32
      %add3A_198 = arith.addi %add3A_197, %mul3A_196 : i32
      %add3A_199 = arith.constant 0 : i32
      %add3A_200 = arith.addi %add3A_198, %add3A_199 : i32
      %get3A = arith.index_cast %add3A_200 : i32 to index
      %get3A_201 = tpu.vector_load %arg5[%get3A] {strides = array<i32>} : memref<6144xf32, #tpu.memory_space<vmem>>, vector<16xf32>,
      %add3A_202 = arith.constant 1024 : i32
      %add3A_203 = arith.addi %add3A_202, %mul3A_196 : i32
      %add3A_204 = arith.constant 0 : i32
      %add3A_205 = arith.addi %add3A_203, %add3A_204 : i32
      %get3A_206 = arith.index_cast %add3A_205 : i32 to index
      %get3A_207 = tpu.vector_load %arg5[%get3A_206] {strides = array<i32>} : memref<6144xf32, #tpu.memory_space<vmem>>, vector<16xf32>,
      %add3A_208 = arith.constant 2048 : i32
      %add3A_209 = arith.addi %add3A_208, %mul3A_196 : i32
      %add3A_210 = arith.constant 0 : i32
      %add3A_211 = arith.addi %add3A_209, %add3A_210 : i32
      %get3A_212 = arith.index_cast %add3A_211 : i32 to index
      %get3A_213 = tpu.vector_load %arg5[%get3A_212] {strides = array<i32>} : memref<6144xf32, #tpu.memory_space<vmem>>, vector<16xf32>,
      %add3A_214 = arith.constant 3072 : i32
      %add3A_215 = arith.addi %add3A_214, %mul3A_196 : i32
      %add3A_216 = arith.constant 0 : i32
      %add3A_217 = arith.addi %add3A_215, %add3A_216 : i32
      %get3A_218 = arith.index_cast %add3A_217 : i32 to index
      %get3A_219 = tpu.vector_load %arg5[%get3A_218] {strides = array<i32>} : memref<6144xf32, #tpu.memory_space<vmem>>, vector<16xf32>,
      %add3A_220 = arith.constant 4096 : i32
      %add3A_221 = arith.addi %add3A_220, %mul3A_196 : i32
      %add3A_222 = arith.constant 0 : i32
      %add3A_223 = arith.addi %add3A_221, %add3A_222 : i32
      %get3A_224 = arith.index_cast %add3A_223 : i32 to index
      %get3A_225 = tpu.vector_load %arg5[%get3A_224] {strides = array<i32>} : memref<6144xf32, #tpu.memory_space<vmem>>, vector<16xf32>,
      %add3A_226 = arith.constant 5120 : i32
      %add3A_227 = arith.addi %add3A_226, %mul3A_196 : i32
      %add3A_228 = arith.constant 0 : i32
      %add3A_229 = arith.addi %add3A_227, %add3A_228 : i32
      %get3A_230 = arith.index_cast %add3A_229 : i32 to index
      %get3A_231 = tpu.vector_load %arg5[%get3A_230] {strides = array<i32>} : memref<6144xf32, #tpu.memory_space<vmem>>, vector<16xf32>,
      %add3A_232 = arith.constant 0 : i32
      %add3A_233 = arith.addi %add3A_232, %mul3A_196 : i32
      %add3A_234 = arith.constant 16 : i32
      %add3A_235 = arith.addi %add3A_233, %add3A_234 : i32
      %get3A_236 = arith.index_cast %add3A_235 : i32 to index
      %get3A_237 = tpu.vector_load %arg5[%get3A_236] {strides = array<i32>} : memref<6144xf32, #tpu.memory_space<vmem>>, vector<16xf32>,
      %add3A_238 = arith.constant 1024 : i32
      %add3A_239 = arith.addi %add3A_238, %mul3A_196 : i32
      %add3A_240 = arith.constant 16 : i32
      %add3A_241 = arith.addi %add3A_239, %add3A_240 : i32
      %get3A_242 = arith.index_cast %add3A_241 : i32 to index
      %get3A_243 = tpu.vector_load %arg5[%get3A_242] {strides = array<i32>} : memref<6144xf32, #tpu.memory_space<vmem>>, vector<16xf32>,
      %add3A_244 = arith.constant 2048 : i32
      %add3A_245 = arith.addi %add3A_244, %mul3A_196 : i32
      %add3A_246 = arith.constant 16 : i32
      %add3A_247 = arith.addi %add3A_245, %add3A_246 : i32
      %get3A_248 = arith.index_cast %add3A_247 : i32 to index
      %get3A_249 = tpu.vector_load %arg5[%get3A_248] {strides = array<i32>} : memref<6144xf32, #tpu.memory_space<vmem>>, vector<16xf32>,
      %add3A_250 = arith.constant 3072 : i32
      %add3A_251 = arith.addi %add3A_250, %mul3A_196 : i32
      %add3A_252 = arith.constant 16 : i32
      %add3A_253 = arith.addi %add3A_251, %add3A_252 : i32
      %get3A_254 = arith.index_cast %add3A_253 : i32 to index
      %get3A_255 = tpu.vector_load %arg5[%get3A_254] {strides = array<i32>} : memref<6144xf32, #tpu.memory_space<vmem>>, vector<16xf32>,
      %add3A_256 = arith.constant 4096 : i32
      %add3A_257 = arith.addi %add3A_256, %mul3A_196 : i32
      %add3A_258 = arith.constant 16 : i32
      %add3A_259 = arith.addi %add3A_257, %add3A_258 : i32
      %get3A_260 = arith.index_cast %add3A_259 : i32 to index
      %get3A_261 = tpu.vector_load %arg5[%get3A_260] {strides = array<i32>} : memref<6144xf32, #tpu.memory_space<vmem>>, vector<16xf32>,
      %add3A_262 = arith.constant 5120 : i32
      %add3A_263 = arith.addi %add3A_262, %mul3A_196 : i32
      %add3A_264 = arith.constant 16 : i32
      %add3A_265 = arith.addi %add3A_263, %add3A_264 : i32
      %get3A_266 = arith.index_cast %add3A_265 : i32 to index
      %get3A_267 = tpu.vector_load %arg5[%get3A_266] {strides = array<i32>} : memref<6144xf32, #tpu.memory_space<vmem>>, vector<16xf32>,
      %add3A_268 = arith.constant 0 : i32
      %add3A_269 = arith.addi %add3A_268, %mul3A_196 : i32
      %add3A_270 = arith.constant 32 : i32
      %add3A_271 = arith.addi %add3A_269, %add3A_270 : i32
      %get3A_272 = arith.index_cast %add3A_271 : i32 to index
      %get3A_273 = tpu.vector_load %arg5[%get3A_272] {strides = array<i32>} : memref<6144xf32, #tpu.memory_space<vmem>>, vector<16xf32>,
      %add3A_274 = arith.constant 1024 : i32
      %add3A_275 = arith.addi %add3A_274, %mul3A_196 : i32
      %add3A_276 = arith.constant 32 : i32
      %add3A_277 = arith.addi %add3A_275, %add3A_276 : i32
      %get3A_278 = arith.index_cast %add3A_277 : i32 to index
      %get3A_279 = tpu.vector_load %arg5[%get3A_278] {strides = array<i32>} : memref<6144xf32, #tpu.memory_space<vmem>>, vector<16xf32>,
      %add3A_280 = arith.constant 2048 : i32
      %add3A_281 = arith.addi %add3A_280, %mul3A_196 : i32
      %add3A_282 = arith.constant 32 : i32
      %add3A_283 = arith.addi %add3A_281, %add3A_282 : i32
      %get3A_284 = arith.index_cast %add3A_283 : i32 to index
      %get3A_285 = tpu.vector_load %arg5[%get3A_284] {strides = array<i32>} : memref<6144xf32, #tpu.memory_space<vmem>>, vector<16xf32>,
      %add3A_286 = arith.constant 3072 : i32
      %add3A_287 = arith.addi %add3A_286, %mul3A_196 : i32
      %add3A_288 = arith.constant 32 : i32
      %add3A_289 = arith.addi %add3A_287, %add3A_288 : i32
      %get3A_290 = arith.index_cast %add3A_289 : i32 to index
      %get3A_291 = tpu.vector_load %arg5[%get3A_290] {strides = array<i32>} : memref<6144xf32, #tpu.memory_space<vmem>>, vector<16xf32>,
      %add3A_292 = arith.constant 4096 : i32
      %add3A_293 = arith.addi %add3A_292, %mul3A_196 : i32
      %add3A_294 = arith.constant 32 : i32
      %add3A_295 = arith.addi %add3A_293, %add3A_294 : i32
      %get3A_296 = arith.index_cast %add3A_295 : i32 to index
      %get3A_297 = tpu.vector_load %arg5[%get3A_296] {strides = array<i32>} : memref<6144xf32, #tpu.memory_space<vmem>>, vector<16xf32>,
      %add3A_298 = arith.constant 5120 : i32
      %add3A_299 = arith.addi %add3A_298, %mul3A_196 : i32
      %add3A_300 = arith.constant 32 : i32
      %add3A_301 = arith.addi %add3A_299, %add3A_300 : i32
      %get3A_302 = arith.index_cast %add3A_301 : i32 to index
      %get3A_303 = tpu.vector_load %arg5[%get3A_302] {strides = array<i32>} : memref<6144xf32, #tpu.memory_space<vmem>>, vector<16xf32>,
      %add3A_304 = arith.constant 0 : i32
      %add3A_305 = arith.addi %add3A_304, %mul3A_196 : i32
      %add3A_306 = arith.constant 48 : i32
      %add3A_307 = arith.addi %add3A_305, %add3A_306 : i32
      %get3A_308 = arith.index_cast %add3A_307 : i32 to index
      %get3A_309 = tpu.vector_load %arg5[%get3A_308] {strides = array<i32>} : memref<6144xf32, #tpu.memory_space<vmem>>, vector<16xf32>,
      %add3A_310 = arith.constant 1024 : i32
      %add3A_311 = arith.addi %add3A_310, %mul3A_196 : i32
      %add3A_312 = arith.constant 48 : i32
      %add3A_313 = arith.addi %add3A_311, %add3A_312 : i32
      %get3A_314 = arith.index_cast %add3A_313 : i32 to index
      %get3A_315 = tpu.vector_load %arg5[%get3A_314] {strides = array<i32>} : memref<6144xf32, #tpu.memory_space<vmem>>, vector<16xf32>,
      %add3A_316 = arith.constant 2048 : i32
      %add3A_317 = arith.addi %add3A_316, %mul3A_196 : i32
      %add3A_318 = arith.constant 48 : i32
      %add3A_319 = arith.addi %add3A_317, %add3A_318 : i32
      %get3A_320 = arith.index_cast %add3A_319 : i32 to index
      %get3A_321 = tpu.vector_load %arg5[%get3A_320] {strides = array<i32>} : memref<6144xf32, #tpu.memory_space<vmem>>, vector<16xf32>,
      %add3A_322 = arith.constant 3072 : i32
      %add3A_323 = arith.addi %add3A_322, %mul3A_196 : i32
      %add3A_324 = arith.constant 48 : i32
      %add3A_325 = arith.addi %add3A_323, %add3A_324 : i32
      %get3A_326 = arith.index_cast %add3A_325 : i32 to index
      %get3A_327 = tpu.vector_load %arg5[%get3A_326] {strides = array<i32>} : memref<6144xf32, #tpu.memory_space<vmem>>, vector<16xf32>,
      %add3A_328 = arith.constant 4096 : i32
      %add3A_329 = arith.addi %add3A_328, %mul3A_196 : i32
      %add3A_330 = arith.constant 48 : i32
      %add3A_331 = arith.addi %add3A_329, %add3A_330 : i32
      %get3A_332 = arith.index_cast %add3A_331 : i32 to index
      %get3A_333 = tpu.vector_load %arg5[%get3A_332] {strides = array<i32>} : memref<6144xf32, #tpu.memory_space<vmem>>, vector<16xf32>,
      %add3A_334 = arith.constant 5120 : i32
      %add3A_335 = arith.addi %add3A_334, %mul3A_196 : i32
      %add3A_336 = arith.constant 48 : i32
      %add3A_337 = arith.addi %add3A_335, %add3A_336 : i32
      %get3A_338 = arith.index_cast %add3A_337 : i32 to index
      %get3A_339 = tpu.vector_load %arg5[%get3A_338] {strides = array<i32>} : memref<6144xf32, #tpu.memory_space<vmem>>, vector<16xf32>,
      %broadcast_in_dim3A_340 = arith.constant 0.000000e+00 : f32
      %broadcast_in_dim3A_341 = vector.broadcast %broadcast_in_dim3A_340 : f32 to vector<16xf32>
      %broadcast_in_dim3A_342 = arith.constant 0.000000e+00 : f32
      %broadcast_in_dim3A_343 = vector.broadcast %broadcast_in_dim3A_342 : f32 to vector<16xf32>
      %broadcast_in_dim3A_344 = arith.constant 0.000000e+00 : f32
      %broadcast_in_dim3A_345 = vector.broadcast %broadcast_in_dim3A_344 : f32 to vector<16xf32>
      %broadcast_in_dim3A_346 = arith.constant 0.000000e+00 : f32
      %broadcast_in_dim3A_347 = vector.broadcast %broadcast_in_dim3A_346 : f32 to vector<16xf32>
      %broadcast_in_dim3A_348 = arith.constant 0.000000e+00 : f32
      %broadcast_in_dim3A_349 = vector.broadcast %broadcast_in_dim3A_348 : f32 to vector<16xf32>
      %broadcast_in_dim3A_350 = arith.constant 0.000000e+00 : f32
      %broadcast_in_dim3A_351 = vector.broadcast %broadcast_in_dim3A_350 : f32 to vector<16xf32>
      %broadcast_in_dim3A_352 = arith.constant 0.000000e+00 : f32
      %broadcast_in_dim3A_353 = vector.broadcast %broadcast_in_dim3A_352 : f32 to vector<16xf32>
      %broadcast_in_dim3A_354 = arith.constant 0.000000e+00 : f32
      %broadcast_in_dim3A_355 = vector.broadcast %broadcast_in_dim3A_354 : f32 to vector<16xf32>
      %get3A_356 = arith.constant 0 : index
      %get3A_357 = tpu.vector_load %arg6[%get3A_356] {strides = array<i32>} : memref<4608xf32, #tpu.memory_space<vmem>>, vector<16xf32>,
      %get3A_358 = arith.constant 16 : index
      %get3A_359 = tpu.vector_load %arg6[%get3A_358] {strides = array<i32>} : memref<4608xf32, #tpu.memory_space<vmem>>, vector<16xf32>,
      %get3A_360 = arith.constant 32 : index
      %get3A_361 = tpu.vector_load %arg6[%get3A_360] {strides = array<i32>} : memref<4608xf32, #tpu.memory_space<vmem>>, vector<16xf32>,
      %get3A_362 = arith.constant 48 : index
      %get3A_363 = tpu.vector_load %arg6[%get3A_362] {strides = array<i32>} : memref<4608xf32, #tpu.memory_space<vmem>>, vector<16xf32>,
      %get3A_364 = arith.constant 64 : index
      %get3A_365 = tpu.vector_load %arg6[%get3A_364] {strides = array<i32>} : memref<4608xf32, #tpu.memory_space<vmem>>, vector<16xf32>,
      %get3A_366 = arith.constant 80 : index
      %get3A_367 = tpu.vector_load %arg6[%get3A_366] {strides = array<i32>} : memref<4608xf32, #tpu.memory_space<vmem>>, vector<16xf32>,
      %get3A_368 = arith.constant 96 : index
      %get3A_369 = tpu.vector_load %arg6[%get3A_368] {strides = array<i32>} : memref<4608xf32, #tpu.memory_space<vmem>>, vector<16xf32>,
      %get3A_370 = arith.constant 112 : index
      %get3A_371 = tpu.vector_load %arg6[%get3A_370] {strides = array<i32>} : memref<4608xf32, #tpu.memory_space<vmem>>, vector<16xf32>,
      %get3A_372 = arith.constant 128 : index
      %get3A_373 = tpu.vector_load %arg6[%get3A_372] {strides = array<i32>} : memref<4608xf32, #tpu.memory_space<vmem>>, vector<16xf32>,
      %mul3A_374 = arith.mulf %get3A_201, %get3A_357 : vector<16xf32>
      %add3A_375 = arith.addf %get3A_369, %mul3A_374 : vector<16xf32>
      %mul3A_376 = arith.mulf %get3A_207, %get3A_359 : vector<16xf32>
      %add3A_377 = arith.addf %add3A_375, %mul3A_376 : vector<16xf32>
      %mul3A_378 = arith.mulf %get3A_213, %get3A_361 : vector<16xf32>
      %add3A_379 = arith.addf %add3A_377, %mul3A_378 : vector<16xf32>
      %mul3A_380 = arith.mulf %get3A_219, %get3A_363 : vector<16xf32>
      %add3A_381 = arith.addf %add3A_379, %mul3A_380 : vector<16xf32>
      %mul3A_382 = arith.mulf %get3A_225, %get3A_365 : vector<16xf32>
      %add3A_383 = arith.addf %add3A_381, %mul3A_382 : vector<16xf32>
      %mul3A_384 = arith.mulf %get3A_231, %get3A_367 : vector<16xf32>
      %add3A_385 = arith.addf %add3A_383, %mul3A_384 : vector<16xf32>
      %max3A_386 = arith.constant 0.000000e+00 : f32
      %max3A_387 = vector.broadcast %max3A_386 : f32 to vector<16xf32>
      %max3A_388 = arith.maximumf %add3A_385, %max3A_387 : vector<16xf32>
      %mul3A_389 = arith.mulf %max3A_388, %get3A_371 : vector<16xf32>
      %add3A_390 = arith.addf %broadcast_in_dim3A_341, %mul3A_389 : vector<16xf32>
      %mul3A_391 = arith.mulf %max3A_388, %get3A_373 : vector<16xf32>
      %add3A_392 = arith.addf %broadcast_in_dim3A_349, %mul3A_391 : vector<16xf32>
      %mul3A_393 = arith.mulf %get3A_237, %get3A_357 : vector<16xf32>
      %add3A_394 = arith.addf %get3A_369, %mul3A_393 : vector<16xf32>
      %mul3A_395 = arith.mulf %get3A_243, %get3A_359 : vector<16xf32>
      %add3A_396 = arith.addf %add3A_394, %mul3A_395 : vector<16xf32>
      %mul3A_397 = arith.mulf %get3A_249, %get3A_361 : vector<16xf32>
      %add3A_398 = arith.addf %add3A_396, %mul3A_397 : vector<16xf32>
      %mul3A_399 = arith.mulf %get3A_255, %get3A_363 : vector<16xf32>
      %add3A_400 = arith.addf %add3A_398, %mul3A_399 : vector<16xf32>
      %mul3A_401 = arith.mulf %get3A_261, %get3A_365 : vector<16xf32>
      %add3A_402 = arith.addf %add3A_400, %mul3A_401 : vector<16xf32>
      %mul3A_403 = arith.mulf %get3A_267, %get3A_367 : vector<16xf32>
      %add3A_404 = arith.addf %add3A_402, %mul3A_403 : vector<16xf32>
      %max3A_405 = arith.constant 0.000000e+00 : f32
      %max3A_406 = vector.broadcast %max3A_405 : f32 to vector<16xf32>
      %max3A_407 = arith.maximumf %add3A_404, %max3A_406 : vector<16xf32>
      %mul3A_408 = arith.mulf %max3A_407, %get3A_371 : vector<16xf32>
      %add3A_409 = arith.addf %broadcast_in_dim3A_343, %mul3A_408 : vector<16xf32>
      %mul3A_410 = arith.mulf %max3A_407, %get3A_373 : vector<16xf32>
      %add3A_411 = arith.addf %broadcast_in_dim3A_351, %mul3A_410 : vector<16xf32>
      %mul3A_412 = arith.mulf %get3A_273, %get3A_357 : vector<16xf32>
      %add3A_413 = arith.addf %get3A_369, %mul3A_412 : vector<16xf32>
      %mul3A_414 = arith.mulf %get3A_279, %get3A_359 : vector<16xf32>
      %add3A_415 = arith.addf %add3A_413, %mul3A_414 : vector<16xf32>
      %mul3A_416 = arith.mulf %get3A_285, %get3A_361 : vector<16xf32>
      %add3A_417 = arith.addf %add3A_415, %mul3A_416 : vector<16xf32>
      %mul3A_418 = arith.mulf %get3A_291, %get3A_363 : vector<16xf32>
      %add3A_419 = arith.addf %add3A_417, %mul3A_418 : vector<16xf32>
      %mul3A_420 = arith.mulf %get3A_297, %get3A_365 : vector<16xf32>
      %add3A_421 = arith.addf %add3A_419, %mul3A_420 : vector<16xf32>
      %mul3A_422 = arith.mulf %get3A_303, %get3A_367 : vector<16xf32>
      %add3A_423 = arith.addf %add3A_421, %mul3A_422 : vector<16xf32>
      %max3A_424 = arith.constant 0.000000e+00 : f32
      %max3A_425 = vector.broadcast %max3A_424 : f32 to vector<16xf32>
      %max3A_426 = arith.maximumf %add3A_423, %max3A_425 : vector<16xf32>
      %mul3A_427 = arith.mulf %max3A_426, %get3A_371 : vector<16xf32>
      %add3A_428 = arith.addf %broadcast_in_dim3A_345, %mul3A_427 : vector<16xf32>
      %mul3A_429 = arith.mulf %max3A_426, %get3A_373 : vector<16xf32>
      %add3A_430 = arith.addf %broadcast_in_dim3A_353, %mul3A_429 : vector<16xf32>
      %mul3A_431 = arith.mulf %get3A_309, %get3A_357 : vector<16xf32>
      %add3A_432 = arith.addf %get3A_369, %mul3A_431 : vector<16xf32>
      %mul3A_433 = arith.mulf %get3A_315, %get3A_359 : vector<16xf32>
      %add3A_434 = arith.addf %add3A_432, %mul3A_433 : vector<16xf32>
      %mul3A_435 = arith.mulf %get3A_321, %get3A_361 : vector<16xf32>
      %add3A_436 = arith.addf %add3A_434, %mul3A_435 : vector<16xf32>
      %mul3A_437 = arith.mulf %get3A_327, %get3A_363 : vector<16xf32>
      %add3A_438 = arith.addf %add3A_436, %mul3A_437 : vector<16xf32>
      %mul3A_439 = arith.mulf %get3A_333, %get3A_365 : vector<16xf32>
      %add3A_440 = arith.addf %add3A_438, %mul3A_439 : vector<16xf32>
      %mul3A_441 = arith.mulf %get3A_339, %get3A_367 : vector<16xf32>
      %add3A_442 = arith.addf %add3A_440, %mul3A_441 : vector<16xf32>
      %max3A_443 = arith.constant 0.000000e+00 : f32
      %max3A_444 = vector.broadcast %max3A_443 : f32 to vector<16xf32>
      %max3A_445 = arith.maximumf %add3A_442, %max3A_444 : vector<16xf32>
      %mul3A_446 = arith.mulf %max3A_445, %get3A_371 : vector<16xf32>
      %add3A_447 = arith.addf %broadcast_in_dim3A_347, %mul3A_446 : vector<16xf32>
      %mul3A_448 = arith.mulf %max3A_445, %get3A_373 : vector<16xf32>
      %add3A_449 = arith.addf %broadcast_in_dim3A_355, %mul3A_448 : vector<16xf32>
      %get3A_450 = arith.constant 144 : index
      %get3A_451 = tpu.vector_load %arg6[%get3A_450] {strides = array<i32>} : memref<4608xf32, #tpu.memory_space<vmem>>, vector<16xf32>,
      %get3A_452 = arith.constant 160 : index
      %get3A_453 = tpu.vector_load %arg6[%get3A_452] {strides = array<i32>} : memref<4608xf32, #tpu.memory_space<vmem>>, vector<16xf32>,
      %get3A_454 = arith.constant 176 : index
      %get3A_455 = tpu.vector_load %arg6[%get3A_454] {strides = array<i32>} : memref<4608xf32, #tpu.memory_space<vmem>>, vector<16xf32>,
      %get3A_456 = arith.constant 192 : index
      %get3A_457 = tpu.vector_load %arg6[%get3A_456] {strides = array<i32>} : memref<4608xf32, #tpu.memory_space<vmem>>, vector<16xf32>,
      %get3A_458 = arith.constant 208 : index
      %get3A_459 = tpu.vector_load %arg6[%get3A_458] {strides = array<i32>} : memref<4608xf32, #tpu.memory_space<vmem>>, vector<16xf32>,
      %get3A_460 = arith.constant 224 : index
      %get3A_461 = tpu.vector_load %arg6[%get3A_460] {strides = array<i32>} : memref<4608xf32, #tpu.memory_space<vmem>>, vector<16xf32>,
      %get3A_462 = arith.constant 240 : index
      %get3A_463 = tpu.vector_load %arg6[%get3A_462] {strides = array<i32>} : memref<4608xf32, #tpu.memory_space<vmem>>, vector<16xf32>,
      %get3A_464 = arith.constant 256 : index
      %get3A_465 = tpu.vector_load %arg6[%get3A_464] {strides = array<i32>} : memref<4608xf32, #tpu.memory_space<vmem>>, vector<16xf32>,
      %get3A_466 = arith.constant 272 : index
      %get3A_467 = tpu.vector_load %arg6[%get3A_466] {strides = array<i32>} : memref<4608xf32, #tpu.memory_space<vmem>>, vector<16xf32>,
      %mul3A_468 = arith.mulf %get3A_201, %get3A_451 : vector<16xf32>
      %add3A_469 = arith.addf %get3A_463, %mul3A_468 : vector<16xf32>
      %mul3A_470 = arith.mulf %get3A_207, %get3A_453 : vector<16xf32>
      %add3A_471 = arith.addf %add3A_469, %mul3A_470 : vector<16xf32>
      %mul3A_472 = arith.mulf %get3A_213, %get3A_455 : vector<16xf32>
      %add3A_473 = arith.addf %add3A_471, %mul3A_472 : vector<16xf32>
      %mul3A_474 = arith.mulf %get3A_219, %get3A_457 : vector<16xf32>
      %add3A_475 = arith.addf %add3A_473, %mul3A_474 : vector<16xf32>
      %mul3A_476 = arith.mulf %get3A_225, %get3A_459 : vector<16xf32>
      %add3A_477 = arith.addf %add3A_475, %mul3A_476 : vector<16xf32>
      %mul3A_478 = arith.mulf %get3A_231, %get3A_461 : vector<16xf32>
      %add3A_479 = arith.addf %add3A_477, %mul3A_478 : vector<16xf32>
      %max3A_480 = arith.constant 0.000000e+00 : f32
      %max3A_481 = vector.broadcast %max3A_480 : f32 to vector<16xf32>
      %max3A_482 = arith.maximumf %add3A_479, %max3A_481 : vector<16xf32>
      %mul3A_483 = arith.mulf %max3A_482, %get3A_465 : vector<16xf32>
      %add3A_484 = arith.addf %add3A_390, %mul3A_483 : vector<16xf32>
      %mul3A_485 = arith.mulf %max3A_482, %get3A_467 : vector<16xf32>
      %add3A_486 = arith.addf %add3A_392, %mul3A_485 : vector<16xf32>
      %mul3A_487 = arith.mulf %get3A_237, %get3A_451 : vector<16xf32>
      %add3A_488 = arith.addf %get3A_463, %mul3A_487 : vector<16xf32>
      %mul3A_489 = arith.mulf %get3A_243, %get3A_453 : vector<16xf32>
      %add3A_490 = arith.addf %add3A_488, %mul3A_489 : vector<16xf32>
      %mul3A_491 = arith.mulf %get3A_249, %get3A_455 : vector<16xf32>
      %add3A_492 = arith.addf %add3A_490, %mul3A_491 : vector<16xf32>
      %mul3A_493 = arith.mulf %get3A_255, %get3A_457 : vector<16xf32>
      %add3A_494 = arith.addf %add3A_492, %mul3A_493 : vector<16xf32>
      %mul3A_495 = arith.mulf %get3A_261, %get3A_459 : vector<16xf32>
      %add3A_496 = arith.addf %add3A_494, %mul3A_495 : vector<16xf32>
      %mul3A_497 = arith.mulf %get3A_267, %get3A_461 : vector<16xf32>
      %add3A_498 = arith.addf %add3A_496, %mul3A_497 : vector<16xf32>
      %max3A_499 = arith.constant 0.000000e+00 : f32
      %max3A_500 = vector.broadcast %max3A_499 : f32 to vector<16xf32>
      %max3A_501 = arith.maximumf %add3A_498, %max3A_500 : vector<16xf32>
      %mul3A_502 = arith.mulf %max3A_501, %get3A_465 : vector<16xf32>
      %add3A_503 = arith.addf %add3A_409, %mul3A_502 : vector<16xf32>
      %mul3A_504 = arith.mulf %max3A_501, %get3A_467 : vector<16xf32>
      %add3A_505 = arith.addf %add3A_411, %mul3A_504 : vector<16xf32>
      %mul3A_506 = arith.mulf %get3A_273, %get3A_451 : vector<16xf32>
      %add3A_507 = arith.addf %get3A_463, %mul3A_506 : vector<16xf32>
      %mul3A_508 = arith.mulf %get3A_279, %get3A_453 : vector<16xf32>
      %add3A_509 = arith.addf %add3A_507, %mul3A_508 : vector<16xf32>
      %mul3A_510 = arith.mulf %get3A_285, %get3A_455 : vector<16xf32>
      %add3A_511 = arith.addf %add3A_509, %mul3A_510 : vector<16xf32>
      %mul3A_512 = arith.mulf %get3A_291, %get3A_457 : vector<16xf32>
      %add3A_513 = arith.addf %add3A_511, %mul3A_512 : vector<16xf32>
      %mul3A_514 = arith.mulf %get3A_297, %get3A_459 : vector<16xf32>
      %add3A_515 = arith.addf %add3A_513, %mul3A_514 : vector<16xf32>
      %mul3A_516 = arith.mulf %get3A_303, %get3A_461 : vector<16xf32>
      %add3A_517 = arith.addf %add3A_515, %mul3A_516 : vector<16xf32>
      %max3A_518 = arith.constant 0.000000e+00 : f32
      %max3A_519 = vector.broadcast %max3A_518 : f32 to vector<16xf32>
      %max3A_520 = arith.maximumf %add3A_517, %max3A_519 : vector<16xf32>
      %mul3A_521 = arith.mulf %max3A_520, %get3A_465 : vector<16xf32>
      %add3A_522 = arith.addf %add3A_428, %mul3A_521 : vector<16xf32>
      %mul3A_523 = arith.mulf %max3A_520, %get3A_467 : vector<16xf32>
      %add3A_524 = arith.addf %add3A_430, %mul3A_523 : vector<16xf32>
      %mul3A_525 = arith.mulf %get3A_309, %get3A_451 : vector<16xf32>
      %add3A_526 = arith.addf %get3A_463, %mul3A_525 : vector<16xf32>
      %mul3A_527 = arith.mulf %get3A_315, %get3A_453 : vector<16xf32>
      %add3A_528 = arith.addf %add3A_526, %mul3A_527 : vector<16xf32>
      %mul3A_529 = arith.mulf %get3A_321, %get3A_455 : vector<16xf32>
      %add3A_530 = arith.addf %add3A_528, %mul3A_529 : vector<16xf32>
      %mul3A_531 = arith.mulf %get3A_327, %get3A_457 : vector<16xf32>
      %add3A_532 = arith.addf %add3A_530, %mul3A_531 : vector<16xf32>
      %mul3A_533 = arith.mulf %get3A_333, %get3A_459 : vector<16xf32>
      %add3A_534 = arith.addf %add3A_532, %mul3A_533 : vector<16xf32>
      %mul3A_535 = arith.mulf %get3A_339, %get3A_461 : vector<16xf32>
      %add3A_536 = arith.addf %add3A_534, %mul3A_535 : vector<16xf32>
      %max3A_537 = arith.constant 0.000000e+00 : f32
      %max3A_538 = vector.broadcast %max3A_537 : f32 to vector<16xf32>
      %max3A_539 = arith.maximumf %add3A_536, %max3A_538 : vector<16xf32>
      %mul3A_540 = arith.mulf %max3A_539, %get3A_465 : vector<16xf32>
      %add3A_541 = arith.addf %add3A_447, %mul3A_540 : vector<16xf32>
      %mul3A_542 = arith.mulf %max3A_539, %get3A_467 : vector<16xf32>
      %add3A_543 = arith.addf %add3A_449, %mul3A_542 : vector<16xf32>
      %get3A_544 = arith.constant 288 : index
      %get3A_545 = tpu.vector_load %arg6[%get3A_544] {strides = array<i32>} : memref<4608xf32, #tpu.memory_space<vmem>>, vector<16xf32>,
      %get3A_546 = arith.constant 304 : index
      %get3A_547 = tpu.vector_load %arg6[%get3A_546] {strides = array<i32>} : memref<4608xf32, #tpu.memory_space<vmem>>, vector<16xf32>,
      %get3A_548 = arith.constant 320 : index
      %get3A_549 = tpu.vector_load %arg6[%get3A_548] {strides = array<i32>} : memref<4608xf32, #tpu.memory_space<vmem>>, vector<16xf32>,
      %get3A_550 = arith.constant 336 : index
      %get3A_551 = tpu.vector_load %arg6[%get3A_550] {strides = array<i32>} : memref<4608xf32, #tpu.memory_space<vmem>>, vector<16xf32>,
      %get3A_552 = arith.constant 352 : index
      %get3A_553 = tpu.vector_load %arg6[%get3A_552] {strides = array<i32>} : memref<4608xf32, #tpu.memory_space<vmem>>, vector<16xf32>,
      %get3A_554 = arith.constant 368 : index
      %get3A_555 = tpu.vector_load %arg6[%get3A_554] {strides = array<i32>} : memref<4608xf32, #tpu.memory_space<vmem>>, vector<16xf32>,
      %get3A_556 = arith.constant 384 : index
      %get3A_557 = tpu.vector_load %arg6[%get3A_556] {strides = array<i32>} : memref<4608xf32, #tpu.memory_space<vmem>>, vector<16xf32>,
      %get3A_558 = arith.constant 400 : index
      %get3A_559 = tpu.vector_load %arg6[%get3A_558] {strides = array<i32>} : memref<4608xf32, #tpu.memory_space<vmem>>, vector<16xf32>,
      %get3A_560 = arith.constant 416 : index
      %get3A_561 = tpu.vector_load %arg6[%get3A_560] {strides = array<i32>} : memref<4608xf32, #tpu.memory_space<vmem>>, vector<16xf32>,
      %mul3A_562 = arith.mulf %get3A_201, %get3A_545 : vector<16xf32>
      %add3A_563 = arith.addf %get3A_557, %mul3A_562 : vector<16xf32>
      %mul3A_564 = arith.mulf %get3A_207, %get3A_547 : vector<16xf32>
      %add3A_565 = arith.addf %add3A_563, %mul3A_564 : vector<16xf32>
      %mul3A_566 = arith.mulf %get3A_213, %get3A_549 : vector<16xf32>
      %add3A_567 = arith.addf %add3A_565, %mul3A_566 : vector<16xf32>
      %mul3A_568 = arith.mulf %get3A_219, %get3A_551 : vector<16xf32>
      %add3A_569 = arith.addf %add3A_567, %mul3A_568 : vector<16xf32>
      %mul3A_570 = arith.mulf %get3A_225, %get3A_553 : vector<16xf32>
      %add3A_571 = arith.addf %add3A_569, %mul3A_570 : vector<16xf32>
      %mul3A_572 = arith.mulf %get3A_231, %get3A_555 : vector<16xf32>
      %add3A_573 = arith.addf %add3A_571, %mul3A_572 : vector<16xf32>
      %max3A_574 = arith.constant 0.000000e+00 : f32
      %max3A_575 = vector.broadcast %max3A_574 : f32 to vector<16xf32>
      %max3A_576 = arith.maximumf %add3A_573, %max3A_575 : vector<16xf32>
      %mul3A_577 = arith.mulf %max3A_576, %get3A_559 : vector<16xf32>
      %add3A_578 = arith.addf %add3A_484, %mul3A_577 : vector<16xf32>
      %mul3A_579 = arith.mulf %max3A_576, %get3A_561 : vector<16xf32>
      %add3A_580 = arith.addf %add3A_486, %mul3A_579 : vector<16xf32>
      %mul3A_581 = arith.mulf %get3A_237, %get3A_545 : vector<16xf32>
      %add3A_582 = arith.addf %get3A_557, %mul3A_581 : vector<16xf32>
      %mul3A_583 = arith.mulf %get3A_243, %get3A_547 : vector<16xf32>
      %add3A_584 = arith.addf %add3A_582, %mul3A_583 : vector<16xf32>
      %mul3A_585 = arith.mulf %get3A_249, %get3A_549 : vector<16xf32>
      %add3A_586 = arith.addf %add3A_584, %mul3A_585 : vector<16xf32>
      %mul3A_587 = arith.mulf %get3A_255, %get3A_551 : vector<16xf32>
      %add3A_588 = arith.addf %add3A_586, %mul3A_587 : vector<16xf32>
      %mul3A_589 = arith.mulf %get3A_261, %get3A_553 : vector<16xf32>
      %add3A_590 = arith.addf %add3A_588, %mul3A_589 : vector<16xf32>
      %mul3A_591 = arith.mulf %get3A_267, %get3A_555 : vector<16xf32>
      %add3A_592 = arith.addf %add3A_590, %mul3A_591 : vector<16xf32>
      %max3A_593 = arith.constant 0.000000e+00 : f32
      %max3A_594 = vector.broadcast %max3A_593 : f32 to vector<16xf32>
      %max3A_595 = arith.maximumf %add3A_592, %max3A_594 : vector<16xf32>
      %mul3A_596 = arith.mulf %max3A_595, %get3A_559 : vector<16xf32>
      %add3A_597 = arith.addf %add3A_503, %mul3A_596 : vector<16xf32>
      %mul3A_598 = arith.mulf %max3A_595, %get3A_561 : vector<16xf32>
      %add3A_599 = arith.addf %add3A_505, %mul3A_598 : vector<16xf32>
      %mul3A_600 = arith.mulf %get3A_273, %get3A_545 : vector<16xf32>
      %add3A_601 = arith.addf %get3A_557, %mul3A_600 : vector<16xf32>
      %mul3A_602 = arith.mulf %get3A_279, %get3A_547 : vector<16xf32>
      %add3A_603 = arith.addf %add3A_601, %mul3A_602 : vector<16xf32>
      %mul3A_604 = arith.mulf %get3A_285, %get3A_549 : vector<16xf32>
      %add3A_605 = arith.addf %add3A_603, %mul3A_604 : vector<16xf32>
      %mul3A_606 = arith.mulf %get3A_291, %get3A_551 : vector<16xf32>
      %add3A_607 = arith.addf %add3A_605, %mul3A_606 : vector<16xf32>
      %mul3A_608 = arith.mulf %get3A_297, %get3A_553 : vector<16xf32>
      %add3A_609 = arith.addf %add3A_607, %mul3A_608 : vector<16xf32>
      %mul3A_610 = arith.mulf %get3A_303, %get3A_555 : vector<16xf32>
      %add3A_611 = arith.addf %add3A_609, %mul3A_610 : vector<16xf32>
      %max3A_612 = arith.constant 0.000000e+00 : f32
      %max3A_613 = vector.broadcast %max3A_612 : f32 to vector<16xf32>
      %max3A_614 = arith.maximumf %add3A_611, %max3A_613 : vector<16xf32>
      %mul3A_615 = arith.mulf %max3A_614, %get3A_559 : vector<16xf32>
      %add3A_616 = arith.addf %add3A_522, %mul3A_615 : vector<16xf32>
      %mul3A_617 = arith.mulf %max3A_614, %get3A_561 : vector<16xf32>
      %add3A_618 = arith.addf %add3A_524, %mul3A_617 : vector<16xf32>
      %mul3A_619 = arith.mulf %get3A_309, %get3A_545 : vector<16xf32>
      %add3A_620 = arith.addf %get3A_557, %mul3A_619 : vector<16xf32>
      %mul3A_621 = arith.mulf %get3A_315, %get3A_547 : vector<16xf32>
      %add3A_622 = arith.addf %add3A_620, %mul3A_621 : vector<16xf32>
      %mul3A_623 = arith.mulf %get3A_321, %get3A_549 : vector<16xf32>
      %add3A_624 = arith.addf %add3A_622, %mul3A_623 : vector<16xf32>
      %mul3A_625 = arith.mulf %get3A_327, %get3A_551 : vector<16xf32>
      %add3A_626 = arith.addf %add3A_624, %mul3A_625 : vector<16xf32>
      %mul3A_627 = arith.mulf %get3A_333, %get3A_553 : vector<16xf32>
      %add3A_628 = arith.addf %add3A_626, %mul3A_627 : vector<16xf32>
      %mul3A_629 = arith.mulf %get3A_339, %get3A_555 : vector<16xf32>
      %add3A_630 = arith.addf %add3A_628, %mul3A_629 : vector<16xf32>
      %max3A_631 = arith.constant 0.000000e+00 : f32
      %max3A_632 = vector.broadcast %max3A_631 : f32 to vector<16xf32>
      %max3A_633 = arith.maximumf %add3A_630, %max3A_632 : vector<16xf32>
      %mul3A_634 = arith.mulf %max3A_633, %get3A_559 : vector<16xf32>
      %add3A_635 = arith.addf %add3A_541, %mul3A_634 : vector<16xf32>
      %mul3A_636 = arith.mulf %max3A_633, %get3A_561 : vector<16xf32>
      %add3A_637 = arith.addf %add3A_543, %mul3A_636 : vector<16xf32>
      %get3A_638 = arith.constant 432 : index
      %get3A_639 = tpu.vector_load %arg6[%get3A_638] {strides = array<i32>} : memref<4608xf32, #tpu.memory_space<vmem>>, vector<16xf32>,
      %get3A_640 = arith.constant 448 : index
      %get3A_641 = tpu.vector_load %arg6[%get3A_640] {strides = array<i32>} : memref<4608xf32, #tpu.memory_space<vmem>>, vector<16xf32>,
      %get3A_642 = arith.constant 464 : index
      %get3A_643 = tpu.vector_load %arg6[%get3A_642] {strides = array<i32>} : memref<4608xf32, #tpu.memory_space<vmem>>, vector<16xf32>,
      %get3A_644 = arith.constant 480 : index
      %get3A_645 = tpu.vector_load %arg6[%get3A_644] {strides = array<i32>} : memref<4608xf32, #tpu.memory_space<vmem>>, vector<16xf32>,
      %get3A_646 = arith.constant 496 : index
      %get3A_647 = tpu.vector_load %arg6[%get3A_646] {strides = array<i32>} : memref<4608xf32, #tpu.memory_space<vmem>>, vector<16xf32>,
      %get3A_648 = arith.constant 512 : index
      %get3A_649 = tpu.vector_load %arg6[%get3A_648] {strides = array<i32>} : memref<4608xf32, #tpu.memory_space<vmem>>, vector<16xf32>,
      %get3A_650 = arith.constant 528 : index
      %get3A_651 = tpu.vector_load %arg6[%get3A_650] {strides = array<i32>} : memref<4608xf32, #tpu.memory_space<vmem>>, vector<16xf32>,
      %get3A_652 = arith.constant 544 : index
      %get3A_653 = tpu.vector_load %arg6[%get3A_652] {strides = array<i32>} : memref<4608xf32, #tpu.memory_space<vmem>>, vector<16xf32>,
      %get3A_654 = arith.constant 560 : index
      %get3A_655 = tpu.vector_load %arg6[%get3A_654] {strides = array<i32>} : memref<4608xf32, #tpu.memory_space<vmem>>, vector<16xf32>,
      %mul3A_656 = arith.mulf %get3A_201, %get3A_639 : vector<16xf32>
      %add3A_657 = arith.addf %get3A_651, %mul3A_656 : vector<16xf32>
      %mul3A_658 = arith.mulf %get3A_207, %get3A_641 : vector<16xf32>
      %add3A_659 = arith.addf %add3A_657, %mul3A_658 : vector<16xf32>
      %mul3A_660 = arith.mulf %get3A_213, %get3A_643 : vector<16xf32>
      %add3A_661 = arith.addf %add3A_659, %mul3A_660 : vector<16xf32>
      %mul3A_662 = arith.mulf %get3A_219, %get3A_645 : vector<16xf32>
      %add3A_663 = arith.addf %add3A_661, %mul3A_662 : vector<16xf32>
      %mul3A_664 = arith.mulf %get3A_225, %get3A_647 : vector<16xf32>
      %add3A_665 = arith.addf %add3A_663, %mul3A_664 : vector<16xf32>
      %mul3A_666 = arith.mulf %get3A_231, %get3A_649 : vector<16xf32>
      %add3A_667 = arith.addf %add3A_665, %mul3A_666 : vector<16xf32>
      %max3A_668 = arith.constant 0.000000e+00 : f32
      %max3A_669 = vector.broadcast %max3A_668 : f32 to vector<16xf32>
      %max3A_670 = arith.maximumf %add3A_667, %max3A_669 : vector<16xf32>
      %mul3A_671 = arith.mulf %max3A_670, %get3A_653 : vector<16xf32>
      %add3A_672 = arith.addf %add3A_578, %mul3A_671 : vector<16xf32>
      %mul3A_673 = arith.mulf %max3A_670, %get3A_655 : vector<16xf32>
      %add3A_674 = arith.addf %add3A_580, %mul3A_673 : vector<16xf32>
      %mul3A_675 = arith.mulf %get3A_237, %get3A_639 : vector<16xf32>
      %add3A_676 = arith.addf %get3A_651, %mul3A_675 : vector<16xf32>
      %mul3A_677 = arith.mulf %get3A_243, %get3A_641 : vector<16xf32>
      %add3A_678 = arith.addf %add3A_676, %mul3A_677 : vector<16xf32>
      %mul3A_679 = arith.mulf %get3A_249, %get3A_643 : vector<16xf32>
      %add3A_680 = arith.addf %add3A_678, %mul3A_679 : vector<16xf32>
      %mul3A_681 = arith.mulf %get3A_255, %get3A_645 : vector<16xf32>
      %add3A_682 = arith.addf %add3A_680, %mul3A_681 : vector<16xf32>
      %mul3A_683 = arith.mulf %get3A_261, %get3A_647 : vector<16xf32>
      %add3A_684 = arith.addf %add3A_682, %mul3A_683 : vector<16xf32>
      %mul3A_685 = arith.mulf %get3A_267, %get3A_649 : vector<16xf32>
      %add3A_686 = arith.addf %add3A_684, %mul3A_685 : vector<16xf32>
      %max3A_687 = arith.constant 0.000000e+00 : f32
      %max3A_688 = vector.broadcast %max3A_687 : f32 to vector<16xf32>
      %max3A_689 = arith.maximumf %add3A_686, %max3A_688 : vector<16xf32>
      %mul3A_690 = arith.mulf %max3A_689, %get3A_653 : vector<16xf32>
      %add3A_691 = arith.addf %add3A_597, %mul3A_690 : vector<16xf32>
      %mul3A_692 = arith.mulf %max3A_689, %get3A_655 : vector<16xf32>
      %add3A_693 = arith.addf %add3A_599, %mul3A_692 : vector<16xf32>
      %mul3A_694 = arith.mulf %get3A_273, %get3A_639 : vector<16xf32>
      %add3A_695 = arith.addf %get3A_651, %mul3A_694 : vector<16xf32>
      %mul3A_696 = arith.mulf %get3A_279, %get3A_641 : vector<16xf32>
      %add3A_697 = arith.addf %add3A_695, %mul3A_696 : vector<16xf32>
      %mul3A_698 = arith.mulf %get3A_285, %get3A_643 : vector<16xf32>
      %add3A_699 = arith.addf %add3A_697, %mul3A_698 : vector<16xf32>
      %mul3A_700 = arith.mulf %get3A_291, %get3A_645 : vector<16xf32>
      %add3A_701 = arith.addf %add3A_699, %mul3A_700 : vector<16xf32>
      %mul3A_702 = arith.mulf %get3A_297, %get3A_647 : vector<16xf32>
      %add3A_703 = arith.addf %add3A_701, %mul3A_702 : vector<16xf32>
      %mul3A_704 = arith.mulf %get3A_303, %get3A_649 : vector<16xf32>
      %add3A_705 = arith.addf %add3A_703, %mul3A_704 : vector<16xf32>
      %max3A_706 = arith.constant 0.000000e+00 : f32
      %max3A_707 = vector.broadcast %max3A_706 : f32 to vector<16xf32>
      %max3A_708 = arith.maximumf %add3A_705, %max3A_707 : vector<16xf32>
      %mul3A_709 = arith.mulf %max3A_708, %get3A_653 : vector<16xf32>
      %add3A_710 = arith.addf %add3A_616, %mul3A_709 : vector<16xf32>
      %mul3A_711 = arith.mulf %max3A_708, %get3A_655 : vector<16xf32>
      %add3A_712 = arith.addf %add3A_618, %mul3A_711 : vector<16xf32>
      %mul3A_713 = arith.mulf %get3A_309, %get3A_639 : vector<16xf32>
      %add3A_714 = arith.addf %get3A_651, %mul3A_713 : vector<16xf32>
      %mul3A_715 = arith.mulf %get3A_315, %get3A_641 : vector<16xf32>
      %add3A_716 = arith.addf %add3A_714, %mul3A_715 : vector<16xf32>
      %mul3A_717 = arith.mulf %get3A_321, %get3A_643 : vector<16xf32>
      %add3A_718 = arith.addf %add3A_716, %mul3A_717 : vector<16xf32>
      %mul3A_719 = arith.mulf %get3A_327, %get3A_645 : vector<16xf32>
      %add3A_720 = arith.addf %add3A_718, %mul3A_719 : vector<16xf32>
      %mul3A_721 = arith.mulf %get3A_333, %get3A_647 : vector<16xf32>
      %add3A_722 = arith.addf %add3A_720, %mul3A_721 : vector<16xf32>
      %mul3A_723 = arith.mulf %get3A_339, %get3A_649 : vector<16xf32>
      %add3A_724 = arith.addf %add3A_722, %mul3A_723 : vector<16xf32>
      %max3A_725 = arith.constant 0.000000e+00 : f32
      %max3A_726 = vector.broadcast %max3A_725 : f32 to vector<16xf32>
      %max3A_727 = arith.maximumf %add3A_724, %max3A_726 : vector<16xf32>
      %mul3A_728 = arith.mulf %max3A_727, %get3A_653 : vector<16xf32>
      %add3A_729 = arith.addf %add3A_635, %mul3A_728 : vector<16xf32>
      %mul3A_730 = arith.mulf %max3A_727, %get3A_655 : vector<16xf32>
      %add3A_731 = arith.addf %add3A_637, %mul3A_730 : vector<16xf32>
      %get3A_732 = arith.constant 576 : index
      %get3A_733 = tpu.vector_load %arg6[%get3A_732] {strides = array<i32>} : memref<4608xf32, #tpu.memory_space<vmem>>, vector<16xf32>,
      %get3A_734 = arith.constant 592 : index
      %get3A_735 = tpu.vector_load %arg6[%get3A_734] {strides = array<i32>} : memref<4608xf32, #tpu.memory_space<vmem>>, vector<16xf32>,
      %get3A_736 = arith.constant 608 : index
      %get3A_737 = tpu.vector_load %arg6[%get3A_736] {strides = array<i32>} : memref<4608xf32, #tpu.memory_space<vmem>>, vector<16xf32>,
      %get3A_738 = arith.constant 624 : index
      %get3A_739 = tpu.vector_load %arg6[%get3A_738] {strides = array<i32>} : memref<4608xf32, #tpu.memory_space<vmem>>, vector<16xf32>,
      %get3A_740 = arith.constant 640 : index
      %get3A_741 = tpu.vector_load %arg6[%get3A_740] {strides = array<i32>} : memref<4608xf32, #tpu.memory_space<vmem>>, vector<16xf32>,
      %get3A_742 = arith.constant 656 : index
      %get3A_743 = tpu.vector_load %arg6[%get3A_742] {strides = array<i32>} : memref<4608xf32, #tpu.memory_space<vmem>>, vector<16xf32>,
      %get3A_744 = arith.constant 672 : index
      %get3A_745 = tpu.vector_load %arg6[%get3A_744] {strides = array<i32>} : memref<4608xf32, #tpu.memory_space<vmem>>, vector<16xf32>,
      %get3A_746 = arith.constant 688 : index
      %get3A_747 = tpu.vector_load %arg6[%get3A_746] {strides = array<i32>} : memref<4608xf32, #tpu.memory_space<vmem>>, vector<16xf32>,
      %get3A_748 = arith.constant 704 : index
      %get3A_749 = tpu.vector_load %arg6[%get3A_748] {strides = array<i32>} : memref<4608xf32, #tpu.memory_space<vmem>>, vector<16xf32>,
      %mul3A_750 = arith.mulf %get3A_201, %get3A_733 : vector<16xf32>
      %add3A_751 = arith.addf %get3A_745, %mul3A_750 : vector<16xf32>
      %mul3A_752 = arith.mulf %get3A_207, %get3A_735 : vector<16xf32>
      %add3A_753 = arith.addf %add3A_751, %mul3A_752 : vector<16xf32>
      %mul3A_754 = arith.mulf %get3A_213, %get3A_737 : vector<16xf32>
      %add3A_755 = arith.addf %add3A_753, %mul3A_754 : vector<16xf32>
      %mul3A_756 = arith.mulf %get3A_219, %get3A_739 : vector<16xf32>
      %add3A_757 = arith.addf %add3A_755, %mul3A_756 : vector<16xf32>
      %mul3A_758 = arith.mulf %get3A_225, %get3A_741 : vector<16xf32>
      %add3A_759 = arith.addf %add3A_757, %mul3A_758 : vector<16xf32>
      %mul3A_760 = arith.mulf %get3A_231, %get3A_743 : vector<16xf32>
      %add3A_761 = arith.addf %add3A_759, %mul3A_760 : vector<16xf32>
      %max3A_762 = arith.constant 0.000000e+00 : f32
      %max3A_763 = vector.broadcast %max3A_762 : f32 to vector<16xf32>
      %max3A_764 = arith.maximumf %add3A_761, %max3A_763 : vector<16xf32>
      %mul3A_765 = arith.mulf %max3A_764, %get3A_747 : vector<16xf32>
      %add3A_766 = arith.addf %add3A_672, %mul3A_765 : vector<16xf32>
      %mul3A_767 = arith.mulf %max3A_764, %get3A_749 : vector<16xf32>
      %add3A_768 = arith.addf %add3A_674, %mul3A_767 : vector<16xf32>
      %mul3A_769 = arith.mulf %get3A_237, %get3A_733 : vector<16xf32>
      %add3A_770 = arith.addf %get3A_745, %mul3A_769 : vector<16xf32>
      %mul3A_771 = arith.mulf %get3A_243, %get3A_735 : vector<16xf32>
      %add3A_772 = arith.addf %add3A_770, %mul3A_771 : vector<16xf32>
      %mul3A_773 = arith.mulf %get3A_249, %get3A_737 : vector<16xf32>
      %add3A_774 = arith.addf %add3A_772, %mul3A_773 : vector<16xf32>
      %mul3A_775 = arith.mulf %get3A_255, %get3A_739 : vector<16xf32>
      %add3A_776 = arith.addf %add3A_774, %mul3A_775 : vector<16xf32>
      %mul3A_777 = arith.mulf %get3A_261, %get3A_741 : vector<16xf32>
      %add3A_778 = arith.addf %add3A_776, %mul3A_777 : vector<16xf32>
      %mul3A_779 = arith.mulf %get3A_267, %get3A_743 : vector<16xf32>
      %add3A_780 = arith.addf %add3A_778, %mul3A_779 : vector<16xf32>
      %max3A_781 = arith.constant 0.000000e+00 : f32
      %max3A_782 = vector.broadcast %max3A_781 : f32 to vector<16xf32>
      %max3A_783 = arith.maximumf %add3A_780, %max3A_782 : vector<16xf32>
      %mul3A_784 = arith.mulf %max3A_783, %get3A_747 : vector<16xf32>
      %add3A_785 = arith.addf %add3A_691, %mul3A_784 : vector<16xf32>
      %mul3A_786 = arith.mulf %max3A_783, %get3A_749 : vector<16xf32>
      %add3A_787 = arith.addf %add3A_693, %mul3A_786 : vector<16xf32>
      %mul3A_788 = arith.mulf %get3A_273, %get3A_733 : vector<16xf32>
      %add3A_789 = arith.addf %get3A_745, %mul3A_788 : vector<16xf32>
      %mul3A_790 = arith.mulf %get3A_279, %get3A_735 : vector<16xf32>
      %add3A_791 = arith.addf %add3A_789, %mul3A_790 : vector<16xf32>
      %mul3A_792 = arith.mulf %get3A_285, %get3A_737 : vector<16xf32>
      %add3A_793 = arith.addf %add3A_791, %mul3A_792 : vector<16xf32>
      %mul3A_794 = arith.mulf %get3A_291, %get3A_739 : vector<16xf32>
      %add3A_795 = arith.addf %add3A_793, %mul3A_794 : vector<16xf32>
      %mul3A_796 = arith.mulf %get3A_297, %get3A_741 : vector<16xf32>
      %add3A_797 = arith.addf %add3A_795, %mul3A_796 : vector<16xf32>
      %mul3A_798 = arith.mulf %get3A_303, %get3A_743 : vector<16xf32>
      %add3A_799 = arith.addf %add3A_797, %mul3A_798 : vector<16xf32>
      %max3A_800 = arith.constant 0.000000e+00 : f32
      %max3A_801 = vector.broadcast %max3A_800 : f32 to vector<16xf32>
      %max3A_802 = arith.maximumf %add3A_799, %max3A_801 : vector<16xf32>
      %mul3A_803 = arith.mulf %max3A_802, %get3A_747 : vector<16xf32>
      %add3A_804 = arith.addf %add3A_710, %mul3A_803 : vector<16xf32>
      %mul3A_805 = arith.mulf %max3A_802, %get3A_749 : vector<16xf32>
      %add3A_806 = arith.addf %add3A_712, %mul3A_805 : vector<16xf32>
      %mul3A_807 = arith.mulf %get3A_309, %get3A_733 : vector<16xf32>
      %add3A_808 = arith.addf %get3A_745, %mul3A_807 : vector<16xf32>
      %mul3A_809 = arith.mulf %get3A_315, %get3A_735 : vector<16xf32>
      %add3A_810 = arith.addf %add3A_808, %mul3A_809 : vector<16xf32>
      %mul3A_811 = arith.mulf %get3A_321, %get3A_737 : vector<16xf32>
      %add3A_812 = arith.addf %add3A_810, %mul3A_811 : vector<16xf32>
      %mul3A_813 = arith.mulf %get3A_327, %get3A_739 : vector<16xf32>
      %add3A_814 = arith.addf %add3A_812, %mul3A_813 : vector<16xf32>
      %mul3A_815 = arith.mulf %get3A_333, %get3A_741 : vector<16xf32>
      %add3A_816 = arith.addf %add3A_814, %mul3A_815 : vector<16xf32>
      %mul3A_817 = arith.mulf %get3A_339, %get3A_743 : vector<16xf32>
      %add3A_818 = arith.addf %add3A_816, %mul3A_817 : vector<16xf32>
      %max3A_819 = arith.constant 0.000000e+00 : f32
      %max3A_820 = vector.broadcast %max3A_819 : f32 to vector<16xf32>
      %max3A_821 = arith.maximumf %add3A_818, %max3A_820 : vector<16xf32>
      %mul3A_822 = arith.mulf %max3A_821, %get3A_747 : vector<16xf32>
      %add3A_823 = arith.addf %add3A_729, %mul3A_822 : vector<16xf32>
      %mul3A_824 = arith.mulf %max3A_821, %get3A_749 : vector<16xf32>
      %add3A_825 = arith.addf %add3A_731, %mul3A_824 : vector<16xf32>
      %get3A_826 = arith.constant 720 : index
      %get3A_827 = tpu.vector_load %arg6[%get3A_826] {strides = array<i32>} : memref<4608xf32, #tpu.memory_space<vmem>>, vector<16xf32>,
      %get3A_828 = arith.constant 736 : index
      %get3A_829 = tpu.vector_load %arg6[%get3A_828] {strides = array<i32>} : memref<4608xf32, #tpu.memory_space<vmem>>, vector<16xf32>,
      %get3A_830 = arith.constant 752 : index
      %get3A_831 = tpu.vector_load %arg6[%get3A_830] {strides = array<i32>} : memref<4608xf32, #tpu.memory_space<vmem>>, vector<16xf32>,
      %get3A_832 = arith.constant 768 : index
      %get3A_833 = tpu.vector_load %arg6[%get3A_832] {strides = array<i32>} : memref<4608xf32, #tpu.memory_space<vmem>>, vector<16xf32>,
      %get3A_834 = arith.constant 784 : index
      %get3A_835 = tpu.vector_load %arg6[%get3A_834] {strides = array<i32>} : memref<4608xf32, #tpu.memory_space<vmem>>, vector<16xf32>,
      %get3A_836 = arith.constant 800 : index
      %get3A_837 = tpu.vector_load %arg6[%get3A_836] {strides = array<i32>} : memref<4608xf32, #tpu.memory_space<vmem>>, vector<16xf32>,
      %get3A_838 = arith.constant 816 : index
      %get3A_839 = tpu.vector_load %arg6[%get3A_838] {strides = array<i32>} : memref<4608xf32, #tpu.memory_space<vmem>>, vector<16xf32>,
      %get3A_840 = arith.constant 832 : index
      %get3A_841 = tpu.vector_load %arg6[%get3A_840] {strides = array<i32>} : memref<4608xf32, #tpu.memory_space<vmem>>, vector<16xf32>,
      %get3A_842 = arith.constant 848 : index
      %get3A_843 = tpu.vector_load %arg6[%get3A_842] {strides = array<i32>} : memref<4608xf32, #tpu.memory_space<vmem>>, vector<16xf32>,
      %mul3A_844 = arith.mulf %get3A_201, %get3A_827 : vector<16xf32>
      %add3A_845 = arith.addf %get3A_839, %mul3A_844 : vector<16xf32>
      %mul3A_846 = arith.mulf %get3A_207, %get3A_829 : vector<16xf32>
      %add3A_847 = arith.addf %add3A_845, %mul3A_846 : vector<16xf32>
      %mul3A_848 = arith.mulf %get3A_213, %get3A_831 : vector<16xf32>
      %add3A_849 = arith.addf %add3A_847, %mul3A_848 : vector<16xf32>
      %mul3A_850 = arith.mulf %get3A_219, %get3A_833 : vector<16xf32>
      %add3A_851 = arith.addf %add3A_849, %mul3A_850 : vector<16xf32>
      %mul3A_852 = arith.mulf %get3A_225, %get3A_835 : vector<16xf32>
      %add3A_853 = arith.addf %add3A_851, %mul3A_852 : vector<16xf32>
      %mul3A_854 = arith.mulf %get3A_231, %get3A_837 : vector<16xf32>
      %add3A_855 = arith.addf %add3A_853, %mul3A_854 : vector<16xf32>
      %max3A_856 = arith.constant 0.000000e+00 : f32
      %max3A_857 = vector.broadcast %max3A_856 : f32 to vector<16xf32>
      %max3A_858 = arith.maximumf %add3A_855, %max3A_857 : vector<16xf32>
      %mul3A_859 = arith.mulf %max3A_858, %get3A_841 : vector<16xf32>
      %add3A_860 = arith.addf %add3A_766, %mul3A_859 : vector<16xf32>
      %mul3A_861 = arith.mulf %max3A_858, %get3A_843 : vector<16xf32>
      %add3A_862 = arith.addf %add3A_768, %mul3A_861 : vector<16xf32>
      %mul3A_863 = arith.mulf %get3A_237, %get3A_827 : vector<16xf32>
      %add3A_864 = arith.addf %get3A_839, %mul3A_863 : vector<16xf32>
      %mul3A_865 = arith.mulf %get3A_243, %get3A_829 : vector<16xf32>
      %add3A_866 = arith.addf %add3A_864, %mul3A_865 : vector<16xf32>
      %mul3A_867 = arith.mulf %get3A_249, %get3A_831 : vector<16xf32>
      %add3A_868 = arith.addf %add3A_866, %mul3A_867 : vector<16xf32>
      %mul3A_869 = arith.mulf %get3A_255, %get3A_833 : vector<16xf32>
      %add3A_870 = arith.addf %add3A_868, %mul3A_869 : vector<16xf32>
      %mul3A_871 = arith.mulf %get3A_261, %get3A_835 : vector<16xf32>
      %add3A_872 = arith.addf %add3A_870, %mul3A_871 : vector<16xf32>
      %mul3A_873 = arith.mulf %get3A_267, %get3A_837 : vector<16xf32>
      %add3A_874 = arith.addf %add3A_872, %mul3A_873 : vector<16xf32>
      %max3A_875 = arith.constant 0.000000e+00 : f32
      %max3A_876 = vector.broadcast %max3A_875 : f32 to vector<16xf32>
      %max3A_877 = arith.maximumf %add3A_874, %max3A_876 : vector<16xf32>
      %mul3A_878 = arith.mulf %max3A_877, %get3A_841 : vector<16xf32>
      %add3A_879 = arith.addf %add3A_785, %mul3A_878 : vector<16xf32>
      %mul3A_880 = arith.mulf %max3A_877, %get3A_843 : vector<16xf32>
      %add3A_881 = arith.addf %add3A_787, %mul3A_880 : vector<16xf32>
      %mul3A_882 = arith.mulf %get3A_273, %get3A_827 : vector<16xf32>
      %add3A_883 = arith.addf %get3A_839, %mul3A_882 : vector<16xf32>
      %mul3A_884 = arith.mulf %get3A_279, %get3A_829 : vector<16xf32>
      %add3A_885 = arith.addf %add3A_883, %mul3A_884 : vector<16xf32>
      %mul3A_886 = arith.mulf %get3A_285, %get3A_831 : vector<16xf32>
      %add3A_887 = arith.addf %add3A_885, %mul3A_886 : vector<16xf32>
      %mul3A_888 = arith.mulf %get3A_291, %get3A_833 : vector<16xf32>
      %add3A_889 = arith.addf %add3A_887, %mul3A_888 : vector<16xf32>
      %mul3A_890 = arith.mulf %get3A_297, %get3A_835 : vector<16xf32>
      %add3A_891 = arith.addf %add3A_889, %mul3A_890 : vector<16xf32>
      %mul3A_892 = arith.mulf %get3A_303, %get3A_837 : vector<16xf32>
      %add3A_893 = arith.addf %add3A_891, %mul3A_892 : vector<16xf32>
      %max3A_894 = arith.constant 0.000000e+00 : f32
      %max3A_895 = vector.broadcast %max3A_894 : f32 to vector<16xf32>
      %max3A_896 = arith.maximumf %add3A_893, %max3A_895 : vector<16xf32>
      %mul3A_897 = arith.mulf %max3A_896, %get3A_841 : vector<16xf32>
      %add3A_898 = arith.addf %add3A_804, %mul3A_897 : vector<16xf32>
      %mul3A_899 = arith.mulf %max3A_896, %get3A_843 : vector<16xf32>
      %add3A_900 = arith.addf %add3A_806, %mul3A_899 : vector<16xf32>
      %mul3A_901 = arith.mulf %get3A_309, %get3A_827 : vector<16xf32>
      %add3A_902 = arith.addf %get3A_839, %mul3A_901 : vector<16xf32>
      %mul3A_903 = arith.mulf %get3A_315, %get3A_829 : vector<16xf32>
      %add3A_904 = arith.addf %add3A_902, %mul3A_903 : vector<16xf32>
      %mul3A_905 = arith.mulf %get3A_321, %get3A_831 : vector<16xf32>
      %add3A_906 = arith.addf %add3A_904, %mul3A_905 : vector<16xf32>
      %mul3A_907 = arith.mulf %get3A_327, %get3A_833 : vector<16xf32>
      %add3A_908 = arith.addf %add3A_906, %mul3A_907 : vector<16xf32>
      %mul3A_909 = arith.mulf %get3A_333, %get3A_835 : vector<16xf32>
      %add3A_910 = arith.addf %add3A_908, %mul3A_909 : vector<16xf32>
      %mul3A_911 = arith.mulf %get3A_339, %get3A_837 : vector<16xf32>
      %add3A_912 = arith.addf %add3A_910, %mul3A_911 : vector<16xf32>
      %max3A_913 = arith.constant 0.000000e+00 : f32
      %max3A_914 = vector.broadcast %max3A_913 : f32 to vector<16xf32>
      %max3A_915 = arith.maximumf %add3A_912, %max3A_914 : vector<16xf32>
      %mul3A_916 = arith.mulf %max3A_915, %get3A_841 : vector<16xf32>
      %add3A_917 = arith.addf %add3A_823, %mul3A_916 : vector<16xf32>
      %mul3A_918 = arith.mulf %max3A_915, %get3A_843 : vector<16xf32>
      %add3A_919 = arith.addf %add3A_825, %mul3A_918 : vector<16xf32>
      %get3A_920 = arith.constant 864 : index
      %get3A_921 = tpu.vector_load %arg6[%get3A_920] {strides = array<i32>} : memref<4608xf32, #tpu.memory_space<vmem>>, vector<16xf32>,
      %get3A_922 = arith.constant 880 : index
      %get3A_923 = tpu.vector_load %arg6[%get3A_922] {strides = array<i32>} : memref<4608xf32, #tpu.memory_space<vmem>>, vector<16xf32>,
      %get3A_924 = arith.constant 896 : index
      %get3A_925 = tpu.vector_load %arg6[%get3A_924] {strides = array<i32>} : memref<4608xf32, #tpu.memory_space<vmem>>, vector<16xf32>,
      %get3A_926 = arith.constant 912 : index
      %get3A_927 = tpu.vector_load %arg6[%get3A_926] {strides = array<i32>} : memref<4608xf32, #tpu.memory_space<vmem>>, vector<16xf32>,
      %get3A_928 = arith.constant 928 : index
      %get3A_929 = tpu.vector_load %arg6[%get3A_928] {strides = array<i32>} : memref<4608xf32, #tpu.memory_space<vmem>>, vector<16xf32>,
      %get3A_930 = arith.constant 944 : index
      %get3A_931 = tpu.vector_load %arg6[%get3A_930] {strides = array<i32>} : memref<4608xf32, #tpu.memory_space<vmem>>, vector<16xf32>,
      %get3A_932 = arith.constant 960 : index
      %get3A_933 = tpu.vector_load %arg6[%get3A_932] {strides = array<i32>} : memref<4608xf32, #tpu.memory_space<vmem>>, vector<16xf32>,
      %get3A_934 = arith.constant 976 : index
      %get3A_935 = tpu.vector_load %arg6[%get3A_934] {strides = array<i32>} : memref<4608xf32, #tpu.memory_space<vmem>>, vector<16xf32>,
      %get3A_936 = arith.constant 992 : index
      %get3A_937 = tpu.vector_load %arg6[%get3A_936] {strides = array<i32>} : memref<4608xf32, #tpu.memory_space<vmem>>, vector<16xf32>,
      %mul3A_938 = arith.mulf %get3A_201, %get3A_921 : vector<16xf32>
      %add3A_939 = arith.addf %get3A_933, %mul3A_938 : vector<16xf32>
      %mul3A_940 = arith.mulf %get3A_207, %get3A_923 : vector<16xf32>
      %add3A_941 = arith.addf %add3A_939, %mul3A_940 : vector<16xf32>
      %mul3A_942 = arith.mulf %get3A_213, %get3A_925 : vector<16xf32>
      %add3A_943 = arith.addf %add3A_941, %mul3A_942 : vector<16xf32>
      %mul3A_944 = arith.mulf %get3A_219, %get3A_927 : vector<16xf32>
      %add3A_945 = arith.addf %add3A_943, %mul3A_944 : vector<16xf32>
      %mul3A_946 = arith.mulf %get3A_225, %get3A_929 : vector<16xf32>
      %add3A_947 = arith.addf %add3A_945, %mul3A_946 : vector<16xf32>
      %mul3A_948 = arith.mulf %get3A_231, %get3A_931 : vector<16xf32>
      %add3A_949 = arith.addf %add3A_947, %mul3A_948 : vector<16xf32>
      %max3A_950 = arith.constant 0.000000e+00 : f32
      %max3A_951 = vector.broadcast %max3A_950 : f32 to vector<16xf32>
      %max3A_952 = arith.maximumf %add3A_949, %max3A_951 : vector<16xf32>
      %mul3A_953 = arith.mulf %max3A_952, %get3A_935 : vector<16xf32>
      %add3A_954 = arith.addf %add3A_860, %mul3A_953 : vector<16xf32>
      %mul3A_955 = arith.mulf %max3A_952, %get3A_937 : vector<16xf32>
      %add3A_956 = arith.addf %add3A_862, %mul3A_955 : vector<16xf32>
      %mul3A_957 = arith.mulf %get3A_237, %get3A_921 : vector<16xf32>
      %add3A_958 = arith.addf %get3A_933, %mul3A_957 : vector<16xf32>
      %mul3A_959 = arith.mulf %get3A_243, %get3A_923 : vector<16xf32>
      %add3A_960 = arith.addf %add3A_958, %mul3A_959 : vector<16xf32>
      %mul3A_961 = arith.mulf %get3A_249, %get3A_925 : vector<16xf32>
      %add3A_962 = arith.addf %add3A_960, %mul3A_961 : vector<16xf32>
      %mul3A_963 = arith.mulf %get3A_255, %get3A_927 : vector<16xf32>
      %add3A_964 = arith.addf %add3A_962, %mul3A_963 : vector<16xf32>
      %mul3A_965 = arith.mulf %get3A_261, %get3A_929 : vector<16xf32>
      %add3A_966 = arith.addf %add3A_964, %mul3A_965 : vector<16xf32>
      %mul3A_967 = arith.mulf %get3A_267, %get3A_931 : vector<16xf32>
      %add3A_968 = arith.addf %add3A_966, %mul3A_967 : vector<16xf32>
      %max3A_969 = arith.constant 0.000000e+00 : f32
      %max3A_970 = vector.broadcast %max3A_969 : f32 to vector<16xf32>
      %max3A_971 = arith.maximumf %add3A_968, %max3A_970 : vector<16xf32>
      %mul3A_972 = arith.mulf %max3A_971, %get3A_935 : vector<16xf32>
      %add3A_973 = arith.addf %add3A_879, %mul3A_972 : vector<16xf32>
      %mul3A_974 = arith.mulf %max3A_971, %get3A_937 : vector<16xf32>
      %add3A_975 = arith.addf %add3A_881, %mul3A_974 : vector<16xf32>
      %mul3A_976 = arith.mulf %get3A_273, %get3A_921 : vector<16xf32>
      %add3A_977 = arith.addf %get3A_933, %mul3A_976 : vector<16xf32>
      %mul3A_978 = arith.mulf %get3A_279, %get3A_923 : vector<16xf32>
      %add3A_979 = arith.addf %add3A_977, %mul3A_978 : vector<16xf32>
      %mul3A_980 = arith.mulf %get3A_285, %get3A_925 : vector<16xf32>
      %add3A_981 = arith.addf %add3A_979, %mul3A_980 : vector<16xf32>
      %mul3A_982 = arith.mulf %get3A_291, %get3A_927 : vector<16xf32>
      %add3A_983 = arith.addf %add3A_981, %mul3A_982 : vector<16xf32>
      %mul3A_984 = arith.mulf %get3A_297, %get3A_929 : vector<16xf32>
      %add3A_985 = arith.addf %add3A_983, %mul3A_984 : vector<16xf32>
      %mul3A_986 = arith.mulf %get3A_303, %get3A_931 : vector<16xf32>
      %add3A_987 = arith.addf %add3A_985, %mul3A_986 : vector<16xf32>
      %max3A_988 = arith.constant 0.000000e+00 : f32
      %max3A_989 = vector.broadcast %max3A_988 : f32 to vector<16xf32>
      %max3A_990 = arith.maximumf %add3A_987, %max3A_989 : vector<16xf32>
      %mul3A_991 = arith.mulf %max3A_990, %get3A_935 : vector<16xf32>
      %add3A_992 = arith.addf %add3A_898, %mul3A_991 : vector<16xf32>
      %mul3A_993 = arith.mulf %max3A_990, %get3A_937 : vector<16xf32>
      %add3A_994 = arith.addf %add3A_900, %mul3A_993 : vector<16xf32>
      %mul3A_995 = arith.mulf %get3A_309, %get3A_921 : vector<16xf32>
      %add3A_996 = arith.addf %get3A_933, %mul3A_995 : vector<16xf32>
      %mul3A_997 = arith.mulf %get3A_315, %get3A_923 : vector<16xf32>
      %add3A_998 = arith.addf %add3A_996, %mul3A_997 : vector<16xf32>
      %mul3A_999 = arith.mulf %get3A_321, %get3A_925 : vector<16xf32>
      %add3A_1000 = arith.addf %add3A_998, %mul3A_999 : vector<16xf32>
      %mul3A_1001 = arith.mulf %get3A_327, %get3A_927 : vector<16xf32>
      %add3A_1002 = arith.addf %add3A_1000, %mul3A_1001 : vector<16xf32>
      %mul3A_1003 = arith.mulf %get3A_333, %get3A_929 : vector<16xf32>
      %add3A_1004 = arith.addf %add3A_1002, %mul3A_1003 : vector<16xf32>
      %mul3A_1005 = arith.mulf %get3A_339, %get3A_931 : vector<16xf32>
      %add3A_1006 = arith.addf %add3A_1004, %mul3A_1005 : vector<16xf32>
      %max3A_1007 = arith.constant 0.000000e+00 : f32
      %max3A_1008 = vector.broadcast %max3A_1007 : f32 to vector<16xf32>
      %max3A_1009 = arith.maximumf %add3A_1006, %max3A_1008 : vector<16xf32>
      %mul3A_1010 = arith.mulf %max3A_1009, %get3A_935 : vector<16xf32>
      %add3A_1011 = arith.addf %add3A_917, %mul3A_1010 : vector<16xf32>
      %mul3A_1012 = arith.mulf %max3A_1009, %get3A_937 : vector<16xf32>
      %add3A_1013 = arith.addf %add3A_919, %mul3A_1012 : vector<16xf32>
      %get3A_1014 = arith.constant 1008 : index
      %get3A_1015 = tpu.vector_load %arg6[%get3A_1014] {strides = array<i32>} : memref<4608xf32, #tpu.memory_space<vmem>>, vector<16xf32>,
      %get3A_1016 = arith.constant 1024 : index
      %get3A_1017 = tpu.vector_load %arg6[%get3A_1016] {strides = array<i32>} : memref<4608xf32, #tpu.memory_space<vmem>>, vector<16xf32>,
      %get3A_1018 = arith.constant 1040 : index
      %get3A_1019 = tpu.vector_load %arg6[%get3A_1018] {strides = array<i32>} : memref<4608xf32, #tpu.memory_space<vmem>>, vector<16xf32>,
      %get3A_1020 = arith.constant 1056 : index
      %get3A_1021 = tpu.vector_load %arg6[%get3A_1020] {strides = array<i32>} : memref<4608xf32, #tpu.memory_space<vmem>>, vector<16xf32>,
      %get3A_1022 = arith.constant 1072 : index
      %get3A_1023 = tpu.vector_load %arg6[%get3A_1022] {strides = array<i32>} : memref<4608xf32, #tpu.memory_space<vmem>>, vector<16xf32>,
      %get3A_1024 = arith.constant 1088 : index
      %get3A_1025 = tpu.vector_load %arg6[%get3A_1024] {strides = array<i32>} : memref<4608xf32, #tpu.memory_space<vmem>>, vector<16xf32>,
      %get3A_1026 = arith.constant 1104 : index
      %get3A_1027 = tpu.vector_load %arg6[%get3A_1026] {strides = array<i32>} : memref<4608xf32, #tpu.memory_space<vmem>>, vector<16xf32>,
      %get3A_1028 = arith.constant 1120 : index
      %get3A_1029 = tpu.vector_load %arg6[%get3A_1028] {strides = array<i32>} : memref<4608xf32, #tpu.memory_space<vmem>>, vector<16xf32>,
      %get3A_1030 = arith.constant 1136 : index
      %get3A_1031 = tpu.vector_load %arg6[%get3A_1030] {strides = array<i32>} : memref<4608xf32, #tpu.memory_space<vmem>>, vector<16xf32>,
      %mul3A_1032 = arith.mulf %get3A_201, %get3A_1015 : vector<16xf32>
      %add3A_1033 = arith.addf %get3A_1027, %mul3A_1032 : vector<16xf32>
      %mul3A_1034 = arith.mulf %get3A_207, %get3A_1017 : vector<16xf32>
      %add3A_1035 = arith.addf %add3A_1033, %mul3A_1034 : vector<16xf32>
      %mul3A_1036 = arith.mulf %get3A_213, %get3A_1019 : vector<16xf32>
      %add3A_1037 = arith.addf %add3A_1035, %mul3A_1036 : vector<16xf32>
      %mul3A_1038 = arith.mulf %get3A_219, %get3A_1021 : vector<16xf32>
      %add3A_1039 = arith.addf %add3A_1037, %mul3A_1038 : vector<16xf32>
      %mul3A_1040 = arith.mulf %get3A_225, %get3A_1023 : vector<16xf32>
      %add3A_1041 = arith.addf %add3A_1039, %mul3A_1040 : vector<16xf32>
      %mul3A_1042 = arith.mulf %get3A_231, %get3A_1025 : vector<16xf32>
      %add3A_1043 = arith.addf %add3A_1041, %mul3A_1042 : vector<16xf32>
      %max3A_1044 = arith.constant 0.000000e+00 : f32
      %max3A_1045 = vector.broadcast %max3A_1044 : f32 to vector<16xf32>
      %max3A_1046 = arith.maximumf %add3A_1043, %max3A_1045 : vector<16xf32>
      %mul3A_1047 = arith.mulf %max3A_1046, %get3A_1029 : vector<16xf32>
      %add3A_1048 = arith.addf %add3A_954, %mul3A_1047 : vector<16xf32>
      %mul3A_1049 = arith.mulf %max3A_1046, %get3A_1031 : vector<16xf32>
      %add3A_1050 = arith.addf %add3A_956, %mul3A_1049 : vector<16xf32>
      %mul3A_1051 = arith.mulf %get3A_237, %get3A_1015 : vector<16xf32>
      %add3A_1052 = arith.addf %get3A_1027, %mul3A_1051 : vector<16xf32>
      %mul3A_1053 = arith.mulf %get3A_243, %get3A_1017 : vector<16xf32>
      %add3A_1054 = arith.addf %add3A_1052, %mul3A_1053 : vector<16xf32>
      %mul3A_1055 = arith.mulf %get3A_249, %get3A_1019 : vector<16xf32>
      %add3A_1056 = arith.addf %add3A_1054, %mul3A_1055 : vector<16xf32>
      %mul3A_1057 = arith.mulf %get3A_255, %get3A_1021 : vector<16xf32>
      %add3A_1058 = arith.addf %add3A_1056, %mul3A_1057 : vector<16xf32>
      %mul3A_1059 = arith.mulf %get3A_261, %get3A_1023 : vector<16xf32>
      %add3A_1060 = arith.addf %add3A_1058, %mul3A_1059 : vector<16xf32>
      %mul3A_1061 = arith.mulf %get3A_267, %get3A_1025 : vector<16xf32>
      %add3A_1062 = arith.addf %add3A_1060, %mul3A_1061 : vector<16xf32>
      %max3A_1063 = arith.constant 0.000000e+00 : f32
      %max3A_1064 = vector.broadcast %max3A_1063 : f32 to vector<16xf32>
      %max3A_1065 = arith.maximumf %add3A_1062, %max3A_1064 : vector<16xf32>
      %mul3A_1066 = arith.mulf %max3A_1065, %get3A_1029 : vector<16xf32>
      %add3A_1067 = arith.addf %add3A_973, %mul3A_1066 : vector<16xf32>
      %mul3A_1068 = arith.mulf %max3A_1065, %get3A_1031 : vector<16xf32>
      %add3A_1069 = arith.addf %add3A_975, %mul3A_1068 : vector<16xf32>
      %mul3A_1070 = arith.mulf %get3A_273, %get3A_1015 : vector<16xf32>
      %add3A_1071 = arith.addf %get3A_1027, %mul3A_1070 : vector<16xf32>
      %mul3A_1072 = arith.mulf %get3A_279, %get3A_1017 : vector<16xf32>
      %add3A_1073 = arith.addf %add3A_1071, %mul3A_1072 : vector<16xf32>
      %mul3A_1074 = arith.mulf %get3A_285, %get3A_1019 : vector<16xf32>
      %add3A_1075 = arith.addf %add3A_1073, %mul3A_1074 : vector<16xf32>
      %mul3A_1076 = arith.mulf %get3A_291, %get3A_1021 : vector<16xf32>
      %add3A_1077 = arith.addf %add3A_1075, %mul3A_1076 : vector<16xf32>
      %mul3A_1078 = arith.mulf %get3A_297, %get3A_1023 : vector<16xf32>
      %add3A_1079 = arith.addf %add3A_1077, %mul3A_1078 : vector<16xf32>
      %mul3A_1080 = arith.mulf %get3A_303, %get3A_1025 : vector<16xf32>
      %add3A_1081 = arith.addf %add3A_1079, %mul3A_1080 : vector<16xf32>
      %max3A_1082 = arith.constant 0.000000e+00 : f32
      %max3A_1083 = vector.broadcast %max3A_1082 : f32 to vector<16xf32>
      %max3A_1084 = arith.maximumf %add3A_1081, %max3A_1083 : vector<16xf32>
      %mul3A_1085 = arith.mulf %max3A_1084, %get3A_1029 : vector<16xf32>
      %add3A_1086 = arith.addf %add3A_992, %mul3A_1085 : vector<16xf32>
      %mul3A_1087 = arith.mulf %max3A_1084, %get3A_1031 : vector<16xf32>
      %add3A_1088 = arith.addf %add3A_994, %mul3A_1087 : vector<16xf32>
      %mul3A_1089 = arith.mulf %get3A_309, %get3A_1015 : vector<16xf32>
      %add3A_1090 = arith.addf %get3A_1027, %mul3A_1089 : vector<16xf32>
      %mul3A_1091 = arith.mulf %get3A_315, %get3A_1017 : vector<16xf32>
      %add3A_1092 = arith.addf %add3A_1090, %mul3A_1091 : vector<16xf32>
      %mul3A_1093 = arith.mulf %get3A_321, %get3A_1019 : vector<16xf32>
      %add3A_1094 = arith.addf %add3A_1092, %mul3A_1093 : vector<16xf32>
      %mul3A_1095 = arith.mulf %get3A_327, %get3A_1021 : vector<16xf32>
      %add3A_1096 = arith.addf %add3A_1094, %mul3A_1095 : vector<16xf32>
      %mul3A_1097 = arith.mulf %get3A_333, %get3A_1023 : vector<16xf32>
      %add3A_1098 = arith.addf %add3A_1096, %mul3A_1097 : vector<16xf32>
      %mul3A_1099 = arith.mulf %get3A_339, %get3A_1025 : vector<16xf32>
      %add3A_1100 = arith.addf %add3A_1098, %mul3A_1099 : vector<16xf32>
      %max3A_1101 = arith.constant 0.000000e+00 : f32
      %max3A_1102 = vector.broadcast %max3A_1101 : f32 to vector<16xf32>
      %max3A_1103 = arith.maximumf %add3A_1100, %max3A_1102 : vector<16xf32>
      %mul3A_1104 = arith.mulf %max3A_1103, %get3A_1029 : vector<16xf32>
      %add3A_1105 = arith.addf %add3A_1011, %mul3A_1104 : vector<16xf32>
      %mul3A_1106 = arith.mulf %max3A_1103, %get3A_1031 : vector<16xf32>
      %add3A_1107 = arith.addf %add3A_1013, %mul3A_1106 : vector<16xf32>
      %get3A_1108 = arith.constant 1152 : index
      %get3A_1109 = tpu.vector_load %arg6[%get3A_1108] {strides = array<i32>} : memref<4608xf32, #tpu.memory_space<vmem>>, vector<16xf32>,
      %get3A_1110 = arith.constant 1168 : index
      %get3A_1111 = tpu.vector_load %arg6[%get3A_1110] {strides = array<i32>} : memref<4608xf32, #tpu.memory_space<vmem>>, vector<16xf32>,
      %get3A_1112 = arith.constant 1184 : index
      %get3A_1113 = tpu.vector_load %arg6[%get3A_1112] {strides = array<i32>} : memref<4608xf32, #tpu.memory_space<vmem>>, vector<16xf32>,
      %get3A_1114 = arith.constant 1200 : index
      %get3A_1115 = tpu.vector_load %arg6[%get3A_1114] {strides = array<i32>} : memref<4608xf32, #tpu.memory_space<vmem>>, vector<16xf32>,
      %get3A_1116 = arith.constant 1216 : index
      %get3A_1117 = tpu.vector_load %arg6[%get3A_1116] {strides = array<i32>} : memref<4608xf32, #tpu.memory_space<vmem>>, vector<16xf32>,
      %get3A_1118 = arith.constant 1232 : index
      %get3A_1119 = tpu.vector_load %arg6[%get3A_1118] {strides = array<i32>} : memref<4608xf32, #tpu.memory_space<vmem>>, vector<16xf32>,
      %get3A_1120 = arith.constant 1248 : index
      %get3A_1121 = tpu.vector_load %arg6[%get3A_1120] {strides = array<i32>} : memref<4608xf32, #tpu.memory_space<vmem>>, vector<16xf32>,
      %get3A_1122 = arith.constant 1264 : index
      %get3A_1123 = tpu.vector_load %arg6[%get3A_1122] {strides = array<i32>} : memref<4608xf32, #tpu.memory_space<vmem>>, vector<16xf32>,
      %get3A_1124 = arith.constant 1280 : index
      %get3A_1125 = tpu.vector_load %arg6[%get3A_1124] {strides = array<i32>} : memref<4608xf32, #tpu.memory_space<vmem>>, vector<16xf32>,
      %mul3A_1126 = arith.mulf %get3A_201, %get3A_1109 : vector<16xf32>
      %add3A_1127 = arith.addf %get3A_1121, %mul3A_1126 : vector<16xf32>
      %mul3A_1128 = arith.mulf %get3A_207, %get3A_1111 : vector<16xf32>
      %add3A_1129 = arith.addf %add3A_1127, %mul3A_1128 : vector<16xf32>
      %mul3A_1130 = arith.mulf %get3A_213, %get3A_1113 : vector<16xf32>
      %add3A_1131 = arith.addf %add3A_1129, %mul3A_1130 : vector<16xf32>
      %mul3A_1132 = arith.mulf %get3A_219, %get3A_1115 : vector<16xf32>
      %add3A_1133 = arith.addf %add3A_1131, %mul3A_1132 : vector<16xf32>
      %mul3A_1134 = arith.mulf %get3A_225, %get3A_1117 : vector<16xf32>
      %add3A_1135 = arith.addf %add3A_1133, %mul3A_1134 : vector<16xf32>
      %mul3A_1136 = arith.mulf %get3A_231, %get3A_1119 : vector<16xf32>
      %add3A_1137 = arith.addf %add3A_1135, %mul3A_1136 : vector<16xf32>
      %max3A_1138 = arith.constant 0.000000e+00 : f32
      %max3A_1139 = vector.broadcast %max3A_1138 : f32 to vector<16xf32>
      %max3A_1140 = arith.maximumf %add3A_1137, %max3A_1139 : vector<16xf32>
      %mul3A_1141 = arith.mulf %max3A_1140, %get3A_1123 : vector<16xf32>
      %add3A_1142 = arith.addf %add3A_1048, %mul3A_1141 : vector<16xf32>
      %mul3A_1143 = arith.mulf %max3A_1140, %get3A_1125 : vector<16xf32>
      %add3A_1144 = arith.addf %add3A_1050, %mul3A_1143 : vector<16xf32>
      %mul3A_1145 = arith.mulf %get3A_237, %get3A_1109 : vector<16xf32>
      %add3A_1146 = arith.addf %get3A_1121, %mul3A_1145 : vector<16xf32>
      %mul3A_1147 = arith.mulf %get3A_243, %get3A_1111 : vector<16xf32>
      %add3A_1148 = arith.addf %add3A_1146, %mul3A_1147 : vector<16xf32>
      %mul3A_1149 = arith.mulf %get3A_249, %get3A_1113 : vector<16xf32>
      %add3A_1150 = arith.addf %add3A_1148, %mul3A_1149 : vector<16xf32>
      %mul3A_1151 = arith.mulf %get3A_255, %get3A_1115 : vector<16xf32>
      %add3A_1152 = arith.addf %add3A_1150, %mul3A_1151 : vector<16xf32>
      %mul3A_1153 = arith.mulf %get3A_261, %get3A_1117 : vector<16xf32>
      %add3A_1154 = arith.addf %add3A_1152, %mul3A_1153 : vector<16xf32>
      %mul3A_1155 = arith.mulf %get3A_267, %get3A_1119 : vector<16xf32>
      %add3A_1156 = arith.addf %add3A_1154, %mul3A_1155 : vector<16xf32>
      %max3A_1157 = arith.constant 0.000000e+00 : f32
      %max3A_1158 = vector.broadcast %max3A_1157 : f32 to vector<16xf32>
      %max3A_1159 = arith.maximumf %add3A_1156, %max3A_1158 : vector<16xf32>
      %mul3A_1160 = arith.mulf %max3A_1159, %get3A_1123 : vector<16xf32>
      %add3A_1161 = arith.addf %add3A_1067, %mul3A_1160 : vector<16xf32>
      %mul3A_1162 = arith.mulf %max3A_1159, %get3A_1125 : vector<16xf32>
      %add3A_1163 = arith.addf %add3A_1069, %mul3A_1162 : vector<16xf32>
      %mul3A_1164 = arith.mulf %get3A_273, %get3A_1109 : vector<16xf32>
      %add3A_1165 = arith.addf %get3A_1121, %mul3A_1164 : vector<16xf32>
      %mul3A_1166 = arith.mulf %get3A_279, %get3A_1111 : vector<16xf32>
      %add3A_1167 = arith.addf %add3A_1165, %mul3A_1166 : vector<16xf32>
      %mul3A_1168 = arith.mulf %get3A_285, %get3A_1113 : vector<16xf32>
      %add3A_1169 = arith.addf %add3A_1167, %mul3A_1168 : vector<16xf32>
      %mul3A_1170 = arith.mulf %get3A_291, %get3A_1115 : vector<16xf32>
      %add3A_1171 = arith.addf %add3A_1169, %mul3A_1170 : vector<16xf32>
      %mul3A_1172 = arith.mulf %get3A_297, %get3A_1117 : vector<16xf32>
      %add3A_1173 = arith.addf %add3A_1171, %mul3A_1172 : vector<16xf32>
      %mul3A_1174 = arith.mulf %get3A_303, %get3A_1119 : vector<16xf32>
      %add3A_1175 = arith.addf %add3A_1173, %mul3A_1174 : vector<16xf32>
      %max3A_1176 = arith.constant 0.000000e+00 : f32
      %max3A_1177 = vector.broadcast %max3A_1176 : f32 to vector<16xf32>
      %max3A_1178 = arith.maximumf %add3A_1175, %max3A_1177 : vector<16xf32>
      %mul3A_1179 = arith.mulf %max3A_1178, %get3A_1123 : vector<16xf32>
      %add3A_1180 = arith.addf %add3A_1086, %mul3A_1179 : vector<16xf32>
      %mul3A_1181 = arith.mulf %max3A_1178, %get3A_1125 : vector<16xf32>
      %add3A_1182 = arith.addf %add3A_1088, %mul3A_1181 : vector<16xf32>
      %mul3A_1183 = arith.mulf %get3A_309, %get3A_1109 : vector<16xf32>
      %add3A_1184 = arith.addf %get3A_1121, %mul3A_1183 : vector<16xf32>
      %mul3A_1185 = arith.mulf %get3A_315, %get3A_1111 : vector<16xf32>
      %add3A_1186 = arith.addf %add3A_1184, %mul3A_1185 : vector<16xf32>
      %mul3A_1187 = arith.mulf %get3A_321, %get3A_1113 : vector<16xf32>
      %add3A_1188 = arith.addf %add3A_1186, %mul3A_1187 : vector<16xf32>
      %mul3A_1189 = arith.mulf %get3A_327, %get3A_1115 : vector<16xf32>
      %add3A_1190 = arith.addf %add3A_1188, %mul3A_1189 : vector<16xf32>
      %mul3A_1191 = arith.mulf %get3A_333, %get3A_1117 : vector<16xf32>
      %add3A_1192 = arith.addf %add3A_1190, %mul3A_1191 : vector<16xf32>
      %mul3A_1193 = arith.mulf %get3A_339, %get3A_1119 : vector<16xf32>
      %add3A_1194 = arith.addf %add3A_1192, %mul3A_1193 : vector<16xf32>
      %max3A_1195 = arith.constant 0.000000e+00 : f32
      %max3A_1196 = vector.broadcast %max3A_1195 : f32 to vector<16xf32>
      %max3A_1197 = arith.maximumf %add3A_1194, %max3A_1196 : vector<16xf32>
      %mul3A_1198 = arith.mulf %max3A_1197, %get3A_1123 : vector<16xf32>
      %add3A_1199 = arith.addf %add3A_1105, %mul3A_1198 : vector<16xf32>
      %mul3A_1200 = arith.mulf %max3A_1197, %get3A_1125 : vector<16xf32>
      %add3A_1201 = arith.addf %add3A_1107, %mul3A_1200 : vector<16xf32>
      %get3A_1202 = arith.constant 1296 : index
      %get3A_1203 = tpu.vector_load %arg6[%get3A_1202] {strides = array<i32>} : memref<4608xf32, #tpu.memory_space<vmem>>, vector<16xf32>,
      %get3A_1204 = arith.constant 1312 : index
      %get3A_1205 = tpu.vector_load %arg6[%get3A_1204] {strides = array<i32>} : memref<4608xf32, #tpu.memory_space<vmem>>, vector<16xf32>,
      %get3A_1206 = arith.constant 1328 : index
      %get3A_1207 = tpu.vector_load %arg6[%get3A_1206] {strides = array<i32>} : memref<4608xf32, #tpu.memory_space<vmem>>, vector<16xf32>,
      %get3A_1208 = arith.constant 1344 : index
      %get3A_1209 = tpu.vector_load %arg6[%get3A_1208] {strides = array<i32>} : memref<4608xf32, #tpu.memory_space<vmem>>, vector<16xf32>,
      %get3A_1210 = arith.constant 1360 : index
      %get3A_1211 = tpu.vector_load %arg6[%get3A_1210] {strides = array<i32>} : memref<4608xf32, #tpu.memory_space<vmem>>, vector<16xf32>,
      %get3A_1212 = arith.constant 1376 : index
      %get3A_1213 = tpu.vector_load %arg6[%get3A_1212] {strides = array<i32>} : memref<4608xf32, #tpu.memory_space<vmem>>, vector<16xf32>,
      %get3A_1214 = arith.constant 1392 : index
      %get3A_1215 = tpu.vector_load %arg6[%get3A_1214] {strides = array<i32>} : memref<4608xf32, #tpu.memory_space<vmem>>, vector<16xf32>,
      %get3A_1216 = arith.constant 1408 : index
      %get3A_1217 = tpu.vector_load %arg6[%get3A_1216] {strides = array<i32>} : memref<4608xf32, #tpu.memory_space<vmem>>, vector<16xf32>,
      %get3A_1218 = arith.constant 1424 : index
      %get3A_1219 = tpu.vector_load %arg6[%get3A_1218] {strides = array<i32>} : memref<4608xf32, #tpu.memory_space<vmem>>, vector<16xf32>,
      %mul3A_1220 = arith.mulf %get3A_201, %get3A_1203 : vector<16xf32>
      %add3A_1221 = arith.addf %get3A_1215, %mul3A_1220 : vector<16xf32>
      %mul3A_1222 = arith.mulf %get3A_207, %get3A_1205 : vector<16xf32>
      %add3A_1223 = arith.addf %add3A_1221, %mul3A_1222 : vector<16xf32>
      %mul3A_1224 = arith.mulf %get3A_213, %get3A_1207 : vector<16xf32>
      %add3A_1225 = arith.addf %add3A_1223, %mul3A_1224 : vector<16xf32>
      %mul3A_1226 = arith.mulf %get3A_219, %get3A_1209 : vector<16xf32>
      %add3A_1227 = arith.addf %add3A_1225, %mul3A_1226 : vector<16xf32>
      %mul3A_1228 = arith.mulf %get3A_225, %get3A_1211 : vector<16xf32>
      %add3A_1229 = arith.addf %add3A_1227, %mul3A_1228 : vector<16xf32>
      %mul3A_1230 = arith.mulf %get3A_231, %get3A_1213 : vector<16xf32>
      %add3A_1231 = arith.addf %add3A_1229, %mul3A_1230 : vector<16xf32>
      %max3A_1232 = arith.constant 0.000000e+00 : f32
      %max3A_1233 = vector.broadcast %max3A_1232 : f32 to vector<16xf32>
      %max3A_1234 = arith.maximumf %add3A_1231, %max3A_1233 : vector<16xf32>
      %mul3A_1235 = arith.mulf %max3A_1234, %get3A_1217 : vector<16xf32>
      %add3A_1236 = arith.addf %add3A_1142, %mul3A_1235 : vector<16xf32>
      %mul3A_1237 = arith.mulf %max3A_1234, %get3A_1219 : vector<16xf32>
      %add3A_1238 = arith.addf %add3A_1144, %mul3A_1237 : vector<16xf32>
      %mul3A_1239 = arith.mulf %get3A_237, %get3A_1203 : vector<16xf32>
      %add3A_1240 = arith.addf %get3A_1215, %mul3A_1239 : vector<16xf32>
      %mul3A_1241 = arith.mulf %get3A_243, %get3A_1205 : vector<16xf32>
      %add3A_1242 = arith.addf %add3A_1240, %mul3A_1241 : vector<16xf32>
      %mul3A_1243 = arith.mulf %get3A_249, %get3A_1207 : vector<16xf32>
      %add3A_1244 = arith.addf %add3A_1242, %mul3A_1243 : vector<16xf32>
      %mul3A_1245 = arith.mulf %get3A_255, %get3A_1209 : vector<16xf32>
      %add3A_1246 = arith.addf %add3A_1244, %mul3A_1245 : vector<16xf32>
      %mul3A_1247 = arith.mulf %get3A_261, %get3A_1211 : vector<16xf32>
      %add3A_1248 = arith.addf %add3A_1246, %mul3A_1247 : vector<16xf32>
      %mul3A_1249 = arith.mulf %get3A_267, %get3A_1213 : vector<16xf32>
      %add3A_1250 = arith.addf %add3A_1248, %mul3A_1249 : vector<16xf32>
      %max3A_1251 = arith.constant 0.000000e+00 : f32
      %max3A_1252 = vector.broadcast %max3A_1251 : f32 to vector<16xf32>
      %max3A_1253 = arith.maximumf %add3A_1250, %max3A_1252 : vector<16xf32>
      %mul3A_1254 = arith.mulf %max3A_1253, %get3A_1217 : vector<16xf32>
      %add3A_1255 = arith.addf %add3A_1161, %mul3A_1254 : vector<16xf32>
      %mul3A_1256 = arith.mulf %max3A_1253, %get3A_1219 : vector<16xf32>
      %add3A_1257 = arith.addf %add3A_1163, %mul3A_1256 : vector<16xf32>
      %mul3A_1258 = arith.mulf %get3A_273, %get3A_1203 : vector<16xf32>
      %add3A_1259 = arith.addf %get3A_1215, %mul3A_1258 : vector<16xf32>
      %mul3A_1260 = arith.mulf %get3A_279, %get3A_1205 : vector<16xf32>
      %add3A_1261 = arith.addf %add3A_1259, %mul3A_1260 : vector<16xf32>
      %mul3A_1262 = arith.mulf %get3A_285, %get3A_1207 : vector<16xf32>
      %add3A_1263 = arith.addf %add3A_1261, %mul3A_1262 : vector<16xf32>
      %mul3A_1264 = arith.mulf %get3A_291, %get3A_1209 : vector<16xf32>
      %add3A_1265 = arith.addf %add3A_1263, %mul3A_1264 : vector<16xf32>
      %mul3A_1266 = arith.mulf %get3A_297, %get3A_1211 : vector<16xf32>
      %add3A_1267 = arith.addf %add3A_1265, %mul3A_1266 : vector<16xf32>
      %mul3A_1268 = arith.mulf %get3A_303, %get3A_1213 : vector<16xf32>
      %add3A_1269 = arith.addf %add3A_1267, %mul3A_1268 : vector<16xf32>
      %max3A_1270 = arith.constant 0.000000e+00 : f32
      %max3A_1271 = vector.broadcast %max3A_1270 : f32 to vector<16xf32>
      %max3A_1272 = arith.maximumf %add3A_1269, %max3A_1271 : vector<16xf32>
      %mul3A_1273 = arith.mulf %max3A_1272, %get3A_1217 : vector<16xf32>
      %add3A_1274 = arith.addf %add3A_1180, %mul3A_1273 : vector<16xf32>
      %mul3A_1275 = arith.mulf %max3A_1272, %get3A_1219 : vector<16xf32>
      %add3A_1276 = arith.addf %add3A_1182, %mul3A_1275 : vector<16xf32>
      %mul3A_1277 = arith.mulf %get3A_309, %get3A_1203 : vector<16xf32>
      %add3A_1278 = arith.addf %get3A_1215, %mul3A_1277 : vector<16xf32>
      %mul3A_1279 = arith.mulf %get3A_315, %get3A_1205 : vector<16xf32>
      %add3A_1280 = arith.addf %add3A_1278, %mul3A_1279 : vector<16xf32>
      %mul3A_1281 = arith.mulf %get3A_321, %get3A_1207 : vector<16xf32>
      %add3A_1282 = arith.addf %add3A_1280, %mul3A_1281 : vector<16xf32>
      %mul3A_1283 = arith.mulf %get3A_327, %get3A_1209 : vector<16xf32>
      %add3A_1284 = arith.addf %add3A_1282, %mul3A_1283 : vector<16xf32>
      %mul3A_1285 = arith.mulf %get3A_333, %get3A_1211 : vector<16xf32>
      %add3A_1286 = arith.addf %add3A_1284, %mul3A_1285 : vector<16xf32>
      %mul3A_1287 = arith.mulf %get3A_339, %get3A_1213 : vector<16xf32>
      %add3A_1288 = arith.addf %add3A_1286, %mul3A_1287 : vector<16xf32>
      %max3A_1289 = arith.constant 0.000000e+00 : f32
      %max3A_1290 = vector.broadcast %max3A_1289 : f32 to vector<16xf32>
      %max3A_1291 = arith.maximumf %add3A_1288, %max3A_1290 : vector<16xf32>
      %mul3A_1292 = arith.mulf %max3A_1291, %get3A_1217 : vector<16xf32>
      %add3A_1293 = arith.addf %add3A_1199, %mul3A_1292 : vector<16xf32>
      %mul3A_1294 = arith.mulf %max3A_1291, %get3A_1219 : vector<16xf32>
      %add3A_1295 = arith.addf %add3A_1201, %mul3A_1294 : vector<16xf32>
      %get3A_1296 = arith.constant 1440 : index
      %get3A_1297 = tpu.vector_load %arg6[%get3A_1296] {strides = array<i32>} : memref<4608xf32, #tpu.memory_space<vmem>>, vector<16xf32>,
      %get3A_1298 = arith.constant 1456 : index
      %get3A_1299 = tpu.vector_load %arg6[%get3A_1298] {strides = array<i32>} : memref<4608xf32, #tpu.memory_space<vmem>>, vector<16xf32>,
      %get3A_1300 = arith.constant 1472 : index
      %get3A_1301 = tpu.vector_load %arg6[%get3A_1300] {strides = array<i32>} : memref<4608xf32, #tpu.memory_space<vmem>>, vector<16xf32>,
      %get3A_1302 = arith.constant 1488 : index
      %get3A_1303 = tpu.vector_load %arg6[%get3A_1302] {strides = array<i32>} : memref<4608xf32, #tpu.memory_space<vmem>>, vector<16xf32>,
      %get3A_1304 = arith.constant 1504 : index
      %get3A_1305 = tpu.vector_load %arg6[%get3A_1304] {strides = array<i32>} : memref<4608xf32, #tpu.memory_space<vmem>>, vector<16xf32>,
      %get3A_1306 = arith.constant 1520 : index
      %get3A_1307 = tpu.vector_load %arg6[%get3A_1306] {strides = array<i32>} : memref<4608xf32, #tpu.memory_space<vmem>>, vector<16xf32>,
      %get3A_1308 = arith.constant 1536 : index
      %get3A_1309 = tpu.vector_load %arg6[%get3A_1308] {strides = array<i32>} : memref<4608xf32, #tpu.memory_space<vmem>>, vector<16xf32>,
      %get3A_1310 = arith.constant 1552 : index
      %get3A_1311 = tpu.vector_load %arg6[%get3A_1310] {strides = array<i32>} : memref<4608xf32, #tpu.memory_space<vmem>>, vector<16xf32>,
      %get3A_1312 = arith.constant 1568 : index
      %get3A_1313 = tpu.vector_load %arg6[%get3A_1312] {strides = array<i32>} : memref<4608xf32, #tpu.memory_space<vmem>>, vector<16xf32>,
      %mul3A_1314 = arith.mulf %get3A_201, %get3A_1297 : vector<16xf32>
      %add3A_1315 = arith.addf %get3A_1309, %mul3A_1314 : vector<16xf32>
      %mul3A_1316 = arith.mulf %get3A_207, %get3A_1299 : vector<16xf32>
      %add3A_1317 = arith.addf %add3A_1315, %mul3A_1316 : vector<16xf32>
      %mul3A_1318 = arith.mulf %get3A_213, %get3A_1301 : vector<16xf32>
      %add3A_1319 = arith.addf %add3A_1317, %mul3A_1318 : vector<16xf32>
      %mul3A_1320 = arith.mulf %get3A_219, %get3A_1303 : vector<16xf32>
      %add3A_1321 = arith.addf %add3A_1319, %mul3A_1320 : vector<16xf32>
      %mul3A_1322 = arith.mulf %get3A_225, %get3A_1305 : vector<16xf32>
      %add3A_1323 = arith.addf %add3A_1321, %mul3A_1322 : vector<16xf32>
      %mul3A_1324 = arith.mulf %get3A_231, %get3A_1307 : vector<16xf32>
      %add3A_1325 = arith.addf %add3A_1323, %mul3A_1324 : vector<16xf32>
      %max3A_1326 = arith.constant 0.000000e+00 : f32
      %max3A_1327 = vector.broadcast %max3A_1326 : f32 to vector<16xf32>
      %max3A_1328 = arith.maximumf %add3A_1325, %max3A_1327 : vector<16xf32>
      %mul3A_1329 = arith.mulf %max3A_1328, %get3A_1311 : vector<16xf32>
      %add3A_1330 = arith.addf %add3A_1236, %mul3A_1329 : vector<16xf32>
      %mul3A_1331 = arith.mulf %max3A_1328, %get3A_1313 : vector<16xf32>
      %add3A_1332 = arith.addf %add3A_1238, %mul3A_1331 : vector<16xf32>
      %mul3A_1333 = arith.mulf %get3A_237, %get3A_1297 : vector<16xf32>
      %add3A_1334 = arith.addf %get3A_1309, %mul3A_1333 : vector<16xf32>
      %mul3A_1335 = arith.mulf %get3A_243, %get3A_1299 : vector<16xf32>
      %add3A_1336 = arith.addf %add3A_1334, %mul3A_1335 : vector<16xf32>
      %mul3A_1337 = arith.mulf %get3A_249, %get3A_1301 : vector<16xf32>
      %add3A_1338 = arith.addf %add3A_1336, %mul3A_1337 : vector<16xf32>
      %mul3A_1339 = arith.mulf %get3A_255, %get3A_1303 : vector<16xf32>
      %add3A_1340 = arith.addf %add3A_1338, %mul3A_1339 : vector<16xf32>
      %mul3A_1341 = arith.mulf %get3A_261, %get3A_1305 : vector<16xf32>
      %add3A_1342 = arith.addf %add3A_1340, %mul3A_1341 : vector<16xf32>
      %mul3A_1343 = arith.mulf %get3A_267, %get3A_1307 : vector<16xf32>
      %add3A_1344 = arith.addf %add3A_1342, %mul3A_1343 : vector<16xf32>
      %max3A_1345 = arith.constant 0.000000e+00 : f32
      %max3A_1346 = vector.broadcast %max3A_1345 : f32 to vector<16xf32>
      %max3A_1347 = arith.maximumf %add3A_1344, %max3A_1346 : vector<16xf32>
      %mul3A_1348 = arith.mulf %max3A_1347, %get3A_1311 : vector<16xf32>
      %add3A_1349 = arith.addf %add3A_1255, %mul3A_1348 : vector<16xf32>
      %mul3A_1350 = arith.mulf %max3A_1347, %get3A_1313 : vector<16xf32>
      %add3A_1351 = arith.addf %add3A_1257, %mul3A_1350 : vector<16xf32>
      %mul3A_1352 = arith.mulf %get3A_273, %get3A_1297 : vector<16xf32>
      %add3A_1353 = arith.addf %get3A_1309, %mul3A_1352 : vector<16xf32>
      %mul3A_1354 = arith.mulf %get3A_279, %get3A_1299 : vector<16xf32>
      %add3A_1355 = arith.addf %add3A_1353, %mul3A_1354 : vector<16xf32>
      %mul3A_1356 = arith.mulf %get3A_285, %get3A_1301 : vector<16xf32>
      %add3A_1357 = arith.addf %add3A_1355, %mul3A_1356 : vector<16xf32>
      %mul3A_1358 = arith.mulf %get3A_291, %get3A_1303 : vector<16xf32>
      %add3A_1359 = arith.addf %add3A_1357, %mul3A_1358 : vector<16xf32>
      %mul3A_1360 = arith.mulf %get3A_297, %get3A_1305 : vector<16xf32>
      %add3A_1361 = arith.addf %add3A_1359, %mul3A_1360 : vector<16xf32>
      %mul3A_1362 = arith.mulf %get3A_303, %get3A_1307 : vector<16xf32>
      %add3A_1363 = arith.addf %add3A_1361, %mul3A_1362 : vector<16xf32>
      %max3A_1364 = arith.constant 0.000000e+00 : f32
      %max3A_1365 = vector.broadcast %max3A_1364 : f32 to vector<16xf32>
      %max3A_1366 = arith.maximumf %add3A_1363, %max3A_1365 : vector<16xf32>
      %mul3A_1367 = arith.mulf %max3A_1366, %get3A_1311 : vector<16xf32>
      %add3A_1368 = arith.addf %add3A_1274, %mul3A_1367 : vector<16xf32>
      %mul3A_1369 = arith.mulf %max3A_1366, %get3A_1313 : vector<16xf32>
      %add3A_1370 = arith.addf %add3A_1276, %mul3A_1369 : vector<16xf32>
      %mul3A_1371 = arith.mulf %get3A_309, %get3A_1297 : vector<16xf32>
      %add3A_1372 = arith.addf %get3A_1309, %mul3A_1371 : vector<16xf32>
      %mul3A_1373 = arith.mulf %get3A_315, %get3A_1299 : vector<16xf32>
      %add3A_1374 = arith.addf %add3A_1372, %mul3A_1373 : vector<16xf32>
      %mul3A_1375 = arith.mulf %get3A_321, %get3A_1301 : vector<16xf32>
      %add3A_1376 = arith.addf %add3A_1374, %mul3A_1375 : vector<16xf32>
      %mul3A_1377 = arith.mulf %get3A_327, %get3A_1303 : vector<16xf32>
      %add3A_1378 = arith.addf %add3A_1376, %mul3A_1377 : vector<16xf32>
      %mul3A_1379 = arith.mulf %get3A_333, %get3A_1305 : vector<16xf32>
      %add3A_1380 = arith.addf %add3A_1378, %mul3A_1379 : vector<16xf32>
      %mul3A_1381 = arith.mulf %get3A_339, %get3A_1307 : vector<16xf32>
      %add3A_1382 = arith.addf %add3A_1380, %mul3A_1381 : vector<16xf32>
      %max3A_1383 = arith.constant 0.000000e+00 : f32
      %max3A_1384 = vector.broadcast %max3A_1383 : f32 to vector<16xf32>
      %max3A_1385 = arith.maximumf %add3A_1382, %max3A_1384 : vector<16xf32>
      %mul3A_1386 = arith.mulf %max3A_1385, %get3A_1311 : vector<16xf32>
      %add3A_1387 = arith.addf %add3A_1293, %mul3A_1386 : vector<16xf32>
      %mul3A_1388 = arith.mulf %max3A_1385, %get3A_1313 : vector<16xf32>
      %add3A_1389 = arith.addf %add3A_1295, %mul3A_1388 : vector<16xf32>
      %get3A_1390 = arith.constant 1584 : index
      %get3A_1391 = tpu.vector_load %arg6[%get3A_1390] {strides = array<i32>} : memref<4608xf32, #tpu.memory_space<vmem>>, vector<16xf32>,
      %get3A_1392 = arith.constant 1600 : index
      %get3A_1393 = tpu.vector_load %arg6[%get3A_1392] {strides = array<i32>} : memref<4608xf32, #tpu.memory_space<vmem>>, vector<16xf32>,
      %get3A_1394 = arith.constant 1616 : index
      %get3A_1395 = tpu.vector_load %arg6[%get3A_1394] {strides = array<i32>} : memref<4608xf32, #tpu.memory_space<vmem>>, vector<16xf32>,
      %get3A_1396 = arith.constant 1632 : index
      %get3A_1397 = tpu.vector_load %arg6[%get3A_1396] {strides = array<i32>} : memref<4608xf32, #tpu.memory_space<vmem>>, vector<16xf32>,
      %get3A_1398 = arith.constant 1648 : index
      %get3A_1399 = tpu.vector_load %arg6[%get3A_1398] {strides = array<i32>} : memref<4608xf32, #tpu.memory_space<vmem>>, vector<16xf32>,
      %get3A_1400 = arith.constant 1664 : index
      %get3A_1401 = tpu.vector_load %arg6[%get3A_1400] {strides = array<i32>} : memref<4608xf32, #tpu.memory_space<vmem>>, vector<16xf32>,
      %get3A_1402 = arith.constant 1680 : index
      %get3A_1403 = tpu.vector_load %arg6[%get3A_1402] {strides = array<i32>} : memref<4608xf32, #tpu.memory_space<vmem>>, vector<16xf32>,
      %get3A_1404 = arith.constant 1696 : index
      %get3A_1405 = tpu.vector_load %arg6[%get3A_1404] {strides = array<i32>} : memref<4608xf32, #tpu.memory_space<vmem>>, vector<16xf32>,
      %get3A_1406 = arith.constant 1712 : index
      %get3A_1407 = tpu.vector_load %arg6[%get3A_1406] {strides = array<i32>} : memref<4608xf32, #tpu.memory_space<vmem>>, vector<16xf32>,
      %mul3A_1408 = arith.mulf %get3A_201, %get3A_1391 : vector<16xf32>
      %add3A_1409 = arith.addf %get3A_1403, %mul3A_1408 : vector<16xf32>
      %mul3A_1410 = arith.mulf %get3A_207, %get3A_1393 : vector<16xf32>
      %add3A_1411 = arith.addf %add3A_1409, %mul3A_1410 : vector<16xf32>
      %mul3A_1412 = arith.mulf %get3A_213, %get3A_1395 : vector<16xf32>
      %add3A_1413 = arith.addf %add3A_1411, %mul3A_1412 : vector<16xf32>
      %mul3A_1414 = arith.mulf %get3A_219, %get3A_1397 : vector<16xf32>
      %add3A_1415 = arith.addf %add3A_1413, %mul3A_1414 : vector<16xf32>
      %mul3A_1416 = arith.mulf %get3A_225, %get3A_1399 : vector<16xf32>
      %add3A_1417 = arith.addf %add3A_1415, %mul3A_1416 : vector<16xf32>
      %mul3A_1418 = arith.mulf %get3A_231, %get3A_1401 : vector<16xf32>
      %add3A_1419 = arith.addf %add3A_1417, %mul3A_1418 : vector<16xf32>
      %max3A_1420 = arith.constant 0.000000e+00 : f32
      %max3A_1421 = vector.broadcast %max3A_1420 : f32 to vector<16xf32>
      %max3A_1422 = arith.maximumf %add3A_1419, %max3A_1421 : vector<16xf32>
      %mul3A_1423 = arith.mulf %max3A_1422, %get3A_1405 : vector<16xf32>
      %add3A_1424 = arith.addf %add3A_1330, %mul3A_1423 : vector<16xf32>
      %mul3A_1425 = arith.mulf %max3A_1422, %get3A_1407 : vector<16xf32>
      %add3A_1426 = arith.addf %add3A_1332, %mul3A_1425 : vector<16xf32>
      %mul3A_1427 = arith.mulf %get3A_237, %get3A_1391 : vector<16xf32>
      %add3A_1428 = arith.addf %get3A_1403, %mul3A_1427 : vector<16xf32>
      %mul3A_1429 = arith.mulf %get3A_243, %get3A_1393 : vector<16xf32>
      %add3A_1430 = arith.addf %add3A_1428, %mul3A_1429 : vector<16xf32>
      %mul3A_1431 = arith.mulf %get3A_249, %get3A_1395 : vector<16xf32>
      %add3A_1432 = arith.addf %add3A_1430, %mul3A_1431 : vector<16xf32>
      %mul3A_1433 = arith.mulf %get3A_255, %get3A_1397 : vector<16xf32>
      %add3A_1434 = arith.addf %add3A_1432, %mul3A_1433 : vector<16xf32>
      %mul3A_1435 = arith.mulf %get3A_261, %get3A_1399 : vector<16xf32>
      %add3A_1436 = arith.addf %add3A_1434, %mul3A_1435 : vector<16xf32>
      %mul3A_1437 = arith.mulf %get3A_267, %get3A_1401 : vector<16xf32>
      %add3A_1438 = arith.addf %add3A_1436, %mul3A_1437 : vector<16xf32>
      %max3A_1439 = arith.constant 0.000000e+00 : f32
      %max3A_1440 = vector.broadcast %max3A_1439 : f32 to vector<16xf32>
      %max3A_1441 = arith.maximumf %add3A_1438, %max3A_1440 : vector<16xf32>
      %mul3A_1442 = arith.mulf %max3A_1441, %get3A_1405 : vector<16xf32>
      %add3A_1443 = arith.addf %add3A_1349, %mul3A_1442 : vector<16xf32>
      %mul3A_1444 = arith.mulf %max3A_1441, %get3A_1407 : vector<16xf32>
      %add3A_1445 = arith.addf %add3A_1351, %mul3A_1444 : vector<16xf32>
      %mul3A_1446 = arith.mulf %get3A_273, %get3A_1391 : vector<16xf32>
      %add3A_1447 = arith.addf %get3A_1403, %mul3A_1446 : vector<16xf32>
      %mul3A_1448 = arith.mulf %get3A_279, %get3A_1393 : vector<16xf32>
      %add3A_1449 = arith.addf %add3A_1447, %mul3A_1448 : vector<16xf32>
      %mul3A_1450 = arith.mulf %get3A_285, %get3A_1395 : vector<16xf32>
      %add3A_1451 = arith.addf %add3A_1449, %mul3A_1450 : vector<16xf32>
      %mul3A_1452 = arith.mulf %get3A_291, %get3A_1397 : vector<16xf32>
      %add3A_1453 = arith.addf %add3A_1451, %mul3A_1452 : vector<16xf32>
      %mul3A_1454 = arith.mulf %get3A_297, %get3A_1399 : vector<16xf32>
      %add3A_1455 = arith.addf %add3A_1453, %mul3A_1454 : vector<16xf32>
      %mul3A_1456 = arith.mulf %get3A_303, %get3A_1401 : vector<16xf32>
      %add3A_1457 = arith.addf %add3A_1455, %mul3A_1456 : vector<16xf32>
      %max3A_1458 = arith.constant 0.000000e+00 : f32
      %max3A_1459 = vector.broadcast %max3A_1458 : f32 to vector<16xf32>
      %max3A_1460 = arith.maximumf %add3A_1457, %max3A_1459 : vector<16xf32>
      %mul3A_1461 = arith.mulf %max3A_1460, %get3A_1405 : vector<16xf32>
      %add3A_1462 = arith.addf %add3A_1368, %mul3A_1461 : vector<16xf32>
      %mul3A_1463 = arith.mulf %max3A_1460, %get3A_1407 : vector<16xf32>
      %add3A_1464 = arith.addf %add3A_1370, %mul3A_1463 : vector<16xf32>
      %mul3A_1465 = arith.mulf %get3A_309, %get3A_1391 : vector<16xf32>
      %add3A_1466 = arith.addf %get3A_1403, %mul3A_1465 : vector<16xf32>
      %mul3A_1467 = arith.mulf %get3A_315, %get3A_1393 : vector<16xf32>
      %add3A_1468 = arith.addf %add3A_1466, %mul3A_1467 : vector<16xf32>
      %mul3A_1469 = arith.mulf %get3A_321, %get3A_1395 : vector<16xf32>
      %add3A_1470 = arith.addf %add3A_1468, %mul3A_1469 : vector<16xf32>
      %mul3A_1471 = arith.mulf %get3A_327, %get3A_1397 : vector<16xf32>
      %add3A_1472 = arith.addf %add3A_1470, %mul3A_1471 : vector<16xf32>
      %mul3A_1473 = arith.mulf %get3A_333, %get3A_1399 : vector<16xf32>
      %add3A_1474 = arith.addf %add3A_1472, %mul3A_1473 : vector<16xf32>
      %mul3A_1475 = arith.mulf %get3A_339, %get3A_1401 : vector<16xf32>
      %add3A_1476 = arith.addf %add3A_1474, %mul3A_1475 : vector<16xf32>
      %max3A_1477 = arith.constant 0.000000e+00 : f32
      %max3A_1478 = vector.broadcast %max3A_1477 : f32 to vector<16xf32>
      %max3A_1479 = arith.maximumf %add3A_1476, %max3A_1478 : vector<16xf32>
      %mul3A_1480 = arith.mulf %max3A_1479, %get3A_1405 : vector<16xf32>
      %add3A_1481 = arith.addf %add3A_1387, %mul3A_1480 : vector<16xf32>
      %mul3A_1482 = arith.mulf %max3A_1479, %get3A_1407 : vector<16xf32>
      %add3A_1483 = arith.addf %add3A_1389, %mul3A_1482 : vector<16xf32>
      %get3A_1484 = arith.constant 1728 : index
      %get3A_1485 = tpu.vector_load %arg6[%get3A_1484] {strides = array<i32>} : memref<4608xf32, #tpu.memory_space<vmem>>, vector<16xf32>,
      %get3A_1486 = arith.constant 1744 : index
      %get3A_1487 = tpu.vector_load %arg6[%get3A_1486] {strides = array<i32>} : memref<4608xf32, #tpu.memory_space<vmem>>, vector<16xf32>,
      %get3A_1488 = arith.constant 1760 : index
      %get3A_1489 = tpu.vector_load %arg6[%get3A_1488] {strides = array<i32>} : memref<4608xf32, #tpu.memory_space<vmem>>, vector<16xf32>,
      %get3A_1490 = arith.constant 1776 : index
      %get3A_1491 = tpu.vector_load %arg6[%get3A_1490] {strides = array<i32>} : memref<4608xf32, #tpu.memory_space<vmem>>, vector<16xf32>,
      %get3A_1492 = arith.constant 1792 : index
      %get3A_1493 = tpu.vector_load %arg6[%get3A_1492] {strides = array<i32>} : memref<4608xf32, #tpu.memory_space<vmem>>, vector<16xf32>,
      %get3A_1494 = arith.constant 1808 : index
      %get3A_1495 = tpu.vector_load %arg6[%get3A_1494] {strides = array<i32>} : memref<4608xf32, #tpu.memory_space<vmem>>, vector<16xf32>,
      %get3A_1496 = arith.constant 1824 : index
      %get3A_1497 = tpu.vector_load %arg6[%get3A_1496] {strides = array<i32>} : memref<4608xf32, #tpu.memory_space<vmem>>, vector<16xf32>,
      %get3A_1498 = arith.constant 1840 : index
      %get3A_1499 = tpu.vector_load %arg6[%get3A_1498] {strides = array<i32>} : memref<4608xf32, #tpu.memory_space<vmem>>, vector<16xf32>,
      %get3A_1500 = arith.constant 1856 : index
      %get3A_1501 = tpu.vector_load %arg6[%get3A_1500] {strides = array<i32>} : memref<4608xf32, #tpu.memory_space<vmem>>, vector<16xf32>,
      %mul3A_1502 = arith.mulf %get3A_201, %get3A_1485 : vector<16xf32>
      %add3A_1503 = arith.addf %get3A_1497, %mul3A_1502 : vector<16xf32>
      %mul3A_1504 = arith.mulf %get3A_207, %get3A_1487 : vector<16xf32>
      %add3A_1505 = arith.addf %add3A_1503, %mul3A_1504 : vector<16xf32>
      %mul3A_1506 = arith.mulf %get3A_213, %get3A_1489 : vector<16xf32>
      %add3A_1507 = arith.addf %add3A_1505, %mul3A_1506 : vector<16xf32>
      %mul3A_1508 = arith.mulf %get3A_219, %get3A_1491 : vector<16xf32>
      %add3A_1509 = arith.addf %add3A_1507, %mul3A_1508 : vector<16xf32>
      %mul3A_1510 = arith.mulf %get3A_225, %get3A_1493 : vector<16xf32>
      %add3A_1511 = arith.addf %add3A_1509, %mul3A_1510 : vector<16xf32>
      %mul3A_1512 = arith.mulf %get3A_231, %get3A_1495 : vector<16xf32>
      %add3A_1513 = arith.addf %add3A_1511, %mul3A_1512 : vector<16xf32>
      %max3A_1514 = arith.constant 0.000000e+00 : f32
      %max3A_1515 = vector.broadcast %max3A_1514 : f32 to vector<16xf32>
      %max3A_1516 = arith.maximumf %add3A_1513, %max3A_1515 : vector<16xf32>
      %mul3A_1517 = arith.mulf %max3A_1516, %get3A_1499 : vector<16xf32>
      %add3A_1518 = arith.addf %add3A_1424, %mul3A_1517 : vector<16xf32>
      %mul3A_1519 = arith.mulf %max3A_1516, %get3A_1501 : vector<16xf32>
      %add3A_1520 = arith.addf %add3A_1426, %mul3A_1519 : vector<16xf32>
      %mul3A_1521 = arith.mulf %get3A_237, %get3A_1485 : vector<16xf32>
      %add3A_1522 = arith.addf %get3A_1497, %mul3A_1521 : vector<16xf32>
      %mul3A_1523 = arith.mulf %get3A_243, %get3A_1487 : vector<16xf32>
      %add3A_1524 = arith.addf %add3A_1522, %mul3A_1523 : vector<16xf32>
      %mul3A_1525 = arith.mulf %get3A_249, %get3A_1489 : vector<16xf32>
      %add3A_1526 = arith.addf %add3A_1524, %mul3A_1525 : vector<16xf32>
      %mul3A_1527 = arith.mulf %get3A_255, %get3A_1491 : vector<16xf32>
      %add3A_1528 = arith.addf %add3A_1526, %mul3A_1527 : vector<16xf32>
      %mul3A_1529 = arith.mulf %get3A_261, %get3A_1493 : vector<16xf32>
      %add3A_1530 = arith.addf %add3A_1528, %mul3A_1529 : vector<16xf32>
      %mul3A_1531 = arith.mulf %get3A_267, %get3A_1495 : vector<16xf32>
      %add3A_1532 = arith.addf %add3A_1530, %mul3A_1531 : vector<16xf32>
      %max3A_1533 = arith.constant 0.000000e+00 : f32
      %max3A_1534 = vector.broadcast %max3A_1533 : f32 to vector<16xf32>
      %max3A_1535 = arith.maximumf %add3A_1532, %max3A_1534 : vector<16xf32>
      %mul3A_1536 = arith.mulf %max3A_1535, %get3A_1499 : vector<16xf32>
      %add3A_1537 = arith.addf %add3A_1443, %mul3A_1536 : vector<16xf32>
      %mul3A_1538 = arith.mulf %max3A_1535, %get3A_1501 : vector<16xf32>
      %add3A_1539 = arith.addf %add3A_1445, %mul3A_1538 : vector<16xf32>
      %mul3A_1540 = arith.mulf %get3A_273, %get3A_1485 : vector<16xf32>
      %add3A_1541 = arith.addf %get3A_1497, %mul3A_1540 : vector<16xf32>
      %mul3A_1542 = arith.mulf %get3A_279, %get3A_1487 : vector<16xf32>
      %add3A_1543 = arith.addf %add3A_1541, %mul3A_1542 : vector<16xf32>
      %mul3A_1544 = arith.mulf %get3A_285, %get3A_1489 : vector<16xf32>
      %add3A_1545 = arith.addf %add3A_1543, %mul3A_1544 : vector<16xf32>
      %mul3A_1546 = arith.mulf %get3A_291, %get3A_1491 : vector<16xf32>
      %add3A_1547 = arith.addf %add3A_1545, %mul3A_1546 : vector<16xf32>
      %mul3A_1548 = arith.mulf %get3A_297, %get3A_1493 : vector<16xf32>
      %add3A_1549 = arith.addf %add3A_1547, %mul3A_1548 : vector<16xf32>
      %mul3A_1550 = arith.mulf %get3A_303, %get3A_1495 : vector<16xf32>
      %add3A_1551 = arith.addf %add3A_1549, %mul3A_1550 : vector<16xf32>
      %max3A_1552 = arith.constant 0.000000e+00 : f32
      %max3A_1553 = vector.broadcast %max3A_1552 : f32 to vector<16xf32>
      %max3A_1554 = arith.maximumf %add3A_1551, %max3A_1553 : vector<16xf32>
      %mul3A_1555 = arith.mulf %max3A_1554, %get3A_1499 : vector<16xf32>
      %add3A_1556 = arith.addf %add3A_1462, %mul3A_1555 : vector<16xf32>
      %mul3A_1557 = arith.mulf %max3A_1554, %get3A_1501 : vector<16xf32>
      %add3A_1558 = arith.addf %add3A_1464, %mul3A_1557 : vector<16xf32>
      %mul3A_1559 = arith.mulf %get3A_309, %get3A_1485 : vector<16xf32>
      %add3A_1560 = arith.addf %get3A_1497, %mul3A_1559 : vector<16xf32>
      %mul3A_1561 = arith.mulf %get3A_315, %get3A_1487 : vector<16xf32>
      %add3A_1562 = arith.addf %add3A_1560, %mul3A_1561 : vector<16xf32>
      %mul3A_1563 = arith.mulf %get3A_321, %get3A_1489 : vector<16xf32>
      %add3A_1564 = arith.addf %add3A_1562, %mul3A_1563 : vector<16xf32>
      %mul3A_1565 = arith.mulf %get3A_327, %get3A_1491 : vector<16xf32>
      %add3A_1566 = arith.addf %add3A_1564, %mul3A_1565 : vector<16xf32>
      %mul3A_1567 = arith.mulf %get3A_333, %get3A_1493 : vector<16xf32>
      %add3A_1568 = arith.addf %add3A_1566, %mul3A_1567 : vector<16xf32>
      %mul3A_1569 = arith.mulf %get3A_339, %get3A_1495 : vector<16xf32>
      %add3A_1570 = arith.addf %add3A_1568, %mul3A_1569 : vector<16xf32>
      %max3A_1571 = arith.constant 0.000000e+00 : f32
      %max3A_1572 = vector.broadcast %max3A_1571 : f32 to vector<16xf32>
      %max3A_1573 = arith.maximumf %add3A_1570, %max3A_1572 : vector<16xf32>
      %mul3A_1574 = arith.mulf %max3A_1573, %get3A_1499 : vector<16xf32>
      %add3A_1575 = arith.addf %add3A_1481, %mul3A_1574 : vector<16xf32>
      %mul3A_1576 = arith.mulf %max3A_1573, %get3A_1501 : vector<16xf32>
      %add3A_1577 = arith.addf %add3A_1483, %mul3A_1576 : vector<16xf32>
      %get3A_1578 = arith.constant 1872 : index
      %get3A_1579 = tpu.vector_load %arg6[%get3A_1578] {strides = array<i32>} : memref<4608xf32, #tpu.memory_space<vmem>>, vector<16xf32>,
      %get3A_1580 = arith.constant 1888 : index
      %get3A_1581 = tpu.vector_load %arg6[%get3A_1580] {strides = array<i32>} : memref<4608xf32, #tpu.memory_space<vmem>>, vector<16xf32>,
      %get3A_1582 = arith.constant 1904 : index
      %get3A_1583 = tpu.vector_load %arg6[%get3A_1582] {strides = array<i32>} : memref<4608xf32, #tpu.memory_space<vmem>>, vector<16xf32>,
      %get3A_1584 = arith.constant 1920 : index
      %get3A_1585 = tpu.vector_load %arg6[%get3A_1584] {strides = array<i32>} : memref<4608xf32, #tpu.memory_space<vmem>>, vector<16xf32>,
      %get3A_1586 = arith.constant 1936 : index
      %get3A_1587 = tpu.vector_load %arg6[%get3A_1586] {strides = array<i32>} : memref<4608xf32, #tpu.memory_space<vmem>>, vector<16xf32>,
      %get3A_1588 = arith.constant 1952 : index
      %get3A_1589 = tpu.vector_load %arg6[%get3A_1588] {strides = array<i32>} : memref<4608xf32, #tpu.memory_space<vmem>>, vector<16xf32>,
      %get3A_1590 = arith.constant 1968 : index
      %get3A_1591 = tpu.vector_load %arg6[%get3A_1590] {strides = array<i32>} : memref<4608xf32, #tpu.memory_space<vmem>>, vector<16xf32>,
      %get3A_1592 = arith.constant 1984 : index
      %get3A_1593 = tpu.vector_load %arg6[%get3A_1592] {strides = array<i32>} : memref<4608xf32, #tpu.memory_space<vmem>>, vector<16xf32>,
      %get3A_1594 = arith.constant 2000 : index
      %get3A_1595 = tpu.vector_load %arg6[%get3A_1594] {strides = array<i32>} : memref<4608xf32, #tpu.memory_space<vmem>>, vector<16xf32>,
      %mul3A_1596 = arith.mulf %get3A_201, %get3A_1579 : vector<16xf32>
      %add3A_1597 = arith.addf %get3A_1591, %mul3A_1596 : vector<16xf32>
      %mul3A_1598 = arith.mulf %get3A_207, %get3A_1581 : vector<16xf32>
      %add3A_1599 = arith.addf %add3A_1597, %mul3A_1598 : vector<16xf32>
      %mul3A_1600 = arith.mulf %get3A_213, %get3A_1583 : vector<16xf32>
      %add3A_1601 = arith.addf %add3A_1599, %mul3A_1600 : vector<16xf32>
      %mul3A_1602 = arith.mulf %get3A_219, %get3A_1585 : vector<16xf32>
      %add3A_1603 = arith.addf %add3A_1601, %mul3A_1602 : vector<16xf32>
      %mul3A_1604 = arith.mulf %get3A_225, %get3A_1587 : vector<16xf32>
      %add3A_1605 = arith.addf %add3A_1603, %mul3A_1604 : vector<16xf32>
      %mul3A_1606 = arith.mulf %get3A_231, %get3A_1589 : vector<16xf32>
      %add3A_1607 = arith.addf %add3A_1605, %mul3A_1606 : vector<16xf32>
      %max3A_1608 = arith.constant 0.000000e+00 : f32
      %max3A_1609 = vector.broadcast %max3A_1608 : f32 to vector<16xf32>
      %max3A_1610 = arith.maximumf %add3A_1607, %max3A_1609 : vector<16xf32>
      %mul3A_1611 = arith.mulf %max3A_1610, %get3A_1593 : vector<16xf32>
      %add3A_1612 = arith.addf %add3A_1518, %mul3A_1611 : vector<16xf32>
      %mul3A_1613 = arith.mulf %max3A_1610, %get3A_1595 : vector<16xf32>
      %add3A_1614 = arith.addf %add3A_1520, %mul3A_1613 : vector<16xf32>
      %mul3A_1615 = arith.mulf %get3A_237, %get3A_1579 : vector<16xf32>
      %add3A_1616 = arith.addf %get3A_1591, %mul3A_1615 : vector<16xf32>
      %mul3A_1617 = arith.mulf %get3A_243, %get3A_1581 : vector<16xf32>
      %add3A_1618 = arith.addf %add3A_1616, %mul3A_1617 : vector<16xf32>
      %mul3A_1619 = arith.mulf %get3A_249, %get3A_1583 : vector<16xf32>
      %add3A_1620 = arith.addf %add3A_1618, %mul3A_1619 : vector<16xf32>
      %mul3A_1621 = arith.mulf %get3A_255, %get3A_1585 : vector<16xf32>
      %add3A_1622 = arith.addf %add3A_1620, %mul3A_1621 : vector<16xf32>
      %mul3A_1623 = arith.mulf %get3A_261, %get3A_1587 : vector<16xf32>
      %add3A_1624 = arith.addf %add3A_1622, %mul3A_1623 : vector<16xf32>
      %mul3A_1625 = arith.mulf %get3A_267, %get3A_1589 : vector<16xf32>
      %add3A_1626 = arith.addf %add3A_1624, %mul3A_1625 : vector<16xf32>
      %max3A_1627 = arith.constant 0.000000e+00 : f32
      %max3A_1628 = vector.broadcast %max3A_1627 : f32 to vector<16xf32>
      %max3A_1629 = arith.maximumf %add3A_1626, %max3A_1628 : vector<16xf32>
      %mul3A_1630 = arith.mulf %max3A_1629, %get3A_1593 : vector<16xf32>
      %add3A_1631 = arith.addf %add3A_1537, %mul3A_1630 : vector<16xf32>
      %mul3A_1632 = arith.mulf %max3A_1629, %get3A_1595 : vector<16xf32>
      %add3A_1633 = arith.addf %add3A_1539, %mul3A_1632 : vector<16xf32>
      %mul3A_1634 = arith.mulf %get3A_273, %get3A_1579 : vector<16xf32>
      %add3A_1635 = arith.addf %get3A_1591, %mul3A_1634 : vector<16xf32>
      %mul3A_1636 = arith.mulf %get3A_279, %get3A_1581 : vector<16xf32>
      %add3A_1637 = arith.addf %add3A_1635, %mul3A_1636 : vector<16xf32>
      %mul3A_1638 = arith.mulf %get3A_285, %get3A_1583 : vector<16xf32>
      %add3A_1639 = arith.addf %add3A_1637, %mul3A_1638 : vector<16xf32>
      %mul3A_1640 = arith.mulf %get3A_291, %get3A_1585 : vector<16xf32>
      %add3A_1641 = arith.addf %add3A_1639, %mul3A_1640 : vector<16xf32>
      %mul3A_1642 = arith.mulf %get3A_297, %get3A_1587 : vector<16xf32>
      %add3A_1643 = arith.addf %add3A_1641, %mul3A_1642 : vector<16xf32>
      %mul3A_1644 = arith.mulf %get3A_303, %get3A_1589 : vector<16xf32>
      %add3A_1645 = arith.addf %add3A_1643, %mul3A_1644 : vector<16xf32>
      %max3A_1646 = arith.constant 0.000000e+00 : f32
      %max3A_1647 = vector.broadcast %max3A_1646 : f32 to vector<16xf32>
      %max3A_1648 = arith.maximumf %add3A_1645, %max3A_1647 : vector<16xf32>
      %mul3A_1649 = arith.mulf %max3A_1648, %get3A_1593 : vector<16xf32>
      %add3A_1650 = arith.addf %add3A_1556, %mul3A_1649 : vector<16xf32>
      %mul3A_1651 = arith.mulf %max3A_1648, %get3A_1595 : vector<16xf32>
      %add3A_1652 = arith.addf %add3A_1558, %mul3A_1651 : vector<16xf32>
      %mul3A_1653 = arith.mulf %get3A_309, %get3A_1579 : vector<16xf32>
      %add3A_1654 = arith.addf %get3A_1591, %mul3A_1653 : vector<16xf32>
      %mul3A_1655 = arith.mulf %get3A_315, %get3A_1581 : vector<16xf32>
      %add3A_1656 = arith.addf %add3A_1654, %mul3A_1655 : vector<16xf32>
      %mul3A_1657 = arith.mulf %get3A_321, %get3A_1583 : vector<16xf32>
      %add3A_1658 = arith.addf %add3A_1656, %mul3A_1657 : vector<16xf32>
      %mul3A_1659 = arith.mulf %get3A_327, %get3A_1585 : vector<16xf32>
      %add3A_1660 = arith.addf %add3A_1658, %mul3A_1659 : vector<16xf32>
      %mul3A_1661 = arith.mulf %get3A_333, %get3A_1587 : vector<16xf32>
      %add3A_1662 = arith.addf %add3A_1660, %mul3A_1661 : vector<16xf32>
      %mul3A_1663 = arith.mulf %get3A_339, %get3A_1589 : vector<16xf32>
      %add3A_1664 = arith.addf %add3A_1662, %mul3A_1663 : vector<16xf32>
      %max3A_1665 = arith.constant 0.000000e+00 : f32
      %max3A_1666 = vector.broadcast %max3A_1665 : f32 to vector<16xf32>
      %max3A_1667 = arith.maximumf %add3A_1664, %max3A_1666 : vector<16xf32>
      %mul3A_1668 = arith.mulf %max3A_1667, %get3A_1593 : vector<16xf32>
      %add3A_1669 = arith.addf %add3A_1575, %mul3A_1668 : vector<16xf32>
      %mul3A_1670 = arith.mulf %max3A_1667, %get3A_1595 : vector<16xf32>
      %add3A_1671 = arith.addf %add3A_1577, %mul3A_1670 : vector<16xf32>
      %get3A_1672 = arith.constant 2016 : index
      %get3A_1673 = tpu.vector_load %arg6[%get3A_1672] {strides = array<i32>} : memref<4608xf32, #tpu.memory_space<vmem>>, vector<16xf32>,
      %get3A_1674 = arith.constant 2032 : index
      %get3A_1675 = tpu.vector_load %arg6[%get3A_1674] {strides = array<i32>} : memref<4608xf32, #tpu.memory_space<vmem>>, vector<16xf32>,
      %get3A_1676 = arith.constant 2048 : index
      %get3A_1677 = tpu.vector_load %arg6[%get3A_1676] {strides = array<i32>} : memref<4608xf32, #tpu.memory_space<vmem>>, vector<16xf32>,
      %get3A_1678 = arith.constant 2064 : index
      %get3A_1679 = tpu.vector_load %arg6[%get3A_1678] {strides = array<i32>} : memref<4608xf32, #tpu.memory_space<vmem>>, vector<16xf32>,
      %get3A_1680 = arith.constant 2080 : index
      %get3A_1681 = tpu.vector_load %arg6[%get3A_1680] {strides = array<i32>} : memref<4608xf32, #tpu.memory_space<vmem>>, vector<16xf32>,
      %get3A_1682 = arith.constant 2096 : index
      %get3A_1683 = tpu.vector_load %arg6[%get3A_1682] {strides = array<i32>} : memref<4608xf32, #tpu.memory_space<vmem>>, vector<16xf32>,
      %get3A_1684 = arith.constant 2112 : index
      %get3A_1685 = tpu.vector_load %arg6[%get3A_1684] {strides = array<i32>} : memref<4608xf32, #tpu.memory_space<vmem>>, vector<16xf32>,
      %get3A_1686 = arith.constant 2128 : index
      %get3A_1687 = tpu.vector_load %arg6[%get3A_1686] {strides = array<i32>} : memref<4608xf32, #tpu.memory_space<vmem>>, vector<16xf32>,
      %get3A_1688 = arith.constant 2144 : index
      %get3A_1689 = tpu.vector_load %arg6[%get3A_1688] {strides = array<i32>} : memref<4608xf32, #tpu.memory_space<vmem>>, vector<16xf32>,
      %mul3A_1690 = arith.mulf %get3A_201, %get3A_1673 : vector<16xf32>
      %add3A_1691 = arith.addf %get3A_1685, %mul3A_1690 : vector<16xf32>
      %mul3A_1692 = arith.mulf %get3A_207, %get3A_1675 : vector<16xf32>
      %add3A_1693 = arith.addf %add3A_1691, %mul3A_1692 : vector<16xf32>
      %mul3A_1694 = arith.mulf %get3A_213, %get3A_1677 : vector<16xf32>
      %add3A_1695 = arith.addf %add3A_1693, %mul3A_1694 : vector<16xf32>
      %mul3A_1696 = arith.mulf %get3A_219, %get3A_1679 : vector<16xf32>
      %add3A_1697 = arith.addf %add3A_1695, %mul3A_1696 : vector<16xf32>
      %mul3A_1698 = arith.mulf %get3A_225, %get3A_1681 : vector<16xf32>
      %add3A_1699 = arith.addf %add3A_1697, %mul3A_1698 : vector<16xf32>
      %mul3A_1700 = arith.mulf %get3A_231, %get3A_1683 : vector<16xf32>
      %add3A_1701 = arith.addf %add3A_1699, %mul3A_1700 : vector<16xf32>
      %max3A_1702 = arith.constant 0.000000e+00 : f32
      %max3A_1703 = vector.broadcast %max3A_1702 : f32 to vector<16xf32>
      %max3A_1704 = arith.maximumf %add3A_1701, %max3A_1703 : vector<16xf32>
      %mul3A_1705 = arith.mulf %max3A_1704, %get3A_1687 : vector<16xf32>
      %add3A_1706 = arith.addf %add3A_1612, %mul3A_1705 : vector<16xf32>
      %mul3A_1707 = arith.mulf %max3A_1704, %get3A_1689 : vector<16xf32>
      %add3A_1708 = arith.addf %add3A_1614, %mul3A_1707 : vector<16xf32>
      %mul3A_1709 = arith.mulf %get3A_237, %get3A_1673 : vector<16xf32>
      %add3A_1710 = arith.addf %get3A_1685, %mul3A_1709 : vector<16xf32>
      %mul3A_1711 = arith.mulf %get3A_243, %get3A_1675 : vector<16xf32>
      %add3A_1712 = arith.addf %add3A_1710, %mul3A_1711 : vector<16xf32>
      %mul3A_1713 = arith.mulf %get3A_249, %get3A_1677 : vector<16xf32>
      %add3A_1714 = arith.addf %add3A_1712, %mul3A_1713 : vector<16xf32>
      %mul3A_1715 = arith.mulf %get3A_255, %get3A_1679 : vector<16xf32>
      %add3A_1716 = arith.addf %add3A_1714, %mul3A_1715 : vector<16xf32>
      %mul3A_1717 = arith.mulf %get3A_261, %get3A_1681 : vector<16xf32>
      %add3A_1718 = arith.addf %add3A_1716, %mul3A_1717 : vector<16xf32>
      %mul3A_1719 = arith.mulf %get3A_267, %get3A_1683 : vector<16xf32>
      %add3A_1720 = arith.addf %add3A_1718, %mul3A_1719 : vector<16xf32>
      %max3A_1721 = arith.constant 0.000000e+00 : f32
      %max3A_1722 = vector.broadcast %max3A_1721 : f32 to vector<16xf32>
      %max3A_1723 = arith.maximumf %add3A_1720, %max3A_1722 : vector<16xf32>
      %mul3A_1724 = arith.mulf %max3A_1723, %get3A_1687 : vector<16xf32>
      %add3A_1725 = arith.addf %add3A_1631, %mul3A_1724 : vector<16xf32>
      %mul3A_1726 = arith.mulf %max3A_1723, %get3A_1689 : vector<16xf32>
      %add3A_1727 = arith.addf %add3A_1633, %mul3A_1726 : vector<16xf32>
      %mul3A_1728 = arith.mulf %get3A_273, %get3A_1673 : vector<16xf32>
      %add3A_1729 = arith.addf %get3A_1685, %mul3A_1728 : vector<16xf32>
      %mul3A_1730 = arith.mulf %get3A_279, %get3A_1675 : vector<16xf32>
      %add3A_1731 = arith.addf %add3A_1729, %mul3A_1730 : vector<16xf32>
      %mul3A_1732 = arith.mulf %get3A_285, %get3A_1677 : vector<16xf32>
      %add3A_1733 = arith.addf %add3A_1731, %mul3A_1732 : vector<16xf32>
      %mul3A_1734 = arith.mulf %get3A_291, %get3A_1679 : vector<16xf32>
      %add3A_1735 = arith.addf %add3A_1733, %mul3A_1734 : vector<16xf32>
      %mul3A_1736 = arith.mulf %get3A_297, %get3A_1681 : vector<16xf32>
      %add3A_1737 = arith.addf %add3A_1735, %mul3A_1736 : vector<16xf32>
      %mul3A_1738 = arith.mulf %get3A_303, %get3A_1683 : vector<16xf32>
      %add3A_1739 = arith.addf %add3A_1737, %mul3A_1738 : vector<16xf32>
      %max3A_1740 = arith.constant 0.000000e+00 : f32
      %max3A_1741 = vector.broadcast %max3A_1740 : f32 to vector<16xf32>
      %max3A_1742 = arith.maximumf %add3A_1739, %max3A_1741 : vector<16xf32>
      %mul3A_1743 = arith.mulf %max3A_1742, %get3A_1687 : vector<16xf32>
      %add3A_1744 = arith.addf %add3A_1650, %mul3A_1743 : vector<16xf32>
      %mul3A_1745 = arith.mulf %max3A_1742, %get3A_1689 : vector<16xf32>
      %add3A_1746 = arith.addf %add3A_1652, %mul3A_1745 : vector<16xf32>
      %mul3A_1747 = arith.mulf %get3A_309, %get3A_1673 : vector<16xf32>
      %add3A_1748 = arith.addf %get3A_1685, %mul3A_1747 : vector<16xf32>
      %mul3A_1749 = arith.mulf %get3A_315, %get3A_1675 : vector<16xf32>
      %add3A_1750 = arith.addf %add3A_1748, %mul3A_1749 : vector<16xf32>
      %mul3A_1751 = arith.mulf %get3A_321, %get3A_1677 : vector<16xf32>
      %add3A_1752 = arith.addf %add3A_1750, %mul3A_1751 : vector<16xf32>
      %mul3A_1753 = arith.mulf %get3A_327, %get3A_1679 : vector<16xf32>
      %add3A_1754 = arith.addf %add3A_1752, %mul3A_1753 : vector<16xf32>
      %mul3A_1755 = arith.mulf %get3A_333, %get3A_1681 : vector<16xf32>
      %add3A_1756 = arith.addf %add3A_1754, %mul3A_1755 : vector<16xf32>
      %mul3A_1757 = arith.mulf %get3A_339, %get3A_1683 : vector<16xf32>
      %add3A_1758 = arith.addf %add3A_1756, %mul3A_1757 : vector<16xf32>
      %max3A_1759 = arith.constant 0.000000e+00 : f32
      %max3A_1760 = vector.broadcast %max3A_1759 : f32 to vector<16xf32>
      %max3A_1761 = arith.maximumf %add3A_1758, %max3A_1760 : vector<16xf32>
      %mul3A_1762 = arith.mulf %max3A_1761, %get3A_1687 : vector<16xf32>
      %add3A_1763 = arith.addf %add3A_1669, %mul3A_1762 : vector<16xf32>
      %mul3A_1764 = arith.mulf %max3A_1761, %get3A_1689 : vector<16xf32>
      %add3A_1765 = arith.addf %add3A_1671, %mul3A_1764 : vector<16xf32>
      %get3A_1766 = arith.constant 2160 : index
      %get3A_1767 = tpu.vector_load %arg6[%get3A_1766] {strides = array<i32>} : memref<4608xf32, #tpu.memory_space<vmem>>, vector<16xf32>,
      %get3A_1768 = arith.constant 2176 : index
      %get3A_1769 = tpu.vector_load %arg6[%get3A_1768] {strides = array<i32>} : memref<4608xf32, #tpu.memory_space<vmem>>, vector<16xf32>,
      %get3A_1770 = arith.constant 2192 : index
      %get3A_1771 = tpu.vector_load %arg6[%get3A_1770] {strides = array<i32>} : memref<4608xf32, #tpu.memory_space<vmem>>, vector<16xf32>,
      %get3A_1772 = arith.constant 2208 : index
      %get3A_1773 = tpu.vector_load %arg6[%get3A_1772] {strides = array<i32>} : memref<4608xf32, #tpu.memory_space<vmem>>, vector<16xf32>,
      %get3A_1774 = arith.constant 2224 : index
      %get3A_1775 = tpu.vector_load %arg6[%get3A_1774] {strides = array<i32>} : memref<4608xf32, #tpu.memory_space<vmem>>, vector<16xf32>,
      %get3A_1776 = arith.constant 2240 : index
      %get3A_1777 = tpu.vector_load %arg6[%get3A_1776] {strides = array<i32>} : memref<4608xf32, #tpu.memory_space<vmem>>, vector<16xf32>,
      %get3A_1778 = arith.constant 2256 : index
      %get3A_1779 = tpu.vector_load %arg6[%get3A_1778] {strides = array<i32>} : memref<4608xf32, #tpu.memory_space<vmem>>, vector<16xf32>,
      %get3A_1780 = arith.constant 2272 : index
      %get3A_1781 = tpu.vector_load %arg6[%get3A_1780] {strides = array<i32>} : memref<4608xf32, #tpu.memory_space<vmem>>, vector<16xf32>,
      %get3A_1782 = arith.constant 2288 : index
      %get3A_1783 = tpu.vector_load %arg6[%get3A_1782] {strides = array<i32>} : memref<4608xf32, #tpu.memory_space<vmem>>, vector<16xf32>,
      %mul3A_1784 = arith.mulf %get3A_201, %get3A_1767 : vector<16xf32>
      %add3A_1785 = arith.addf %get3A_1779, %mul3A_1784 : vector<16xf32>
      %mul3A_1786 = arith.mulf %get3A_207, %get3A_1769 : vector<16xf32>
      %add3A_1787 = arith.addf %add3A_1785, %mul3A_1786 : vector<16xf32>
      %mul3A_1788 = arith.mulf %get3A_213, %get3A_1771 : vector<16xf32>
      %add3A_1789 = arith.addf %add3A_1787, %mul3A_1788 : vector<16xf32>
      %mul3A_1790 = arith.mulf %get3A_219, %get3A_1773 : vector<16xf32>
      %add3A_1791 = arith.addf %add3A_1789, %mul3A_1790 : vector<16xf32>
      %mul3A_1792 = arith.mulf %get3A_225, %get3A_1775 : vector<16xf32>
      %add3A_1793 = arith.addf %add3A_1791, %mul3A_1792 : vector<16xf32>
      %mul3A_1794 = arith.mulf %get3A_231, %get3A_1777 : vector<16xf32>
      %add3A_1795 = arith.addf %add3A_1793, %mul3A_1794 : vector<16xf32>
      %max3A_1796 = arith.constant 0.000000e+00 : f32
      %max3A_1797 = vector.broadcast %max3A_1796 : f32 to vector<16xf32>
      %max3A_1798 = arith.maximumf %add3A_1795, %max3A_1797 : vector<16xf32>
      %mul3A_1799 = arith.mulf %max3A_1798, %get3A_1781 : vector<16xf32>
      %add3A_1800 = arith.addf %add3A_1706, %mul3A_1799 : vector<16xf32>
      %mul3A_1801 = arith.mulf %max3A_1798, %get3A_1783 : vector<16xf32>
      %add3A_1802 = arith.addf %add3A_1708, %mul3A_1801 : vector<16xf32>
      %mul3A_1803 = arith.mulf %get3A_237, %get3A_1767 : vector<16xf32>
      %add3A_1804 = arith.addf %get3A_1779, %mul3A_1803 : vector<16xf32>
      %mul3A_1805 = arith.mulf %get3A_243, %get3A_1769 : vector<16xf32>
      %add3A_1806 = arith.addf %add3A_1804, %mul3A_1805 : vector<16xf32>
      %mul3A_1807 = arith.mulf %get3A_249, %get3A_1771 : vector<16xf32>
      %add3A_1808 = arith.addf %add3A_1806, %mul3A_1807 : vector<16xf32>
      %mul3A_1809 = arith.mulf %get3A_255, %get3A_1773 : vector<16xf32>
      %add3A_1810 = arith.addf %add3A_1808, %mul3A_1809 : vector<16xf32>
      %mul3A_1811 = arith.mulf %get3A_261, %get3A_1775 : vector<16xf32>
      %add3A_1812 = arith.addf %add3A_1810, %mul3A_1811 : vector<16xf32>
      %mul3A_1813 = arith.mulf %get3A_267, %get3A_1777 : vector<16xf32>
      %add3A_1814 = arith.addf %add3A_1812, %mul3A_1813 : vector<16xf32>
      %max3A_1815 = arith.constant 0.000000e+00 : f32
      %max3A_1816 = vector.broadcast %max3A_1815 : f32 to vector<16xf32>
      %max3A_1817 = arith.maximumf %add3A_1814, %max3A_1816 : vector<16xf32>
      %mul3A_1818 = arith.mulf %max3A_1817, %get3A_1781 : vector<16xf32>
      %add3A_1819 = arith.addf %add3A_1725, %mul3A_1818 : vector<16xf32>
      %mul3A_1820 = arith.mulf %max3A_1817, %get3A_1783 : vector<16xf32>
      %add3A_1821 = arith.addf %add3A_1727, %mul3A_1820 : vector<16xf32>
      %mul3A_1822 = arith.mulf %get3A_273, %get3A_1767 : vector<16xf32>
      %add3A_1823 = arith.addf %get3A_1779, %mul3A_1822 : vector<16xf32>
      %mul3A_1824 = arith.mulf %get3A_279, %get3A_1769 : vector<16xf32>
      %add3A_1825 = arith.addf %add3A_1823, %mul3A_1824 : vector<16xf32>
      %mul3A_1826 = arith.mulf %get3A_285, %get3A_1771 : vector<16xf32>
      %add3A_1827 = arith.addf %add3A_1825, %mul3A_1826 : vector<16xf32>
      %mul3A_1828 = arith.mulf %get3A_291, %get3A_1773 : vector<16xf32>
      %add3A_1829 = arith.addf %add3A_1827, %mul3A_1828 : vector<16xf32>
      %mul3A_1830 = arith.mulf %get3A_297, %get3A_1775 : vector<16xf32>
      %add3A_1831 = arith.addf %add3A_1829, %mul3A_1830 : vector<16xf32>
      %mul3A_1832 = arith.mulf %get3A_303, %get3A_1777 : vector<16xf32>
      %add3A_1833 = arith.addf %add3A_1831, %mul3A_1832 : vector<16xf32>
      %max3A_1834 = arith.constant 0.000000e+00 : f32
      %max3A_1835 = vector.broadcast %max3A_1834 : f32 to vector<16xf32>
      %max3A_1836 = arith.maximumf %add3A_1833, %max3A_1835 : vector<16xf32>
      %mul3A_1837 = arith.mulf %max3A_1836, %get3A_1781 : vector<16xf32>
      %add3A_1838 = arith.addf %add3A_1744, %mul3A_1837 : vector<16xf32>
      %mul3A_1839 = arith.mulf %max3A_1836, %get3A_1783 : vector<16xf32>
      %add3A_1840 = arith.addf %add3A_1746, %mul3A_1839 : vector<16xf32>
      %mul3A_1841 = arith.mulf %get3A_309, %get3A_1767 : vector<16xf32>
      %add3A_1842 = arith.addf %get3A_1779, %mul3A_1841 : vector<16xf32>
      %mul3A_1843 = arith.mulf %get3A_315, %get3A_1769 : vector<16xf32>
      %add3A_1844 = arith.addf %add3A_1842, %mul3A_1843 : vector<16xf32>
      %mul3A_1845 = arith.mulf %get3A_321, %get3A_1771 : vector<16xf32>
      %add3A_1846 = arith.addf %add3A_1844, %mul3A_1845 : vector<16xf32>
      %mul3A_1847 = arith.mulf %get3A_327, %get3A_1773 : vector<16xf32>
      %add3A_1848 = arith.addf %add3A_1846, %mul3A_1847 : vector<16xf32>
      %mul3A_1849 = arith.mulf %get3A_333, %get3A_1775 : vector<16xf32>
      %add3A_1850 = arith.addf %add3A_1848, %mul3A_1849 : vector<16xf32>
      %mul3A_1851 = arith.mulf %get3A_339, %get3A_1777 : vector<16xf32>
      %add3A_1852 = arith.addf %add3A_1850, %mul3A_1851 : vector<16xf32>
      %max3A_1853 = arith.constant 0.000000e+00 : f32
      %max3A_1854 = vector.broadcast %max3A_1853 : f32 to vector<16xf32>
      %max3A_1855 = arith.maximumf %add3A_1852, %max3A_1854 : vector<16xf32>
      %mul3A_1856 = arith.mulf %max3A_1855, %get3A_1781 : vector<16xf32>
      %add3A_1857 = arith.addf %add3A_1763, %mul3A_1856 : vector<16xf32>
      %mul3A_1858 = arith.mulf %max3A_1855, %get3A_1783 : vector<16xf32>
      %add3A_1859 = arith.addf %add3A_1765, %mul3A_1858 : vector<16xf32>
      %get3A_1860 = arith.constant 2304 : index
      %get3A_1861 = tpu.vector_load %arg6[%get3A_1860] {strides = array<i32>} : memref<4608xf32, #tpu.memory_space<vmem>>, vector<16xf32>,
      %get3A_1862 = arith.constant 2320 : index
      %get3A_1863 = tpu.vector_load %arg6[%get3A_1862] {strides = array<i32>} : memref<4608xf32, #tpu.memory_space<vmem>>, vector<16xf32>,
      %get3A_1864 = arith.constant 2336 : index
      %get3A_1865 = tpu.vector_load %arg6[%get3A_1864] {strides = array<i32>} : memref<4608xf32, #tpu.memory_space<vmem>>, vector<16xf32>,
      %get3A_1866 = arith.constant 2352 : index
      %get3A_1867 = tpu.vector_load %arg6[%get3A_1866] {strides = array<i32>} : memref<4608xf32, #tpu.memory_space<vmem>>, vector<16xf32>,
      %get3A_1868 = arith.constant 2368 : index
      %get3A_1869 = tpu.vector_load %arg6[%get3A_1868] {strides = array<i32>} : memref<4608xf32, #tpu.memory_space<vmem>>, vector<16xf32>,
      %get3A_1870 = arith.constant 2384 : index
      %get3A_1871 = tpu.vector_load %arg6[%get3A_1870] {strides = array<i32>} : memref<4608xf32, #tpu.memory_space<vmem>>, vector<16xf32>,
      %get3A_1872 = arith.constant 2400 : index
      %get3A_1873 = tpu.vector_load %arg6[%get3A_1872] {strides = array<i32>} : memref<4608xf32, #tpu.memory_space<vmem>>, vector<16xf32>,
      %get3A_1874 = arith.constant 2416 : index
      %get3A_1875 = tpu.vector_load %arg6[%get3A_1874] {strides = array<i32>} : memref<4608xf32, #tpu.memory_space<vmem>>, vector<16xf32>,
      %get3A_1876 = arith.constant 2432 : index
      %get3A_1877 = tpu.vector_load %arg6[%get3A_1876] {strides = array<i32>} : memref<4608xf32, #tpu.memory_space<vmem>>, vector<16xf32>,
      %mul3A_1878 = arith.mulf %get3A_201, %get3A_1861 : vector<16xf32>
      %add3A_1879 = arith.addf %get3A_1873, %mul3A_1878 : vector<16xf32>
      %mul3A_1880 = arith.mulf %get3A_207, %get3A_1863 : vector<16xf32>
      %add3A_1881 = arith.addf %add3A_1879, %mul3A_1880 : vector<16xf32>
      %mul3A_1882 = arith.mulf %get3A_213, %get3A_1865 : vector<16xf32>
      %add3A_1883 = arith.addf %add3A_1881, %mul3A_1882 : vector<16xf32>
      %mul3A_1884 = arith.mulf %get3A_219, %get3A_1867 : vector<16xf32>
      %add3A_1885 = arith.addf %add3A_1883, %mul3A_1884 : vector<16xf32>
      %mul3A_1886 = arith.mulf %get3A_225, %get3A_1869 : vector<16xf32>
      %add3A_1887 = arith.addf %add3A_1885, %mul3A_1886 : vector<16xf32>
      %mul3A_1888 = arith.mulf %get3A_231, %get3A_1871 : vector<16xf32>
      %add3A_1889 = arith.addf %add3A_1887, %mul3A_1888 : vector<16xf32>
      %max3A_1890 = arith.constant 0.000000e+00 : f32
      %max3A_1891 = vector.broadcast %max3A_1890 : f32 to vector<16xf32>
      %max3A_1892 = arith.maximumf %add3A_1889, %max3A_1891 : vector<16xf32>
      %mul3A_1893 = arith.mulf %max3A_1892, %get3A_1875 : vector<16xf32>
      %add3A_1894 = arith.addf %add3A_1800, %mul3A_1893 : vector<16xf32>
      %mul3A_1895 = arith.mulf %max3A_1892, %get3A_1877 : vector<16xf32>
      %add3A_1896 = arith.addf %add3A_1802, %mul3A_1895 : vector<16xf32>
      %mul3A_1897 = arith.mulf %get3A_237, %get3A_1861 : vector<16xf32>
      %add3A_1898 = arith.addf %get3A_1873, %mul3A_1897 : vector<16xf32>
      %mul3A_1899 = arith.mulf %get3A_243, %get3A_1863 : vector<16xf32>
      %add3A_1900 = arith.addf %add3A_1898, %mul3A_1899 : vector<16xf32>
      %mul3A_1901 = arith.mulf %get3A_249, %get3A_1865 : vector<16xf32>
      %add3A_1902 = arith.addf %add3A_1900, %mul3A_1901 : vector<16xf32>
      %mul3A_1903 = arith.mulf %get3A_255, %get3A_1867 : vector<16xf32>
      %add3A_1904 = arith.addf %add3A_1902, %mul3A_1903 : vector<16xf32>
      %mul3A_1905 = arith.mulf %get3A_261, %get3A_1869 : vector<16xf32>
      %add3A_1906 = arith.addf %add3A_1904, %mul3A_1905 : vector<16xf32>
      %mul3A_1907 = arith.mulf %get3A_267, %get3A_1871 : vector<16xf32>
      %add3A_1908 = arith.addf %add3A_1906, %mul3A_1907 : vector<16xf32>
      %max3A_1909 = arith.constant 0.000000e+00 : f32
      %max3A_1910 = vector.broadcast %max3A_1909 : f32 to vector<16xf32>
      %max3A_1911 = arith.maximumf %add3A_1908, %max3A_1910 : vector<16xf32>
      %mul3A_1912 = arith.mulf %max3A_1911, %get3A_1875 : vector<16xf32>
      %add3A_1913 = arith.addf %add3A_1819, %mul3A_1912 : vector<16xf32>
      %mul3A_1914 = arith.mulf %max3A_1911, %get3A_1877 : vector<16xf32>
      %add3A_1915 = arith.addf %add3A_1821, %mul3A_1914 : vector<16xf32>
      %mul3A_1916 = arith.mulf %get3A_273, %get3A_1861 : vector<16xf32>
      %add3A_1917 = arith.addf %get3A_1873, %mul3A_1916 : vector<16xf32>
      %mul3A_1918 = arith.mulf %get3A_279, %get3A_1863 : vector<16xf32>
      %add3A_1919 = arith.addf %add3A_1917, %mul3A_1918 : vector<16xf32>
      %mul3A_1920 = arith.mulf %get3A_285, %get3A_1865 : vector<16xf32>
      %add3A_1921 = arith.addf %add3A_1919, %mul3A_1920 : vector<16xf32>
      %mul3A_1922 = arith.mulf %get3A_291, %get3A_1867 : vector<16xf32>
      %add3A_1923 = arith.addf %add3A_1921, %mul3A_1922 : vector<16xf32>
      %mul3A_1924 = arith.mulf %get3A_297, %get3A_1869 : vector<16xf32>
      %add3A_1925 = arith.addf %add3A_1923, %mul3A_1924 : vector<16xf32>
      %mul3A_1926 = arith.mulf %get3A_303, %get3A_1871 : vector<16xf32>
      %add3A_1927 = arith.addf %add3A_1925, %mul3A_1926 : vector<16xf32>
      %max3A_1928 = arith.constant 0.000000e+00 : f32
      %max3A_1929 = vector.broadcast %max3A_1928 : f32 to vector<16xf32>
      %max3A_1930 = arith.maximumf %add3A_1927, %max3A_1929 : vector<16xf32>
      %mul3A_1931 = arith.mulf %max3A_1930, %get3A_1875 : vector<16xf32>
      %add3A_1932 = arith.addf %add3A_1838, %mul3A_1931 : vector<16xf32>
      %mul3A_1933 = arith.mulf %max3A_1930, %get3A_1877 : vector<16xf32>
      %add3A_1934 = arith.addf %add3A_1840, %mul3A_1933 : vector<16xf32>
      %mul3A_1935 = arith.mulf %get3A_309, %get3A_1861 : vector<16xf32>
      %add3A_1936 = arith.addf %get3A_1873, %mul3A_1935 : vector<16xf32>
      %mul3A_1937 = arith.mulf %get3A_315, %get3A_1863 : vector<16xf32>
      %add3A_1938 = arith.addf %add3A_1936, %mul3A_1937 : vector<16xf32>
      %mul3A_1939 = arith.mulf %get3A_321, %get3A_1865 : vector<16xf32>
      %add3A_1940 = arith.addf %add3A_1938, %mul3A_1939 : vector<16xf32>
      %mul3A_1941 = arith.mulf %get3A_327, %get3A_1867 : vector<16xf32>
      %add3A_1942 = arith.addf %add3A_1940, %mul3A_1941 : vector<16xf32>
      %mul3A_1943 = arith.mulf %get3A_333, %get3A_1869 : vector<16xf32>
      %add3A_1944 = arith.addf %add3A_1942, %mul3A_1943 : vector<16xf32>
      %mul3A_1945 = arith.mulf %get3A_339, %get3A_1871 : vector<16xf32>
      %add3A_1946 = arith.addf %add3A_1944, %mul3A_1945 : vector<16xf32>
      %max3A_1947 = arith.constant 0.000000e+00 : f32
      %max3A_1948 = vector.broadcast %max3A_1947 : f32 to vector<16xf32>
      %max3A_1949 = arith.maximumf %add3A_1946, %max3A_1948 : vector<16xf32>
      %mul3A_1950 = arith.mulf %max3A_1949, %get3A_1875 : vector<16xf32>
      %add3A_1951 = arith.addf %add3A_1857, %mul3A_1950 : vector<16xf32>
      %mul3A_1952 = arith.mulf %max3A_1949, %get3A_1877 : vector<16xf32>
      %add3A_1953 = arith.addf %add3A_1859, %mul3A_1952 : vector<16xf32>
      %get3A_1954 = arith.constant 2448 : index
      %get3A_1955 = tpu.vector_load %arg6[%get3A_1954] {strides = array<i32>} : memref<4608xf32, #tpu.memory_space<vmem>>, vector<16xf32>,
      %get3A_1956 = arith.constant 2464 : index
      %get3A_1957 = tpu.vector_load %arg6[%get3A_1956] {strides = array<i32>} : memref<4608xf32, #tpu.memory_space<vmem>>, vector<16xf32>,
      %get3A_1958 = arith.constant 2480 : index
      %get3A_1959 = tpu.vector_load %arg6[%get3A_1958] {strides = array<i32>} : memref<4608xf32, #tpu.memory_space<vmem>>, vector<16xf32>,
      %get3A_1960 = arith.constant 2496 : index
      %get3A_1961 = tpu.vector_load %arg6[%get3A_1960] {strides = array<i32>} : memref<4608xf32, #tpu.memory_space<vmem>>, vector<16xf32>,
      %get3A_1962 = arith.constant 2512 : index
      %get3A_1963 = tpu.vector_load %arg6[%get3A_1962] {strides = array<i32>} : memref<4608xf32, #tpu.memory_space<vmem>>, vector<16xf32>,
      %get3A_1964 = arith.constant 2528 : index
      %get3A_1965 = tpu.vector_load %arg6[%get3A_1964] {strides = array<i32>} : memref<4608xf32, #tpu.memory_space<vmem>>, vector<16xf32>,
      %get3A_1966 = arith.constant 2544 : index
      %get3A_1967 = tpu.vector_load %arg6[%get3A_1966] {strides = array<i32>} : memref<4608xf32, #tpu.memory_space<vmem>>, vector<16xf32>,
      %get3A_1968 = arith.constant 2560 : index
      %get3A_1969 = tpu.vector_load %arg6[%get3A_1968] {strides = array<i32>} : memref<4608xf32, #tpu.memory_space<vmem>>, vector<16xf32>,
      %get3A_1970 = arith.constant 2576 : index
      %get3A_1971 = tpu.vector_load %arg6[%get3A_1970] {strides = array<i32>} : memref<4608xf32, #tpu.memory_space<vmem>>, vector<16xf32>,
      %mul3A_1972 = arith.mulf %get3A_201, %get3A_1955 : vector<16xf32>
      %add3A_1973 = arith.addf %get3A_1967, %mul3A_1972 : vector<16xf32>
      %mul3A_1974 = arith.mulf %get3A_207, %get3A_1957 : vector<16xf32>
      %add3A_1975 = arith.addf %add3A_1973, %mul3A_1974 : vector<16xf32>
      %mul3A_1976 = arith.mulf %get3A_213, %get3A_1959 : vector<16xf32>
      %add3A_1977 = arith.addf %add3A_1975, %mul3A_1976 : vector<16xf32>
      %mul3A_1978 = arith.mulf %get3A_219, %get3A_1961 : vector<16xf32>
      %add3A_1979 = arith.addf %add3A_1977, %mul3A_1978 : vector<16xf32>
      %mul3A_1980 = arith.mulf %get3A_225, %get3A_1963 : vector<16xf32>
      %add3A_1981 = arith.addf %add3A_1979, %mul3A_1980 : vector<16xf32>
      %mul3A_1982 = arith.mulf %get3A_231, %get3A_1965 : vector<16xf32>
      %add3A_1983 = arith.addf %add3A_1981, %mul3A_1982 : vector<16xf32>
      %max3A_1984 = arith.constant 0.000000e+00 : f32
      %max3A_1985 = vector.broadcast %max3A_1984 : f32 to vector<16xf32>
      %max3A_1986 = arith.maximumf %add3A_1983, %max3A_1985 : vector<16xf32>
      %mul3A_1987 = arith.mulf %max3A_1986, %get3A_1969 : vector<16xf32>
      %add3A_1988 = arith.addf %add3A_1894, %mul3A_1987 : vector<16xf32>
      %mul3A_1989 = arith.mulf %max3A_1986, %get3A_1971 : vector<16xf32>
      %add3A_1990 = arith.addf %add3A_1896, %mul3A_1989 : vector<16xf32>
      %mul3A_1991 = arith.mulf %get3A_237, %get3A_1955 : vector<16xf32>
      %add3A_1992 = arith.addf %get3A_1967, %mul3A_1991 : vector<16xf32>
      %mul3A_1993 = arith.mulf %get3A_243, %get3A_1957 : vector<16xf32>
      %add3A_1994 = arith.addf %add3A_1992, %mul3A_1993 : vector<16xf32>
      %mul3A_1995 = arith.mulf %get3A_249, %get3A_1959 : vector<16xf32>
      %add3A_1996 = arith.addf %add3A_1994, %mul3A_1995 : vector<16xf32>
      %mul3A_1997 = arith.mulf %get3A_255, %get3A_1961 : vector<16xf32>
      %add3A_1998 = arith.addf %add3A_1996, %mul3A_1997 : vector<16xf32>
      %mul3A_1999 = arith.mulf %get3A_261, %get3A_1963 : vector<16xf32>
      %add3A_2000 = arith.addf %add3A_1998, %mul3A_1999 : vector<16xf32>
      %mul3A_2001 = arith.mulf %get3A_267, %get3A_1965 : vector<16xf32>
      %add3A_2002 = arith.addf %add3A_2000, %mul3A_2001 : vector<16xf32>
      %max3A_2003 = arith.constant 0.000000e+00 : f32
      %max3A_2004 = vector.broadcast %max3A_2003 : f32 to vector<16xf32>
      %max3A_2005 = arith.maximumf %add3A_2002, %max3A_2004 : vector<16xf32>
      %mul3A_2006 = arith.mulf %max3A_2005, %get3A_1969 : vector<16xf32>
      %add3A_2007 = arith.addf %add3A_1913, %mul3A_2006 : vector<16xf32>
      %mul3A_2008 = arith.mulf %max3A_2005, %get3A_1971 : vector<16xf32>
      %add3A_2009 = arith.addf %add3A_1915, %mul3A_2008 : vector<16xf32>
      %mul3A_2010 = arith.mulf %get3A_273, %get3A_1955 : vector<16xf32>
      %add3A_2011 = arith.addf %get3A_1967, %mul3A_2010 : vector<16xf32>
      %mul3A_2012 = arith.mulf %get3A_279, %get3A_1957 : vector<16xf32>
      %add3A_2013 = arith.addf %add3A_2011, %mul3A_2012 : vector<16xf32>
      %mul3A_2014 = arith.mulf %get3A_285, %get3A_1959 : vector<16xf32>
      %add3A_2015 = arith.addf %add3A_2013, %mul3A_2014 : vector<16xf32>
      %mul3A_2016 = arith.mulf %get3A_291, %get3A_1961 : vector<16xf32>
      %add3A_2017 = arith.addf %add3A_2015, %mul3A_2016 : vector<16xf32>
      %mul3A_2018 = arith.mulf %get3A_297, %get3A_1963 : vector<16xf32>
      %add3A_2019 = arith.addf %add3A_2017, %mul3A_2018 : vector<16xf32>
      %mul3A_2020 = arith.mulf %get3A_303, %get3A_1965 : vector<16xf32>
      %add3A_2021 = arith.addf %add3A_2019, %mul3A_2020 : vector<16xf32>
      %max3A_2022 = arith.constant 0.000000e+00 : f32
      %max3A_2023 = vector.broadcast %max3A_2022 : f32 to vector<16xf32>
      %max3A_2024 = arith.maximumf %add3A_2021, %max3A_2023 : vector<16xf32>
      %mul3A_2025 = arith.mulf %max3A_2024, %get3A_1969 : vector<16xf32>
      %add3A_2026 = arith.addf %add3A_1932, %mul3A_2025 : vector<16xf32>
      %mul3A_2027 = arith.mulf %max3A_2024, %get3A_1971 : vector<16xf32>
      %add3A_2028 = arith.addf %add3A_1934, %mul3A_2027 : vector<16xf32>
      %mul3A_2029 = arith.mulf %get3A_309, %get3A_1955 : vector<16xf32>
      %add3A_2030 = arith.addf %get3A_1967, %mul3A_2029 : vector<16xf32>
      %mul3A_2031 = arith.mulf %get3A_315, %get3A_1957 : vector<16xf32>
      %add3A_2032 = arith.addf %add3A_2030, %mul3A_2031 : vector<16xf32>
      %mul3A_2033 = arith.mulf %get3A_321, %get3A_1959 : vector<16xf32>
      %add3A_2034 = arith.addf %add3A_2032, %mul3A_2033 : vector<16xf32>
      %mul3A_2035 = arith.mulf %get3A_327, %get3A_1961 : vector<16xf32>
      %add3A_2036 = arith.addf %add3A_2034, %mul3A_2035 : vector<16xf32>
      %mul3A_2037 = arith.mulf %get3A_333, %get3A_1963 : vector<16xf32>
      %add3A_2038 = arith.addf %add3A_2036, %mul3A_2037 : vector<16xf32>
      %mul3A_2039 = arith.mulf %get3A_339, %get3A_1965 : vector<16xf32>
      %add3A_2040 = arith.addf %add3A_2038, %mul3A_2039 : vector<16xf32>
      %max3A_2041 = arith.constant 0.000000e+00 : f32
      %max3A_2042 = vector.broadcast %max3A_2041 : f32 to vector<16xf32>
      %max3A_2043 = arith.maximumf %add3A_2040, %max3A_2042 : vector<16xf32>
      %mul3A_2044 = arith.mulf %max3A_2043, %get3A_1969 : vector<16xf32>
      %add3A_2045 = arith.addf %add3A_1951, %mul3A_2044 : vector<16xf32>
      %mul3A_2046 = arith.mulf %max3A_2043, %get3A_1971 : vector<16xf32>
      %add3A_2047 = arith.addf %add3A_1953, %mul3A_2046 : vector<16xf32>
      %get3A_2048 = arith.constant 2592 : index
      %get3A_2049 = tpu.vector_load %arg6[%get3A_2048] {strides = array<i32>} : memref<4608xf32, #tpu.memory_space<vmem>>, vector<16xf32>,
      %get3A_2050 = arith.constant 2608 : index
      %get3A_2051 = tpu.vector_load %arg6[%get3A_2050] {strides = array<i32>} : memref<4608xf32, #tpu.memory_space<vmem>>, vector<16xf32>,
      %get3A_2052 = arith.constant 2624 : index
      %get3A_2053 = tpu.vector_load %arg6[%get3A_2052] {strides = array<i32>} : memref<4608xf32, #tpu.memory_space<vmem>>, vector<16xf32>,
      %get3A_2054 = arith.constant 2640 : index
      %get3A_2055 = tpu.vector_load %arg6[%get3A_2054] {strides = array<i32>} : memref<4608xf32, #tpu.memory_space<vmem>>, vector<16xf32>,
      %get3A_2056 = arith.constant 2656 : index
      %get3A_2057 = tpu.vector_load %arg6[%get3A_2056] {strides = array<i32>} : memref<4608xf32, #tpu.memory_space<vmem>>, vector<16xf32>,
      %get3A_2058 = arith.constant 2672 : index
      %get3A_2059 = tpu.vector_load %arg6[%get3A_2058] {strides = array<i32>} : memref<4608xf32, #tpu.memory_space<vmem>>, vector<16xf32>,
      %get3A_2060 = arith.constant 2688 : index
      %get3A_2061 = tpu.vector_load %arg6[%get3A_2060] {strides = array<i32>} : memref<4608xf32, #tpu.memory_space<vmem>>, vector<16xf32>,
      %get3A_2062 = arith.constant 2704 : index
      %get3A_2063 = tpu.vector_load %arg6[%get3A_2062] {strides = array<i32>} : memref<4608xf32, #tpu.memory_space<vmem>>, vector<16xf32>,
      %get3A_2064 = arith.constant 2720 : index
      %get3A_2065 = tpu.vector_load %arg6[%get3A_2064] {strides = array<i32>} : memref<4608xf32, #tpu.memory_space<vmem>>, vector<16xf32>,
      %mul3A_2066 = arith.mulf %get3A_201, %get3A_2049 : vector<16xf32>
      %add3A_2067 = arith.addf %get3A_2061, %mul3A_2066 : vector<16xf32>
      %mul3A_2068 = arith.mulf %get3A_207, %get3A_2051 : vector<16xf32>
      %add3A_2069 = arith.addf %add3A_2067, %mul3A_2068 : vector<16xf32>
      %mul3A_2070 = arith.mulf %get3A_213, %get3A_2053 : vector<16xf32>
      %add3A_2071 = arith.addf %add3A_2069, %mul3A_2070 : vector<16xf32>
      %mul3A_2072 = arith.mulf %get3A_219, %get3A_2055 : vector<16xf32>
      %add3A_2073 = arith.addf %add3A_2071, %mul3A_2072 : vector<16xf32>
      %mul3A_2074 = arith.mulf %get3A_225, %get3A_2057 : vector<16xf32>
      %add3A_2075 = arith.addf %add3A_2073, %mul3A_2074 : vector<16xf32>
      %mul3A_2076 = arith.mulf %get3A_231, %get3A_2059 : vector<16xf32>
      %add3A_2077 = arith.addf %add3A_2075, %mul3A_2076 : vector<16xf32>
      %max3A_2078 = arith.constant 0.000000e+00 : f32
      %max3A_2079 = vector.broadcast %max3A_2078 : f32 to vector<16xf32>
      %max3A_2080 = arith.maximumf %add3A_2077, %max3A_2079 : vector<16xf32>
      %mul3A_2081 = arith.mulf %max3A_2080, %get3A_2063 : vector<16xf32>
      %add3A_2082 = arith.addf %add3A_1988, %mul3A_2081 : vector<16xf32>
      %mul3A_2083 = arith.mulf %max3A_2080, %get3A_2065 : vector<16xf32>
      %add3A_2084 = arith.addf %add3A_1990, %mul3A_2083 : vector<16xf32>
      %mul3A_2085 = arith.mulf %get3A_237, %get3A_2049 : vector<16xf32>
      %add3A_2086 = arith.addf %get3A_2061, %mul3A_2085 : vector<16xf32>
      %mul3A_2087 = arith.mulf %get3A_243, %get3A_2051 : vector<16xf32>
      %add3A_2088 = arith.addf %add3A_2086, %mul3A_2087 : vector<16xf32>
      %mul3A_2089 = arith.mulf %get3A_249, %get3A_2053 : vector<16xf32>
      %add3A_2090 = arith.addf %add3A_2088, %mul3A_2089 : vector<16xf32>
      %mul3A_2091 = arith.mulf %get3A_255, %get3A_2055 : vector<16xf32>
      %add3A_2092 = arith.addf %add3A_2090, %mul3A_2091 : vector<16xf32>
      %mul3A_2093 = arith.mulf %get3A_261, %get3A_2057 : vector<16xf32>
      %add3A_2094 = arith.addf %add3A_2092, %mul3A_2093 : vector<16xf32>
      %mul3A_2095 = arith.mulf %get3A_267, %get3A_2059 : vector<16xf32>
      %add3A_2096 = arith.addf %add3A_2094, %mul3A_2095 : vector<16xf32>
      %max3A_2097 = arith.constant 0.000000e+00 : f32
      %max3A_2098 = vector.broadcast %max3A_2097 : f32 to vector<16xf32>
      %max3A_2099 = arith.maximumf %add3A_2096, %max3A_2098 : vector<16xf32>
      %mul3A_2100 = arith.mulf %max3A_2099, %get3A_2063 : vector<16xf32>
      %add3A_2101 = arith.addf %add3A_2007, %mul3A_2100 : vector<16xf32>
      %mul3A_2102 = arith.mulf %max3A_2099, %get3A_2065 : vector<16xf32>
      %add3A_2103 = arith.addf %add3A_2009, %mul3A_2102 : vector<16xf32>
      %mul3A_2104 = arith.mulf %get3A_273, %get3A_2049 : vector<16xf32>
      %add3A_2105 = arith.addf %get3A_2061, %mul3A_2104 : vector<16xf32>
      %mul3A_2106 = arith.mulf %get3A_279, %get3A_2051 : vector<16xf32>
      %add3A_2107 = arith.addf %add3A_2105, %mul3A_2106 : vector<16xf32>
      %mul3A_2108 = arith.mulf %get3A_285, %get3A_2053 : vector<16xf32>
      %add3A_2109 = arith.addf %add3A_2107, %mul3A_2108 : vector<16xf32>
      %mul3A_2110 = arith.mulf %get3A_291, %get3A_2055 : vector<16xf32>
      %add3A_2111 = arith.addf %add3A_2109, %mul3A_2110 : vector<16xf32>
      %mul3A_2112 = arith.mulf %get3A_297, %get3A_2057 : vector<16xf32>
      %add3A_2113 = arith.addf %add3A_2111, %mul3A_2112 : vector<16xf32>
      %mul3A_2114 = arith.mulf %get3A_303, %get3A_2059 : vector<16xf32>
      %add3A_2115 = arith.addf %add3A_2113, %mul3A_2114 : vector<16xf32>
      %max3A_2116 = arith.constant 0.000000e+00 : f32
      %max3A_2117 = vector.broadcast %max3A_2116 : f32 to vector<16xf32>
      %max3A_2118 = arith.maximumf %add3A_2115, %max3A_2117 : vector<16xf32>
      %mul3A_2119 = arith.mulf %max3A_2118, %get3A_2063 : vector<16xf32>
      %add3A_2120 = arith.addf %add3A_2026, %mul3A_2119 : vector<16xf32>
      %mul3A_2121 = arith.mulf %max3A_2118, %get3A_2065 : vector<16xf32>
      %add3A_2122 = arith.addf %add3A_2028, %mul3A_2121 : vector<16xf32>
      %mul3A_2123 = arith.mulf %get3A_309, %get3A_2049 : vector<16xf32>
      %add3A_2124 = arith.addf %get3A_2061, %mul3A_2123 : vector<16xf32>
      %mul3A_2125 = arith.mulf %get3A_315, %get3A_2051 : vector<16xf32>
      %add3A_2126 = arith.addf %add3A_2124, %mul3A_2125 : vector<16xf32>
      %mul3A_2127 = arith.mulf %get3A_321, %get3A_2053 : vector<16xf32>
      %add3A_2128 = arith.addf %add3A_2126, %mul3A_2127 : vector<16xf32>
      %mul3A_2129 = arith.mulf %get3A_327, %get3A_2055 : vector<16xf32>
      %add3A_2130 = arith.addf %add3A_2128, %mul3A_2129 : vector<16xf32>
      %mul3A_2131 = arith.mulf %get3A_333, %get3A_2057 : vector<16xf32>
      %add3A_2132 = arith.addf %add3A_2130, %mul3A_2131 : vector<16xf32>
      %mul3A_2133 = arith.mulf %get3A_339, %get3A_2059 : vector<16xf32>
      %add3A_2134 = arith.addf %add3A_2132, %mul3A_2133 : vector<16xf32>
      %max3A_2135 = arith.constant 0.000000e+00 : f32
      %max3A_2136 = vector.broadcast %max3A_2135 : f32 to vector<16xf32>
      %max3A_2137 = arith.maximumf %add3A_2134, %max3A_2136 : vector<16xf32>
      %mul3A_2138 = arith.mulf %max3A_2137, %get3A_2063 : vector<16xf32>
      %add3A_2139 = arith.addf %add3A_2045, %mul3A_2138 : vector<16xf32>
      %mul3A_2140 = arith.mulf %max3A_2137, %get3A_2065 : vector<16xf32>
      %add3A_2141 = arith.addf %add3A_2047, %mul3A_2140 : vector<16xf32>
      %get3A_2142 = arith.constant 2736 : index
      %get3A_2143 = tpu.vector_load %arg6[%get3A_2142] {strides = array<i32>} : memref<4608xf32, #tpu.memory_space<vmem>>, vector<16xf32>,
      %get3A_2144 = arith.constant 2752 : index
      %get3A_2145 = tpu.vector_load %arg6[%get3A_2144] {strides = array<i32>} : memref<4608xf32, #tpu.memory_space<vmem>>, vector<16xf32>,
      %get3A_2146 = arith.constant 2768 : index
      %get3A_2147 = tpu.vector_load %arg6[%get3A_2146] {strides = array<i32>} : memref<4608xf32, #tpu.memory_space<vmem>>, vector<16xf32>,
      %get3A_2148 = arith.constant 2784 : index
      %get3A_2149 = tpu.vector_load %arg6[%get3A_2148] {strides = array<i32>} : memref<4608xf32, #tpu.memory_space<vmem>>, vector<16xf32>,
      %get3A_2150 = arith.constant 2800 : index
      %get3A_2151 = tpu.vector_load %arg6[%get3A_2150] {strides = array<i32>} : memref<4608xf32, #tpu.memory_space<vmem>>, vector<16xf32>,
      %get3A_2152 = arith.constant 2816 : index
      %get3A_2153 = tpu.vector_load %arg6[%get3A_2152] {strides = array<i32>} : memref<4608xf32, #tpu.memory_space<vmem>>, vector<16xf32>,
      %get3A_2154 = arith.constant 2832 : index
      %get3A_2155 = tpu.vector_load %arg6[%get3A_2154] {strides = array<i32>} : memref<4608xf32, #tpu.memory_space<vmem>>, vector<16xf32>,
      %get3A_2156 = arith.constant 2848 : index
      %get3A_2157 = tpu.vector_load %arg6[%get3A_2156] {strides = array<i32>} : memref<4608xf32, #tpu.memory_space<vmem>>, vector<16xf32>,
      %get3A_2158 = arith.constant 2864 : index
      %get3A_2159 = tpu.vector_load %arg6[%get3A_2158] {strides = array<i32>} : memref<4608xf32, #tpu.memory_space<vmem>>, vector<16xf32>,
      %mul3A_2160 = arith.mulf %get3A_201, %get3A_2143 : vector<16xf32>
      %add3A_2161 = arith.addf %get3A_2155, %mul3A_2160 : vector<16xf32>
      %mul3A_2162 = arith.mulf %get3A_207, %get3A_2145 : vector<16xf32>
      %add3A_2163 = arith.addf %add3A_2161, %mul3A_2162 : vector<16xf32>
      %mul3A_2164 = arith.mulf %get3A_213, %get3A_2147 : vector<16xf32>
      %add3A_2165 = arith.addf %add3A_2163, %mul3A_2164 : vector<16xf32>
      %mul3A_2166 = arith.mulf %get3A_219, %get3A_2149 : vector<16xf32>
      %add3A_2167 = arith.addf %add3A_2165, %mul3A_2166 : vector<16xf32>
      %mul3A_2168 = arith.mulf %get3A_225, %get3A_2151 : vector<16xf32>
      %add3A_2169 = arith.addf %add3A_2167, %mul3A_2168 : vector<16xf32>
      %mul3A_2170 = arith.mulf %get3A_231, %get3A_2153 : vector<16xf32>
      %add3A_2171 = arith.addf %add3A_2169, %mul3A_2170 : vector<16xf32>
      %max3A_2172 = arith.constant 0.000000e+00 : f32
      %max3A_2173 = vector.broadcast %max3A_2172 : f32 to vector<16xf32>
      %max3A_2174 = arith.maximumf %add3A_2171, %max3A_2173 : vector<16xf32>
      %mul3A_2175 = arith.mulf %max3A_2174, %get3A_2157 : vector<16xf32>
      %add3A_2176 = arith.addf %add3A_2082, %mul3A_2175 : vector<16xf32>
      %mul3A_2177 = arith.mulf %max3A_2174, %get3A_2159 : vector<16xf32>
      %add3A_2178 = arith.addf %add3A_2084, %mul3A_2177 : vector<16xf32>
      %mul3A_2179 = arith.mulf %get3A_237, %get3A_2143 : vector<16xf32>
      %add3A_2180 = arith.addf %get3A_2155, %mul3A_2179 : vector<16xf32>
      %mul3A_2181 = arith.mulf %get3A_243, %get3A_2145 : vector<16xf32>
      %add3A_2182 = arith.addf %add3A_2180, %mul3A_2181 : vector<16xf32>
      %mul3A_2183 = arith.mulf %get3A_249, %get3A_2147 : vector<16xf32>
      %add3A_2184 = arith.addf %add3A_2182, %mul3A_2183 : vector<16xf32>
      %mul3A_2185 = arith.mulf %get3A_255, %get3A_2149 : vector<16xf32>
      %add3A_2186 = arith.addf %add3A_2184, %mul3A_2185 : vector<16xf32>
      %mul3A_2187 = arith.mulf %get3A_261, %get3A_2151 : vector<16xf32>
      %add3A_2188 = arith.addf %add3A_2186, %mul3A_2187 : vector<16xf32>
      %mul3A_2189 = arith.mulf %get3A_267, %get3A_2153 : vector<16xf32>
      %add3A_2190 = arith.addf %add3A_2188, %mul3A_2189 : vector<16xf32>
      %max3A_2191 = arith.constant 0.000000e+00 : f32
      %max3A_2192 = vector.broadcast %max3A_2191 : f32 to vector<16xf32>
      %max3A_2193 = arith.maximumf %add3A_2190, %max3A_2192 : vector<16xf32>
      %mul3A_2194 = arith.mulf %max3A_2193, %get3A_2157 : vector<16xf32>
      %add3A_2195 = arith.addf %add3A_2101, %mul3A_2194 : vector<16xf32>
      %mul3A_2196 = arith.mulf %max3A_2193, %get3A_2159 : vector<16xf32>
      %add3A_2197 = arith.addf %add3A_2103, %mul3A_2196 : vector<16xf32>
      %mul3A_2198 = arith.mulf %get3A_273, %get3A_2143 : vector<16xf32>
      %add3A_2199 = arith.addf %get3A_2155, %mul3A_2198 : vector<16xf32>
      %mul3A_2200 = arith.mulf %get3A_279, %get3A_2145 : vector<16xf32>
      %add3A_2201 = arith.addf %add3A_2199, %mul3A_2200 : vector<16xf32>
      %mul3A_2202 = arith.mulf %get3A_285, %get3A_2147 : vector<16xf32>
      %add3A_2203 = arith.addf %add3A_2201, %mul3A_2202 : vector<16xf32>
      %mul3A_2204 = arith.mulf %get3A_291, %get3A_2149 : vector<16xf32>
      %add3A_2205 = arith.addf %add3A_2203, %mul3A_2204 : vector<16xf32>
      %mul3A_2206 = arith.mulf %get3A_297, %get3A_2151 : vector<16xf32>
      %add3A_2207 = arith.addf %add3A_2205, %mul3A_2206 : vector<16xf32>
      %mul3A_2208 = arith.mulf %get3A_303, %get3A_2153 : vector<16xf32>
      %add3A_2209 = arith.addf %add3A_2207, %mul3A_2208 : vector<16xf32>
      %max3A_2210 = arith.constant 0.000000e+00 : f32
      %max3A_2211 = vector.broadcast %max3A_2210 : f32 to vector<16xf32>
      %max3A_2212 = arith.maximumf %add3A_2209, %max3A_2211 : vector<16xf32>
      %mul3A_2213 = arith.mulf %max3A_2212, %get3A_2157 : vector<16xf32>
      %add3A_2214 = arith.addf %add3A_2120, %mul3A_2213 : vector<16xf32>
      %mul3A_2215 = arith.mulf %max3A_2212, %get3A_2159 : vector<16xf32>
      %add3A_2216 = arith.addf %add3A_2122, %mul3A_2215 : vector<16xf32>
      %mul3A_2217 = arith.mulf %get3A_309, %get3A_2143 : vector<16xf32>
      %add3A_2218 = arith.addf %get3A_2155, %mul3A_2217 : vector<16xf32>
      %mul3A_2219 = arith.mulf %get3A_315, %get3A_2145 : vector<16xf32>
      %add3A_2220 = arith.addf %add3A_2218, %mul3A_2219 : vector<16xf32>
      %mul3A_2221 = arith.mulf %get3A_321, %get3A_2147 : vector<16xf32>
      %add3A_2222 = arith.addf %add3A_2220, %mul3A_2221 : vector<16xf32>
      %mul3A_2223 = arith.mulf %get3A_327, %get3A_2149 : vector<16xf32>
      %add3A_2224 = arith.addf %add3A_2222, %mul3A_2223 : vector<16xf32>
      %mul3A_2225 = arith.mulf %get3A_333, %get3A_2151 : vector<16xf32>
      %add3A_2226 = arith.addf %add3A_2224, %mul3A_2225 : vector<16xf32>
      %mul3A_2227 = arith.mulf %get3A_339, %get3A_2153 : vector<16xf32>
      %add3A_2228 = arith.addf %add3A_2226, %mul3A_2227 : vector<16xf32>
      %max3A_2229 = arith.constant 0.000000e+00 : f32
      %max3A_2230 = vector.broadcast %max3A_2229 : f32 to vector<16xf32>
      %max3A_2231 = arith.maximumf %add3A_2228, %max3A_2230 : vector<16xf32>
      %mul3A_2232 = arith.mulf %max3A_2231, %get3A_2157 : vector<16xf32>
      %add3A_2233 = arith.addf %add3A_2139, %mul3A_2232 : vector<16xf32>
      %mul3A_2234 = arith.mulf %max3A_2231, %get3A_2159 : vector<16xf32>
      %add3A_2235 = arith.addf %add3A_2141, %mul3A_2234 : vector<16xf32>
      %get3A_2236 = arith.constant 2880 : index
      %get3A_2237 = tpu.vector_load %arg6[%get3A_2236] {strides = array<i32>} : memref<4608xf32, #tpu.memory_space<vmem>>, vector<16xf32>,
      %get3A_2238 = arith.constant 2896 : index
      %get3A_2239 = tpu.vector_load %arg6[%get3A_2238] {strides = array<i32>} : memref<4608xf32, #tpu.memory_space<vmem>>, vector<16xf32>,
      %get3A_2240 = arith.constant 2912 : index
      %get3A_2241 = tpu.vector_load %arg6[%get3A_2240] {strides = array<i32>} : memref<4608xf32, #tpu.memory_space<vmem>>, vector<16xf32>,
      %get3A_2242 = arith.constant 2928 : index
      %get3A_2243 = tpu.vector_load %arg6[%get3A_2242] {strides = array<i32>} : memref<4608xf32, #tpu.memory_space<vmem>>, vector<16xf32>,
      %get3A_2244 = arith.constant 2944 : index
      %get3A_2245 = tpu.vector_load %arg6[%get3A_2244] {strides = array<i32>} : memref<4608xf32, #tpu.memory_space<vmem>>, vector<16xf32>,
      %get3A_2246 = arith.constant 2960 : index
      %get3A_2247 = tpu.vector_load %arg6[%get3A_2246] {strides = array<i32>} : memref<4608xf32, #tpu.memory_space<vmem>>, vector<16xf32>,
      %get3A_2248 = arith.constant 2976 : index
      %get3A_2249 = tpu.vector_load %arg6[%get3A_2248] {strides = array<i32>} : memref<4608xf32, #tpu.memory_space<vmem>>, vector<16xf32>,
      %get3A_2250 = arith.constant 2992 : index
      %get3A_2251 = tpu.vector_load %arg6[%get3A_2250] {strides = array<i32>} : memref<4608xf32, #tpu.memory_space<vmem>>, vector<16xf32>,
      %get3A_2252 = arith.constant 3008 : index
      %get3A_2253 = tpu.vector_load %arg6[%get3A_2252] {strides = array<i32>} : memref<4608xf32, #tpu.memory_space<vmem>>, vector<16xf32>,
      %mul3A_2254 = arith.mulf %get3A_201, %get3A_2237 : vector<16xf32>
      %add3A_2255 = arith.addf %get3A_2249, %mul3A_2254 : vector<16xf32>
      %mul3A_2256 = arith.mulf %get3A_207, %get3A_2239 : vector<16xf32>
      %add3A_2257 = arith.addf %add3A_2255, %mul3A_2256 : vector<16xf32>
      %mul3A_2258 = arith.mulf %get3A_213, %get3A_2241 : vector<16xf32>
      %add3A_2259 = arith.addf %add3A_2257, %mul3A_2258 : vector<16xf32>
      %mul3A_2260 = arith.mulf %get3A_219, %get3A_2243 : vector<16xf32>
      %add3A_2261 = arith.addf %add3A_2259, %mul3A_2260 : vector<16xf32>
      %mul3A_2262 = arith.mulf %get3A_225, %get3A_2245 : vector<16xf32>
      %add3A_2263 = arith.addf %add3A_2261, %mul3A_2262 : vector<16xf32>
      %mul3A_2264 = arith.mulf %get3A_231, %get3A_2247 : vector<16xf32>
      %add3A_2265 = arith.addf %add3A_2263, %mul3A_2264 : vector<16xf32>
      %max3A_2266 = arith.constant 0.000000e+00 : f32
      %max3A_2267 = vector.broadcast %max3A_2266 : f32 to vector<16xf32>
      %max3A_2268 = arith.maximumf %add3A_2265, %max3A_2267 : vector<16xf32>
      %mul3A_2269 = arith.mulf %max3A_2268, %get3A_2251 : vector<16xf32>
      %add3A_2270 = arith.addf %add3A_2176, %mul3A_2269 : vector<16xf32>
      %mul3A_2271 = arith.mulf %max3A_2268, %get3A_2253 : vector<16xf32>
      %add3A_2272 = arith.addf %add3A_2178, %mul3A_2271 : vector<16xf32>
      %mul3A_2273 = arith.mulf %get3A_237, %get3A_2237 : vector<16xf32>
      %add3A_2274 = arith.addf %get3A_2249, %mul3A_2273 : vector<16xf32>
      %mul3A_2275 = arith.mulf %get3A_243, %get3A_2239 : vector<16xf32>
      %add3A_2276 = arith.addf %add3A_2274, %mul3A_2275 : vector<16xf32>
      %mul3A_2277 = arith.mulf %get3A_249, %get3A_2241 : vector<16xf32>
      %add3A_2278 = arith.addf %add3A_2276, %mul3A_2277 : vector<16xf32>
      %mul3A_2279 = arith.mulf %get3A_255, %get3A_2243 : vector<16xf32>
      %add3A_2280 = arith.addf %add3A_2278, %mul3A_2279 : vector<16xf32>
      %mul3A_2281 = arith.mulf %get3A_261, %get3A_2245 : vector<16xf32>
      %add3A_2282 = arith.addf %add3A_2280, %mul3A_2281 : vector<16xf32>
      %mul3A_2283 = arith.mulf %get3A_267, %get3A_2247 : vector<16xf32>
      %add3A_2284 = arith.addf %add3A_2282, %mul3A_2283 : vector<16xf32>
      %max3A_2285 = arith.constant 0.000000e+00 : f32
      %max3A_2286 = vector.broadcast %max3A_2285 : f32 to vector<16xf32>
      %max3A_2287 = arith.maximumf %add3A_2284, %max3A_2286 : vector<16xf32>
      %mul3A_2288 = arith.mulf %max3A_2287, %get3A_2251 : vector<16xf32>
      %add3A_2289 = arith.addf %add3A_2195, %mul3A_2288 : vector<16xf32>
      %mul3A_2290 = arith.mulf %max3A_2287, %get3A_2253 : vector<16xf32>
      %add3A_2291 = arith.addf %add3A_2197, %mul3A_2290 : vector<16xf32>
      %mul3A_2292 = arith.mulf %get3A_273, %get3A_2237 : vector<16xf32>
      %add3A_2293 = arith.addf %get3A_2249, %mul3A_2292 : vector<16xf32>
      %mul3A_2294 = arith.mulf %get3A_279, %get3A_2239 : vector<16xf32>
      %add3A_2295 = arith.addf %add3A_2293, %mul3A_2294 : vector<16xf32>
      %mul3A_2296 = arith.mulf %get3A_285, %get3A_2241 : vector<16xf32>
      %add3A_2297 = arith.addf %add3A_2295, %mul3A_2296 : vector<16xf32>
      %mul3A_2298 = arith.mulf %get3A_291, %get3A_2243 : vector<16xf32>
      %add3A_2299 = arith.addf %add3A_2297, %mul3A_2298 : vector<16xf32>
      %mul3A_2300 = arith.mulf %get3A_297, %get3A_2245 : vector<16xf32>
      %add3A_2301 = arith.addf %add3A_2299, %mul3A_2300 : vector<16xf32>
      %mul3A_2302 = arith.mulf %get3A_303, %get3A_2247 : vector<16xf32>
      %add3A_2303 = arith.addf %add3A_2301, %mul3A_2302 : vector<16xf32>
      %max3A_2304 = arith.constant 0.000000e+00 : f32
      %max3A_2305 = vector.broadcast %max3A_2304 : f32 to vector<16xf32>
      %max3A_2306 = arith.maximumf %add3A_2303, %max3A_2305 : vector<16xf32>
      %mul3A_2307 = arith.mulf %max3A_2306, %get3A_2251 : vector<16xf32>
      %add3A_2308 = arith.addf %add3A_2214, %mul3A_2307 : vector<16xf32>
      %mul3A_2309 = arith.mulf %max3A_2306, %get3A_2253 : vector<16xf32>
      %add3A_2310 = arith.addf %add3A_2216, %mul3A_2309 : vector<16xf32>
      %mul3A_2311 = arith.mulf %get3A_309, %get3A_2237 : vector<16xf32>
      %add3A_2312 = arith.addf %get3A_2249, %mul3A_2311 : vector<16xf32>
      %mul3A_2313 = arith.mulf %get3A_315, %get3A_2239 : vector<16xf32>
      %add3A_2314 = arith.addf %add3A_2312, %mul3A_2313 : vector<16xf32>
      %mul3A_2315 = arith.mulf %get3A_321, %get3A_2241 : vector<16xf32>
      %add3A_2316 = arith.addf %add3A_2314, %mul3A_2315 : vector<16xf32>
      %mul3A_2317 = arith.mulf %get3A_327, %get3A_2243 : vector<16xf32>
      %add3A_2318 = arith.addf %add3A_2316, %mul3A_2317 : vector<16xf32>
      %mul3A_2319 = arith.mulf %get3A_333, %get3A_2245 : vector<16xf32>
      %add3A_2320 = arith.addf %add3A_2318, %mul3A_2319 : vector<16xf32>
      %mul3A_2321 = arith.mulf %get3A_339, %get3A_2247 : vector<16xf32>
      %add3A_2322 = arith.addf %add3A_2320, %mul3A_2321 : vector<16xf32>
      %max3A_2323 = arith.constant 0.000000e+00 : f32
      %max3A_2324 = vector.broadcast %max3A_2323 : f32 to vector<16xf32>
      %max3A_2325 = arith.maximumf %add3A_2322, %max3A_2324 : vector<16xf32>
      %mul3A_2326 = arith.mulf %max3A_2325, %get3A_2251 : vector<16xf32>
      %add3A_2327 = arith.addf %add3A_2233, %mul3A_2326 : vector<16xf32>
      %mul3A_2328 = arith.mulf %max3A_2325, %get3A_2253 : vector<16xf32>
      %add3A_2329 = arith.addf %add3A_2235, %mul3A_2328 : vector<16xf32>
      %get3A_2330 = arith.constant 3024 : index
      %get3A_2331 = tpu.vector_load %arg6[%get3A_2330] {strides = array<i32>} : memref<4608xf32, #tpu.memory_space<vmem>>, vector<16xf32>,
      %get3A_2332 = arith.constant 3040 : index
      %get3A_2333 = tpu.vector_load %arg6[%get3A_2332] {strides = array<i32>} : memref<4608xf32, #tpu.memory_space<vmem>>, vector<16xf32>,
      %get3A_2334 = arith.constant 3056 : index
      %get3A_2335 = tpu.vector_load %arg6[%get3A_2334] {strides = array<i32>} : memref<4608xf32, #tpu.memory_space<vmem>>, vector<16xf32>,
      %get3A_2336 = arith.constant 3072 : index
      %get3A_2337 = tpu.vector_load %arg6[%get3A_2336] {strides = array<i32>} : memref<4608xf32, #tpu.memory_space<vmem>>, vector<16xf32>,
      %get3A_2338 = arith.constant 3088 : index
      %get3A_2339 = tpu.vector_load %arg6[%get3A_2338] {strides = array<i32>} : memref<4608xf32, #tpu.memory_space<vmem>>, vector<16xf32>,
      %get3A_2340 = arith.constant 3104 : index
      %get3A_2341 = tpu.vector_load %arg6[%get3A_2340] {strides = array<i32>} : memref<4608xf32, #tpu.memory_space<vmem>>, vector<16xf32>,
      %get3A_2342 = arith.constant 3120 : index
      %get3A_2343 = tpu.vector_load %arg6[%get3A_2342] {strides = array<i32>} : memref<4608xf32, #tpu.memory_space<vmem>>, vector<16xf32>,
      %get3A_2344 = arith.constant 3136 : index
      %get3A_2345 = tpu.vector_load %arg6[%get3A_2344] {strides = array<i32>} : memref<4608xf32, #tpu.memory_space<vmem>>, vector<16xf32>,
      %get3A_2346 = arith.constant 3152 : index
      %get3A_2347 = tpu.vector_load %arg6[%get3A_2346] {strides = array<i32>} : memref<4608xf32, #tpu.memory_space<vmem>>, vector<16xf32>,
      %mul3A_2348 = arith.mulf %get3A_201, %get3A_2331 : vector<16xf32>
      %add3A_2349 = arith.addf %get3A_2343, %mul3A_2348 : vector<16xf32>
      %mul3A_2350 = arith.mulf %get3A_207, %get3A_2333 : vector<16xf32>
      %add3A_2351 = arith.addf %add3A_2349, %mul3A_2350 : vector<16xf32>
      %mul3A_2352 = arith.mulf %get3A_213, %get3A_2335 : vector<16xf32>
      %add3A_2353 = arith.addf %add3A_2351, %mul3A_2352 : vector<16xf32>
      %mul3A_2354 = arith.mulf %get3A_219, %get3A_2337 : vector<16xf32>
      %add3A_2355 = arith.addf %add3A_2353, %mul3A_2354 : vector<16xf32>
      %mul3A_2356 = arith.mulf %get3A_225, %get3A_2339 : vector<16xf32>
      %add3A_2357 = arith.addf %add3A_2355, %mul3A_2356 : vector<16xf32>
      %mul3A_2358 = arith.mulf %get3A_231, %get3A_2341 : vector<16xf32>
      %add3A_2359 = arith.addf %add3A_2357, %mul3A_2358 : vector<16xf32>
      %max3A_2360 = arith.constant 0.000000e+00 : f32
      %max3A_2361 = vector.broadcast %max3A_2360 : f32 to vector<16xf32>
      %max3A_2362 = arith.maximumf %add3A_2359, %max3A_2361 : vector<16xf32>
      %mul3A_2363 = arith.mulf %max3A_2362, %get3A_2345 : vector<16xf32>
      %add3A_2364 = arith.addf %add3A_2270, %mul3A_2363 : vector<16xf32>
      %mul3A_2365 = arith.mulf %max3A_2362, %get3A_2347 : vector<16xf32>
      %add3A_2366 = arith.addf %add3A_2272, %mul3A_2365 : vector<16xf32>
      %mul3A_2367 = arith.mulf %get3A_237, %get3A_2331 : vector<16xf32>
      %add3A_2368 = arith.addf %get3A_2343, %mul3A_2367 : vector<16xf32>
      %mul3A_2369 = arith.mulf %get3A_243, %get3A_2333 : vector<16xf32>
      %add3A_2370 = arith.addf %add3A_2368, %mul3A_2369 : vector<16xf32>
      %mul3A_2371 = arith.mulf %get3A_249, %get3A_2335 : vector<16xf32>
      %add3A_2372 = arith.addf %add3A_2370, %mul3A_2371 : vector<16xf32>
      %mul3A_2373 = arith.mulf %get3A_255, %get3A_2337 : vector<16xf32>
      %add3A_2374 = arith.addf %add3A_2372, %mul3A_2373 : vector<16xf32>
      %mul3A_2375 = arith.mulf %get3A_261, %get3A_2339 : vector<16xf32>
      %add3A_2376 = arith.addf %add3A_2374, %mul3A_2375 : vector<16xf32>
      %mul3A_2377 = arith.mulf %get3A_267, %get3A_2341 : vector<16xf32>
      %add3A_2378 = arith.addf %add3A_2376, %mul3A_2377 : vector<16xf32>
      %max3A_2379 = arith.constant 0.000000e+00 : f32
      %max3A_2380 = vector.broadcast %max3A_2379 : f32 to vector<16xf32>
      %max3A_2381 = arith.maximumf %add3A_2378, %max3A_2380 : vector<16xf32>
      %mul3A_2382 = arith.mulf %max3A_2381, %get3A_2345 : vector<16xf32>
      %add3A_2383 = arith.addf %add3A_2289, %mul3A_2382 : vector<16xf32>
      %mul3A_2384 = arith.mulf %max3A_2381, %get3A_2347 : vector<16xf32>
      %add3A_2385 = arith.addf %add3A_2291, %mul3A_2384 : vector<16xf32>
      %mul3A_2386 = arith.mulf %get3A_273, %get3A_2331 : vector<16xf32>
      %add3A_2387 = arith.addf %get3A_2343, %mul3A_2386 : vector<16xf32>
      %mul3A_2388 = arith.mulf %get3A_279, %get3A_2333 : vector<16xf32>
      %add3A_2389 = arith.addf %add3A_2387, %mul3A_2388 : vector<16xf32>
      %mul3A_2390 = arith.mulf %get3A_285, %get3A_2335 : vector<16xf32>
      %add3A_2391 = arith.addf %add3A_2389, %mul3A_2390 : vector<16xf32>
      %mul3A_2392 = arith.mulf %get3A_291, %get3A_2337 : vector<16xf32>
      %add3A_2393 = arith.addf %add3A_2391, %mul3A_2392 : vector<16xf32>
      %mul3A_2394 = arith.mulf %get3A_297, %get3A_2339 : vector<16xf32>
      %add3A_2395 = arith.addf %add3A_2393, %mul3A_2394 : vector<16xf32>
      %mul3A_2396 = arith.mulf %get3A_303, %get3A_2341 : vector<16xf32>
      %add3A_2397 = arith.addf %add3A_2395, %mul3A_2396 : vector<16xf32>
      %max3A_2398 = arith.constant 0.000000e+00 : f32
      %max3A_2399 = vector.broadcast %max3A_2398 : f32 to vector<16xf32>
      %max3A_2400 = arith.maximumf %add3A_2397, %max3A_2399 : vector<16xf32>
      %mul3A_2401 = arith.mulf %max3A_2400, %get3A_2345 : vector<16xf32>
      %add3A_2402 = arith.addf %add3A_2308, %mul3A_2401 : vector<16xf32>
      %mul3A_2403 = arith.mulf %max3A_2400, %get3A_2347 : vector<16xf32>
      %add3A_2404 = arith.addf %add3A_2310, %mul3A_2403 : vector<16xf32>
      %mul3A_2405 = arith.mulf %get3A_309, %get3A_2331 : vector<16xf32>
      %add3A_2406 = arith.addf %get3A_2343, %mul3A_2405 : vector<16xf32>
      %mul3A_2407 = arith.mulf %get3A_315, %get3A_2333 : vector<16xf32>
      %add3A_2408 = arith.addf %add3A_2406, %mul3A_2407 : vector<16xf32>
      %mul3A_2409 = arith.mulf %get3A_321, %get3A_2335 : vector<16xf32>
      %add3A_2410 = arith.addf %add3A_2408, %mul3A_2409 : vector<16xf32>
      %mul3A_2411 = arith.mulf %get3A_327, %get3A_2337 : vector<16xf32>
      %add3A_2412 = arith.addf %add3A_2410, %mul3A_2411 : vector<16xf32>
      %mul3A_2413 = arith.mulf %get3A_333, %get3A_2339 : vector<16xf32>
      %add3A_2414 = arith.addf %add3A_2412, %mul3A_2413 : vector<16xf32>
      %mul3A_2415 = arith.mulf %get3A_339, %get3A_2341 : vector<16xf32>
      %add3A_2416 = arith.addf %add3A_2414, %mul3A_2415 : vector<16xf32>
      %max3A_2417 = arith.constant 0.000000e+00 : f32
      %max3A_2418 = vector.broadcast %max3A_2417 : f32 to vector<16xf32>
      %max3A_2419 = arith.maximumf %add3A_2416, %max3A_2418 : vector<16xf32>
      %mul3A_2420 = arith.mulf %max3A_2419, %get3A_2345 : vector<16xf32>
      %add3A_2421 = arith.addf %add3A_2327, %mul3A_2420 : vector<16xf32>
      %mul3A_2422 = arith.mulf %max3A_2419, %get3A_2347 : vector<16xf32>
      %add3A_2423 = arith.addf %add3A_2329, %mul3A_2422 : vector<16xf32>
      %get3A_2424 = arith.constant 3168 : index
      %get3A_2425 = tpu.vector_load %arg6[%get3A_2424] {strides = array<i32>} : memref<4608xf32, #tpu.memory_space<vmem>>, vector<16xf32>,
      %get3A_2426 = arith.constant 3184 : index
      %get3A_2427 = tpu.vector_load %arg6[%get3A_2426] {strides = array<i32>} : memref<4608xf32, #tpu.memory_space<vmem>>, vector<16xf32>,
      %get3A_2428 = arith.constant 3200 : index
      %get3A_2429 = tpu.vector_load %arg6[%get3A_2428] {strides = array<i32>} : memref<4608xf32, #tpu.memory_space<vmem>>, vector<16xf32>,
      %get3A_2430 = arith.constant 3216 : index
      %get3A_2431 = tpu.vector_load %arg6[%get3A_2430] {strides = array<i32>} : memref<4608xf32, #tpu.memory_space<vmem>>, vector<16xf32>,
      %get3A_2432 = arith.constant 3232 : index
      %get3A_2433 = tpu.vector_load %arg6[%get3A_2432] {strides = array<i32>} : memref<4608xf32, #tpu.memory_space<vmem>>, vector<16xf32>,
      %get3A_2434 = arith.constant 3248 : index
      %get3A_2435 = tpu.vector_load %arg6[%get3A_2434] {strides = array<i32>} : memref<4608xf32, #tpu.memory_space<vmem>>, vector<16xf32>,
      %get3A_2436 = arith.constant 3264 : index
      %get3A_2437 = tpu.vector_load %arg6[%get3A_2436] {strides = array<i32>} : memref<4608xf32, #tpu.memory_space<vmem>>, vector<16xf32>,
      %get3A_2438 = arith.constant 3280 : index
      %get3A_2439 = tpu.vector_load %arg6[%get3A_2438] {strides = array<i32>} : memref<4608xf32, #tpu.memory_space<vmem>>, vector<16xf32>,
      %get3A_2440 = arith.constant 3296 : index
      %get3A_2441 = tpu.vector_load %arg6[%get3A_2440] {strides = array<i32>} : memref<4608xf32, #tpu.memory_space<vmem>>, vector<16xf32>,
      %mul3A_2442 = arith.mulf %get3A_201, %get3A_2425 : vector<16xf32>
      %add3A_2443 = arith.addf %get3A_2437, %mul3A_2442 : vector<16xf32>
      %mul3A_2444 = arith.mulf %get3A_207, %get3A_2427 : vector<16xf32>
      %add3A_2445 = arith.addf %add3A_2443, %mul3A_2444 : vector<16xf32>
      %mul3A_2446 = arith.mulf %get3A_213, %get3A_2429 : vector<16xf32>
      %add3A_2447 = arith.addf %add3A_2445, %mul3A_2446 : vector<16xf32>
      %mul3A_2448 = arith.mulf %get3A_219, %get3A_2431 : vector<16xf32>
      %add3A_2449 = arith.addf %add3A_2447, %mul3A_2448 : vector<16xf32>
      %mul3A_2450 = arith.mulf %get3A_225, %get3A_2433 : vector<16xf32>
      %add3A_2451 = arith.addf %add3A_2449, %mul3A_2450 : vector<16xf32>
      %mul3A_2452 = arith.mulf %get3A_231, %get3A_2435 : vector<16xf32>
      %add3A_2453 = arith.addf %add3A_2451, %mul3A_2452 : vector<16xf32>
      %max3A_2454 = arith.constant 0.000000e+00 : f32
      %max3A_2455 = vector.broadcast %max3A_2454 : f32 to vector<16xf32>
      %max3A_2456 = arith.maximumf %add3A_2453, %max3A_2455 : vector<16xf32>
      %mul3A_2457 = arith.mulf %max3A_2456, %get3A_2439 : vector<16xf32>
      %add3A_2458 = arith.addf %add3A_2364, %mul3A_2457 : vector<16xf32>
      %mul3A_2459 = arith.mulf %max3A_2456, %get3A_2441 : vector<16xf32>
      %add3A_2460 = arith.addf %add3A_2366, %mul3A_2459 : vector<16xf32>
      %mul3A_2461 = arith.mulf %get3A_237, %get3A_2425 : vector<16xf32>
      %add3A_2462 = arith.addf %get3A_2437, %mul3A_2461 : vector<16xf32>
      %mul3A_2463 = arith.mulf %get3A_243, %get3A_2427 : vector<16xf32>
      %add3A_2464 = arith.addf %add3A_2462, %mul3A_2463 : vector<16xf32>
      %mul3A_2465 = arith.mulf %get3A_249, %get3A_2429 : vector<16xf32>
      %add3A_2466 = arith.addf %add3A_2464, %mul3A_2465 : vector<16xf32>
      %mul3A_2467 = arith.mulf %get3A_255, %get3A_2431 : vector<16xf32>
      %add3A_2468 = arith.addf %add3A_2466, %mul3A_2467 : vector<16xf32>
      %mul3A_2469 = arith.mulf %get3A_261, %get3A_2433 : vector<16xf32>
      %add3A_2470 = arith.addf %add3A_2468, %mul3A_2469 : vector<16xf32>
      %mul3A_2471 = arith.mulf %get3A_267, %get3A_2435 : vector<16xf32>
      %add3A_2472 = arith.addf %add3A_2470, %mul3A_2471 : vector<16xf32>
      %max3A_2473 = arith.constant 0.000000e+00 : f32
      %max3A_2474 = vector.broadcast %max3A_2473 : f32 to vector<16xf32>
      %max3A_2475 = arith.maximumf %add3A_2472, %max3A_2474 : vector<16xf32>
      %mul3A_2476 = arith.mulf %max3A_2475, %get3A_2439 : vector<16xf32>
      %add3A_2477 = arith.addf %add3A_2383, %mul3A_2476 : vector<16xf32>
      %mul3A_2478 = arith.mulf %max3A_2475, %get3A_2441 : vector<16xf32>
      %add3A_2479 = arith.addf %add3A_2385, %mul3A_2478 : vector<16xf32>
      %mul3A_2480 = arith.mulf %get3A_273, %get3A_2425 : vector<16xf32>
      %add3A_2481 = arith.addf %get3A_2437, %mul3A_2480 : vector<16xf32>
      %mul3A_2482 = arith.mulf %get3A_279, %get3A_2427 : vector<16xf32>
      %add3A_2483 = arith.addf %add3A_2481, %mul3A_2482 : vector<16xf32>
      %mul3A_2484 = arith.mulf %get3A_285, %get3A_2429 : vector<16xf32>
      %add3A_2485 = arith.addf %add3A_2483, %mul3A_2484 : vector<16xf32>
      %mul3A_2486 = arith.mulf %get3A_291, %get3A_2431 : vector<16xf32>
      %add3A_2487 = arith.addf %add3A_2485, %mul3A_2486 : vector<16xf32>
      %mul3A_2488 = arith.mulf %get3A_297, %get3A_2433 : vector<16xf32>
      %add3A_2489 = arith.addf %add3A_2487, %mul3A_2488 : vector<16xf32>
      %mul3A_2490 = arith.mulf %get3A_303, %get3A_2435 : vector<16xf32>
      %add3A_2491 = arith.addf %add3A_2489, %mul3A_2490 : vector<16xf32>
      %max3A_2492 = arith.constant 0.000000e+00 : f32
      %max3A_2493 = vector.broadcast %max3A_2492 : f32 to vector<16xf32>
      %max3A_2494 = arith.maximumf %add3A_2491, %max3A_2493 : vector<16xf32>
      %mul3A_2495 = arith.mulf %max3A_2494, %get3A_2439 : vector<16xf32>
      %add3A_2496 = arith.addf %add3A_2402, %mul3A_2495 : vector<16xf32>
      %mul3A_2497 = arith.mulf %max3A_2494, %get3A_2441 : vector<16xf32>
      %add3A_2498 = arith.addf %add3A_2404, %mul3A_2497 : vector<16xf32>
      %mul3A_2499 = arith.mulf %get3A_309, %get3A_2425 : vector<16xf32>
      %add3A_2500 = arith.addf %get3A_2437, %mul3A_2499 : vector<16xf32>
      %mul3A_2501 = arith.mulf %get3A_315, %get3A_2427 : vector<16xf32>
      %add3A_2502 = arith.addf %add3A_2500, %mul3A_2501 : vector<16xf32>
      %mul3A_2503 = arith.mulf %get3A_321, %get3A_2429 : vector<16xf32>
      %add3A_2504 = arith.addf %add3A_2502, %mul3A_2503 : vector<16xf32>
      %mul3A_2505 = arith.mulf %get3A_327, %get3A_2431 : vector<16xf32>
      %add3A_2506 = arith.addf %add3A_2504, %mul3A_2505 : vector<16xf32>
      %mul3A_2507 = arith.mulf %get3A_333, %get3A_2433 : vector<16xf32>
      %add3A_2508 = arith.addf %add3A_2506, %mul3A_2507 : vector<16xf32>
      %mul3A_2509 = arith.mulf %get3A_339, %get3A_2435 : vector<16xf32>
      %add3A_2510 = arith.addf %add3A_2508, %mul3A_2509 : vector<16xf32>
      %max3A_2511 = arith.constant 0.000000e+00 : f32
      %max3A_2512 = vector.broadcast %max3A_2511 : f32 to vector<16xf32>
      %max3A_2513 = arith.maximumf %add3A_2510, %max3A_2512 : vector<16xf32>
      %mul3A_2514 = arith.mulf %max3A_2513, %get3A_2439 : vector<16xf32>
      %add3A_2515 = arith.addf %add3A_2421, %mul3A_2514 : vector<16xf32>
      %mul3A_2516 = arith.mulf %max3A_2513, %get3A_2441 : vector<16xf32>
      %add3A_2517 = arith.addf %add3A_2423, %mul3A_2516 : vector<16xf32>
      %get3A_2518 = arith.constant 3312 : index
      %get3A_2519 = tpu.vector_load %arg6[%get3A_2518] {strides = array<i32>} : memref<4608xf32, #tpu.memory_space<vmem>>, vector<16xf32>,
      %get3A_2520 = arith.constant 3328 : index
      %get3A_2521 = tpu.vector_load %arg6[%get3A_2520] {strides = array<i32>} : memref<4608xf32, #tpu.memory_space<vmem>>, vector<16xf32>,
      %get3A_2522 = arith.constant 3344 : index
      %get3A_2523 = tpu.vector_load %arg6[%get3A_2522] {strides = array<i32>} : memref<4608xf32, #tpu.memory_space<vmem>>, vector<16xf32>,
      %get3A_2524 = arith.constant 3360 : index
      %get3A_2525 = tpu.vector_load %arg6[%get3A_2524] {strides = array<i32>} : memref<4608xf32, #tpu.memory_space<vmem>>, vector<16xf32>,
      %get3A_2526 = arith.constant 3376 : index
      %get3A_2527 = tpu.vector_load %arg6[%get3A_2526] {strides = array<i32>} : memref<4608xf32, #tpu.memory_space<vmem>>, vector<16xf32>,
      %get3A_2528 = arith.constant 3392 : index
      %get3A_2529 = tpu.vector_load %arg6[%get3A_2528] {strides = array<i32>} : memref<4608xf32, #tpu.memory_space<vmem>>, vector<16xf32>,
      %get3A_2530 = arith.constant 3408 : index
      %get3A_2531 = tpu.vector_load %arg6[%get3A_2530] {strides = array<i32>} : memref<4608xf32, #tpu.memory_space<vmem>>, vector<16xf32>,
      %get3A_2532 = arith.constant 3424 : index
      %get3A_2533 = tpu.vector_load %arg6[%get3A_2532] {strides = array<i32>} : memref<4608xf32, #tpu.memory_space<vmem>>, vector<16xf32>,
      %get3A_2534 = arith.constant 3440 : index
      %get3A_2535 = tpu.vector_load %arg6[%get3A_2534] {strides = array<i32>} : memref<4608xf32, #tpu.memory_space<vmem>>, vector<16xf32>,
      %mul3A_2536 = arith.mulf %get3A_201, %get3A_2519 : vector<16xf32>
      %add3A_2537 = arith.addf %get3A_2531, %mul3A_2536 : vector<16xf32>
      %mul3A_2538 = arith.mulf %get3A_207, %get3A_2521 : vector<16xf32>
      %add3A_2539 = arith.addf %add3A_2537, %mul3A_2538 : vector<16xf32>
      %mul3A_2540 = arith.mulf %get3A_213, %get3A_2523 : vector<16xf32>
      %add3A_2541 = arith.addf %add3A_2539, %mul3A_2540 : vector<16xf32>
      %mul3A_2542 = arith.mulf %get3A_219, %get3A_2525 : vector<16xf32>
      %add3A_2543 = arith.addf %add3A_2541, %mul3A_2542 : vector<16xf32>
      %mul3A_2544 = arith.mulf %get3A_225, %get3A_2527 : vector<16xf32>
      %add3A_2545 = arith.addf %add3A_2543, %mul3A_2544 : vector<16xf32>
      %mul3A_2546 = arith.mulf %get3A_231, %get3A_2529 : vector<16xf32>
      %add3A_2547 = arith.addf %add3A_2545, %mul3A_2546 : vector<16xf32>
      %max3A_2548 = arith.constant 0.000000e+00 : f32
      %max3A_2549 = vector.broadcast %max3A_2548 : f32 to vector<16xf32>
      %max3A_2550 = arith.maximumf %add3A_2547, %max3A_2549 : vector<16xf32>
      %mul3A_2551 = arith.mulf %max3A_2550, %get3A_2533 : vector<16xf32>
      %add3A_2552 = arith.addf %add3A_2458, %mul3A_2551 : vector<16xf32>
      %mul3A_2553 = arith.mulf %max3A_2550, %get3A_2535 : vector<16xf32>
      %add3A_2554 = arith.addf %add3A_2460, %mul3A_2553 : vector<16xf32>
      %mul3A_2555 = arith.mulf %get3A_237, %get3A_2519 : vector<16xf32>
      %add3A_2556 = arith.addf %get3A_2531, %mul3A_2555 : vector<16xf32>
      %mul3A_2557 = arith.mulf %get3A_243, %get3A_2521 : vector<16xf32>
      %add3A_2558 = arith.addf %add3A_2556, %mul3A_2557 : vector<16xf32>
      %mul3A_2559 = arith.mulf %get3A_249, %get3A_2523 : vector<16xf32>
      %add3A_2560 = arith.addf %add3A_2558, %mul3A_2559 : vector<16xf32>
      %mul3A_2561 = arith.mulf %get3A_255, %get3A_2525 : vector<16xf32>
      %add3A_2562 = arith.addf %add3A_2560, %mul3A_2561 : vector<16xf32>
      %mul3A_2563 = arith.mulf %get3A_261, %get3A_2527 : vector<16xf32>
      %add3A_2564 = arith.addf %add3A_2562, %mul3A_2563 : vector<16xf32>
      %mul3A_2565 = arith.mulf %get3A_267, %get3A_2529 : vector<16xf32>
      %add3A_2566 = arith.addf %add3A_2564, %mul3A_2565 : vector<16xf32>
      %max3A_2567 = arith.constant 0.000000e+00 : f32
      %max3A_2568 = vector.broadcast %max3A_2567 : f32 to vector<16xf32>
      %max3A_2569 = arith.maximumf %add3A_2566, %max3A_2568 : vector<16xf32>
      %mul3A_2570 = arith.mulf %max3A_2569, %get3A_2533 : vector<16xf32>
      %add3A_2571 = arith.addf %add3A_2477, %mul3A_2570 : vector<16xf32>
      %mul3A_2572 = arith.mulf %max3A_2569, %get3A_2535 : vector<16xf32>
      %add3A_2573 = arith.addf %add3A_2479, %mul3A_2572 : vector<16xf32>
      %mul3A_2574 = arith.mulf %get3A_273, %get3A_2519 : vector<16xf32>
      %add3A_2575 = arith.addf %get3A_2531, %mul3A_2574 : vector<16xf32>
      %mul3A_2576 = arith.mulf %get3A_279, %get3A_2521 : vector<16xf32>
      %add3A_2577 = arith.addf %add3A_2575, %mul3A_2576 : vector<16xf32>
      %mul3A_2578 = arith.mulf %get3A_285, %get3A_2523 : vector<16xf32>
      %add3A_2579 = arith.addf %add3A_2577, %mul3A_2578 : vector<16xf32>
      %mul3A_2580 = arith.mulf %get3A_291, %get3A_2525 : vector<16xf32>
      %add3A_2581 = arith.addf %add3A_2579, %mul3A_2580 : vector<16xf32>
      %mul3A_2582 = arith.mulf %get3A_297, %get3A_2527 : vector<16xf32>
      %add3A_2583 = arith.addf %add3A_2581, %mul3A_2582 : vector<16xf32>
      %mul3A_2584 = arith.mulf %get3A_303, %get3A_2529 : vector<16xf32>
      %add3A_2585 = arith.addf %add3A_2583, %mul3A_2584 : vector<16xf32>
      %max3A_2586 = arith.constant 0.000000e+00 : f32
      %max3A_2587 = vector.broadcast %max3A_2586 : f32 to vector<16xf32>
      %max3A_2588 = arith.maximumf %add3A_2585, %max3A_2587 : vector<16xf32>
      %mul3A_2589 = arith.mulf %max3A_2588, %get3A_2533 : vector<16xf32>
      %add3A_2590 = arith.addf %add3A_2496, %mul3A_2589 : vector<16xf32>
      %mul3A_2591 = arith.mulf %max3A_2588, %get3A_2535 : vector<16xf32>
      %add3A_2592 = arith.addf %add3A_2498, %mul3A_2591 : vector<16xf32>
      %mul3A_2593 = arith.mulf %get3A_309, %get3A_2519 : vector<16xf32>
      %add3A_2594 = arith.addf %get3A_2531, %mul3A_2593 : vector<16xf32>
      %mul3A_2595 = arith.mulf %get3A_315, %get3A_2521 : vector<16xf32>
      %add3A_2596 = arith.addf %add3A_2594, %mul3A_2595 : vector<16xf32>
      %mul3A_2597 = arith.mulf %get3A_321, %get3A_2523 : vector<16xf32>
      %add3A_2598 = arith.addf %add3A_2596, %mul3A_2597 : vector<16xf32>
      %mul3A_2599 = arith.mulf %get3A_327, %get3A_2525 : vector<16xf32>
      %add3A_2600 = arith.addf %add3A_2598, %mul3A_2599 : vector<16xf32>
      %mul3A_2601 = arith.mulf %get3A_333, %get3A_2527 : vector<16xf32>
      %add3A_2602 = arith.addf %add3A_2600, %mul3A_2601 : vector<16xf32>
      %mul3A_2603 = arith.mulf %get3A_339, %get3A_2529 : vector<16xf32>
      %add3A_2604 = arith.addf %add3A_2602, %mul3A_2603 : vector<16xf32>
      %max3A_2605 = arith.constant 0.000000e+00 : f32
      %max3A_2606 = vector.broadcast %max3A_2605 : f32 to vector<16xf32>
      %max3A_2607 = arith.maximumf %add3A_2604, %max3A_2606 : vector<16xf32>
      %mul3A_2608 = arith.mulf %max3A_2607, %get3A_2533 : vector<16xf32>
      %add3A_2609 = arith.addf %add3A_2515, %mul3A_2608 : vector<16xf32>
      %mul3A_2610 = arith.mulf %max3A_2607, %get3A_2535 : vector<16xf32>
      %add3A_2611 = arith.addf %add3A_2517, %mul3A_2610 : vector<16xf32>
      %get3A_2612 = arith.constant 3456 : index
      %get3A_2613 = tpu.vector_load %arg6[%get3A_2612] {strides = array<i32>} : memref<4608xf32, #tpu.memory_space<vmem>>, vector<16xf32>,
      %get3A_2614 = arith.constant 3472 : index
      %get3A_2615 = tpu.vector_load %arg6[%get3A_2614] {strides = array<i32>} : memref<4608xf32, #tpu.memory_space<vmem>>, vector<16xf32>,
      %get3A_2616 = arith.constant 3488 : index
      %get3A_2617 = tpu.vector_load %arg6[%get3A_2616] {strides = array<i32>} : memref<4608xf32, #tpu.memory_space<vmem>>, vector<16xf32>,
      %get3A_2618 = arith.constant 3504 : index
      %get3A_2619 = tpu.vector_load %arg6[%get3A_2618] {strides = array<i32>} : memref<4608xf32, #tpu.memory_space<vmem>>, vector<16xf32>,
      %get3A_2620 = arith.constant 3520 : index
      %get3A_2621 = tpu.vector_load %arg6[%get3A_2620] {strides = array<i32>} : memref<4608xf32, #tpu.memory_space<vmem>>, vector<16xf32>,
      %get3A_2622 = arith.constant 3536 : index
      %get3A_2623 = tpu.vector_load %arg6[%get3A_2622] {strides = array<i32>} : memref<4608xf32, #tpu.memory_space<vmem>>, vector<16xf32>,
      %get3A_2624 = arith.constant 3552 : index
      %get3A_2625 = tpu.vector_load %arg6[%get3A_2624] {strides = array<i32>} : memref<4608xf32, #tpu.memory_space<vmem>>, vector<16xf32>,
      %get3A_2626 = arith.constant 3568 : index
      %get3A_2627 = tpu.vector_load %arg6[%get3A_2626] {strides = array<i32>} : memref<4608xf32, #tpu.memory_space<vmem>>, vector<16xf32>,
      %get3A_2628 = arith.constant 3584 : index
      %get3A_2629 = tpu.vector_load %arg6[%get3A_2628] {strides = array<i32>} : memref<4608xf32, #tpu.memory_space<vmem>>, vector<16xf32>,
      %mul3A_2630 = arith.mulf %get3A_201, %get3A_2613 : vector<16xf32>
      %add3A_2631 = arith.addf %get3A_2625, %mul3A_2630 : vector<16xf32>
      %mul3A_2632 = arith.mulf %get3A_207, %get3A_2615 : vector<16xf32>
      %add3A_2633 = arith.addf %add3A_2631, %mul3A_2632 : vector<16xf32>
      %mul3A_2634 = arith.mulf %get3A_213, %get3A_2617 : vector<16xf32>
      %add3A_2635 = arith.addf %add3A_2633, %mul3A_2634 : vector<16xf32>
      %mul3A_2636 = arith.mulf %get3A_219, %get3A_2619 : vector<16xf32>
      %add3A_2637 = arith.addf %add3A_2635, %mul3A_2636 : vector<16xf32>
      %mul3A_2638 = arith.mulf %get3A_225, %get3A_2621 : vector<16xf32>
      %add3A_2639 = arith.addf %add3A_2637, %mul3A_2638 : vector<16xf32>
      %mul3A_2640 = arith.mulf %get3A_231, %get3A_2623 : vector<16xf32>
      %add3A_2641 = arith.addf %add3A_2639, %mul3A_2640 : vector<16xf32>
      %max3A_2642 = arith.constant 0.000000e+00 : f32
      %max3A_2643 = vector.broadcast %max3A_2642 : f32 to vector<16xf32>
      %max3A_2644 = arith.maximumf %add3A_2641, %max3A_2643 : vector<16xf32>
      %mul3A_2645 = arith.mulf %max3A_2644, %get3A_2627 : vector<16xf32>
      %add3A_2646 = arith.addf %add3A_2552, %mul3A_2645 : vector<16xf32>
      %mul3A_2647 = arith.mulf %max3A_2644, %get3A_2629 : vector<16xf32>
      %add3A_2648 = arith.addf %add3A_2554, %mul3A_2647 : vector<16xf32>
      %mul3A_2649 = arith.mulf %get3A_237, %get3A_2613 : vector<16xf32>
      %add3A_2650 = arith.addf %get3A_2625, %mul3A_2649 : vector<16xf32>
      %mul3A_2651 = arith.mulf %get3A_243, %get3A_2615 : vector<16xf32>
      %add3A_2652 = arith.addf %add3A_2650, %mul3A_2651 : vector<16xf32>
      %mul3A_2653 = arith.mulf %get3A_249, %get3A_2617 : vector<16xf32>
      %add3A_2654 = arith.addf %add3A_2652, %mul3A_2653 : vector<16xf32>
      %mul3A_2655 = arith.mulf %get3A_255, %get3A_2619 : vector<16xf32>
      %add3A_2656 = arith.addf %add3A_2654, %mul3A_2655 : vector<16xf32>
      %mul3A_2657 = arith.mulf %get3A_261, %get3A_2621 : vector<16xf32>
      %add3A_2658 = arith.addf %add3A_2656, %mul3A_2657 : vector<16xf32>
      %mul3A_2659 = arith.mulf %get3A_267, %get3A_2623 : vector<16xf32>
      %add3A_2660 = arith.addf %add3A_2658, %mul3A_2659 : vector<16xf32>
      %max3A_2661 = arith.constant 0.000000e+00 : f32
      %max3A_2662 = vector.broadcast %max3A_2661 : f32 to vector<16xf32>
      %max3A_2663 = arith.maximumf %add3A_2660, %max3A_2662 : vector<16xf32>
      %mul3A_2664 = arith.mulf %max3A_2663, %get3A_2627 : vector<16xf32>
      %add3A_2665 = arith.addf %add3A_2571, %mul3A_2664 : vector<16xf32>
      %mul3A_2666 = arith.mulf %max3A_2663, %get3A_2629 : vector<16xf32>
      %add3A_2667 = arith.addf %add3A_2573, %mul3A_2666 : vector<16xf32>
      %mul3A_2668 = arith.mulf %get3A_273, %get3A_2613 : vector<16xf32>
      %add3A_2669 = arith.addf %get3A_2625, %mul3A_2668 : vector<16xf32>
      %mul3A_2670 = arith.mulf %get3A_279, %get3A_2615 : vector<16xf32>
      %add3A_2671 = arith.addf %add3A_2669, %mul3A_2670 : vector<16xf32>
      %mul3A_2672 = arith.mulf %get3A_285, %get3A_2617 : vector<16xf32>
      %add3A_2673 = arith.addf %add3A_2671, %mul3A_2672 : vector<16xf32>
      %mul3A_2674 = arith.mulf %get3A_291, %get3A_2619 : vector<16xf32>
      %add3A_2675 = arith.addf %add3A_2673, %mul3A_2674 : vector<16xf32>
      %mul3A_2676 = arith.mulf %get3A_297, %get3A_2621 : vector<16xf32>
      %add3A_2677 = arith.addf %add3A_2675, %mul3A_2676 : vector<16xf32>
      %mul3A_2678 = arith.mulf %get3A_303, %get3A_2623 : vector<16xf32>
      %add3A_2679 = arith.addf %add3A_2677, %mul3A_2678 : vector<16xf32>
      %max3A_2680 = arith.constant 0.000000e+00 : f32
      %max3A_2681 = vector.broadcast %max3A_2680 : f32 to vector<16xf32>
      %max3A_2682 = arith.maximumf %add3A_2679, %max3A_2681 : vector<16xf32>
      %mul3A_2683 = arith.mulf %max3A_2682, %get3A_2627 : vector<16xf32>
      %add3A_2684 = arith.addf %add3A_2590, %mul3A_2683 : vector<16xf32>
      %mul3A_2685 = arith.mulf %max3A_2682, %get3A_2629 : vector<16xf32>
      %add3A_2686 = arith.addf %add3A_2592, %mul3A_2685 : vector<16xf32>
      %mul3A_2687 = arith.mulf %get3A_309, %get3A_2613 : vector<16xf32>
      %add3A_2688 = arith.addf %get3A_2625, %mul3A_2687 : vector<16xf32>
      %mul3A_2689 = arith.mulf %get3A_315, %get3A_2615 : vector<16xf32>
      %add3A_2690 = arith.addf %add3A_2688, %mul3A_2689 : vector<16xf32>
      %mul3A_2691 = arith.mulf %get3A_321, %get3A_2617 : vector<16xf32>
      %add3A_2692 = arith.addf %add3A_2690, %mul3A_2691 : vector<16xf32>
      %mul3A_2693 = arith.mulf %get3A_327, %get3A_2619 : vector<16xf32>
      %add3A_2694 = arith.addf %add3A_2692, %mul3A_2693 : vector<16xf32>
      %mul3A_2695 = arith.mulf %get3A_333, %get3A_2621 : vector<16xf32>
      %add3A_2696 = arith.addf %add3A_2694, %mul3A_2695 : vector<16xf32>
      %mul3A_2697 = arith.mulf %get3A_339, %get3A_2623 : vector<16xf32>
      %add3A_2698 = arith.addf %add3A_2696, %mul3A_2697 : vector<16xf32>
      %max3A_2699 = arith.constant 0.000000e+00 : f32
      %max3A_2700 = vector.broadcast %max3A_2699 : f32 to vector<16xf32>
      %max3A_2701 = arith.maximumf %add3A_2698, %max3A_2700 : vector<16xf32>
      %mul3A_2702 = arith.mulf %max3A_2701, %get3A_2627 : vector<16xf32>
      %add3A_2703 = arith.addf %add3A_2609, %mul3A_2702 : vector<16xf32>
      %mul3A_2704 = arith.mulf %max3A_2701, %get3A_2629 : vector<16xf32>
      %add3A_2705 = arith.addf %add3A_2611, %mul3A_2704 : vector<16xf32>
      %get3A_2706 = arith.constant 3600 : index
      %get3A_2707 = tpu.vector_load %arg6[%get3A_2706] {strides = array<i32>} : memref<4608xf32, #tpu.memory_space<vmem>>, vector<16xf32>,
      %get3A_2708 = arith.constant 3616 : index
      %get3A_2709 = tpu.vector_load %arg6[%get3A_2708] {strides = array<i32>} : memref<4608xf32, #tpu.memory_space<vmem>>, vector<16xf32>,
      %get3A_2710 = arith.constant 3632 : index
      %get3A_2711 = tpu.vector_load %arg6[%get3A_2710] {strides = array<i32>} : memref<4608xf32, #tpu.memory_space<vmem>>, vector<16xf32>,
      %get3A_2712 = arith.constant 3648 : index
      %get3A_2713 = tpu.vector_load %arg6[%get3A_2712] {strides = array<i32>} : memref<4608xf32, #tpu.memory_space<vmem>>, vector<16xf32>,
      %get3A_2714 = arith.constant 3664 : index
      %get3A_2715 = tpu.vector_load %arg6[%get3A_2714] {strides = array<i32>} : memref<4608xf32, #tpu.memory_space<vmem>>, vector<16xf32>,
      %get3A_2716 = arith.constant 3680 : index
      %get3A_2717 = tpu.vector_load %arg6[%get3A_2716] {strides = array<i32>} : memref<4608xf32, #tpu.memory_space<vmem>>, vector<16xf32>,
      %get3A_2718 = arith.constant 3696 : index
      %get3A_2719 = tpu.vector_load %arg6[%get3A_2718] {strides = array<i32>} : memref<4608xf32, #tpu.memory_space<vmem>>, vector<16xf32>,
      %get3A_2720 = arith.constant 3712 : index
      %get3A_2721 = tpu.vector_load %arg6[%get3A_2720] {strides = array<i32>} : memref<4608xf32, #tpu.memory_space<vmem>>, vector<16xf32>,
      %get3A_2722 = arith.constant 3728 : index
      %get3A_2723 = tpu.vector_load %arg6[%get3A_2722] {strides = array<i32>} : memref<4608xf32, #tpu.memory_space<vmem>>, vector<16xf32>,
      %mul3A_2724 = arith.mulf %get3A_201, %get3A_2707 : vector<16xf32>
      %add3A_2725 = arith.addf %get3A_2719, %mul3A_2724 : vector<16xf32>
      %mul3A_2726 = arith.mulf %get3A_207, %get3A_2709 : vector<16xf32>
      %add3A_2727 = arith.addf %add3A_2725, %mul3A_2726 : vector<16xf32>
      %mul3A_2728 = arith.mulf %get3A_213, %get3A_2711 : vector<16xf32>
      %add3A_2729 = arith.addf %add3A_2727, %mul3A_2728 : vector<16xf32>
      %mul3A_2730 = arith.mulf %get3A_219, %get3A_2713 : vector<16xf32>
      %add3A_2731 = arith.addf %add3A_2729, %mul3A_2730 : vector<16xf32>
      %mul3A_2732 = arith.mulf %get3A_225, %get3A_2715 : vector<16xf32>
      %add3A_2733 = arith.addf %add3A_2731, %mul3A_2732 : vector<16xf32>
      %mul3A_2734 = arith.mulf %get3A_231, %get3A_2717 : vector<16xf32>
      %add3A_2735 = arith.addf %add3A_2733, %mul3A_2734 : vector<16xf32>
      %max3A_2736 = arith.constant 0.000000e+00 : f32
      %max3A_2737 = vector.broadcast %max3A_2736 : f32 to vector<16xf32>
      %max3A_2738 = arith.maximumf %add3A_2735, %max3A_2737 : vector<16xf32>
      %mul3A_2739 = arith.mulf %max3A_2738, %get3A_2721 : vector<16xf32>
      %add3A_2740 = arith.addf %add3A_2646, %mul3A_2739 : vector<16xf32>
      %mul3A_2741 = arith.mulf %max3A_2738, %get3A_2723 : vector<16xf32>
      %add3A_2742 = arith.addf %add3A_2648, %mul3A_2741 : vector<16xf32>
      %mul3A_2743 = arith.mulf %get3A_237, %get3A_2707 : vector<16xf32>
      %add3A_2744 = arith.addf %get3A_2719, %mul3A_2743 : vector<16xf32>
      %mul3A_2745 = arith.mulf %get3A_243, %get3A_2709 : vector<16xf32>
      %add3A_2746 = arith.addf %add3A_2744, %mul3A_2745 : vector<16xf32>
      %mul3A_2747 = arith.mulf %get3A_249, %get3A_2711 : vector<16xf32>
      %add3A_2748 = arith.addf %add3A_2746, %mul3A_2747 : vector<16xf32>
      %mul3A_2749 = arith.mulf %get3A_255, %get3A_2713 : vector<16xf32>
      %add3A_2750 = arith.addf %add3A_2748, %mul3A_2749 : vector<16xf32>
      %mul3A_2751 = arith.mulf %get3A_261, %get3A_2715 : vector<16xf32>
      %add3A_2752 = arith.addf %add3A_2750, %mul3A_2751 : vector<16xf32>
      %mul3A_2753 = arith.mulf %get3A_267, %get3A_2717 : vector<16xf32>
      %add3A_2754 = arith.addf %add3A_2752, %mul3A_2753 : vector<16xf32>
      %max3A_2755 = arith.constant 0.000000e+00 : f32
      %max3A_2756 = vector.broadcast %max3A_2755 : f32 to vector<16xf32>
      %max3A_2757 = arith.maximumf %add3A_2754, %max3A_2756 : vector<16xf32>
      %mul3A_2758 = arith.mulf %max3A_2757, %get3A_2721 : vector<16xf32>
      %add3A_2759 = arith.addf %add3A_2665, %mul3A_2758 : vector<16xf32>
      %mul3A_2760 = arith.mulf %max3A_2757, %get3A_2723 : vector<16xf32>
      %add3A_2761 = arith.addf %add3A_2667, %mul3A_2760 : vector<16xf32>
      %mul3A_2762 = arith.mulf %get3A_273, %get3A_2707 : vector<16xf32>
      %add3A_2763 = arith.addf %get3A_2719, %mul3A_2762 : vector<16xf32>
      %mul3A_2764 = arith.mulf %get3A_279, %get3A_2709 : vector<16xf32>
      %add3A_2765 = arith.addf %add3A_2763, %mul3A_2764 : vector<16xf32>
      %mul3A_2766 = arith.mulf %get3A_285, %get3A_2711 : vector<16xf32>
      %add3A_2767 = arith.addf %add3A_2765, %mul3A_2766 : vector<16xf32>
      %mul3A_2768 = arith.mulf %get3A_291, %get3A_2713 : vector<16xf32>
      %add3A_2769 = arith.addf %add3A_2767, %mul3A_2768 : vector<16xf32>
      %mul3A_2770 = arith.mulf %get3A_297, %get3A_2715 : vector<16xf32>
      %add3A_2771 = arith.addf %add3A_2769, %mul3A_2770 : vector<16xf32>
      %mul3A_2772 = arith.mulf %get3A_303, %get3A_2717 : vector<16xf32>
      %add3A_2773 = arith.addf %add3A_2771, %mul3A_2772 : vector<16xf32>
      %max3A_2774 = arith.constant 0.000000e+00 : f32
      %max3A_2775 = vector.broadcast %max3A_2774 : f32 to vector<16xf32>
      %max3A_2776 = arith.maximumf %add3A_2773, %max3A_2775 : vector<16xf32>
      %mul3A_2777 = arith.mulf %max3A_2776, %get3A_2721 : vector<16xf32>
      %add3A_2778 = arith.addf %add3A_2684, %mul3A_2777 : vector<16xf32>
      %mul3A_2779 = arith.mulf %max3A_2776, %get3A_2723 : vector<16xf32>
      %add3A_2780 = arith.addf %add3A_2686, %mul3A_2779 : vector<16xf32>
      %mul3A_2781 = arith.mulf %get3A_309, %get3A_2707 : vector<16xf32>
      %add3A_2782 = arith.addf %get3A_2719, %mul3A_2781 : vector<16xf32>
      %mul3A_2783 = arith.mulf %get3A_315, %get3A_2709 : vector<16xf32>
      %add3A_2784 = arith.addf %add3A_2782, %mul3A_2783 : vector<16xf32>
      %mul3A_2785 = arith.mulf %get3A_321, %get3A_2711 : vector<16xf32>
      %add3A_2786 = arith.addf %add3A_2784, %mul3A_2785 : vector<16xf32>
      %mul3A_2787 = arith.mulf %get3A_327, %get3A_2713 : vector<16xf32>
      %add3A_2788 = arith.addf %add3A_2786, %mul3A_2787 : vector<16xf32>
      %mul3A_2789 = arith.mulf %get3A_333, %get3A_2715 : vector<16xf32>
      %add3A_2790 = arith.addf %add3A_2788, %mul3A_2789 : vector<16xf32>
      %mul3A_2791 = arith.mulf %get3A_339, %get3A_2717 : vector<16xf32>
      %add3A_2792 = arith.addf %add3A_2790, %mul3A_2791 : vector<16xf32>
      %max3A_2793 = arith.constant 0.000000e+00 : f32
      %max3A_2794 = vector.broadcast %max3A_2793 : f32 to vector<16xf32>
      %max3A_2795 = arith.maximumf %add3A_2792, %max3A_2794 : vector<16xf32>
      %mul3A_2796 = arith.mulf %max3A_2795, %get3A_2721 : vector<16xf32>
      %add3A_2797 = arith.addf %add3A_2703, %mul3A_2796 : vector<16xf32>
      %mul3A_2798 = arith.mulf %max3A_2795, %get3A_2723 : vector<16xf32>
      %add3A_2799 = arith.addf %add3A_2705, %mul3A_2798 : vector<16xf32>
      %get3A_2800 = arith.constant 3744 : index
      %get3A_2801 = tpu.vector_load %arg6[%get3A_2800] {strides = array<i32>} : memref<4608xf32, #tpu.memory_space<vmem>>, vector<16xf32>,
      %get3A_2802 = arith.constant 3760 : index
      %get3A_2803 = tpu.vector_load %arg6[%get3A_2802] {strides = array<i32>} : memref<4608xf32, #tpu.memory_space<vmem>>, vector<16xf32>,
      %get3A_2804 = arith.constant 3776 : index
      %get3A_2805 = tpu.vector_load %arg6[%get3A_2804] {strides = array<i32>} : memref<4608xf32, #tpu.memory_space<vmem>>, vector<16xf32>,
      %get3A_2806 = arith.constant 3792 : index
      %get3A_2807 = tpu.vector_load %arg6[%get3A_2806] {strides = array<i32>} : memref<4608xf32, #tpu.memory_space<vmem>>, vector<16xf32>,
      %get3A_2808 = arith.constant 3808 : index
      %get3A_2809 = tpu.vector_load %arg6[%get3A_2808] {strides = array<i32>} : memref<4608xf32, #tpu.memory_space<vmem>>, vector<16xf32>,
      %get3A_2810 = arith.constant 3824 : index
      %get3A_2811 = tpu.vector_load %arg6[%get3A_2810] {strides = array<i32>} : memref<4608xf32, #tpu.memory_space<vmem>>, vector<16xf32>,
      %get3A_2812 = arith.constant 3840 : index
      %get3A_2813 = tpu.vector_load %arg6[%get3A_2812] {strides = array<i32>} : memref<4608xf32, #tpu.memory_space<vmem>>, vector<16xf32>,
      %get3A_2814 = arith.constant 3856 : index
      %get3A_2815 = tpu.vector_load %arg6[%get3A_2814] {strides = array<i32>} : memref<4608xf32, #tpu.memory_space<vmem>>, vector<16xf32>,
      %get3A_2816 = arith.constant 3872 : index
      %get3A_2817 = tpu.vector_load %arg6[%get3A_2816] {strides = array<i32>} : memref<4608xf32, #tpu.memory_space<vmem>>, vector<16xf32>,
      %mul3A_2818 = arith.mulf %get3A_201, %get3A_2801 : vector<16xf32>
      %add3A_2819 = arith.addf %get3A_2813, %mul3A_2818 : vector<16xf32>
      %mul3A_2820 = arith.mulf %get3A_207, %get3A_2803 : vector<16xf32>
      %add3A_2821 = arith.addf %add3A_2819, %mul3A_2820 : vector<16xf32>
      %mul3A_2822 = arith.mulf %get3A_213, %get3A_2805 : vector<16xf32>
      %add3A_2823 = arith.addf %add3A_2821, %mul3A_2822 : vector<16xf32>
      %mul3A_2824 = arith.mulf %get3A_219, %get3A_2807 : vector<16xf32>
      %add3A_2825 = arith.addf %add3A_2823, %mul3A_2824 : vector<16xf32>
      %mul3A_2826 = arith.mulf %get3A_225, %get3A_2809 : vector<16xf32>
      %add3A_2827 = arith.addf %add3A_2825, %mul3A_2826 : vector<16xf32>
      %mul3A_2828 = arith.mulf %get3A_231, %get3A_2811 : vector<16xf32>
      %add3A_2829 = arith.addf %add3A_2827, %mul3A_2828 : vector<16xf32>
      %max3A_2830 = arith.constant 0.000000e+00 : f32
      %max3A_2831 = vector.broadcast %max3A_2830 : f32 to vector<16xf32>
      %max3A_2832 = arith.maximumf %add3A_2829, %max3A_2831 : vector<16xf32>
      %mul3A_2833 = arith.mulf %max3A_2832, %get3A_2815 : vector<16xf32>
      %add3A_2834 = arith.addf %add3A_2740, %mul3A_2833 : vector<16xf32>
      %mul3A_2835 = arith.mulf %max3A_2832, %get3A_2817 : vector<16xf32>
      %add3A_2836 = arith.addf %add3A_2742, %mul3A_2835 : vector<16xf32>
      %mul3A_2837 = arith.mulf %get3A_237, %get3A_2801 : vector<16xf32>
      %add3A_2838 = arith.addf %get3A_2813, %mul3A_2837 : vector<16xf32>
      %mul3A_2839 = arith.mulf %get3A_243, %get3A_2803 : vector<16xf32>
      %add3A_2840 = arith.addf %add3A_2838, %mul3A_2839 : vector<16xf32>
      %mul3A_2841 = arith.mulf %get3A_249, %get3A_2805 : vector<16xf32>
      %add3A_2842 = arith.addf %add3A_2840, %mul3A_2841 : vector<16xf32>
      %mul3A_2843 = arith.mulf %get3A_255, %get3A_2807 : vector<16xf32>
      %add3A_2844 = arith.addf %add3A_2842, %mul3A_2843 : vector<16xf32>
      %mul3A_2845 = arith.mulf %get3A_261, %get3A_2809 : vector<16xf32>
      %add3A_2846 = arith.addf %add3A_2844, %mul3A_2845 : vector<16xf32>
      %mul3A_2847 = arith.mulf %get3A_267, %get3A_2811 : vector<16xf32>
      %add3A_2848 = arith.addf %add3A_2846, %mul3A_2847 : vector<16xf32>
      %max3A_2849 = arith.constant 0.000000e+00 : f32
      %max3A_2850 = vector.broadcast %max3A_2849 : f32 to vector<16xf32>
      %max3A_2851 = arith.maximumf %add3A_2848, %max3A_2850 : vector<16xf32>
      %mul3A_2852 = arith.mulf %max3A_2851, %get3A_2815 : vector<16xf32>
      %add3A_2853 = arith.addf %add3A_2759, %mul3A_2852 : vector<16xf32>
      %mul3A_2854 = arith.mulf %max3A_2851, %get3A_2817 : vector<16xf32>
      %add3A_2855 = arith.addf %add3A_2761, %mul3A_2854 : vector<16xf32>
      %mul3A_2856 = arith.mulf %get3A_273, %get3A_2801 : vector<16xf32>
      %add3A_2857 = arith.addf %get3A_2813, %mul3A_2856 : vector<16xf32>
      %mul3A_2858 = arith.mulf %get3A_279, %get3A_2803 : vector<16xf32>
      %add3A_2859 = arith.addf %add3A_2857, %mul3A_2858 : vector<16xf32>
      %mul3A_2860 = arith.mulf %get3A_285, %get3A_2805 : vector<16xf32>
      %add3A_2861 = arith.addf %add3A_2859, %mul3A_2860 : vector<16xf32>
      %mul3A_2862 = arith.mulf %get3A_291, %get3A_2807 : vector<16xf32>
      %add3A_2863 = arith.addf %add3A_2861, %mul3A_2862 : vector<16xf32>
      %mul3A_2864 = arith.mulf %get3A_297, %get3A_2809 : vector<16xf32>
      %add3A_2865 = arith.addf %add3A_2863, %mul3A_2864 : vector<16xf32>
      %mul3A_2866 = arith.mulf %get3A_303, %get3A_2811 : vector<16xf32>
      %add3A_2867 = arith.addf %add3A_2865, %mul3A_2866 : vector<16xf32>
      %max3A_2868 = arith.constant 0.000000e+00 : f32
      %max3A_2869 = vector.broadcast %max3A_2868 : f32 to vector<16xf32>
      %max3A_2870 = arith.maximumf %add3A_2867, %max3A_2869 : vector<16xf32>
      %mul3A_2871 = arith.mulf %max3A_2870, %get3A_2815 : vector<16xf32>
      %add3A_2872 = arith.addf %add3A_2778, %mul3A_2871 : vector<16xf32>
      %mul3A_2873 = arith.mulf %max3A_2870, %get3A_2817 : vector<16xf32>
      %add3A_2874 = arith.addf %add3A_2780, %mul3A_2873 : vector<16xf32>
      %mul3A_2875 = arith.mulf %get3A_309, %get3A_2801 : vector<16xf32>
      %add3A_2876 = arith.addf %get3A_2813, %mul3A_2875 : vector<16xf32>
      %mul3A_2877 = arith.mulf %get3A_315, %get3A_2803 : vector<16xf32>
      %add3A_2878 = arith.addf %add3A_2876, %mul3A_2877 : vector<16xf32>
      %mul3A_2879 = arith.mulf %get3A_321, %get3A_2805 : vector<16xf32>
      %add3A_2880 = arith.addf %add3A_2878, %mul3A_2879 : vector<16xf32>
      %mul3A_2881 = arith.mulf %get3A_327, %get3A_2807 : vector<16xf32>
      %add3A_2882 = arith.addf %add3A_2880, %mul3A_2881 : vector<16xf32>
      %mul3A_2883 = arith.mulf %get3A_333, %get3A_2809 : vector<16xf32>
      %add3A_2884 = arith.addf %add3A_2882, %mul3A_2883 : vector<16xf32>
      %mul3A_2885 = arith.mulf %get3A_339, %get3A_2811 : vector<16xf32>
      %add3A_2886 = arith.addf %add3A_2884, %mul3A_2885 : vector<16xf32>
      %max3A_2887 = arith.constant 0.000000e+00 : f32
      %max3A_2888 = vector.broadcast %max3A_2887 : f32 to vector<16xf32>
      %max3A_2889 = arith.maximumf %add3A_2886, %max3A_2888 : vector<16xf32>
      %mul3A_2890 = arith.mulf %max3A_2889, %get3A_2815 : vector<16xf32>
      %add3A_2891 = arith.addf %add3A_2797, %mul3A_2890 : vector<16xf32>
      %mul3A_2892 = arith.mulf %max3A_2889, %get3A_2817 : vector<16xf32>
      %add3A_2893 = arith.addf %add3A_2799, %mul3A_2892 : vector<16xf32>
      %get3A_2894 = arith.constant 3888 : index
      %get3A_2895 = tpu.vector_load %arg6[%get3A_2894] {strides = array<i32>} : memref<4608xf32, #tpu.memory_space<vmem>>, vector<16xf32>,
      %get3A_2896 = arith.constant 3904 : index
      %get3A_2897 = tpu.vector_load %arg6[%get3A_2896] {strides = array<i32>} : memref<4608xf32, #tpu.memory_space<vmem>>, vector<16xf32>,
      %get3A_2898 = arith.constant 3920 : index
      %get3A_2899 = tpu.vector_load %arg6[%get3A_2898] {strides = array<i32>} : memref<4608xf32, #tpu.memory_space<vmem>>, vector<16xf32>,
      %get3A_2900 = arith.constant 3936 : index
      %get3A_2901 = tpu.vector_load %arg6[%get3A_2900] {strides = array<i32>} : memref<4608xf32, #tpu.memory_space<vmem>>, vector<16xf32>,
      %get3A_2902 = arith.constant 3952 : index
      %get3A_2903 = tpu.vector_load %arg6[%get3A_2902] {strides = array<i32>} : memref<4608xf32, #tpu.memory_space<vmem>>, vector<16xf32>,
      %get3A_2904 = arith.constant 3968 : index
      %get3A_2905 = tpu.vector_load %arg6[%get3A_2904] {strides = array<i32>} : memref<4608xf32, #tpu.memory_space<vmem>>, vector<16xf32>,
      %get3A_2906 = arith.constant 3984 : index
      %get3A_2907 = tpu.vector_load %arg6[%get3A_2906] {strides = array<i32>} : memref<4608xf32, #tpu.memory_space<vmem>>, vector<16xf32>,
      %get3A_2908 = arith.constant 4000 : index
      %get3A_2909 = tpu.vector_load %arg6[%get3A_2908] {strides = array<i32>} : memref<4608xf32, #tpu.memory_space<vmem>>, vector<16xf32>,
      %get3A_2910 = arith.constant 4016 : index
      %get3A_2911 = tpu.vector_load %arg6[%get3A_2910] {strides = array<i32>} : memref<4608xf32, #tpu.memory_space<vmem>>, vector<16xf32>,
      %mul3A_2912 = arith.mulf %get3A_201, %get3A_2895 : vector<16xf32>
      %add3A_2913 = arith.addf %get3A_2907, %mul3A_2912 : vector<16xf32>
      %mul3A_2914 = arith.mulf %get3A_207, %get3A_2897 : vector<16xf32>
      %add3A_2915 = arith.addf %add3A_2913, %mul3A_2914 : vector<16xf32>
      %mul3A_2916 = arith.mulf %get3A_213, %get3A_2899 : vector<16xf32>
      %add3A_2917 = arith.addf %add3A_2915, %mul3A_2916 : vector<16xf32>
      %mul3A_2918 = arith.mulf %get3A_219, %get3A_2901 : vector<16xf32>
      %add3A_2919 = arith.addf %add3A_2917, %mul3A_2918 : vector<16xf32>
      %mul3A_2920 = arith.mulf %get3A_225, %get3A_2903 : vector<16xf32>
      %add3A_2921 = arith.addf %add3A_2919, %mul3A_2920 : vector<16xf32>
      %mul3A_2922 = arith.mulf %get3A_231, %get3A_2905 : vector<16xf32>
      %add3A_2923 = arith.addf %add3A_2921, %mul3A_2922 : vector<16xf32>
      %max3A_2924 = arith.constant 0.000000e+00 : f32
      %max3A_2925 = vector.broadcast %max3A_2924 : f32 to vector<16xf32>
      %max3A_2926 = arith.maximumf %add3A_2923, %max3A_2925 : vector<16xf32>
      %mul3A_2927 = arith.mulf %max3A_2926, %get3A_2909 : vector<16xf32>
      %add3A_2928 = arith.addf %add3A_2834, %mul3A_2927 : vector<16xf32>
      %mul3A_2929 = arith.mulf %max3A_2926, %get3A_2911 : vector<16xf32>
      %add3A_2930 = arith.addf %add3A_2836, %mul3A_2929 : vector<16xf32>
      %mul3A_2931 = arith.mulf %get3A_237, %get3A_2895 : vector<16xf32>
      %add3A_2932 = arith.addf %get3A_2907, %mul3A_2931 : vector<16xf32>
      %mul3A_2933 = arith.mulf %get3A_243, %get3A_2897 : vector<16xf32>
      %add3A_2934 = arith.addf %add3A_2932, %mul3A_2933 : vector<16xf32>
      %mul3A_2935 = arith.mulf %get3A_249, %get3A_2899 : vector<16xf32>
      %add3A_2936 = arith.addf %add3A_2934, %mul3A_2935 : vector<16xf32>
      %mul3A_2937 = arith.mulf %get3A_255, %get3A_2901 : vector<16xf32>
      %add3A_2938 = arith.addf %add3A_2936, %mul3A_2937 : vector<16xf32>
      %mul3A_2939 = arith.mulf %get3A_261, %get3A_2903 : vector<16xf32>
      %add3A_2940 = arith.addf %add3A_2938, %mul3A_2939 : vector<16xf32>
      %mul3A_2941 = arith.mulf %get3A_267, %get3A_2905 : vector<16xf32>
      %add3A_2942 = arith.addf %add3A_2940, %mul3A_2941 : vector<16xf32>
      %max3A_2943 = arith.constant 0.000000e+00 : f32
      %max3A_2944 = vector.broadcast %max3A_2943 : f32 to vector<16xf32>
      %max3A_2945 = arith.maximumf %add3A_2942, %max3A_2944 : vector<16xf32>
      %mul3A_2946 = arith.mulf %max3A_2945, %get3A_2909 : vector<16xf32>
      %add3A_2947 = arith.addf %add3A_2853, %mul3A_2946 : vector<16xf32>
      %mul3A_2948 = arith.mulf %max3A_2945, %get3A_2911 : vector<16xf32>
      %add3A_2949 = arith.addf %add3A_2855, %mul3A_2948 : vector<16xf32>
      %mul3A_2950 = arith.mulf %get3A_273, %get3A_2895 : vector<16xf32>
      %add3A_2951 = arith.addf %get3A_2907, %mul3A_2950 : vector<16xf32>
      %mul3A_2952 = arith.mulf %get3A_279, %get3A_2897 : vector<16xf32>
      %add3A_2953 = arith.addf %add3A_2951, %mul3A_2952 : vector<16xf32>
      %mul3A_2954 = arith.mulf %get3A_285, %get3A_2899 : vector<16xf32>
      %add3A_2955 = arith.addf %add3A_2953, %mul3A_2954 : vector<16xf32>
      %mul3A_2956 = arith.mulf %get3A_291, %get3A_2901 : vector<16xf32>
      %add3A_2957 = arith.addf %add3A_2955, %mul3A_2956 : vector<16xf32>
      %mul3A_2958 = arith.mulf %get3A_297, %get3A_2903 : vector<16xf32>
      %add3A_2959 = arith.addf %add3A_2957, %mul3A_2958 : vector<16xf32>
      %mul3A_2960 = arith.mulf %get3A_303, %get3A_2905 : vector<16xf32>
      %add3A_2961 = arith.addf %add3A_2959, %mul3A_2960 : vector<16xf32>
      %max3A_2962 = arith.constant 0.000000e+00 : f32
      %max3A_2963 = vector.broadcast %max3A_2962 : f32 to vector<16xf32>
      %max3A_2964 = arith.maximumf %add3A_2961, %max3A_2963 : vector<16xf32>
      %mul3A_2965 = arith.mulf %max3A_2964, %get3A_2909 : vector<16xf32>
      %add3A_2966 = arith.addf %add3A_2872, %mul3A_2965 : vector<16xf32>
      %mul3A_2967 = arith.mulf %max3A_2964, %get3A_2911 : vector<16xf32>
      %add3A_2968 = arith.addf %add3A_2874, %mul3A_2967 : vector<16xf32>
      %mul3A_2969 = arith.mulf %get3A_309, %get3A_2895 : vector<16xf32>
      %add3A_2970 = arith.addf %get3A_2907, %mul3A_2969 : vector<16xf32>
      %mul3A_2971 = arith.mulf %get3A_315, %get3A_2897 : vector<16xf32>
      %add3A_2972 = arith.addf %add3A_2970, %mul3A_2971 : vector<16xf32>
      %mul3A_2973 = arith.mulf %get3A_321, %get3A_2899 : vector<16xf32>
      %add3A_2974 = arith.addf %add3A_2972, %mul3A_2973 : vector<16xf32>
      %mul3A_2975 = arith.mulf %get3A_327, %get3A_2901 : vector<16xf32>
      %add3A_2976 = arith.addf %add3A_2974, %mul3A_2975 : vector<16xf32>
      %mul3A_2977 = arith.mulf %get3A_333, %get3A_2903 : vector<16xf32>
      %add3A_2978 = arith.addf %add3A_2976, %mul3A_2977 : vector<16xf32>
      %mul3A_2979 = arith.mulf %get3A_339, %get3A_2905 : vector<16xf32>
      %add3A_2980 = arith.addf %add3A_2978, %mul3A_2979 : vector<16xf32>
      %max3A_2981 = arith.constant 0.000000e+00 : f32
      %max3A_2982 = vector.broadcast %max3A_2981 : f32 to vector<16xf32>
      %max3A_2983 = arith.maximumf %add3A_2980, %max3A_2982 : vector<16xf32>
      %mul3A_2984 = arith.mulf %max3A_2983, %get3A_2909 : vector<16xf32>
      %add3A_2985 = arith.addf %add3A_2891, %mul3A_2984 : vector<16xf32>
      %mul3A_2986 = arith.mulf %max3A_2983, %get3A_2911 : vector<16xf32>
      %add3A_2987 = arith.addf %add3A_2893, %mul3A_2986 : vector<16xf32>
      %get3A_2988 = arith.constant 4032 : index
      %get3A_2989 = tpu.vector_load %arg6[%get3A_2988] {strides = array<i32>} : memref<4608xf32, #tpu.memory_space<vmem>>, vector<16xf32>,
      %get3A_2990 = arith.constant 4048 : index
      %get3A_2991 = tpu.vector_load %arg6[%get3A_2990] {strides = array<i32>} : memref<4608xf32, #tpu.memory_space<vmem>>, vector<16xf32>,
      %get3A_2992 = arith.constant 4064 : index
      %get3A_2993 = tpu.vector_load %arg6[%get3A_2992] {strides = array<i32>} : memref<4608xf32, #tpu.memory_space<vmem>>, vector<16xf32>,
      %get3A_2994 = arith.constant 4080 : index
      %get3A_2995 = tpu.vector_load %arg6[%get3A_2994] {strides = array<i32>} : memref<4608xf32, #tpu.memory_space<vmem>>, vector<16xf32>,
      %get3A_2996 = arith.constant 4096 : index
      %get3A_2997 = tpu.vector_load %arg6[%get3A_2996] {strides = array<i32>} : memref<4608xf32, #tpu.memory_space<vmem>>, vector<16xf32>,
      %get3A_2998 = arith.constant 4112 : index
      %get3A_2999 = tpu.vector_load %arg6[%get3A_2998] {strides = array<i32>} : memref<4608xf32, #tpu.memory_space<vmem>>, vector<16xf32>,
      %get3A_3000 = arith.constant 4128 : index
      %get3A_3001 = tpu.vector_load %arg6[%get3A_3000] {strides = array<i32>} : memref<4608xf32, #tpu.memory_space<vmem>>, vector<16xf32>,
      %get3A_3002 = arith.constant 4144 : index
      %get3A_3003 = tpu.vector_load %arg6[%get3A_3002] {strides = array<i32>} : memref<4608xf32, #tpu.memory_space<vmem>>, vector<16xf32>,
      %get3A_3004 = arith.constant 4160 : index
      %get3A_3005 = tpu.vector_load %arg6[%get3A_3004] {strides = array<i32>} : memref<4608xf32, #tpu.memory_space<vmem>>, vector<16xf32>,
      %mul3A_3006 = arith.mulf %get3A_201, %get3A_2989 : vector<16xf32>
      %add3A_3007 = arith.addf %get3A_3001, %mul3A_3006 : vector<16xf32>
      %mul3A_3008 = arith.mulf %get3A_207, %get3A_2991 : vector<16xf32>
      %add3A_3009 = arith.addf %add3A_3007, %mul3A_3008 : vector<16xf32>
      %mul3A_3010 = arith.mulf %get3A_213, %get3A_2993 : vector<16xf32>
      %add3A_3011 = arith.addf %add3A_3009, %mul3A_3010 : vector<16xf32>
      %mul3A_3012 = arith.mulf %get3A_219, %get3A_2995 : vector<16xf32>
      %add3A_3013 = arith.addf %add3A_3011, %mul3A_3012 : vector<16xf32>
      %mul3A_3014 = arith.mulf %get3A_225, %get3A_2997 : vector<16xf32>
      %add3A_3015 = arith.addf %add3A_3013, %mul3A_3014 : vector<16xf32>
      %mul3A_3016 = arith.mulf %get3A_231, %get3A_2999 : vector<16xf32>
      %add3A_3017 = arith.addf %add3A_3015, %mul3A_3016 : vector<16xf32>
      %max3A_3018 = arith.constant 0.000000e+00 : f32
      %max3A_3019 = vector.broadcast %max3A_3018 : f32 to vector<16xf32>
      %max3A_3020 = arith.maximumf %add3A_3017, %max3A_3019 : vector<16xf32>
      %mul3A_3021 = arith.mulf %max3A_3020, %get3A_3003 : vector<16xf32>
      %add3A_3022 = arith.addf %add3A_2928, %mul3A_3021 : vector<16xf32>
      %mul3A_3023 = arith.mulf %max3A_3020, %get3A_3005 : vector<16xf32>
      %add3A_3024 = arith.addf %add3A_2930, %mul3A_3023 : vector<16xf32>
      %mul3A_3025 = arith.mulf %get3A_237, %get3A_2989 : vector<16xf32>
      %add3A_3026 = arith.addf %get3A_3001, %mul3A_3025 : vector<16xf32>
      %mul3A_3027 = arith.mulf %get3A_243, %get3A_2991 : vector<16xf32>
      %add3A_3028 = arith.addf %add3A_3026, %mul3A_3027 : vector<16xf32>
      %mul3A_3029 = arith.mulf %get3A_249, %get3A_2993 : vector<16xf32>
      %add3A_3030 = arith.addf %add3A_3028, %mul3A_3029 : vector<16xf32>
      %mul3A_3031 = arith.mulf %get3A_255, %get3A_2995 : vector<16xf32>
      %add3A_3032 = arith.addf %add3A_3030, %mul3A_3031 : vector<16xf32>
      %mul3A_3033 = arith.mulf %get3A_261, %get3A_2997 : vector<16xf32>
      %add3A_3034 = arith.addf %add3A_3032, %mul3A_3033 : vector<16xf32>
      %mul3A_3035 = arith.mulf %get3A_267, %get3A_2999 : vector<16xf32>
      %add3A_3036 = arith.addf %add3A_3034, %mul3A_3035 : vector<16xf32>
      %max3A_3037 = arith.constant 0.000000e+00 : f32
      %max3A_3038 = vector.broadcast %max3A_3037 : f32 to vector<16xf32>
      %max3A_3039 = arith.maximumf %add3A_3036, %max3A_3038 : vector<16xf32>
      %mul3A_3040 = arith.mulf %max3A_3039, %get3A_3003 : vector<16xf32>
      %add3A_3041 = arith.addf %add3A_2947, %mul3A_3040 : vector<16xf32>
      %mul3A_3042 = arith.mulf %max3A_3039, %get3A_3005 : vector<16xf32>
      %add3A_3043 = arith.addf %add3A_2949, %mul3A_3042 : vector<16xf32>
      %mul3A_3044 = arith.mulf %get3A_273, %get3A_2989 : vector<16xf32>
      %add3A_3045 = arith.addf %get3A_3001, %mul3A_3044 : vector<16xf32>
      %mul3A_3046 = arith.mulf %get3A_279, %get3A_2991 : vector<16xf32>
      %add3A_3047 = arith.addf %add3A_3045, %mul3A_3046 : vector<16xf32>
      %mul3A_3048 = arith.mulf %get3A_285, %get3A_2993 : vector<16xf32>
      %add3A_3049 = arith.addf %add3A_3047, %mul3A_3048 : vector<16xf32>
      %mul3A_3050 = arith.mulf %get3A_291, %get3A_2995 : vector<16xf32>
      %add3A_3051 = arith.addf %add3A_3049, %mul3A_3050 : vector<16xf32>
      %mul3A_3052 = arith.mulf %get3A_297, %get3A_2997 : vector<16xf32>
      %add3A_3053 = arith.addf %add3A_3051, %mul3A_3052 : vector<16xf32>
      %mul3A_3054 = arith.mulf %get3A_303, %get3A_2999 : vector<16xf32>
      %add3A_3055 = arith.addf %add3A_3053, %mul3A_3054 : vector<16xf32>
      %max3A_3056 = arith.constant 0.000000e+00 : f32
      %max3A_3057 = vector.broadcast %max3A_3056 : f32 to vector<16xf32>
      %max3A_3058 = arith.maximumf %add3A_3055, %max3A_3057 : vector<16xf32>
      %mul3A_3059 = arith.mulf %max3A_3058, %get3A_3003 : vector<16xf32>
      %add3A_3060 = arith.addf %add3A_2966, %mul3A_3059 : vector<16xf32>
      %mul3A_3061 = arith.mulf %max3A_3058, %get3A_3005 : vector<16xf32>
      %add3A_3062 = arith.addf %add3A_2968, %mul3A_3061 : vector<16xf32>
      %mul3A_3063 = arith.mulf %get3A_309, %get3A_2989 : vector<16xf32>
      %add3A_3064 = arith.addf %get3A_3001, %mul3A_3063 : vector<16xf32>
      %mul3A_3065 = arith.mulf %get3A_315, %get3A_2991 : vector<16xf32>
      %add3A_3066 = arith.addf %add3A_3064, %mul3A_3065 : vector<16xf32>
      %mul3A_3067 = arith.mulf %get3A_321, %get3A_2993 : vector<16xf32>
      %add3A_3068 = arith.addf %add3A_3066, %mul3A_3067 : vector<16xf32>
      %mul3A_3069 = arith.mulf %get3A_327, %get3A_2995 : vector<16xf32>
      %add3A_3070 = arith.addf %add3A_3068, %mul3A_3069 : vector<16xf32>
      %mul3A_3071 = arith.mulf %get3A_333, %get3A_2997 : vector<16xf32>
      %add3A_3072 = arith.addf %add3A_3070, %mul3A_3071 : vector<16xf32>
      %mul3A_3073 = arith.mulf %get3A_339, %get3A_2999 : vector<16xf32>
      %add3A_3074 = arith.addf %add3A_3072, %mul3A_3073 : vector<16xf32>
      %max3A_3075 = arith.constant 0.000000e+00 : f32
      %max3A_3076 = vector.broadcast %max3A_3075 : f32 to vector<16xf32>
      %max3A_3077 = arith.maximumf %add3A_3074, %max3A_3076 : vector<16xf32>
      %mul3A_3078 = arith.mulf %max3A_3077, %get3A_3003 : vector<16xf32>
      %add3A_3079 = arith.addf %add3A_2985, %mul3A_3078 : vector<16xf32>
      %mul3A_3080 = arith.mulf %max3A_3077, %get3A_3005 : vector<16xf32>
      %add3A_3081 = arith.addf %add3A_2987, %mul3A_3080 : vector<16xf32>
      %get3A_3082 = arith.constant 4176 : index
      %get3A_3083 = tpu.vector_load %arg6[%get3A_3082] {strides = array<i32>} : memref<4608xf32, #tpu.memory_space<vmem>>, vector<16xf32>,
      %get3A_3084 = arith.constant 4192 : index
      %get3A_3085 = tpu.vector_load %arg6[%get3A_3084] {strides = array<i32>} : memref<4608xf32, #tpu.memory_space<vmem>>, vector<16xf32>,
      %get3A_3086 = arith.constant 4208 : index
      %get3A_3087 = tpu.vector_load %arg6[%get3A_3086] {strides = array<i32>} : memref<4608xf32, #tpu.memory_space<vmem>>, vector<16xf32>,
      %get3A_3088 = arith.constant 4224 : index
      %get3A_3089 = tpu.vector_load %arg6[%get3A_3088] {strides = array<i32>} : memref<4608xf32, #tpu.memory_space<vmem>>, vector<16xf32>,
      %get3A_3090 = arith.constant 4240 : index
      %get3A_3091 = tpu.vector_load %arg6[%get3A_3090] {strides = array<i32>} : memref<4608xf32, #tpu.memory_space<vmem>>, vector<16xf32>,
      %get3A_3092 = arith.constant 4256 : index
      %get3A_3093 = tpu.vector_load %arg6[%get3A_3092] {strides = array<i32>} : memref<4608xf32, #tpu.memory_space<vmem>>, vector<16xf32>,
      %get3A_3094 = arith.constant 4272 : index
      %get3A_3095 = tpu.vector_load %arg6[%get3A_3094] {strides = array<i32>} : memref<4608xf32, #tpu.memory_space<vmem>>, vector<16xf32>,
      %get3A_3096 = arith.constant 4288 : index
      %get3A_3097 = tpu.vector_load %arg6[%get3A_3096] {strides = array<i32>} : memref<4608xf32, #tpu.memory_space<vmem>>, vector<16xf32>,
      %get3A_3098 = arith.constant 4304 : index
      %get3A_3099 = tpu.vector_load %arg6[%get3A_3098] {strides = array<i32>} : memref<4608xf32, #tpu.memory_space<vmem>>, vector<16xf32>,
      %mul3A_3100 = arith.mulf %get3A_201, %get3A_3083 : vector<16xf32>
      %add3A_3101 = arith.addf %get3A_3095, %mul3A_3100 : vector<16xf32>
      %mul3A_3102 = arith.mulf %get3A_207, %get3A_3085 : vector<16xf32>
      %add3A_3103 = arith.addf %add3A_3101, %mul3A_3102 : vector<16xf32>
      %mul3A_3104 = arith.mulf %get3A_213, %get3A_3087 : vector<16xf32>
      %add3A_3105 = arith.addf %add3A_3103, %mul3A_3104 : vector<16xf32>
      %mul3A_3106 = arith.mulf %get3A_219, %get3A_3089 : vector<16xf32>
      %add3A_3107 = arith.addf %add3A_3105, %mul3A_3106 : vector<16xf32>
      %mul3A_3108 = arith.mulf %get3A_225, %get3A_3091 : vector<16xf32>
      %add3A_3109 = arith.addf %add3A_3107, %mul3A_3108 : vector<16xf32>
      %mul3A_3110 = arith.mulf %get3A_231, %get3A_3093 : vector<16xf32>
      %add3A_3111 = arith.addf %add3A_3109, %mul3A_3110 : vector<16xf32>
      %max3A_3112 = arith.constant 0.000000e+00 : f32
      %max3A_3113 = vector.broadcast %max3A_3112 : f32 to vector<16xf32>
      %max3A_3114 = arith.maximumf %add3A_3111, %max3A_3113 : vector<16xf32>
      %mul3A_3115 = arith.mulf %max3A_3114, %get3A_3097 : vector<16xf32>
      %add3A_3116 = arith.addf %add3A_3022, %mul3A_3115 : vector<16xf32>
      %mul3A_3117 = arith.mulf %max3A_3114, %get3A_3099 : vector<16xf32>
      %add3A_3118 = arith.addf %add3A_3024, %mul3A_3117 : vector<16xf32>
      %mul3A_3119 = arith.mulf %get3A_237, %get3A_3083 : vector<16xf32>
      %add3A_3120 = arith.addf %get3A_3095, %mul3A_3119 : vector<16xf32>
      %mul3A_3121 = arith.mulf %get3A_243, %get3A_3085 : vector<16xf32>
      %add3A_3122 = arith.addf %add3A_3120, %mul3A_3121 : vector<16xf32>
      %mul3A_3123 = arith.mulf %get3A_249, %get3A_3087 : vector<16xf32>
      %add3A_3124 = arith.addf %add3A_3122, %mul3A_3123 : vector<16xf32>
      %mul3A_3125 = arith.mulf %get3A_255, %get3A_3089 : vector<16xf32>
      %add3A_3126 = arith.addf %add3A_3124, %mul3A_3125 : vector<16xf32>
      %mul3A_3127 = arith.mulf %get3A_261, %get3A_3091 : vector<16xf32>
      %add3A_3128 = arith.addf %add3A_3126, %mul3A_3127 : vector<16xf32>
      %mul3A_3129 = arith.mulf %get3A_267, %get3A_3093 : vector<16xf32>
      %add3A_3130 = arith.addf %add3A_3128, %mul3A_3129 : vector<16xf32>
      %max3A_3131 = arith.constant 0.000000e+00 : f32
      %max3A_3132 = vector.broadcast %max3A_3131 : f32 to vector<16xf32>
      %max3A_3133 = arith.maximumf %add3A_3130, %max3A_3132 : vector<16xf32>
      %mul3A_3134 = arith.mulf %max3A_3133, %get3A_3097 : vector<16xf32>
      %add3A_3135 = arith.addf %add3A_3041, %mul3A_3134 : vector<16xf32>
      %mul3A_3136 = arith.mulf %max3A_3133, %get3A_3099 : vector<16xf32>
      %add3A_3137 = arith.addf %add3A_3043, %mul3A_3136 : vector<16xf32>
      %mul3A_3138 = arith.mulf %get3A_273, %get3A_3083 : vector<16xf32>
      %add3A_3139 = arith.addf %get3A_3095, %mul3A_3138 : vector<16xf32>
      %mul3A_3140 = arith.mulf %get3A_279, %get3A_3085 : vector<16xf32>
      %add3A_3141 = arith.addf %add3A_3139, %mul3A_3140 : vector<16xf32>
      %mul3A_3142 = arith.mulf %get3A_285, %get3A_3087 : vector<16xf32>
      %add3A_3143 = arith.addf %add3A_3141, %mul3A_3142 : vector<16xf32>
      %mul3A_3144 = arith.mulf %get3A_291, %get3A_3089 : vector<16xf32>
      %add3A_3145 = arith.addf %add3A_3143, %mul3A_3144 : vector<16xf32>
      %mul3A_3146 = arith.mulf %get3A_297, %get3A_3091 : vector<16xf32>
      %add3A_3147 = arith.addf %add3A_3145, %mul3A_3146 : vector<16xf32>
      %mul3A_3148 = arith.mulf %get3A_303, %get3A_3093 : vector<16xf32>
      %add3A_3149 = arith.addf %add3A_3147, %mul3A_3148 : vector<16xf32>
      %max3A_3150 = arith.constant 0.000000e+00 : f32
      %max3A_3151 = vector.broadcast %max3A_3150 : f32 to vector<16xf32>
      %max3A_3152 = arith.maximumf %add3A_3149, %max3A_3151 : vector<16xf32>
      %mul3A_3153 = arith.mulf %max3A_3152, %get3A_3097 : vector<16xf32>
      %add3A_3154 = arith.addf %add3A_3060, %mul3A_3153 : vector<16xf32>
      %mul3A_3155 = arith.mulf %max3A_3152, %get3A_3099 : vector<16xf32>
      %add3A_3156 = arith.addf %add3A_3062, %mul3A_3155 : vector<16xf32>
      %mul3A_3157 = arith.mulf %get3A_309, %get3A_3083 : vector<16xf32>
      %add3A_3158 = arith.addf %get3A_3095, %mul3A_3157 : vector<16xf32>
      %mul3A_3159 = arith.mulf %get3A_315, %get3A_3085 : vector<16xf32>
      %add3A_3160 = arith.addf %add3A_3158, %mul3A_3159 : vector<16xf32>
      %mul3A_3161 = arith.mulf %get3A_321, %get3A_3087 : vector<16xf32>
      %add3A_3162 = arith.addf %add3A_3160, %mul3A_3161 : vector<16xf32>
      %mul3A_3163 = arith.mulf %get3A_327, %get3A_3089 : vector<16xf32>
      %add3A_3164 = arith.addf %add3A_3162, %mul3A_3163 : vector<16xf32>
      %mul3A_3165 = arith.mulf %get3A_333, %get3A_3091 : vector<16xf32>
      %add3A_3166 = arith.addf %add3A_3164, %mul3A_3165 : vector<16xf32>
      %mul3A_3167 = arith.mulf %get3A_339, %get3A_3093 : vector<16xf32>
      %add3A_3168 = arith.addf %add3A_3166, %mul3A_3167 : vector<16xf32>
      %max3A_3169 = arith.constant 0.000000e+00 : f32
      %max3A_3170 = vector.broadcast %max3A_3169 : f32 to vector<16xf32>
      %max3A_3171 = arith.maximumf %add3A_3168, %max3A_3170 : vector<16xf32>
      %mul3A_3172 = arith.mulf %max3A_3171, %get3A_3097 : vector<16xf32>
      %add3A_3173 = arith.addf %add3A_3079, %mul3A_3172 : vector<16xf32>
      %mul3A_3174 = arith.mulf %max3A_3171, %get3A_3099 : vector<16xf32>
      %add3A_3175 = arith.addf %add3A_3081, %mul3A_3174 : vector<16xf32>
      %get3A_3176 = arith.constant 4320 : index
      %get3A_3177 = tpu.vector_load %arg6[%get3A_3176] {strides = array<i32>} : memref<4608xf32, #tpu.memory_space<vmem>>, vector<16xf32>,
      %get3A_3178 = arith.constant 4336 : index
      %get3A_3179 = tpu.vector_load %arg6[%get3A_3178] {strides = array<i32>} : memref<4608xf32, #tpu.memory_space<vmem>>, vector<16xf32>,
      %get3A_3180 = arith.constant 4352 : index
      %get3A_3181 = tpu.vector_load %arg6[%get3A_3180] {strides = array<i32>} : memref<4608xf32, #tpu.memory_space<vmem>>, vector<16xf32>,
      %get3A_3182 = arith.constant 4368 : index
      %get3A_3183 = tpu.vector_load %arg6[%get3A_3182] {strides = array<i32>} : memref<4608xf32, #tpu.memory_space<vmem>>, vector<16xf32>,
      %get3A_3184 = arith.constant 4384 : index
      %get3A_3185 = tpu.vector_load %arg6[%get3A_3184] {strides = array<i32>} : memref<4608xf32, #tpu.memory_space<vmem>>, vector<16xf32>,
      %get3A_3186 = arith.constant 4400 : index
      %get3A_3187 = tpu.vector_load %arg6[%get3A_3186] {strides = array<i32>} : memref<4608xf32, #tpu.memory_space<vmem>>, vector<16xf32>,
      %get3A_3188 = arith.constant 4416 : index
      %get3A_3189 = tpu.vector_load %arg6[%get3A_3188] {strides = array<i32>} : memref<4608xf32, #tpu.memory_space<vmem>>, vector<16xf32>,
      %get3A_3190 = arith.constant 4432 : index
      %get3A_3191 = tpu.vector_load %arg6[%get3A_3190] {strides = array<i32>} : memref<4608xf32, #tpu.memory_space<vmem>>, vector<16xf32>,
      %get3A_3192 = arith.constant 4448 : index
      %get3A_3193 = tpu.vector_load %arg6[%get3A_3192] {strides = array<i32>} : memref<4608xf32, #tpu.memory_space<vmem>>, vector<16xf32>,
      %mul3A_3194 = arith.mulf %get3A_201, %get3A_3177 : vector<16xf32>
      %add3A_3195 = arith.addf %get3A_3189, %mul3A_3194 : vector<16xf32>
      %mul3A_3196 = arith.mulf %get3A_207, %get3A_3179 : vector<16xf32>
      %add3A_3197 = arith.addf %add3A_3195, %mul3A_3196 : vector<16xf32>
      %mul3A_3198 = arith.mulf %get3A_213, %get3A_3181 : vector<16xf32>
      %add3A_3199 = arith.addf %add3A_3197, %mul3A_3198 : vector<16xf32>
      %mul3A_3200 = arith.mulf %get3A_219, %get3A_3183 : vector<16xf32>
      %add3A_3201 = arith.addf %add3A_3199, %mul3A_3200 : vector<16xf32>
      %mul3A_3202 = arith.mulf %get3A_225, %get3A_3185 : vector<16xf32>
      %add3A_3203 = arith.addf %add3A_3201, %mul3A_3202 : vector<16xf32>
      %mul3A_3204 = arith.mulf %get3A_231, %get3A_3187 : vector<16xf32>
      %add3A_3205 = arith.addf %add3A_3203, %mul3A_3204 : vector<16xf32>
      %max3A_3206 = arith.constant 0.000000e+00 : f32
      %max3A_3207 = vector.broadcast %max3A_3206 : f32 to vector<16xf32>
      %max3A_3208 = arith.maximumf %add3A_3205, %max3A_3207 : vector<16xf32>
      %mul3A_3209 = arith.mulf %max3A_3208, %get3A_3191 : vector<16xf32>
      %add3A_3210 = arith.addf %add3A_3116, %mul3A_3209 : vector<16xf32>
      %mul3A_3211 = arith.mulf %max3A_3208, %get3A_3193 : vector<16xf32>
      %add3A_3212 = arith.addf %add3A_3118, %mul3A_3211 : vector<16xf32>
      %mul3A_3213 = arith.mulf %get3A_237, %get3A_3177 : vector<16xf32>
      %add3A_3214 = arith.addf %get3A_3189, %mul3A_3213 : vector<16xf32>
      %mul3A_3215 = arith.mulf %get3A_243, %get3A_3179 : vector<16xf32>
      %add3A_3216 = arith.addf %add3A_3214, %mul3A_3215 : vector<16xf32>
      %mul3A_3217 = arith.mulf %get3A_249, %get3A_3181 : vector<16xf32>
      %add3A_3218 = arith.addf %add3A_3216, %mul3A_3217 : vector<16xf32>
      %mul3A_3219 = arith.mulf %get3A_255, %get3A_3183 : vector<16xf32>
      %add3A_3220 = arith.addf %add3A_3218, %mul3A_3219 : vector<16xf32>
      %mul3A_3221 = arith.mulf %get3A_261, %get3A_3185 : vector<16xf32>
      %add3A_3222 = arith.addf %add3A_3220, %mul3A_3221 : vector<16xf32>
      %mul3A_3223 = arith.mulf %get3A_267, %get3A_3187 : vector<16xf32>
      %add3A_3224 = arith.addf %add3A_3222, %mul3A_3223 : vector<16xf32>
      %max3A_3225 = arith.constant 0.000000e+00 : f32
      %max3A_3226 = vector.broadcast %max3A_3225 : f32 to vector<16xf32>
      %max3A_3227 = arith.maximumf %add3A_3224, %max3A_3226 : vector<16xf32>
      %mul3A_3228 = arith.mulf %max3A_3227, %get3A_3191 : vector<16xf32>
      %add3A_3229 = arith.addf %add3A_3135, %mul3A_3228 : vector<16xf32>
      %mul3A_3230 = arith.mulf %max3A_3227, %get3A_3193 : vector<16xf32>
      %add3A_3231 = arith.addf %add3A_3137, %mul3A_3230 : vector<16xf32>
      %mul3A_3232 = arith.mulf %get3A_273, %get3A_3177 : vector<16xf32>
      %add3A_3233 = arith.addf %get3A_3189, %mul3A_3232 : vector<16xf32>
      %mul3A_3234 = arith.mulf %get3A_279, %get3A_3179 : vector<16xf32>
      %add3A_3235 = arith.addf %add3A_3233, %mul3A_3234 : vector<16xf32>
      %mul3A_3236 = arith.mulf %get3A_285, %get3A_3181 : vector<16xf32>
      %add3A_3237 = arith.addf %add3A_3235, %mul3A_3236 : vector<16xf32>
      %mul3A_3238 = arith.mulf %get3A_291, %get3A_3183 : vector<16xf32>
      %add3A_3239 = arith.addf %add3A_3237, %mul3A_3238 : vector<16xf32>
      %mul3A_3240 = arith.mulf %get3A_297, %get3A_3185 : vector<16xf32>
      %add3A_3241 = arith.addf %add3A_3239, %mul3A_3240 : vector<16xf32>
      %mul3A_3242 = arith.mulf %get3A_303, %get3A_3187 : vector<16xf32>
      %add3A_3243 = arith.addf %add3A_3241, %mul3A_3242 : vector<16xf32>
      %max3A_3244 = arith.constant 0.000000e+00 : f32
      %max3A_3245 = vector.broadcast %max3A_3244 : f32 to vector<16xf32>
      %max3A_3246 = arith.maximumf %add3A_3243, %max3A_3245 : vector<16xf32>
      %mul3A_3247 = arith.mulf %max3A_3246, %get3A_3191 : vector<16xf32>
      %add3A_3248 = arith.addf %add3A_3154, %mul3A_3247 : vector<16xf32>
      %mul3A_3249 = arith.mulf %max3A_3246, %get3A_3193 : vector<16xf32>
      %add3A_3250 = arith.addf %add3A_3156, %mul3A_3249 : vector<16xf32>
      %mul3A_3251 = arith.mulf %get3A_309, %get3A_3177 : vector<16xf32>
      %add3A_3252 = arith.addf %get3A_3189, %mul3A_3251 : vector<16xf32>
      %mul3A_3253 = arith.mulf %get3A_315, %get3A_3179 : vector<16xf32>
      %add3A_3254 = arith.addf %add3A_3252, %mul3A_3253 : vector<16xf32>
      %mul3A_3255 = arith.mulf %get3A_321, %get3A_3181 : vector<16xf32>
      %add3A_3256 = arith.addf %add3A_3254, %mul3A_3255 : vector<16xf32>
      %mul3A_3257 = arith.mulf %get3A_327, %get3A_3183 : vector<16xf32>
      %add3A_3258 = arith.addf %add3A_3256, %mul3A_3257 : vector<16xf32>
      %mul3A_3259 = arith.mulf %get3A_333, %get3A_3185 : vector<16xf32>
      %add3A_3260 = arith.addf %add3A_3258, %mul3A_3259 : vector<16xf32>
      %mul3A_3261 = arith.mulf %get3A_339, %get3A_3187 : vector<16xf32>
      %add3A_3262 = arith.addf %add3A_3260, %mul3A_3261 : vector<16xf32>
      %max3A_3263 = arith.constant 0.000000e+00 : f32
      %max3A_3264 = vector.broadcast %max3A_3263 : f32 to vector<16xf32>
      %max3A_3265 = arith.maximumf %add3A_3262, %max3A_3264 : vector<16xf32>
      %mul3A_3266 = arith.mulf %max3A_3265, %get3A_3191 : vector<16xf32>
      %add3A_3267 = arith.addf %add3A_3173, %mul3A_3266 : vector<16xf32>
      %mul3A_3268 = arith.mulf %max3A_3265, %get3A_3193 : vector<16xf32>
      %add3A_3269 = arith.addf %add3A_3175, %mul3A_3268 : vector<16xf32>
      %get3A_3270 = arith.constant 4464 : index
      %get3A_3271 = tpu.vector_load %arg6[%get3A_3270] {strides = array<i32>} : memref<4608xf32, #tpu.memory_space<vmem>>, vector<16xf32>,
      %get3A_3272 = arith.constant 4480 : index
      %get3A_3273 = tpu.vector_load %arg6[%get3A_3272] {strides = array<i32>} : memref<4608xf32, #tpu.memory_space<vmem>>, vector<16xf32>,
      %get3A_3274 = arith.constant 4496 : index
      %get3A_3275 = tpu.vector_load %arg6[%get3A_3274] {strides = array<i32>} : memref<4608xf32, #tpu.memory_space<vmem>>, vector<16xf32>,
      %get3A_3276 = arith.constant 4512 : index
      %get3A_3277 = tpu.vector_load %arg6[%get3A_3276] {strides = array<i32>} : memref<4608xf32, #tpu.memory_space<vmem>>, vector<16xf32>,
      %get3A_3278 = arith.constant 4528 : index
      %get3A_3279 = tpu.vector_load %arg6[%get3A_3278] {strides = array<i32>} : memref<4608xf32, #tpu.memory_space<vmem>>, vector<16xf32>,
      %get3A_3280 = arith.constant 4544 : index
      %get3A_3281 = tpu.vector_load %arg6[%get3A_3280] {strides = array<i32>} : memref<4608xf32, #tpu.memory_space<vmem>>, vector<16xf32>,
      %get3A_3282 = arith.constant 4560 : index
      %get3A_3283 = tpu.vector_load %arg6[%get3A_3282] {strides = array<i32>} : memref<4608xf32, #tpu.memory_space<vmem>>, vector<16xf32>,
      %get3A_3284 = arith.constant 4576 : index
      %get3A_3285 = tpu.vector_load %arg6[%get3A_3284] {strides = array<i32>} : memref<4608xf32, #tpu.memory_space<vmem>>, vector<16xf32>,
      %get3A_3286 = arith.constant 4592 : index
      %get3A_3287 = tpu.vector_load %arg6[%get3A_3286] {strides = array<i32>} : memref<4608xf32, #tpu.memory_space<vmem>>, vector<16xf32>,
      %mul3A_3288 = arith.mulf %get3A_201, %get3A_3271 : vector<16xf32>
      %add3A_3289 = arith.addf %get3A_3283, %mul3A_3288 : vector<16xf32>
      %mul3A_3290 = arith.mulf %get3A_207, %get3A_3273 : vector<16xf32>
      %add3A_3291 = arith.addf %add3A_3289, %mul3A_3290 : vector<16xf32>
      %mul3A_3292 = arith.mulf %get3A_213, %get3A_3275 : vector<16xf32>
      %add3A_3293 = arith.addf %add3A_3291, %mul3A_3292 : vector<16xf32>
      %mul3A_3294 = arith.mulf %get3A_219, %get3A_3277 : vector<16xf32>
      %add3A_3295 = arith.addf %add3A_3293, %mul3A_3294 : vector<16xf32>
      %mul3A_3296 = arith.mulf %get3A_225, %get3A_3279 : vector<16xf32>
      %add3A_3297 = arith.addf %add3A_3295, %mul3A_3296 : vector<16xf32>
      %mul3A_3298 = arith.mulf %get3A_231, %get3A_3281 : vector<16xf32>
      %add3A_3299 = arith.addf %add3A_3297, %mul3A_3298 : vector<16xf32>
      %max3A_3300 = arith.constant 0.000000e+00 : f32
      %max3A_3301 = vector.broadcast %max3A_3300 : f32 to vector<16xf32>
      %max3A_3302 = arith.maximumf %add3A_3299, %max3A_3301 : vector<16xf32>
      %mul3A_3303 = arith.mulf %max3A_3302, %get3A_3285 : vector<16xf32>
      %add3A_3304 = arith.addf %add3A_3210, %mul3A_3303 : vector<16xf32>
      %mul3A_3305 = arith.mulf %max3A_3302, %get3A_3287 : vector<16xf32>
      %add3A_3306 = arith.addf %add3A_3212, %mul3A_3305 : vector<16xf32>
      %mul3A_3307 = arith.mulf %get3A_237, %get3A_3271 : vector<16xf32>
      %add3A_3308 = arith.addf %get3A_3283, %mul3A_3307 : vector<16xf32>
      %mul3A_3309 = arith.mulf %get3A_243, %get3A_3273 : vector<16xf32>
      %add3A_3310 = arith.addf %add3A_3308, %mul3A_3309 : vector<16xf32>
      %mul3A_3311 = arith.mulf %get3A_249, %get3A_3275 : vector<16xf32>
      %add3A_3312 = arith.addf %add3A_3310, %mul3A_3311 : vector<16xf32>
      %mul3A_3313 = arith.mulf %get3A_255, %get3A_3277 : vector<16xf32>
      %add3A_3314 = arith.addf %add3A_3312, %mul3A_3313 : vector<16xf32>
      %mul3A_3315 = arith.mulf %get3A_261, %get3A_3279 : vector<16xf32>
      %add3A_3316 = arith.addf %add3A_3314, %mul3A_3315 : vector<16xf32>
      %mul3A_3317 = arith.mulf %get3A_267, %get3A_3281 : vector<16xf32>
      %add3A_3318 = arith.addf %add3A_3316, %mul3A_3317 : vector<16xf32>
      %max3A_3319 = arith.constant 0.000000e+00 : f32
      %max3A_3320 = vector.broadcast %max3A_3319 : f32 to vector<16xf32>
      %max3A_3321 = arith.maximumf %add3A_3318, %max3A_3320 : vector<16xf32>
      %mul3A_3322 = arith.mulf %max3A_3321, %get3A_3285 : vector<16xf32>
      %add3A_3323 = arith.addf %add3A_3229, %mul3A_3322 : vector<16xf32>
      %mul3A_3324 = arith.mulf %max3A_3321, %get3A_3287 : vector<16xf32>
      %add3A_3325 = arith.addf %add3A_3231, %mul3A_3324 : vector<16xf32>
      %mul3A_3326 = arith.mulf %get3A_273, %get3A_3271 : vector<16xf32>
      %add3A_3327 = arith.addf %get3A_3283, %mul3A_3326 : vector<16xf32>
      %mul3A_3328 = arith.mulf %get3A_279, %get3A_3273 : vector<16xf32>
      %add3A_3329 = arith.addf %add3A_3327, %mul3A_3328 : vector<16xf32>
      %mul3A_3330 = arith.mulf %get3A_285, %get3A_3275 : vector<16xf32>
      %add3A_3331 = arith.addf %add3A_3329, %mul3A_3330 : vector<16xf32>
      %mul3A_3332 = arith.mulf %get3A_291, %get3A_3277 : vector<16xf32>
      %add3A_3333 = arith.addf %add3A_3331, %mul3A_3332 : vector<16xf32>
      %mul3A_3334 = arith.mulf %get3A_297, %get3A_3279 : vector<16xf32>
      %add3A_3335 = arith.addf %add3A_3333, %mul3A_3334 : vector<16xf32>
      %mul3A_3336 = arith.mulf %get3A_303, %get3A_3281 : vector<16xf32>
      %add3A_3337 = arith.addf %add3A_3335, %mul3A_3336 : vector<16xf32>
      %max3A_3338 = arith.constant 0.000000e+00 : f32
      %max3A_3339 = vector.broadcast %max3A_3338 : f32 to vector<16xf32>
      %max3A_3340 = arith.maximumf %add3A_3337, %max3A_3339 : vector<16xf32>
      %mul3A_3341 = arith.mulf %max3A_3340, %get3A_3285 : vector<16xf32>
      %add3A_3342 = arith.addf %add3A_3248, %mul3A_3341 : vector<16xf32>
      %mul3A_3343 = arith.mulf %max3A_3340, %get3A_3287 : vector<16xf32>
      %add3A_3344 = arith.addf %add3A_3250, %mul3A_3343 : vector<16xf32>
      %mul3A_3345 = arith.mulf %get3A_309, %get3A_3271 : vector<16xf32>
      %add3A_3346 = arith.addf %get3A_3283, %mul3A_3345 : vector<16xf32>
      %mul3A_3347 = arith.mulf %get3A_315, %get3A_3273 : vector<16xf32>
      %add3A_3348 = arith.addf %add3A_3346, %mul3A_3347 : vector<16xf32>
      %mul3A_3349 = arith.mulf %get3A_321, %get3A_3275 : vector<16xf32>
      %add3A_3350 = arith.addf %add3A_3348, %mul3A_3349 : vector<16xf32>
      %mul3A_3351 = arith.mulf %get3A_327, %get3A_3277 : vector<16xf32>
      %add3A_3352 = arith.addf %add3A_3350, %mul3A_3351 : vector<16xf32>
      %mul3A_3353 = arith.mulf %get3A_333, %get3A_3279 : vector<16xf32>
      %add3A_3354 = arith.addf %add3A_3352, %mul3A_3353 : vector<16xf32>
      %mul3A_3355 = arith.mulf %get3A_339, %get3A_3281 : vector<16xf32>
      %add3A_3356 = arith.addf %add3A_3354, %mul3A_3355 : vector<16xf32>
      %max3A_3357 = arith.constant 0.000000e+00 : f32
      %max3A_3358 = vector.broadcast %max3A_3357 : f32 to vector<16xf32>
      %max3A_3359 = arith.maximumf %add3A_3356, %max3A_3358 : vector<16xf32>
      %mul3A_3360 = arith.mulf %max3A_3359, %get3A_3285 : vector<16xf32>
      %add3A_3361 = arith.addf %add3A_3267, %mul3A_3360 : vector<16xf32>
      %mul3A_3362 = arith.mulf %max3A_3359, %get3A_3287 : vector<16xf32>
      %add3A_3363 = arith.addf %add3A_3269, %mul3A_3362 : vector<16xf32>
      %mul3A_3364 = arith.constant 64 : i32
      %mul3A_3365 = arith.muli %scan3A_194, %mul3A_3364 : i32
      %add3A_3366 = arith.constant 0 : i32
      %add3A_3367 = arith.addi %mul3A_3365, %add3A_3366 : i32
      %swap3A_3368 = arith.index_cast %add3A_3367 : i32 to index
      %swap3A_3369 = tpu.vector_load %arg7[%swap3A_3368] {strides = array<i32>} : memref<1024xf32, #tpu.memory_space<vmem>>, vector<16xf32>,
      tpu.vector_store %arg7[%swap3A_3368], %add3A_3306 {strides = array<i32>} : memref<1024xf32, #tpu.memory_space<vmem>>, vector<16xf32>,
      %mul3A_3370 = arith.constant 64 : i32
      %mul3A_3371 = arith.muli %scan3A_194, %mul3A_3370 : i32
      %add3A_3372 = arith.constant 0 : i32
      %add3A_3373 = arith.addi %mul3A_3371, %add3A_3372 : i32
      %swap3A_3374 = arith.index_cast %add3A_3373 : i32 to index
      %swap3A_3375 = tpu.vector_load %arg8[%swap3A_3374] {strides = array<i32>} : memref<1024xf32, #tpu.memory_space<vmem>>, vector<16xf32>,
      tpu.vector_store %arg8[%swap3A_3374], %add3A_3304 {strides = array<i32>} : memref<1024xf32, #tpu.memory_space<vmem>>, vector<16xf32>,
      %mul3A_3376 = arith.constant 64 : i32
      %mul3A_3377 = arith.muli %scan3A_194, %mul3A_3376 : i32
      %add3A_3378 = arith.constant 16 : i32
      %add3A_3379 = arith.addi %mul3A_3377, %add3A_3378 : i32
      %swap3A_3380 = arith.index_cast %add3A_3379 : i32 to index
      %swap3A_3381 = tpu.vector_load %arg7[%swap3A_3380] {strides = array<i32>} : memref<1024xf32, #tpu.memory_space<vmem>>, vector<16xf32>,
      tpu.vector_store %arg7[%swap3A_3380], %add3A_3325 {strides = array<i32>} : memref<1024xf32, #tpu.memory_space<vmem>>, vector<16xf32>,
      %mul3A_3382 = arith.constant 64 : i32
      %mul3A_3383 = arith.muli %scan3A_194, %mul3A_3382 : i32
      %add3A_3384 = arith.constant 16 : i32
      %add3A_3385 = arith.addi %mul3A_3383, %add3A_3384 : i32
      %swap3A_3386 = arith.index_cast %add3A_3385 : i32 to index
      %swap3A_3387 = tpu.vector_load %arg8[%swap3A_3386] {strides = array<i32>} : memref<1024xf32, #tpu.memory_space<vmem>>, vector<16xf32>,
      tpu.vector_store %arg8[%swap3A_3386], %add3A_3323 {strides = array<i32>} : memref<1024xf32, #tpu.memory_space<vmem>>, vector<16xf32>,
      %mul3A_3388 = arith.constant 64 : i32
      %mul3A_3389 = arith.muli %scan3A_194, %mul3A_3388 : i32
      %add3A_3390 = arith.constant 32 : i32
      %add3A_3391 = arith.addi %mul3A_3389, %add3A_3390 : i32
      %swap3A_3392 = arith.index_cast %add3A_3391 : i32 to index
      %swap3A_3393 = tpu.vector_load %arg7[%swap3A_3392] {strides = array<i32>} : memref<1024xf32, #tpu.memory_space<vmem>>, vector<16xf32>,
      tpu.vector_store %arg7[%swap3A_3392], %add3A_3344 {strides = array<i32>} : memref<1024xf32, #tpu.memory_space<vmem>>, vector<16xf32>,
      %mul3A_3394 = arith.constant 64 : i32
      %mul3A_3395 = arith.muli %scan3A_194, %mul3A_3394 : i32
      %add3A_3396 = arith.constant 32 : i32
      %add3A_3397 = arith.addi %mul3A_3395, %add3A_3396 : i32
      %swap3A_3398 = arith.index_cast %add3A_3397 : i32 to index
      %swap3A_3399 = tpu.vector_load %arg8[%swap3A_3398] {strides = array<i32>} : memref<1024xf32, #tpu.memory_space<vmem>>, vector<16xf32>,
      tpu.vector_store %arg8[%swap3A_3398], %add3A_3342 {strides = array<i32>} : memref<1024xf32, #tpu.memory_space<vmem>>, vector<16xf32>,
      %mul3A_3400 = arith.constant 64 : i32
      %mul3A_3401 = arith.muli %scan3A_194, %mul3A_3400 : i32
      %add3A_3402 = arith.constant 48 : i32
      %add3A_3403 = arith.addi %mul3A_3401, %add3A_3402 : i32
      %swap3A_3404 = arith.index_cast %add3A_3403 : i32 to index
      %swap3A_3405 = tpu.vector_load %arg7[%swap3A_3404] {strides = array<i32>} : memref<1024xf32, #tpu.memory_space<vmem>>, vector<16xf32>,
      tpu.vector_store %arg7[%swap3A_3404], %add3A_3363 {strides = array<i32>} : memref<1024xf32, #tpu.memory_space<vmem>>, vector<16xf32>,
      %mul3A_3406 = arith.constant 64 : i32
      %mul3A_3407 = arith.muli %scan3A_194, %mul3A_3406 : i32
      %add3A_3408 = arith.constant 48 : i32
      %add3A_3409 = arith.addi %mul3A_3407, %add3A_3408 : i32
      %swap3A_3410 = arith.index_cast %add3A_3409 : i32 to index
      %swap3A_3411 = tpu.vector_load %arg8[%swap3A_3410] {strides = array<i32>} : memref<1024xf32, #tpu.memory_space<vmem>>, vector<16xf32>,
      tpu.vector_store %arg8[%swap3A_3410], %add3A_3361 {strides = array<i32>} : memref<1024xf32, #tpu.memory_space<vmem>>, vector<16xf32>,
    }
    %scan3A_22 = arith.constant 16 : i32
    %broadcast_in_dim3A = arith.constant 0xFF800000 : f32
    %broadcast_in_dim3A_23 = vector.broadcast %broadcast_in_dim3A : f32 to vector<16xf32>
    %scan3A_24 = arith.constant 0 : i32
    %scan3A_25 = arith.constant 64 : i32
    %scan3A_26 = arith.addi %scan3A_24, %scan3A_25 : i32
    %scan3A_27 = arith.constant 1 : i32
    %scan3A_28 = scf.for %scan3A_194 = %scan3A_24 to %scan3A_26 step %scan3A_27 iter_args(%scan3A_195 = %broadcast_in_dim3A_23) -> (vector<16xf32>)  : i32 {
      %mul3A_196 = arith.constant 16 : i32
      %mul3A_197 = arith.muli %scan3A_194, %mul3A_196 : i32
      %get3A = arith.index_cast %mul3A_197 : i32 to index
      %get3A_198 = tpu.vector_load %arg7[%get3A] {strides = array<i32>} : memref<1024xf32, #tpu.memory_space<vmem>>, vector<16xf32>,
      %max3A_199 = arith.maximumf %scan3A_195, %get3A_198 : vector<16xf32>
      scf.yield %max3A_199 : vector<16xf32>
    }
    %scan3A_29 = arith.constant 64 : i32
    %slice3A = vector.extract_strided_slice %scan3A_28 {offsets = [0], sizes = [1], strides = [1]} : vector<16xf32> to vector<1xf32>
    %squeeze3A = vector.extract %slice3A[0] : f32 from vector<1xf32>
    %slice3A_30 = vector.extract_strided_slice %scan3A_28 {offsets = [1], sizes = [1], strides = [1]} : vector<16xf32> to vector<1xf32>
    %squeeze3A_31 = vector.extract %slice3A_30[0] : f32 from vector<1xf32>
    %max3A = arith.maximumf %squeeze3A, %squeeze3A_31 : f32
    %slice3A_32 = vector.extract_strided_slice %scan3A_28 {offsets = [2], sizes = [1], strides = [1]} : vector<16xf32> to vector<1xf32>
    %squeeze3A_33 = vector.extract %slice3A_32[0] : f32 from vector<1xf32>
    %max3A_34 = arith.maximumf %max3A, %squeeze3A_33 : f32
    %slice3A_35 = vector.extract_strided_slice %scan3A_28 {offsets = [3], sizes = [1], strides = [1]} : vector<16xf32> to vector<1xf32>
    %squeeze3A_36 = vector.extract %slice3A_35[0] : f32 from vector<1xf32>
    %max3A_37 = arith.maximumf %max3A_34, %squeeze3A_36 : f32
    %slice3A_38 = vector.extract_strided_slice %scan3A_28 {offsets = [4], sizes = [1], strides = [1]} : vector<16xf32> to vector<1xf32>
    %squeeze3A_39 = vector.extract %slice3A_38[0] : f32 from vector<1xf32>
    %max3A_40 = arith.maximumf %max3A_37, %squeeze3A_39 : f32
    %slice3A_41 = vector.extract_strided_slice %scan3A_28 {offsets = [5], sizes = [1], strides = [1]} : vector<16xf32> to vector<1xf32>
    %squeeze3A_42 = vector.extract %slice3A_41[0] : f32 from vector<1xf32>
    %max3A_43 = arith.maximumf %max3A_40, %squeeze3A_42 : f32
    %slice3A_44 = vector.extract_strided_slice %scan3A_28 {offsets = [6], sizes = [1], strides = [1]} : vector<16xf32> to vector<1xf32>
    %squeeze3A_45 = vector.extract %slice3A_44[0] : f32 from vector<1xf32>
    %max3A_46 = arith.maximumf %max3A_43, %squeeze3A_45 : f32
    %slice3A_47 = vector.extract_strided_slice %scan3A_28 {offsets = [7], sizes = [1], strides = [1]} : vector<16xf32> to vector<1xf32>
    %squeeze3A_48 = vector.extract %slice3A_47[0] : f32 from vector<1xf32>
    %max3A_49 = arith.maximumf %max3A_46, %squeeze3A_48 : f32
    %slice3A_50 = vector.extract_strided_slice %scan3A_28 {offsets = [8], sizes = [1], strides = [1]} : vector<16xf32> to vector<1xf32>
    %squeeze3A_51 = vector.extract %slice3A_50[0] : f32 from vector<1xf32>
    %max3A_52 = arith.maximumf %max3A_49, %squeeze3A_51 : f32
    %slice3A_53 = vector.extract_strided_slice %scan3A_28 {offsets = [9], sizes = [1], strides = [1]} : vector<16xf32> to vector<1xf32>
    %squeeze3A_54 = vector.extract %slice3A_53[0] : f32 from vector<1xf32>
    %max3A_55 = arith.maximumf %max3A_52, %squeeze3A_54 : f32
    %slice3A_56 = vector.extract_strided_slice %scan3A_28 {offsets = [10], sizes = [1], strides = [1]} : vector<16xf32> to vector<1xf32>
    %squeeze3A_57 = vector.extract %slice3A_56[0] : f32 from vector<1xf32>
    %max3A_58 = arith.maximumf %max3A_55, %squeeze3A_57 : f32
    %slice3A_59 = vector.extract_strided_slice %scan3A_28 {offsets = [11], sizes = [1], strides = [1]} : vector<16xf32> to vector<1xf32>
    %squeeze3A_60 = vector.extract %slice3A_59[0] : f32 from vector<1xf32>
    %max3A_61 = arith.maximumf %max3A_58, %squeeze3A_60 : f32
    %slice3A_62 = vector.extract_strided_slice %scan3A_28 {offsets = [12], sizes = [1], strides = [1]} : vector<16xf32> to vector<1xf32>
    %squeeze3A_63 = vector.extract %slice3A_62[0] : f32 from vector<1xf32>
    %max3A_64 = arith.maximumf %max3A_61, %squeeze3A_63 : f32
    %slice3A_65 = vector.extract_strided_slice %scan3A_28 {offsets = [13], sizes = [1], strides = [1]} : vector<16xf32> to vector<1xf32>
    %squeeze3A_66 = vector.extract %slice3A_65[0] : f32 from vector<1xf32>
    %max3A_67 = arith.maximumf %max3A_64, %squeeze3A_66 : f32
    %slice3A_68 = vector.extract_strided_slice %scan3A_28 {offsets = [14], sizes = [1], strides = [1]} : vector<16xf32> to vector<1xf32>
    %squeeze3A_69 = vector.extract %slice3A_68[0] : f32 from vector<1xf32>
    %max3A_70 = arith.maximumf %max3A_67, %squeeze3A_69 : f32
    %slice3A_71 = vector.extract_strided_slice %scan3A_28 {offsets = [15], sizes = [1], strides = [1]} : vector<16xf32> to vector<1xf32>
    %squeeze3A_72 = vector.extract %slice3A_71[0] : f32 from vector<1xf32>
    %max3A_73 = arith.maximumf %max3A_70, %squeeze3A_72 : f32
    %broadcast_in_dim3A_74 = vector.broadcast %max3A_73 : f32 to vector<16xf32>
    %broadcast_in_dim3A_75 = arith.constant 0.000000e+00 : f32
    %broadcast_in_dim3A_76 = vector.broadcast %broadcast_in_dim3A_75 : f32 to vector<16xf32>
    %broadcast_in_dim3A_77 = arith.constant 0.000000e+00 : f32
    %broadcast_in_dim3A_78 = vector.broadcast %broadcast_in_dim3A_77 : f32 to vector<16xf32>
    %scan3A_79 = arith.constant 0 : i32
    %scan3A_80 = arith.constant 64 : i32
    %scan3A_81 = arith.addi %scan3A_79, %scan3A_80 : i32
    %scan3A_82 = arith.constant 1 : i32
    %scan3A_83:2 = scf.for %scan3A_194 = %scan3A_79 to %scan3A_81 step %scan3A_82 iter_args(%scan3A_195 = %broadcast_in_dim3A_76, %scan3A_196 = %broadcast_in_dim3A_78) -> (vector<16xf32>, vector<16xf32>)  : i32 {
      %mul3A_197 = arith.constant 16 : i32
      %mul3A_198 = arith.muli %scan3A_194, %mul3A_197 : i32
      %get3A = arith.index_cast %mul3A_198 : i32 to index
      %get3A_199 = tpu.vector_load %arg7[%get3A] {strides = array<i32>} : memref<1024xf32, #tpu.memory_space<vmem>>, vector<16xf32>,
      %sub3A = arith.subf %get3A_199, %broadcast_in_dim3A_74 : vector<16xf32>
      %exp3A = math.exp %sub3A : vector<16xf32>
      %add3A_200 = arith.addf %scan3A_195, %exp3A : vector<16xf32>
      %mul3A_201 = arith.constant 16 : i32
      %mul3A_202 = arith.muli %scan3A_194, %mul3A_201 : i32
      %get3A_203 = arith.index_cast %mul3A_202 : i32 to index
      %get3A_204 = tpu.vector_load %arg8[%get3A_203] {strides = array<i32>} : memref<1024xf32, #tpu.memory_space<vmem>>, vector<16xf32>,
      %mul3A_205 = arith.mulf %exp3A, %get3A_204 : vector<16xf32>
      %add3A_206 = arith.addf %scan3A_196, %mul3A_205 : vector<16xf32>
      scf.yield %add3A_200, %add3A_206 : vector<16xf32>, vector<16xf32>
    }
    %scan3A_84 = arith.constant 64 : i32
    %slice3A_85 = vector.extract_strided_slice %scan3A_83#0 {offsets = [0], sizes = [1], strides = [1]} : vector<16xf32> to vector<1xf32>
    %squeeze3A_86 = vector.extract %slice3A_85[0] : f32 from vector<1xf32>
    %slice3A_87 = vector.extract_strided_slice %scan3A_83#1 {offsets = [0], sizes = [1], strides = [1]} : vector<16xf32> to vector<1xf32>
    %squeeze3A_88 = vector.extract %slice3A_87[0] : f32 from vector<1xf32>
    %slice3A_89 = vector.extract_strided_slice %scan3A_83#0 {offsets = [1], sizes = [1], strides = [1]} : vector<16xf32> to vector<1xf32>
    %squeeze3A_90 = vector.extract %slice3A_89[0] : f32 from vector<1xf32>
    %add3A_91 = arith.addf %squeeze3A_86, %squeeze3A_90 : f32
    %slice3A_92 = vector.extract_strided_slice %scan3A_83#1 {offsets = [1], sizes = [1], strides = [1]} : vector<16xf32> to vector<1xf32>
    %squeeze3A_93 = vector.extract %slice3A_92[0] : f32 from vector<1xf32>
    %add3A_94 = arith.addf %squeeze3A_88, %squeeze3A_93 : f32
    %slice3A_95 = vector.extract_strided_slice %scan3A_83#0 {offsets = [2], sizes = [1], strides = [1]} : vector<16xf32> to vector<1xf32>
    %squeeze3A_96 = vector.extract %slice3A_95[0] : f32 from vector<1xf32>
    %add3A_97 = arith.addf %add3A_91, %squeeze3A_96 : f32
    %slice3A_98 = vector.extract_strided_slice %scan3A_83#1 {offsets = [2], sizes = [1], strides = [1]} : vector<16xf32> to vector<1xf32>
    %squeeze3A_99 = vector.extract %slice3A_98[0] : f32 from vector<1xf32>
    %add3A_100 = arith.addf %add3A_94, %squeeze3A_99 : f32
    %slice3A_101 = vector.extract_strided_slice %scan3A_83#0 {offsets = [3], sizes = [1], strides = [1]} : vector<16xf32> to vector<1xf32>
    %squeeze3A_102 = vector.extract %slice3A_101[0] : f32 from vector<1xf32>
    %add3A_103 = arith.addf %add3A_97, %squeeze3A_102 : f32
    %slice3A_104 = vector.extract_strided_slice %scan3A_83#1 {offsets = [3], sizes = [1], strides = [1]} : vector<16xf32> to vector<1xf32>
    %squeeze3A_105 = vector.extract %slice3A_104[0] : f32 from vector<1xf32>
    %add3A_106 = arith.addf %add3A_100, %squeeze3A_105 : f32
    %slice3A_107 = vector.extract_strided_slice %scan3A_83#0 {offsets = [4], sizes = [1], strides = [1]} : vector<16xf32> to vector<1xf32>
    %squeeze3A_108 = vector.extract %slice3A_107[0] : f32 from vector<1xf32>
    %add3A_109 = arith.addf %add3A_103, %squeeze3A_108 : f32
    %slice3A_110 = vector.extract_strided_slice %scan3A_83#1 {offsets = [4], sizes = [1], strides = [1]} : vector<16xf32> to vector<1xf32>
    %squeeze3A_111 = vector.extract %slice3A_110[0] : f32 from vector<1xf32>
    %add3A_112 = arith.addf %add3A_106, %squeeze3A_111 : f32
    %slice3A_113 = vector.extract_strided_slice %scan3A_83#0 {offsets = [5], sizes = [1], strides = [1]} : vector<16xf32> to vector<1xf32>
    %squeeze3A_114 = vector.extract %slice3A_113[0] : f32 from vector<1xf32>
    %add3A_115 = arith.addf %add3A_109, %squeeze3A_114 : f32
    %slice3A_116 = vector.extract_strided_slice %scan3A_83#1 {offsets = [5], sizes = [1], strides = [1]} : vector<16xf32> to vector<1xf32>
    %squeeze3A_117 = vector.extract %slice3A_116[0] : f32 from vector<1xf32>
    %add3A_118 = arith.addf %add3A_112, %squeeze3A_117 : f32
    %slice3A_119 = vector.extract_strided_slice %scan3A_83#0 {offsets = [6], sizes = [1], strides = [1]} : vector<16xf32> to vector<1xf32>
    %squeeze3A_120 = vector.extract %slice3A_119[0] : f32 from vector<1xf32>
    %add3A_121 = arith.addf %add3A_115, %squeeze3A_120 : f32
    %slice3A_122 = vector.extract_strided_slice %scan3A_83#1 {offsets = [6], sizes = [1], strides = [1]} : vector<16xf32> to vector<1xf32>
    %squeeze3A_123 = vector.extract %slice3A_122[0] : f32 from vector<1xf32>
    %add3A_124 = arith.addf %add3A_118, %squeeze3A_123 : f32
    %slice3A_125 = vector.extract_strided_slice %scan3A_83#0 {offsets = [7], sizes = [1], strides = [1]} : vector<16xf32> to vector<1xf32>
    %squeeze3A_126 = vector.extract %slice3A_125[0] : f32 from vector<1xf32>
    %add3A_127 = arith.addf %add3A_121, %squeeze3A_126 : f32
    %slice3A_128 = vector.extract_strided_slice %scan3A_83#1 {offsets = [7], sizes = [1], strides = [1]} : vector<16xf32> to vector<1xf32>
    %squeeze3A_129 = vector.extract %slice3A_128[0] : f32 from vector<1xf32>
    %add3A_130 = arith.addf %add3A_124, %squeeze3A_129 : f32
    %slice3A_131 = vector.extract_strided_slice %scan3A_83#0 {offsets = [8], sizes = [1], strides = [1]} : vector<16xf32> to vector<1xf32>
    %squeeze3A_132 = vector.extract %slice3A_131[0] : f32 from vector<1xf32>
    %add3A_133 = arith.addf %add3A_127, %squeeze3A_132 : f32
    %slice3A_134 = vector.extract_strided_slice %scan3A_83#1 {offsets = [8], sizes = [1], strides = [1]} : vector<16xf32> to vector<1xf32>
    %squeeze3A_135 = vector.extract %slice3A_134[0] : f32 from vector<1xf32>
    %add3A_136 = arith.addf %add3A_130, %squeeze3A_135 : f32
    %slice3A_137 = vector.extract_strided_slice %scan3A_83#0 {offsets = [9], sizes = [1], strides = [1]} : vector<16xf32> to vector<1xf32>
    %squeeze3A_138 = vector.extract %slice3A_137[0] : f32 from vector<1xf32>
    %add3A_139 = arith.addf %add3A_133, %squeeze3A_138 : f32
    %slice3A_140 = vector.extract_strided_slice %scan3A_83#1 {offsets = [9], sizes = [1], strides = [1]} : vector<16xf32> to vector<1xf32>
    %squeeze3A_141 = vector.extract %slice3A_140[0] : f32 from vector<1xf32>
    %add3A_142 = arith.addf %add3A_136, %squeeze3A_141 : f32
    %slice3A_143 = vector.extract_strided_slice %scan3A_83#0 {offsets = [10], sizes = [1], strides = [1]} : vector<16xf32> to vector<1xf32>
    %squeeze3A_144 = vector.extract %slice3A_143[0] : f32 from vector<1xf32>
    %add3A_145 = arith.addf %add3A_139, %squeeze3A_144 : f32
    %slice3A_146 = vector.extract_strided_slice %scan3A_83#1 {offsets = [10], sizes = [1], strides = [1]} : vector<16xf32> to vector<1xf32>
    %squeeze3A_147 = vector.extract %slice3A_146[0] : f32 from vector<1xf32>
    %add3A_148 = arith.addf %add3A_142, %squeeze3A_147 : f32
    %slice3A_149 = vector.extract_strided_slice %scan3A_83#0 {offsets = [11], sizes = [1], strides = [1]} : vector<16xf32> to vector<1xf32>
    %squeeze3A_150 = vector.extract %slice3A_149[0] : f32 from vector<1xf32>
    %add3A_151 = arith.addf %add3A_145, %squeeze3A_150 : f32
    %slice3A_152 = vector.extract_strided_slice %scan3A_83#1 {offsets = [11], sizes = [1], strides = [1]} : vector<16xf32> to vector<1xf32>
    %squeeze3A_153 = vector.extract %slice3A_152[0] : f32 from vector<1xf32>
    %add3A_154 = arith.addf %add3A_148, %squeeze3A_153 : f32
    %slice3A_155 = vector.extract_strided_slice %scan3A_83#0 {offsets = [12], sizes = [1], strides = [1]} : vector<16xf32> to vector<1xf32>
    %squeeze3A_156 = vector.extract %slice3A_155[0] : f32 from vector<1xf32>
    %add3A_157 = arith.addf %add3A_151, %squeeze3A_156 : f32
    %slice3A_158 = vector.extract_strided_slice %scan3A_83#1 {offsets = [12], sizes = [1], strides = [1]} : vector<16xf32> to vector<1xf32>
    %squeeze3A_159 = vector.extract %slice3A_158[0] : f32 from vector<1xf32>
    %add3A_160 = arith.addf %add3A_154, %squeeze3A_159 : f32
    %slice3A_161 = vector.extract_strided_slice %scan3A_83#0 {offsets = [13], sizes = [1], strides = [1]} : vector<16xf32> to vector<1xf32>
    %squeeze3A_162 = vector.extract %slice3A_161[0] : f32 from vector<1xf32>
    %add3A_163 = arith.addf %add3A_157, %squeeze3A_162 : f32
    %slice3A_164 = vector.extract_strided_slice %scan3A_83#1 {offsets = [13], sizes = [1], strides = [1]} : vector<16xf32> to vector<1xf32>
    %squeeze3A_165 = vector.extract %slice3A_164[0] : f32 from vector<1xf32>
    %add3A_166 = arith.addf %add3A_160, %squeeze3A_165 : f32
    %slice3A_167 = vector.extract_strided_slice %scan3A_83#0 {offsets = [14], sizes = [1], strides = [1]} : vector<16xf32> to vector<1xf32>
    %squeeze3A_168 = vector.extract %slice3A_167[0] : f32 from vector<1xf32>
    %add3A_169 = arith.addf %add3A_163, %squeeze3A_168 : f32
    %slice3A_170 = vector.extract_strided_slice %scan3A_83#1 {offsets = [14], sizes = [1], strides = [1]} : vector<16xf32> to vector<1xf32>
    %squeeze3A_171 = vector.extract %slice3A_170[0] : f32 from vector<1xf32>
    %add3A_172 = arith.addf %add3A_166, %squeeze3A_171 : f32
    %slice3A_173 = vector.extract_strided_slice %scan3A_83#0 {offsets = [15], sizes = [1], strides = [1]} : vector<16xf32> to vector<1xf32>
    %squeeze3A_174 = vector.extract %slice3A_173[0] : f32 from vector<1xf32>
    %add3A_175 = arith.addf %add3A_169, %squeeze3A_174 : f32
    %slice3A_176 = vector.extract_strided_slice %scan3A_83#1 {offsets = [15], sizes = [1], strides = [1]} : vector<16xf32> to vector<1xf32>
    %squeeze3A_177 = vector.extract %slice3A_176[0] : f32 from vector<1xf32>
    %add3A_178 = arith.addf %add3A_172, %squeeze3A_177 : f32
    %eq3A = arith.constant 0 : i32
    %eq3A_179 = vector.broadcast %eq3A : i32 to vector<16xi32>
    %eq3A_180 = arith.cmpi eq, %iota3A, %eq3A_179 : vector<16xi32>
    %broadcast_in_dim3A_181 = vector.broadcast %max3A_73 : f32 to vector<16xf32>
    %eq3A_182 = arith.constant 1 : i32
    %eq3A_183 = vector.broadcast %eq3A_182 : i32 to vector<16xi32>
    %eq3A_184 = arith.cmpi eq, %iota3A, %eq3A_183 : vector<16xi32>
    %broadcast_in_dim3A_185 = vector.broadcast %add3A_175 : f32 to vector<16xf32>
    %broadcast_in_dim3A_186 = vector.broadcast %add3A_178 : f32 to vector<16xf32>
    %select_n3A = arith.select %eq3A_184, %broadcast_in_dim3A_185, %broadcast_in_dim3A_186 : vector<16xi1>, vector<16xf32>
    %select_n3A_187 = arith.select %eq3A_180, %broadcast_in_dim3A_181, %select_n3A : vector<16xi1>, vector<16xf32>
    %swap3A = arith.constant 0 : index
    %swap3A_188 = tpu.vector_load %arg9[%swap3A] {strides = array<i32>} : memref<16xf32, #tpu.memory_space<vmem>>, vector<16xf32>,
    tpu.vector_store %arg9[%swap3A], %select_n3A_187 {strides = array<i32>} : memref<16xf32, #tpu.memory_space<vmem>>, vector<16xf32>,
    %mul3A_189 = arith.constant 16 : i32
    %mul3A_190 = arith.muli %arg1, %mul3A_189 : i32
    "tpu.region"() ({
      %run_scoped3A_194 = tpu.sem_alloc : memref<!tpu.dma_semaphore, #tpu.memory_space<semaphore_mem>>
      %dma_start3A = tpu.memref_slice %arg11[%mul3A_190] : memref<256xf32, #tpu.memory_space<vmem_shared>> -> memref<16xf32, #tpu.memory_space<vmem_shared>>
      %dma_start3A_195 = tpu.memref_slice %arg11[%mul3A_190] : memref<256xf32, #tpu.memory_space<vmem_shared>> -> memref<16xf32, #tpu.memory_space<vmem_shared>>
      tpu.enqueue_dma source(%arg9 : memref<16xf32, #tpu.memory_space<vmem>>) target(%dma_start3A_195 : memref<16xf32, #tpu.memory_space<vmem_shared>>) target_semaphore(%run_scoped3A_194 : memref<!tpu.dma_semaphore, #tpu.memory_space<semaphore_mem>>)
      %dma_wait3A = tpu.memref_slice %arg11[%mul3A_190] : memref<256xf32, #tpu.memory_space<vmem_shared>> -> memref<16xf32, #tpu.memory_space<vmem_shared>>
      %dma_wait3A_196 = tpu.memref_slice %arg11[%mul3A_190] : memref<256xf32, #tpu.memory_space<vmem_shared>> -> memref<16xf32, #tpu.memory_space<vmem_shared>>
      tpu.wait_dma2 semaphore(%run_scoped3A_194 : memref<!tpu.dma_semaphore, #tpu.memory_space<semaphore_mem>>) src(%arg9 : memref<16xf32, #tpu.memory_space<vmem>>) dst(%dma_wait3A_196 : memref<16xf32, #tpu.memory_space<vmem_shared>>)
      tpu.yield
    }) : () -> ()
    %barrier3A = arith.constant 0 : index
    tpu.barrier barrier_id(%barrier3A)
    %eq3A_191 = arith.constant 0 : i32
    %eq3A_192 = arith.cmpi eq, %arg1, %eq3A_191 : i32
    %convert_element_type3A = arith.extui %eq3A_192 : i1 to i32
    %cond3A = arith.constant 0 : i32
    %cond3A_193 = arith.cmpi ne, %convert_element_type3A, %cond3A : i32
    scf.if %cond3A_193 {
      "tpu.region"() ({
        %run_scoped3A_236 = tpu.sem_alloc : memref<!tpu.dma_semaphore, #tpu.memory_space<semaphore_mem>>
        tpu.enqueue_dma source(%arg11 : memref<256xf32, #tpu.memory_space<vmem_shared>>) target(%arg12 : memref<256xf32, #tpu.memory_space<vmem>>) target_semaphore(%run_scoped3A_236 : memref<!tpu.dma_semaphore, #tpu.memory_space<semaphore_mem>>)
        tpu.wait_dma2 semaphore(%run_scoped3A_236 : memref<!tpu.dma_semaphore, #tpu.memory_space<semaphore_mem>>) src(%arg11 : memref<256xf32, #tpu.memory_space<vmem_shared>>) dst(%arg12 : memref<256xf32, #tpu.memory_space<vmem>>)
        tpu.yield
      }) : () -> ()
      %and3A = arith.constant 7 : i32
      %and3A_194 = vector.broadcast %and3A : i32 to vector<16xi32>
      %and3A_195 = arith.andi %iota3A, %and3A_194 : vector<16xi32>
      %mul3A_196 = arith.constant 32 : i32
      %mul3A_197 = vector.broadcast %mul3A_196 : i32 to vector<16xi32>
      %mul3A_198 = arith.muli %and3A_195, %mul3A_197 : vector<16xi32>
      %gather3A = tpu.vector_load_idx %arg12[%mul3A_198] : memref<256xf32, #tpu.memory_space<vmem>>[vector<16xi32>], vector<16xf32>,
      %add3A_199 = arith.constant 1 : i32
      %add3A_200 = vector.broadcast %add3A_199 : i32 to vector<16xi32>
      %add3A_201 = arith.addi %mul3A_198, %add3A_200 : vector<16xi32>
      %gather3A_202 = tpu.vector_load_idx %arg12[%add3A_201] : memref<256xf32, #tpu.memory_space<vmem>>[vector<16xi32>], vector<16xf32>,
      %add3A_203 = arith.constant 2 : i32
      %add3A_204 = vector.broadcast %add3A_203 : i32 to vector<16xi32>
      %add3A_205 = arith.addi %mul3A_198, %add3A_204 : vector<16xi32>
      %gather3A_206 = tpu.vector_load_idx %arg12[%add3A_205] : memref<256xf32, #tpu.memory_space<vmem>>[vector<16xi32>], vector<16xf32>,
      %add3A_207 = arith.constant 16 : i32
      %add3A_208 = vector.broadcast %add3A_207 : i32 to vector<16xi32>
      %add3A_209 = arith.addi %mul3A_198, %add3A_208 : vector<16xi32>
      %gather3A_210 = tpu.vector_load_idx %arg12[%add3A_209] : memref<256xf32, #tpu.memory_space<vmem>>[vector<16xi32>], vector<16xf32>,
      %add3A_211 = arith.constant 16 : i32
      %add3A_212 = vector.broadcast %add3A_211 : i32 to vector<16xi32>
      %add3A_213 = arith.addi %mul3A_198, %add3A_212 : vector<16xi32>
      %add3A_214 = arith.constant 1 : i32
      %add3A_215 = vector.broadcast %add3A_214 : i32 to vector<16xi32>
      %add3A_216 = arith.addi %add3A_213, %add3A_215 : vector<16xi32>
      %gather3A_217 = tpu.vector_load_idx %arg12[%add3A_216] : memref<256xf32, #tpu.memory_space<vmem>>[vector<16xi32>], vector<16xf32>,
      %add3A_218 = arith.constant 16 : i32
      %add3A_219 = vector.broadcast %add3A_218 : i32 to vector<16xi32>
      %add3A_220 = arith.addi %mul3A_198, %add3A_219 : vector<16xi32>
      %add3A_221 = arith.constant 2 : i32
      %add3A_222 = vector.broadcast %add3A_221 : i32 to vector<16xi32>
      %add3A_223 = arith.addi %add3A_220, %add3A_222 : vector<16xi32>
      %gather3A_224 = tpu.vector_load_idx %arg12[%add3A_223] : memref<256xf32, #tpu.memory_space<vmem>>[vector<16xi32>], vector<16xf32>,
      %max3A_225 = arith.maximumf %gather3A, %gather3A_210 : vector<16xf32>
      %sub3A = arith.subf %gather3A, %max3A_225 : vector<16xf32>
      %exp3A = math.exp %sub3A : vector<16xf32>
      %sub3A_226 = arith.subf %gather3A_210, %max3A_225 : vector<16xf32>
      %exp3A_227 = math.exp %sub3A_226 : vector<16xf32>
      %mul3A_228 = arith.mulf %gather3A_202, %exp3A : vector<16xf32>
      %mul3A_229 = arith.mulf %gather3A_217, %exp3A_227 : vector<16xf32>
      %add3A_230 = arith.addf %mul3A_228, %mul3A_229 : vector<16xf32>
      %mul3A_231 = arith.mulf %gather3A_206, %exp3A : vector<16xf32>
      %mul3A_232 = arith.mulf %gather3A_224, %exp3A_227 : vector<16xf32>
      %add3A_233 = arith.addf %mul3A_231, %mul3A_232 : vector<16xf32>
      %div3A = arith.divf %add3A_233, %add3A_230 : vector<16xf32>
      %swap3A_234 = arith.constant 0 : index
      %swap3A_235 = tpu.vector_load %arg10[%swap3A_234] {strides = array<i32>} : memref<16xf32, #tpu.memory_space<vmem>>, vector<16xf32>,
      tpu.vector_store %arg10[%swap3A_234], %div3A {strides = array<i32>} : memref<16xf32, #tpu.memory_space<vmem>>, vector<16xf32>,
      "tpu.region"() ({
        %run_scoped3A_236 = tpu.sem_alloc : memref<!tpu.dma_semaphore, #tpu.memory_space<semaphore_mem>>
        %dma_start3A = arith.constant 0 : i32
        %dma_start3A_237 = tpu.memref_slice %arg4[%arg0, %dma_start3A] : memref<2x16xf32, #tpu.memory_space<hbm>> -> memref<1x16xf32, #tpu.memory_space<hbm>>
        %dma_start3A_238 = tpu.memref_squeeze %dma_start3A_237 : memref<1x16xf32, #tpu.memory_space<hbm>> -> memref<16xf32, #tpu.memory_space<hbm>>
        %dma_start3A_239 = arith.constant 0 : i32
        %dma_start3A_240 = tpu.memref_slice %arg4[%arg0, %dma_start3A_239] : memref<2x16xf32, #tpu.memory_space<hbm>> -> memref<1x16xf32, #tpu.memory_space<hbm>>
        %dma_start3A_241 = tpu.memref_squeeze %dma_start3A_240 : memref<1x16xf32, #tpu.memory_space<hbm>> -> memref<16xf32, #tpu.memory_space<hbm>>
        tpu.enqueue_dma source(%arg10 : memref<16xf32, #tpu.memory_space<vmem>>) target(%dma_start3A_241 : memref<16xf32, #tpu.memory_space<hbm>>) target_semaphore(%run_scoped3A_236 : memref<!tpu.dma_semaphore, #tpu.memory_space<semaphore_mem>>)
        %dma_wait3A = arith.constant 0 : i32
        %dma_wait3A_242 = tpu.memref_slice %arg4[%arg0, %dma_wait3A] : memref<2x16xf32, #tpu.memory_space<hbm>> -> memref<1x16xf32, #tpu.memory_space<hbm>>
        %dma_wait3A_243 = tpu.memref_squeeze %dma_wait3A_242 : memref<1x16xf32, #tpu.memory_space<hbm>> -> memref<16xf32, #tpu.memory_space<hbm>>
        %dma_wait3A_244 = arith.constant 0 : i32
        %dma_wait3A_245 = tpu.memref_slice %arg4[%arg0, %dma_wait3A_244] : memref<2x16xf32, #tpu.memory_space<hbm>> -> memref<1x16xf32, #tpu.memory_space<hbm>>
        %dma_wait3A_246 = tpu.memref_squeeze %dma_wait3A_245 : memref<1x16xf32, #tpu.memory_space<hbm>> -> memref<16xf32, #tpu.memory_space<hbm>>
        tpu.wait_dma2 semaphore(%run_scoped3A_236 : memref<!tpu.dma_semaphore, #tpu.memory_space<semaphore_mem>>) src(%arg10 : memref<16xf32, #tpu.memory_space<vmem>>) dst(%dma_wait3A_246 : memref<16xf32, #tpu.memory_space<hbm>>)
        tpu.yield
      }) : () -> ()
    } else {
    }
    return
  }
}

</mosaic_0001>

<sc_bundles>
// kernel: kernel.3.cloned.1.call-start
scs
__scs_entry_jumppad:
0x0: {  	(pc) =	sbr.rel $0x88, $3  }
0x1: {  	(tag) =	ssettag $0x0;
	lr =	simm.s32 $0x1  }
0x2: {  	[smem:$0x3F9B] =	sst lr;
	_ =	strace $0xD0000000  }
0x3: {  	_ = 	snop  }
0x4: {  	_ = 	snop  }
0x5: {  	_ = 	snop  }
0x6: {  	_ = 	snop  }
0x7: {  	_ = 	snop  }
__scs_overlays_trampoline_lowered:
0x8: {  	[smem:$0x3FAA] =	sst s0  }
0x9: {  	[smem:$0x3FAB] =	sst s1  }
0xa: {  	[smem:$0x3FAC] =	sst s2  }
0xb: {  	[smem:$0x3FAD] =	sst s3  }
0xc: {  	[smem:$0x3FAE] =	sst s4  }
0xd: {  	[smem:$0x3FAF] =	sst s5  }
0xe: {  	[smem:$0x3FB0] =	sst s6  }
0xf: {  	[smem:$0x3FB1] =	sst s7  }
0x10: {  	[smem:$0x3FB2] =	sst s8  }
0x11: {  	[smem:$0x3FB3] =	sst s9;
	s0 =	simm.s32 @!p0 $0x0  }
0x12: {  	s1 =	sld [smem:$0x3F99];
	s0 =	simm.s32 @p0 $0x1  }
0x13: {  	[smem:$0x3FB4] =	sst s0;
	s0 =	simm.s32 @!p1 $0x0  }
0x14: {  	s2 =	sld [smem:$0x3F98];
	s0 =	simm.s32 @p1 $0x1  }
0x15: {  	[smem:$0x3FB5] =	sst s0;
	s0 =	simm.s32 @!p2 $0x0  }
0x16: {  	s3 =	sld [smem:$0x3FDB];
	s0 =	simm.s32 @p2 $0x1  }
0x17: {  	s4 =	simm.s32 $0x1BF5;
	[smem:$0x3FB7] =	sst s0  }
0x18: {  	s0 =	sld [smem:$0x3F9A];
	_ =	swait.ge [sflag:s4], $0x0  }
0x19: {  	s7 =	sld [smem:$0x3F9B]  }
0x1a: {  	s8 =	sadd.s32 $0xFFFFE003, lr  }
0x1b: {  	s9 =	sadd.s32 $0xFFFFFEF7, lr;
	s5 =	simm.s32 $0xFFFFFFFF;
	p2 =	slt.u32 s8, $0xFFFFF086  }
0x1c: {  	p1 =	slt.u32 s9, $0xF7A;
	s5 =	simm.s32 @!p2 $0x0  }
0x1d: {  	s5 =	simm.s32 @p1 $0x1;
	p0 =	seq.s32 s7, s2  }
0x1e: {  	s7 =	smul.u32 @!p0 $0xF7A, s2;
	p2 =	seq.s32 @!p0 s5, $0x0  }
0x1f: {  	s9 =	smul.u32 $0xF7A, s1;
	s8 =	simm.s32 @!p0 $0x1BF5;
	p2 =	por !p2, p0  }
0x20: {  	[sflag:s8] =	ssyncset.s32 @!p0 $0xFFFFF086;
	s6 =	sadd.s32 @!p0 s3, s7;
	s7 =	simm.s32 @!p0 $0x108  }
0x21: {  	s3 =	sadd.s32 s3, s9;
	s6 =	sadd.s32 @!p0 $0x88, s6;
	s7 =	simm.s32 @p2 $0x1082  }
0x22: {  	[simem:s7], [sflag:s8] =	dma.local @!p0 [hbm:s6], $0xF7A  }
0x23: {  	s9 =	sor.u32 $0xD0000000, s2;
	s6 =	simm.s32 $0x108;
	_ =	swait.ge @!p0 [sflag:s8], $0x0  }
0x24: {  	s3 =	sadd.s32 $0x88, s3;
	s6 =	simm.s32 @!p1 $0x1082;
	[sflag:s4] =	ssyncset.s32 $0xFFFFF086  }
0x25: {  	[simem:s6], [sflag:s4] =	dma.local [hbm:s3], $0xF7A  }
0x26: {  	[smem:$0x3F9B] =	sst s1;
	(tag) =	ssettag s2;
	_ =	strace s9  }
0x27: {  	s1 =	sld [smem:$0x3FAB]  }
0x28: {  	s2 =	sld [smem:$0x3FAC]  }
0x29: {  	s4 =	sld [smem:$0x3FAE]  }
0x2a: {  	p0 =	seq.s32 s5, $0x0;
	s5 =	sld [smem:$0x3FAF]  }
0x2b: {  	s6 =	sld [smem:$0x3FB0]  }
0x2c: {  	s7 =	sld [smem:$0x3FB1]  }
0x2d: {  	s3 =	simm.s32 $0x108;
	s8 =	sld [smem:$0x3FB2]  }
0x2e: {  	s3 =	simm.s32 @!p0 $0x1082;
	s9 =	sld [smem:$0x3FB3]  }
0x2f: {  	lr =	sadd.s32 s0, s3;
	s0 =	sld [smem:$0x3FAA]  }
0x30: {  	s3 =	sld [smem:$0x3FAD]  }
0x31: {  	[smem:$0x3FB6] =	sst s10  }
0x32: {  	s10 =	sld [smem:$0x3FB4];
	_ =	sdelay $0x3  }
0x33: {  	p0 =	seq.s32 s10, $0x1;
	s10 =	sld [smem:$0x3FB6];
	_ =	sdelay $0x3  }
0x34: {  	[smem:$0x3FB6] =	sst s10  }
0x35: {  	s10 =	sld [smem:$0x3FB5];
	_ =	sdelay $0x3  }
0x36: {  	p1 =	seq.s32 s10, $0x1;
	s10 =	sld [smem:$0x3FB6];
	_ =	sdelay $0x3  }
0x37: {  	[smem:$0x3FB6] =	sst s10  }
0x38: {  	s10 =	sld [smem:$0x3FB7]  }
0x39: {  	_ = 	snop;
	(pc) =	sbr.ind lr, $3  }
0x3a: {  	_ = 	snop  }
0x3b: {  	_ = 	snop  }
0x3c: {  	p2 =	seq.s32 s10, $0x1;
	s10 =	sld [smem:$0x3FB6]  }
0x3d: {  	_ =	shalt  }
0x3e: {  	_ =	shalt  }
0x3f: {  	_ =	shalt  }
0x40: {  	_ =	shalt  }
0x41: {  	_ =	shalt  }
0x42: {  	_ =	shalt  }
0x43: {  	_ =	shalt  }
0x44: {  	_ =	shalt  }
0x45: {  	_ =	shalt  }
0x46: {  	_ =	shalt  }
0x47: {  	_ =	shalt  }
0x48: {  	_ =	shalt  }
0x49: {  	_ =	shalt  }
0x4a: {  	_ =	shalt  }
0x4b: {  	_ =	shalt  }
0x4c: {  	_ =	shalt  }
0x4d: {  	_ =	shalt  }
0x4e: {  	_ =	shalt  }
0x4f: {  	_ =	shalt  }
0x50: {  	_ =	shalt  }
0x51: {  	_ =	shalt  }
0x52: {  	_ =	shalt  }
0x53: {  	_ =	shalt  }
0x54: {  	_ =	shalt  }
0x55: {  	_ =	shalt  }
0x56: {  	_ =	shalt  }
0x57: {  	_ =	shalt  }
0x58: {  	_ =	shalt  }
0x59: {  	_ =	shalt  }
0x5a: {  	_ =	shalt  }
0x5b: {  	_ =	shalt  }
0x5c: {  	_ =	shalt  }
0x5d: {  	_ =	shalt  }
0x5e: {  	_ =	shalt  }
0x5f: {  	_ =	shalt  }
0x60: {  	_ =	shalt  }
0x61: {  	_ =	shalt  }
0x62: {  	_ =	shalt  }
0x63: {  	_ =	shalt  }
0x64: {  	_ =	shalt  }
0x65: {  	_ =	shalt  }
0x66: {  	_ =	shalt  }
0x67: {  	_ =	shalt  }
0x68: {  	_ =	shalt  }
0x69: {  	_ =	shalt  }
0x6a: {  	_ =	shalt  }
0x6b: {  	_ =	shalt  }
0x6c: {  	_ =	shalt  }
0x6d: {  	_ =	shalt  }
0x6e: {  	_ =	shalt  }
0x6f: {  	_ =	shalt  }
0x70: {  	_ =	shalt  }
0x71: {  	_ =	shalt  }
0x72: {  	_ =	shalt  }
0x73: {  	_ =	shalt  }
0x74: {  	_ =	shalt  }
0x75: {  	_ =	shalt  }
0x76: {  	_ =	shalt  }
0x77: {  	_ =	shalt  }
0x78: {  	_ =	shalt  }
0x79: {  	_ =	shalt  }
0x7a: {  	_ =	shalt  }
0x7b: {  	_ =	shalt  }
0x7c: {  	_ =	shalt  }
0x7d: {  	_ =	shalt  }
0x7e: {  	_ =	shalt  }
0x7f: {  	_ =	shalt  }
0x80: {  	_ =	shalt  }
0x81: {  	_ =	shalt  }
0x82: {  	_ =	shalt  }
0x83: {  	_ =	shalt  }
0x84: {  	_ =	shalt  }
0x85: {  	_ =	shalt  }
0x86: {  	_ =	shalt  }
0x87: {  	_ =	shalt  }
.Lfunc_end0:
.L_simem_size_0:
called_computation_lowered:
.L_overlay_start_0:
0x88: {  	s2 =	sld [smem:$0x3FD9]  }
0x89: {  	s3 =	sld [smem:$0x3FFE];
	_ =	sdelay $0x1  }
0x8a: {  	s1 =	srdreg.scid  }
0x8b: {  	s0 =	sand.u32 $0x1, s1  }
0x8c: {  	s17 =	sshll.u32 s0, $0xA;
	s2 =	sadd.s32 s3, s2  }
0x8d: {  	s2 =	sadd.s32 s2, s17  }
0x8e: {  	[smem:$0x3FC2] =	sst s2  }
0x8f: {  	_ = 	snop  }
0x90: {  	s2 =	sld [smem:$0x3FC9];
	(tm) =	ssettm $0x1  }
0x91: {  	s18 =	sld [smem:$0x3FFB];
	_ =	sdelay $0x3  }
0x92: {  	_ =	strace s18  }
0x93: {  	s3 =	sld [smem:$0x3FFC];
	_ =	sdelay $0x3  }
0x94: {  	_ =	strace s3  }
0x95: {  	s3 =	sld [smem:$0x3FFD];
	_ =	sdelay $0x3  }
0x96: {  	_ =	strace s3  }
0x97: {  	_ =	strace $0x8FFFFFFF  }
0x98: {  	s19 =	sld [smem:$0x3FDB];
	_ =	sdelay $0x1  }
0x99: {  	s4 =	simm.s32 $_scs_section_size  }
0x9a: {  	s5 =	simm.s32 $_size__tile_overlayer_lowered;
	s6 =	simm.s32 $_tile_overlayer_lowered  }
0x9b: {  	s22 =	simm.s32 $0x1BFF;
	s21 =	sshll.u32 s6, $0x1;
	s3 =	sadd.s32 s4, s19  }
0x9c: {  	s7 =	simm.s32 $0x0;
	s20 =	sshll.u32 s5, $0x1;
	s5 =	sadd.s32 s21, s3  }
0x9d: {  	[timem:s7], [sflag:s22] =	dma.local [hbm:s5], s20  }
0x9e: {  	_ =	swait.ge [sflag:s22], s20  }
0x9f: {  	s4 =	ssub.s32 $0x0, s20;
	[sflag:s22] =	ssyncset.done $0x0  }
0xa0: {  	[sflag:s22] =	ssyncadd.s32 s4;
	_ =	sdelay $0x1  }
0xa1: {  	s23 =	simm.s32 $0x1B8B  }
0xa2: {  	_ =	swait.ge [sflag:s23], $0x1  }
0xa3: {  	[sflag:s23] =	ssyncset.done $0x0  }
0xa4: {  	s25 =	simm.s32 $0x1B8E;
	s24 =	sld [smem:$0x3FFE];
	[sflag:s23] =	ssyncadd.s32 $0xFFFFFFFF  }
0xa5: {  	s26 =	simm.s32 $execute0_lowered;
	[smem:$0x3FD2] =	sst s25  }
0xa6: {  	s5 =	sshll.u32 s26, $0x1;
	_ =	strace $0x80000046;
	[dreg:$0x1] =	wrdreg $0xFFFFFFFF  }
0xa7: {  	s28 =	simm.s32 $_size_execute0_lowered;
	s3 =	sadd.s32 s3, s5;
	[dreg:$0x0] =	wrdreg $0x0  }
0xa8: {  	s5 =	sshll.u32 s28, $0x1;
	[dreg:$0x2] =	wrdreg s3  }
0xa9: {  	[dreg:$0x3] =	wrdreg s5  }
0xaa: {  	[dreg:$0x4] =	wrdreg $0xC0  }
0xab: {  	_ =	task [dreg:s7], $0x5FFFF  }
0xac: {  	[dreg:$0x1] =	wrdreg $0xFFFFFFFF  }
0xad: {  	[dreg:$0x0] =	wrdreg $0x60  }
0xae: {  	[dreg:$0x2] =	wrdreg s2  }
0xaf: {  	[dreg:$0x3] =	wrdreg s24  }
0xb0: {  	[dreg:$0x4] =	wrdreg $0x33000  }
0xb1: {  	[dreg:$0x5] =	wrdreg $0x9  }
0xb2: {  	_ =	task.clear_ibuf [dreg:s7], $0x6FFFF;
	_ =	strace $0x90000046  }
0xb3: {  	s29 =	simm.s32 $0x9;
	_ =	strace $0x80000048  }
0xb4: {  	_ =	swait.ge [sflag:s29], $0x1  }
0xb5: {  	[sflag:s29] =	ssyncadd.s32 $0xFFFFFFFF  }
0xb6: {  	_ =	strace $0x90000048  }
0xb7: {  	_ =	sfence  }
0xb8: {  	s30 =	sld [smem:$0x0];
	_ =	sdelay $0x2  }
0xb9: {  	s31 =	sshll.u32 s1, $0xD;
	s1 =	sshrl.u32 s1, $0x2  }
0xba: {  	s3 =	sand.u32 $0x4000, s31;
	s1 =	sadd.s32 s1, s30  }
0xbb: {  	s0 =	sor.u32 s3, s0;
	s1 =	sshll.u32 s1, $0x11  }
0xbc: {  	s0 =	sor.u32 s1, s0  }
0xbd: {  	s0 =	sadd.s32 $0x8F2B, s0  }
0xbe: {  	[sflag:s0] =	ssyncadd.remote.s32 $0x1  }
0xbf: {  	_ =	sfence.sel $0xFFFF  }
0xc0: {  	[dreg:$0x0] =	wrdreg $0xFFFFFFFF;
	(pc) =	sbr.abs _section_cstart, $3  }
0xc1: {  	[dreg:$0x1] =	wrdreg $0xFFFFFFFF  }
0xc2: {  	_ =	task.clear_ibuf [dreg:s7], $0x2FFFF;
	_ =	strace $0x9FFFFFFF  }
0xc3: {  	(tm) =	ssettm $0x7FFFFFFF  }
tec
execute0_lowered:
.L_overlay_start_1:
0x0: {  	(tag) =	ssettag $0x1  }
0x1: {  	s4 =	rddreg [dreg:$0x0]  }
0x2: {  	s5 =	rddreg [dreg:$0x1]  }
0x3: {  	s1 =	rddreg [dreg:$0x2]  }
0x4: {  	s0 =	rddreg [dreg:$0x3]  }
0x5: {  	s2 =	simm.s32 $0x0;
	s3 =	srdreg.scid;
	s21 =	stileid.u32  }
0x6: {  	s13 =	simm.s32 $0x80;
	s14 =	simm.s32 $0x400;
	s15 =	simm.s32 $0x1  }
0x7: {  	s16 =	simm.s32 $0x800;
	s17 =	simm.s32 $0xC00;
	s18 =	simm.s32 $0x1000  }
0x8: {  	s19 =	simm.s32 $0x1400;
	s20 =	simm.s32 $0x1800;
	s22 =	simm.s32 $0x0  }
0x9: {  	[smem:$0x7FF] =	sst s2;
	s6 =	sand.u32 $0x1, s3;
	s3 =	sadd.s32 $0xE00, s5  }
0xa: {  	s8 =	sshll.u32 s21, $0xA;
	s10 =	sshll.u32 s21, $0x4;
	p0 =	sne.s32 s21, $0x0  }
0xb: {  	s21 =	simm.s32 $0x3200;
	_ =	strace $0x80000047;
	s7 =	sshll.u32 s6, $0xE  }
0xc: {  	s9 =	sshll.u32 s6, $0x4;
	s6 =	ssub.s32 $0x2, s6;
	s10 =	sadd.s32 s10, s1  }
0xd: {  	s7 =	sor.u32 s8, s7;
	s11 =	sadd.s32 s9, s5;
	s31 =	sshrl.u32 s6, $0x1  }
0xe: {  	s4 =	sadd.s32 s4, s7;
	s12 =	ssub.s32 s6, s31;
	s11 =	sadd.s32 $0x1200, s11  }
0xf: {  	s5 =	sadd.s32 $0x10, s4;
	s6 =	sadd.s32 $0x20, s4;
	s7 =	sadd.s32 $0x30, s4  }
0x10: {  	v0 =	vlaneseq.u32;
	s8 =	sadd.s32 $0x40, s4;
	s9 =	sadd.s32 $0x50, s4;
	s12 =	smax.u32 s12, $0x1  }
.LBB2_1:
0x11: {  	[tilespmem:s2], [sflag:$0x1] =	stream.strided.gather [hbm4b:s4+s13], $0x400, s14, s13, $0x38;
	[tilespmem:$0x3410] =	vst v63  }
0x12: {  	_ =	swait.ge [sflag:s15], $0x400  }
0x13: {  	[sflag:s15] =	ssyncset.done $0x0  }
0x14: {  	[sflag:s15] =	ssyncadd.s32 $0xFFFFFC00  }
0x15: {  	[tilespmem:s14], [sflag:$0x1] =	stream.strided.gather [hbm4b:s5+s13], $0x400, s14, s13, $0x38;
	[tilespmem:$0x3410] =	vst v63  }
0x16: {  	_ =	swait.ge [sflag:s15], $0x400  }
0x17: {  	[sflag:s15] =	ssyncset.done $0x0  }
0x18: {  	[sflag:s15] =	ssyncadd.s32 $0xFFFFFC00  }
0x19: {  	[tilespmem:s16], [sflag:$0x1] =	stream.strided.gather [hbm4b:s6+s13], $0x400, s14, s13, $0x38;
	[tilespmem:$0x3410] =	vst v63  }
0x1a: {  	_ =	swait.ge [sflag:s15], $0x400  }
0x1b: {  	[sflag:s15] =	ssyncset.done $0x0  }
0x1c: {  	[sflag:s15] =	ssyncadd.s32 $0xFFFFFC00  }
0x1d: {  	[tilespmem:s17], [sflag:$0x1] =	stream.strided.gather [hbm4b:s7+s13], $0x400, s14, s13, $0x38;
	[tilespmem:$0x3410] =	vst v63  }
0x1e: {  	_ =	swait.ge [sflag:s15], $0x400  }
0x1f: {  	[sflag:s15] =	ssyncset.done $0x0  }
0x20: {  	[sflag:s15] =	ssyncadd.s32 $0xFFFFFC00  }
0x21: {  	[tilespmem:s18], [sflag:$0x1] =	stream.strided.gather [hbm4b:s8+s13], $0x400, s14, s13, $0x38;
	[tilespmem:$0x3410] =	vst v63  }
0x22: {  	_ =	swait.ge [sflag:s15], $0x400  }
0x23: {  	[sflag:s15] =	ssyncset.done $0x0  }
0x24: {  	[sflag:s15] =	ssyncadd.s32 $0xFFFFFC00  }
0x25: {  	[tilespmem:s19], [sflag:$0x1] =	stream.strided.gather [hbm4b:s9+s13], $0x400, s14, s13, $0x38;
	[tilespmem:$0x3410] =	vst v63  }
0x26: {  	_ =	swait.ge [sflag:s15], $0x400  }
0x27: {  	[sflag:s15] =	ssyncset.done $0x0  }
0x28: {  	[sflag:s15] =	ssyncadd.s32 $0xFFFFFC00  }
0x29: {  	[tilespmem:s20], [sflag:$0x1] =	stream.linear.gather [hbm4b:s3+s2], $0x1200, $0x38;
	[tilespmem:$0x3410] =	vst v63  }
0x2a: {  	_ =	swait.ge [sflag:s15], $0x1200  }
0x2b: {  	s23 =	simm.s32 $0xC10;
	s24 =	simm.s32 $0x2A20;
	[sflag:s15] =	ssyncset.done $0x0  }
0x2c: {  	s25 =	simm.s32 $0x2E20;
	s26 =	simm.s32 $0x0;
	[sflag:s15] =	ssyncadd.s32 $0xFFFFEE00  }
.LBB2_2:
0x2d: {  	v18 =	vld [tilespmem:s23+$0xFFFFF3F0]  }
0x2e: {  	v17 =	vld [tilespmem:s23+$0xFFFFF400]  }
0x2f: {  	v12 =	vld [tilespmem:s23+$0xFFFFF800]  }
0x30: {  	v9 =	vld [tilespmem:s23+$0xFFFFFC00]  }
0x31: {  	v23 =	vld [tilespmem:$0x1800]  }
0x32: {  	v24 =	vld [tilespmem:$0x1810]  }
0x33: {  	v25 =	vld [tilespmem:$0x1860]  }
0x34: {  	v6 =	vld [tilespmem:s23+$0x0]  }
0x35: {  	v26 =	vld [tilespmem:$0x1820]  }
0x36: {  	v3 =	vld [tilespmem:s23+$0x400]  }
0x37: {  	v27 =	vld [tilespmem:$0x1830]  }
0x38: {  	v1 =	vld [tilespmem:s23+$0x800]  }
0x39: {  	v28 =	vld [tilespmem:$0x1840]  }
0x3a: {  	v16 =	vld [tilespmem:s23+$0xFFFFF410]  }
0x3b: {  	s28 =	sand.u32 $0x3C0, s26;
	v29 =	vld [tilespmem:$0x1850]  }
0x3c: {  	v15 =	vld [tilespmem:s28+$0x400]  }
0x3d: {  	v14 =	vld [tilespmem:s23+$0xFFFFF810]  }
0x3e: {  	v11 =	vld [tilespmem:s28+$0x800]  }
0x3f: {  	v13 =	vld [tilespmem:s23+$0xFFFFFC10];
	v7 =	vmul.f32 v23, v18  }
0x40: {  	v5 =	vld [tilespmem:s28+$0xC00];
	v10 =	vmul.f32 v23, v17  }
0x41: {  	v30 =	vld [tilespmem:$0x1870];
	v20 =	vmul.f32 v24, v12;
	v8 =	vmul.f32 v24, v15;
	v7 =	vadd.f32 v25, v7  }
0x42: {  	v4 =	vld [tilespmem:s28+$0x1000];
	v41 =	vmul.f32 v26, v9;
	v32 =	vmul.f32 v23, v16  }
0x43: {  	v38 =	vld [tilespmem:$0x18A0];
	v39 =	vmul.f32 v26, v11;
	v19 =	vadd.f32 v25, v10;
	v7 =	vadd.f32 v7, v8  }
0x44: {  	v2 =	vld [tilespmem:s28+$0x1400];
	v42 =	vmul.f32 v27, v6;
	v33 =	vmul.f32 v24, v14  }
0x45: {  	v40 =	vmul.f32 v27, v5;
	v10 =	vld [tilespmem:s23+$0x10];
	v19 =	vadd.f32 v19, v20;
	v7 =	vadd.f32 v7, v39  }
0x46: {  	v35 =	vmul.f32 v28, v3;
	v43 =	vmul.f32 v26, v13;
	v20 =	vld [tilespmem:s23+$0xFFFFFC20]  }
0x47: {  	v21 =	vmul.f32 v28, v4;
	v19 =	vadd.f32 v19, v41;
	v41 =	vld [tilespmem:$0x18B0];
	v8 =	vadd.f32 v7, v40  }
0x48: {  	v34 =	vld [tilespmem:$0x1880];
	v37 =	vmul.f32 v29, v1;
	v55 =	vmul.f32 v38, v12;
	v32 =	vadd.f32 v25, v32  }
0x49: {  	v31 =	vmul.f32 v29, v2;
	v7 =	vld [tilespmem:s23+$0x410];
	v19 =	vadd.f32 v19, v42;
	v22 =	vadd.f32 v8, v21  }
0x4a: {  	v62 =	vmul.f32 v38, v14;
	v49 =	vmul.f32 v38, v15;
	v32 =	vadd.f32 v32, v33;
	v21 =	vld [tilespmem:s23+$0xFFFFF420]  }
0x4b: {  	v44 =	vmul.f32 v27, v10;
	v8 =	vld [tilespmem:s23+$0x810];
	v35 =	vadd.f32 v19, v35;
	v31 =	vadd.f32 v22, v31  }
0x4c: {  	v32 =	vadd.f32 v32, v43;
	v26 =	vmul.f32 v26, v20;
	v19 =	vld [tilespmem:s23+$0x20];
	v51 =	vmul.f32 v41, v11  }
0x4d: {  	v57 =	vmul.f32 v41, v9;
	v22 =	vld [tilespmem:s23+$0xFFFFF820];
	v35 =	vadd.f32 v35, v37;
	v31 =	vmax.f32 v31, $0.0e+00  }
0x4e: {  	v32 =	vadd.f32 v32, v44;
	v37 =	vld [tilespmem:$0x1890];
	v45 =	vmul.f32 v28, v7;
	v36 =	vmul.f32 v31, v30  }
0x4f: {  	v35 =	vmax.f32 v35, $0.0e+00;
	v23 =	vmul.f32 v23, v21;
	v31 =	vmul.f32 v31, v34  }
0x50: {  	v39 =	vld [tilespmem:$0x18F0];
	v40 =	vmul.f32 v35, v30;
	v32 =	vadd.f32 v32, v45;
	v46 =	vmul.f32 v29, v8  }
0x51: {  	v35 =	vmul.f32 v35, v34;
	v47 =	vmul.f32 v27, v19;
	v36 =	vadd.f32 $0.0e+00, v36  }
0x52: {  	v27 =	vld [tilespmem:$0x18C0];
	v25 =	vadd.f32 v25, v23;
	v24 =	vmul.f32 v24, v22;
	v31 =	vadd.f32 $0.0e+00, v31  }
0x53: {  	v40 =	vadd.f32 $0.0e+00, v40;
	v42 =	vmul.f32 v37, v18;
	v32 =	vadd.f32 v32, v46  }
0x54: {  	v33 =	vadd.f32 $0.0e+00, v35;
	v44 =	vmul.f32 v37, v17;
	v60 =	vmul.f32 v37, v16  }
0x55: {  	v23 =	vld [tilespmem:s23+$0x420];
	v37 =	vmul.f32 v37, v21;
	v25 =	vadd.f32 v25, v24;
	v48 =	vadd.f32 v39, v42  }
0x56: {  	v32 =	vmax.f32 v32, $0.0e+00;
	v54 =	vadd.f32 v39, v44;
	v42 =	vadd.f32 v39, v60  }
0x57: {  	v24 =	vld [tilespmem:s23+$0x820];
	v43 =	vmul.f32 v32, v30;
	v53 =	vmul.f32 v27, v5;
	v25 =	vadd.f32 v25, v26  }
0x58: {  	v32 =	vmul.f32 v32, v34;
	v35 =	vadd.f32 v48, v49;
	v26 =	vadd.f32 v54, v55  }
0x59: {  	v42 =	vadd.f32 v42, v62;
	v48 =	vmul.f32 v41, v13;
	v55 =	vmul.f32 v41, v20;
	v41 =	vld [tilespmem:$0x1940]  }
0x5a: {  	v50 =	vmul.f32 v28, v23;
	v28 =	vld [tilespmem:$0x18D0];
	v43 =	vadd.f32 $0.0e+00, v43;
	v32 =	vadd.f32 $0.0e+00, v32  }
0x5b: {  	v59 =	vmul.f32 v27, v6;
	v25 =	vadd.f32 v25, v47;
	v35 =	vadd.f32 v35, v51  }
0x5c: {  	v26 =	vadd.f32 v26, v57;
	v49 =	vadd.f32 v42, v48;
	v52 =	vmul.f32 v29, v24;
	v29 =	vld [tilespmem:$0x18E0]  }
0x5d: {  	v51 =	vadd.f32 v39, v37;
	v25 =	vadd.f32 v25, v50;
	v50 =	vmul.f32 v27, v10  }
0x5e: {  	v26 =	vadd.f32 v26, v59;
	v27 =	vmul.f32 v27, v19;
	v59 =	vmul.f32 v41, v11  }
0x5f: {  	v45 =	vld [tilespmem:$0x1900];
	v35 =	vadd.f32 v35, v53;
	v56 =	vmul.f32 v28, v4;
	v61 =	vmul.f32 v28, v3  }
0x60: {  	v44 =	vld [tilespmem:$0x1930];
	v25 =	vadd.f32 v25, v52;
	v52 =	vmul.f32 v38, v22;
	v53 =	vmul.f32 v28, v7  }
0x61: {  	v37 =	vld [tilespmem:$0x1950];
	v28 =	vmul.f32 v28, v23;
	v35 =	vadd.f32 v35, v56;
	v58 =	vmul.f32 v29, v2  }
0x62: {  	v46 =	vld [tilespmem:$0x1910];
	v25 =	vmax.f32 v25, $0.0e+00;
	v26 =	vadd.f32 v26, v61;
	v63 =	vmul.f32 v29, v1  }
0x63: {  	v56 =	vmul.f32 v29, v8;
	v61 =	vmul.f32 v29, v24;
	v35 =	vadd.f32 v35, v58  }
0x64: {  	v30 =	vmul.f32 v25, v30;
	v25 =	vmul.f32 v25, v34;
	v34 =	vadd.f32 v49, v50  }
0x65: {  	v29 =	vld [tilespmem:$0x1970];
	v26 =	vadd.f32 v26, v63;
	v58 =	vmul.f32 v44, v15;
	v35 =	vmax.f32 v35, $0.0e+00  }
0x66: {  	v63 =	vmul.f32 v37, v5;
	v34 =	vadd.f32 v34, v53;
	v47 =	vmul.f32 v35, v45  }
0x67: {  	v30 =	vadd.f32 $0.0e+00, v30;
	v26 =	vmax.f32 v26, $0.0e+00;
	v35 =	vmul.f32 v35, v46  }
0x68: {  	v54 =	vmul.f32 v26, v45;
	v34 =	vadd.f32 v34, v56;
	v36 =	vadd.f32 v47, v36  }
0x69: {  	v26 =	vmul.f32 v26, v46;
	v47 =	vld [tilespmem:$0x1920];
	v31 =	vadd.f32 v35, v31;
	v35 =	vadd.f32 v51, v52  }
0x6a: {  	v25 =	vadd.f32 $0.0e+00, v25;
	v53 =	vmul.f32 v29, v2;
	v56 =	vmul.f32 v37, v6  }
0x6b: {  	v38 =	vld [tilespmem:$0x1980];
	v40 =	vadd.f32 v54, v40;
	v34 =	vmax.f32 v34, $0.0e+00;
	v35 =	vadd.f32 v35, v55  }
0x6c: {  	v26 =	vadd.f32 v26, v33;
	v51 =	vmul.f32 v44, v12;
	v60 =	vmul.f32 v34, v45  }
0x6d: {  	v54 =	vmul.f32 v41, v9;
	v34 =	vmul.f32 v34, v46;
	v27 =	vadd.f32 v35, v27;
	v35 =	vld [tilespmem:$0x1960]  }
0x6e: {  	v42 =	vadd.f32 v60, v43;
	v48 =	vmul.f32 v47, v18;
	v49 =	vmul.f32 v47, v17  }
0x6f: {  	v55 =	vmul.f32 v47, v16;
	v47 =	vmul.f32 v47, v21;
	v27 =	vadd.f32 v27, v28  }
0x70: {  	v57 =	vadd.f32 v38, v48;
	v28 =	vadd.f32 v38, v49;
	v48 =	vmul.f32 v44, v22  }
0x71: {  	v27 =	vadd.f32 v27, v61;
	v61 =	vmul.f32 v41, v13;
	v41 =	vmul.f32 v41, v20  }
0x72: {  	v39 =	vadd.f32 v57, v58;
	v50 =	vmul.f32 v35, v4;
	v28 =	vadd.f32 v28, v51  }
0x73: {  	v57 =	vadd.f32 v38, v55;
	v58 =	vmul.f32 v44, v14;
	v38 =	vadd.f32 v38, v47  }
0x74: {  	v49 =	vmul.f32 v35, v7;
	v27 =	vmax.f32 v27, $0.0e+00;
	v62 =	vadd.f32 v39, v59  }
0x75: {  	v52 =	vmul.f32 v27, v45;
	v27 =	vmul.f32 v27, v46;
	v28 =	vadd.f32 v28, v54  }
0x76: {  	v44 =	vld [tilespmem:$0x19B0];
	v51 =	vmul.f32 v29, v8;
	v38 =	vadd.f32 v38, v48;
	v33 =	vadd.f32 v62, v63  }
0x77: {  	v59 =	vmul.f32 v35, v3;
	v46 =	vld [tilespmem:$0x19C0];
	v30 =	vadd.f32 v52, v30;
	v25 =	vadd.f32 v27, v25  }
0x78: {  	v43 =	vld [tilespmem:$0x1A10];
	v35 =	vmul.f32 v35, v23;
	v28 =	vadd.f32 v28, v56;
	v27 =	vadd.f32 v57, v58  }
0x79: {  	v62 =	vmul.f32 v29, v1;
	v63 =	vmul.f32 v37, v10;
	v52 =	vadd.f32 v38, v41;
	v38 =	vld [tilespmem:$0x19D0]  }
0x7a: {  	v39 =	vld [tilespmem:$0x1990];
	v37 =	vmul.f32 v37, v19;
	v29 =	vmul.f32 v29, v24;
	v33 =	vadd.f32 v33, v50  }
0x7b: {  	v45 =	vld [tilespmem:$0x19A0];
	v57 =	vmul.f32 v44, v17;
	v28 =	vadd.f32 v28, v59;
	v27 =	vadd.f32 v27, v61  }
0x7c: {  	v54 =	vmul.f32 v46, v15;
	v61 =	vmul.f32 v46, v12;
	v33 =	vadd.f32 v33, v53  }
0x7d: {  	v28 =	vadd.f32 v28, v62;
	v27 =	vadd.f32 v27, v63;
	v53 =	vmul.f32 v44, v18  }
0x7e: {  	v32 =	vadd.f32 v34, v32;
	v56 =	vmul.f32 v38, v11;
	v63 =	vmul.f32 v38, v9  }
0x7f: {  	v33 =	vmax.f32 v33, $0.0e+00;
	v28 =	vmax.f32 v28, $0.0e+00;
	v27 =	vadd.f32 v27, v49  }
0x80: {  	v34 =	vadd.f32 v43, v53;
	v60 =	vmul.f32 v33, v39;
	v33 =	vmul.f32 v33, v45  }
0x81: {  	v53 =	vmul.f32 v44, v16;
	v50 =	vmul.f32 v28, v39;
	v27 =	vadd.f32 v27, v51  }
0x82: {  	v28 =	vmul.f32 v28, v45;
	v31 =	vadd.f32 v33, v31;
	v33 =	vadd.f32 v52, v37  }
0x83: {  	v34 =	vadd.f32 v34, v54;
	v36 =	vadd.f32 v60, v36;
	v37 =	vld [tilespmem:$0x19E0];
	v27 =	vmax.f32 v27, $0.0e+00  }
0x84: {  	v26 =	vadd.f32 v28, v26;
	v55 =	vmul.f32 v27, v39;
	v33 =	vadd.f32 v33, v35;
	v35 =	vld [tilespmem:$0x19F0]  }
0x85: {  	v60 =	vadd.f32 v43, v57;
	v58 =	vadd.f32 v34, v56;
	v27 =	vmul.f32 v27, v45  }
0x86: {  	v49 =	vmul.f32 v46, v22;
	v28 =	vadd.f32 v55, v42;
	v29 =	vadd.f32 v33, v29  }
0x87: {  	v56 =	vmul.f32 v46, v14;
	v27 =	vadd.f32 v27, v32;
	v32 =	vadd.f32 v60, v61  }
0x88: {  	v59 =	vmul.f32 v37, v5;
	v54 =	vmul.f32 v37, v6;
	v29 =	vmax.f32 v29, $0.0e+00  }
0x89: {  	v42 =	vld [tilespmem:$0x1A00];
	v32 =	vadd.f32 v32, v63;
	v63 =	vmul.f32 v44, v21;
	v62 =	vmul.f32 v35, v4  }
0x8a: {  	v55 =	vadd.f32 v43, v53;
	v39 =	vmul.f32 v29, v39;
	v29 =	vmul.f32 v29, v45  }
0x8b: {  	v33 =	vadd.f32 v58, v59;
	v57 =	vmul.f32 v35, v3;
	v58 =	vmul.f32 v38, v13  }
0x8c: {  	v47 =	vld [tilespmem:$0x1A20];
	v34 =	vadd.f32 v55, v56;
	v48 =	vmul.f32 v35, v7;
	v38 =	vmul.f32 v38, v20  }
0x8d: {  	v41 =	vld [tilespmem:$0x1A40];
	v35 =	vmul.f32 v35, v23;
	v32 =	vadd.f32 v32, v54;
	v33 =	vadd.f32 v33, v62  }
0x8e: {  	v44 =	vld [tilespmem:$0x1A50];
	v52 =	vmul.f32 v42, v2;
	v30 =	vadd.f32 v39, v30;
	v60 =	vmul.f32 v42, v1  }
0x8f: {  	v46 =	vld [tilespmem:$0x1AA0];
	v25 =	vadd.f32 v29, v25;
	v61 =	vadd.f32 v34, v58;
	v62 =	vmul.f32 v37, v10  }
0x90: {  	v45 =	vld [tilespmem:$0x1A30];
	v39 =	vadd.f32 v43, v63;
	v51 =	vmul.f32 v42, v8;
	v37 =	vmul.f32 v37, v19  }
0x91: {  	v43 =	vld [tilespmem:$0x1A60];
	v58 =	vmul.f32 v42, v24;
	v32 =	vadd.f32 v32, v57;
	v33 =	vadd.f32 v33, v52  }
0x92: {  	v29 =	vadd.f32 v61, v62;
	v39 =	vadd.f32 v39, v49;
	v52 =	vmul.f32 v41, v18  }
0x93: {  	v42 =	vld [tilespmem:$0x1A90];
	v55 =	vmul.f32 v44, v15;
	v62 =	vmul.f32 v44, v12;
	v32 =	vadd.f32 v32, v60  }
0x94: {  	v33 =	vmax.f32 v33, $0.0e+00;
	v29 =	vadd.f32 v29, v48;
	v53 =	vadd.f32 v39, v38  }
0x95: {  	v54 =	vadd.f32 v46, v52;
	v59 =	vmul.f32 v33, v47;
	v33 =	vmul.f32 v33, v45  }
0x96: {  	v32 =	vmax.f32 v32, $0.0e+00;
	v57 =	vmul.f32 v43, v11;
	v52 =	vmul.f32 v43, v9  }
0x97: {  	v40 =	vadd.f32 v50, v40;
	v38 =	vld [tilespmem:$0x1A70];
	v50 =	vmul.f32 v32, v47;
	v32 =	vmul.f32 v32, v45  }
0x98: {  	v29 =	vadd.f32 v29, v51;
	v34 =	vadd.f32 v53, v37;
	v53 =	vmul.f32 v42, v2  }
0x99: {  	v51 =	vmul.f32 v44, v22;
	v36 =	vadd.f32 v59, v36;
	v31 =	vadd.f32 v33, v31  }
0x9a: {  	v37 =	vld [tilespmem:$0x1A80];
	v59 =	vmul.f32 v41, v17;
	v33 =	vadd.f32 v50, v40;
	v29 =	vmax.f32 v29, $0.0e+00  }
0x9b: {  	v26 =	vadd.f32 v32, v26;
	v32 =	vadd.f32 v54, v55;
	v56 =	vmul.f32 v29, v47  }
0x9c: {  	v34 =	vadd.f32 v34, v35;
	v60 =	vmul.f32 v38, v5;
	v29 =	vmul.f32 v29, v45  }
0x9d: {  	v61 =	vadd.f32 v46, v59;
	v55 =	vmul.f32 v38, v6;
	v49 =	vmul.f32 v38, v10  }
0x9e: {  	v32 =	vadd.f32 v32, v57;
	v34 =	vadd.f32 v34, v58;
	v58 =	vmul.f32 v44, v14  }
0x9f: {  	v28 =	vadd.f32 v56, v28;
	v63 =	vmul.f32 v37, v4;
	v35 =	vadd.f32 v61, v62  }
0xa0: {  	v27 =	vadd.f32 v29, v27;
	v56 =	vmul.f32 v41, v16;
	v57 =	vmul.f32 v37, v3  }
0xa1: {  	v61 =	vmul.f32 v43, v13;
	v62 =	vmul.f32 v41, v21;
	v34 =	vmax.f32 v34, $0.0e+00  }
0xa2: {  	v41 =	vld [tilespmem:$0x1AD0];
	v32 =	vadd.f32 v32, v60;
	v47 =	vmul.f32 v34, v47;
	v54 =	vadd.f32 v35, v52  }
0xa3: {  	v48 =	vld [tilespmem:$0x1AB0];
	v60 =	vmul.f32 v42, v1;
	v39 =	vadd.f32 v46, v56;
	v50 =	vadd.f32 v46, v62  }
0xa4: {  	v44 =	vld [tilespmem:$0x1B30];
	v34 =	vmul.f32 v34, v45;
	v32 =	vadd.f32 v32, v63;
	v30 =	vadd.f32 v47, v30  }
0xa5: {  	v40 =	vld [tilespmem:$0x1AC0];
	v52 =	vmul.f32 v37, v7;
	v29 =	vadd.f32 v54, v55;
	v39 =	vadd.f32 v39, v58  }
0xa6: {  	v54 =	vmul.f32 v43, v20;
	v43 =	vld [tilespmem:$0x1AF0];
	v55 =	vmul.f32 v42, v8;
	v32 =	vadd.f32 v32, v53  }
0xa7: {  	v25 =	vadd.f32 v34, v25;
	v56 =	vmul.f32 v41, v18;
	v47 =	vmul.f32 v41, v17  }
0xa8: {  	v45 =	vld [tilespmem:$0x1AE0];
	v29 =	vadd.f32 v29, v57;
	v63 =	vadd.f32 v39, v61;
	v32 =	vmax.f32 v32, $0.0e+00  }
0xa9: {  	v57 =	vmul.f32 v38, v19;
	v58 =	vadd.f32 v44, v56;
	v59 =	vmul.f32 v32, v48  }
0xaa: {  	v38 =	vld [tilespmem:$0x1B00];
	v32 =	vmul.f32 v32, v40;
	v29 =	vadd.f32 v29, v60;
	v60 =	vmul.f32 v37, v23  }
0xab: {  	v35 =	vadd.f32 v63, v49;
	v63 =	vmul.f32 v42, v24;
	v61 =	vmul.f32 v43, v11  }
0xac: {  	v34 =	vadd.f32 v59, v36;
	v31 =	vadd.f32 v32, v31;
	v29 =	vmax.f32 v29, $0.0e+00  }
0xad: {  	v37 =	vld [tilespmem:$0x1B10];
	v32 =	vadd.f32 v50, v51;
	v35 =	vadd.f32 v35, v52;
	v59 =	vmul.f32 v45, v15  }
0xae: {  	v36 =	vadd.f32 v44, v47;
	v50 =	vmul.f32 v45, v12;
	v53 =	vmul.f32 v29, v48  }
0xaf: {  	v29 =	vmul.f32 v29, v40;
	v46 =	vmul.f32 v38, v5;
	v32 =	vadd.f32 v32, v54  }
0xb0: {  	v35 =	vadd.f32 v35, v55;
	v39 =	vadd.f32 v58, v59;
	v54 =	vmul.f32 v41, v16  }
0xb1: {  	v36 =	vadd.f32 v36, v50;
	v55 =	vmul.f32 v38, v6;
	v41 =	vmul.f32 v41, v21  }
0xb2: {  	v50 =	vmul.f32 v43, v20;
	v33 =	vadd.f32 v53, v33;
	v49 =	vmul.f32 v37, v4  }
0xb3: {  	v26 =	vadd.f32 v29, v26;
	v53 =	vmul.f32 v43, v9;
	v58 =	vmul.f32 v37, v3  }
0xb4: {  	v32 =	vadd.f32 v32, v57;
	v35 =	vmax.f32 v35, $0.0e+00;
	v39 =	vadd.f32 v39, v61  }
0xb5: {  	v29 =	vld [tilespmem:$0x1B20];
	v56 =	vadd.f32 v44, v54;
	v57 =	vmul.f32 v45, v14;
	v62 =	vmul.f32 v35, v48  }
0xb6: {  	v35 =	vmul.f32 v35, v40;
	v36 =	vadd.f32 v36, v53;
	v32 =	vadd.f32 v32, v60  }
0xb7: {  	v39 =	vadd.f32 v39, v46;
	v60 =	vmul.f32 v43, v13;
	v28 =	vadd.f32 v62, v28  }
0xb8: {  	v27 =	vadd.f32 v35, v27;
	v36 =	vadd.f32 v36, v55;
	v62 =	vmul.f32 v38, v10  }
0xb9: {  	v38 =	vmul.f32 v38, v19;
	v32 =	vadd.f32 v32, v63;
	v39 =	vadd.f32 v39, v49  }
0xba: {  	v42 =	vld [tilespmem:$0x1B40];
	v52 =	vmul.f32 v29, v2;
	v61 =	vmul.f32 v29, v1;
	v63 =	vadd.f32 v44, v41  }
0xbb: {  	v46 =	vld [tilespmem:$0x1B50];
	v49 =	vmul.f32 v37, v7;
	v36 =	vadd.f32 v36, v58;
	v32 =	vmax.f32 v32, $0.0e+00  }
0xbc: {  	v44 =	vld [tilespmem:$0x1B60];
	v37 =	vmul.f32 v37, v23;
	v39 =	vadd.f32 v39, v52;
	v51 =	vmul.f32 v32, v48  }
0xbd: {  	v52 =	vmul.f32 v29, v8;
	v32 =	vmul.f32 v32, v40;
	v36 =	vadd.f32 v36, v61  }
0xbe: {  	v43 =	vld [tilespmem:$0x1BC0];
	v48 =	vmul.f32 v45, v22;
	v39 =	vmax.f32 v39, $0.0e+00;
	v30 =	vadd.f32 v51, v30  }
0xbf: {  	v25 =	vadd.f32 v32, v25;
	v59 =	vmul.f32 v39, v42;
	v32 =	vadd.f32 v56, v57  }
0xc0: {  	v45 =	vld [tilespmem:$0x1B70];
	v39 =	vmul.f32 v39, v46;
	v36 =	vmax.f32 v36, $0.0e+00;
	v40 =	vadd.f32 v63, v48  }
0xc1: {  	v54 =	vmul.f32 v44, v18;
	v58 =	vmul.f32 v44, v17;
	v34 =	vadd.f32 v59, v34  }
0xc2: {  	v51 =	vmul.f32 v36, v42;
	v32 =	vadd.f32 v32, v60;
	v53 =	vadd.f32 v40, v50;
	v40 =	vld [tilespmem:$0x1B80]  }
0xc3: {  	v36 =	vmul.f32 v36, v46;
	v31 =	vadd.f32 v39, v31;
	v39 =	vld [tilespmem:$0x1B90];
	v35 =	vadd.f32 v43, v54  }
0xc4: {  	v29 =	vmul.f32 v29, v24;
	v60 =	vadd.f32 v43, v58;
	v33 =	vadd.f32 v51, v33  }
0xc5: {  	v55 =	vmul.f32 v45, v15;
	v26 =	vadd.f32 v36, v26;
	v32 =	vadd.f32 v32, v62  }
0xc6: {  	v36 =	vld [tilespmem:$0x1BB0];
	v61 =	vmul.f32 v45, v12;
	v38 =	vadd.f32 v53, v38;
	v53 =	vmul.f32 v44, v16  }
0xc7: {  	v35 =	vadd.f32 v35, v55;
	v32 =	vadd.f32 v32, v49;
	v49 =	vmul.f32 v45, v22  }
0xc8: {  	v37 =	vadd.f32 v38, v37;
	v38 =	vld [tilespmem:$0x1BA0];
	v57 =	vmul.f32 v40, v11;
	v59 =	vmul.f32 v39, v5  }
0xc9: {  	v63 =	vmul.f32 v40, v9;
	v54 =	vmul.f32 v39, v6;
	v32 =	vadd.f32 v32, v52  }
0xca: {  	v55 =	vadd.f32 v43, v53;
	v58 =	vmul.f32 v40, v13;
	v40 =	vmul.f32 v40, v20  }
0xcb: {  	v29 =	vadd.f32 v37, v29;
	v52 =	vmul.f32 v36, v2;
	v32 =	vmax.f32 v32, $0.0e+00  }
0xcc: {  	v51 =	vmul.f32 v36, v8;
	v35 =	vadd.f32 v35, v57;
	v56 =	vmul.f32 v32, v42  }
0xcd: {  	v29 =	vmax.f32 v29, $0.0e+00;
	v32 =	vmul.f32 v32, v46;
	v62 =	vmul.f32 v38, v4  }
0xce: {  	v35 =	vadd.f32 v35, v59;
	v42 =	vmul.f32 v29, v42;
	v29 =	vmul.f32 v29, v46  }
0xcf: {  	v57 =	vmul.f32 v38, v3;
	v48 =	vmul.f32 v38, v7;
	v28 =	vadd.f32 v56, v28  }
0xd0: {  	v47 =	vld [tilespmem:$0x1BD0];
	v38 =	vmul.f32 v38, v23;
	v27 =	vadd.f32 v32, v27;
	v32 =	vadd.f32 v60, v61  }
0xd1: {  	v46 =	vld [tilespmem:$0x1BE0];
	v35 =	vadd.f32 v35, v62;
	v30 =	vadd.f32 v42, v30;
	v56 =	vmul.f32 v45, v14  }
0xd2: {  	v60 =	vmul.f32 v36, v1;
	v62 =	vmul.f32 v39, v10;
	v42 =	vld [tilespmem:$0x1BF0];
	v32 =	vadd.f32 v32, v63  }
0xd3: {  	v45 =	vld [tilespmem:$0x1C50];
	v39 =	vmul.f32 v39, v19;
	v35 =	vadd.f32 v35, v52;
	v37 =	vadd.f32 v55, v56  }
0xd4: {  	v25 =	vadd.f32 v29, v25;
	v36 =	vmul.f32 v36, v24;
	v63 =	vmul.f32 v44, v21;
	v44 =	vld [tilespmem:$0x1C00]  }
0xd5: {  	v32 =	vadd.f32 v32, v54;
	v35 =	vmax.f32 v35, $0.0e+00;
	v61 =	vadd.f32 v37, v58  }
0xd6: {  	v41 =	vadd.f32 v43, v63;
	v43 =	vld [tilespmem:$0x1C10];
	v59 =	vmul.f32 v35, v47;
	v35 =	vmul.f32 v35, v46  }
0xd7: {  	v52 =	vmul.f32 v42, v18;
	v32 =	vadd.f32 v32, v57;
	v29 =	vadd.f32 v61, v62  }
0xd8: {  	v58 =	vmul.f32 v42, v17;
	v41 =	vadd.f32 v41, v49;
	v34 =	vadd.f32 v59, v34  }
0xd9: {  	v31 =	vadd.f32 v35, v31;
	v54 =	vadd.f32 v45, v52;
	v55 =	vmul.f32 v44, v15  }
0xda: {  	v61 =	vmul.f32 v44, v12;
	v32 =	vadd.f32 v32, v60;
	v53 =	vadd.f32 v41, v40  }
0xdb: {  	v29 =	vadd.f32 v29, v48;
	v40 =	vld [tilespmem:$0x1C20];
	v60 =	vadd.f32 v45, v58;
	v57 =	vmul.f32 v43, v11  }
0xdc: {  	v63 =	vmul.f32 v43, v9;
	v32 =	vmax.f32 v32, $0.0e+00;
	v37 =	vadd.f32 v53, v39  }
0xdd: {  	v29 =	vadd.f32 v29, v51;
	v53 =	vmul.f32 v42, v16;
	v50 =	vmul.f32 v32, v47  }
0xde: {  	v58 =	vmul.f32 v43, v13;
	v32 =	vmul.f32 v32, v46;
	v37 =	vadd.f32 v37, v38  }
0xdf: {  	v39 =	vld [tilespmem:$0x1C30];
	v29 =	vmax.f32 v29, $0.0e+00;
	v35 =	vadd.f32 v45, v53;
	v33 =	vadd.f32 v50, v33  }
0xe0: {  	v26 =	vadd.f32 v32, v26;
	v56 =	vmul.f32 v29, v47;
	v59 =	vmul.f32 v40, v5  }
0xe1: {  	v32 =	vadd.f32 v54, v55;
	v29 =	vmul.f32 v29, v46;
	v52 =	vmul.f32 v40, v6  }
0xe2: {  	v38 =	vld [tilespmem:$0x1C40];
	v55 =	vmul.f32 v44, v14;
	v53 =	vmul.f32 v40, v19;
	v36 =	vadd.f32 v37, v36  }
0xe3: {  	v37 =	vadd.f32 v60, v61;
	v60 =	vmul.f32 v40, v10;
	v28 =	vadd.f32 v56, v28  }
0xe4: {  	v32 =	vadd.f32 v32, v57;
	v62 =	vmul.f32 v39, v4;
	v27 =	vadd.f32 v29, v27  }
0xe5: {  	v54 =	vmul.f32 v39, v3;
	v35 =	vadd.f32 v35, v55;
	v36 =	vmax.f32 v36, $0.0e+00  }
0xe6: {  	v48 =	vld [tilespmem:$0x1C60];
	v51 =	vadd.f32 v37, v63;
	v63 =	vmul.f32 v39, v7;
	v47 =	vmul.f32 v36, v47  }
0xe7: {  	v40 =	vld [tilespmem:$0x1CB0];
	v32 =	vadd.f32 v32, v59;
	v50 =	vmul.f32 v38, v2;
	v36 =	vmul.f32 v36, v46  }
0xe8: {  	v57 =	vmul.f32 v38, v1;
	v59 =	vmul.f32 v42, v21;
	v42 =	vld [tilespmem:$0x1C80];
	v35 =	vadd.f32 v35, v58  }
0xe9: {  	v46 =	vld [tilespmem:$0x1C90];
	v29 =	vadd.f32 v51, v52;
	v51 =	vmul.f32 v38, v8;
	v32 =	vadd.f32 v32, v62  }
0xea: {  	v41 =	vld [tilespmem:$0x1C70];
	v30 =	vadd.f32 v47, v30;
	v61 =	vadd.f32 v45, v59;
	v62 =	vmul.f32 v44, v22  }
0xeb: {  	v44 =	vld [tilespmem:$0x1CE0];
	v35 =	vadd.f32 v35, v60;
	v59 =	vmul.f32 v38, v24;
	v29 =	vadd.f32 v29, v54  }
0xec: {  	v60 =	vmul.f32 v40, v5;
	v32 =	vadd.f32 v32, v50;
	v50 =	vmul.f32 v43, v20  }
0xed: {  	v35 =	vadd.f32 v35, v63;
	v29 =	vadd.f32 v29, v57;
	v52 =	vmul.f32 v42, v18  }
0xee: {  	v43 =	vld [tilespmem:$0x1CA0];
	v55 =	vmul.f32 v46, v15;
	v63 =	vmul.f32 v46, v12;
	v32 =	vmax.f32 v32, $0.0e+00  }
0xef: {  	v35 =	vadd.f32 v35, v51;
	v56 =	vmul.f32 v32, v48;
	v32 =	vmul.f32 v32, v41  }
0xf0: {  	v29 =	vmax.f32 v29, $0.0e+00;
	v54 =	vadd.f32 v44, v52;
	v52 =	vmul.f32 v42, v16  }
0xf1: {  	v25 =	vadd.f32 v36, v25;
	v49 =	vmul.f32 v29, v48;
	v29 =	vmul.f32 v29, v41  }
0xf2: {  	v35 =	vmax.f32 v35, $0.0e+00;
	v34 =	vadd.f32 v56, v34;
	v31 =	vadd.f32 v32, v31  }
0xf3: {  	v32 =	vadd.f32 v61, v62;
	v56 =	vmul.f32 v39, v23;
	v57 =	vmul.f32 v43, v11  }
0xf4: {  	v37 =	vadd.f32 v54, v55;
	v58 =	vmul.f32 v35, v48;
	v61 =	vmul.f32 v42, v17  }
0xf5: {  	v35 =	vmul.f32 v35, v41;
	v54 =	vadd.f32 v44, v52;
	v33 =	vadd.f32 v49, v33  }
0xf6: {  	v39 =	vld [tilespmem:$0x1CC0];
	v51 =	vmul.f32 v43, v9;
	v26 =	vadd.f32 v29, v26;
	v32 =	vadd.f32 v32, v50  }
0xf7: {  	v42 =	vmul.f32 v42, v21;
	v29 =	vld [tilespmem:$0x1CD0];
	v37 =	vadd.f32 v37, v57;
	v28 =	vadd.f32 v58, v28  }
0xf8: {  	v55 =	vmul.f32 v46, v14;
	v36 =	vadd.f32 v44, v61;
	v27 =	vadd.f32 v35, v27  }
0xf9: {  	v58 =	vmul.f32 v43, v13;
	v61 =	vadd.f32 v44, v42;
	v32 =	vadd.f32 v32, v53  }
0xfa: {  	v44 =	vld [tilespmem:$0x1D10];
	v37 =	vadd.f32 v37, v60;
	v53 =	vmul.f32 v40, v6;
	v60 =	vmul.f32 v40, v10  }
0xfb: {  	v36 =	vadd.f32 v36, v63;
	v40 =	vmul.f32 v40, v19;
	v62 =	vmul.f32 v39, v4  }
0xfc: {  	v63 =	vmul.f32 v39, v7;
	v32 =	vadd.f32 v32, v56;
	v50 =	vmul.f32 v29, v2  }
0xfd: {  	v36 =	vadd.f32 v36, v51;
	v56 =	vmul.f32 v39, v3;
	v39 =	vmul.f32 v39, v23  }
0xfe: {  	v38 =	vld [tilespmem:$0x1CF0];
	v37 =	vadd.f32 v37, v62;
	v62 =	vmul.f32 v46, v22;
	v32 =	vadd.f32 v32, v59  }
0xff: {  	v45 =	vld [tilespmem:$0x1D00];
	v52 =	vmul.f32 v44, v18;
	v36 =	vadd.f32 v36, v53;
	v59 =	vmul.f32 v29, v1  }
0x100: {  	v37 =	vadd.f32 v37, v50;
	v50 =	vmul.f32 v29, v8;
	v32 =	vmax.f32 v32, $0.0e+00  }
0x101: {  	v29 =	vmul.f32 v29, v24;
	v36 =	vadd.f32 v36, v56;
	v49 =	vmul.f32 v32, v48  }
0x102: {  	v32 =	vmul.f32 v32, v41;
	v37 =	vmax.f32 v37, $0.0e+00;
	v41 =	vadd.f32 v61, v62  }
0x103: {  	v48 =	vmul.f32 v43, v20;
	v43 =	vld [tilespmem:$0x1D70];
	v57 =	vmul.f32 v37, v38;
	v36 =	vadd.f32 v36, v59  }
0x104: {  	v46 =	vld [tilespmem:$0x1D20];
	v37 =	vmul.f32 v37, v45;
	v30 =	vadd.f32 v49, v30;
	v25 =	vadd.f32 v32, v25  }
0x105: {  	v56 =	vmul.f32 v44, v17;
	v32 =	vadd.f32 v54, v55;
	v51 =	vadd.f32 v41, v48  }
0x106: {  	v41 =	vld [tilespmem:$0x1D30];
	v34 =	vadd.f32 v57, v34;
	v36 =	vmax.f32 v36, $0.0e+00;
	v31 =	vadd.f32 v37, v31  }
0x107: {  	v32 =	vadd.f32 v32, v58;
	v49 =	vmul.f32 v36, v38;
	v37 =	vadd.f32 v51, v40  }
0x108: {  	v42 =	vld [tilespmem:$0x1DA0];
	v36 =	vmul.f32 v36, v45;
	v35 =	vadd.f32 v43, v52;
	v58 =	vadd.f32 v43, v56  }
0x109: {  	v53 =	vmul.f32 v46, v15;
	v40 =	vld [tilespmem:$0x1D40];
	v32 =	vadd.f32 v32, v60;
	v33 =	vadd.f32 v49, v33  }
0x10a: {  	v59 =	vmul.f32 v46, v12;
	v26 =	vadd.f32 v36, v26;
	v37 =	vadd.f32 v37, v39;
	v39 =	vld [tilespmem:$0x1D50]  }
0x10b: {  	v36 =	vld [tilespmem:$0x1D60];
	v35 =	vadd.f32 v35, v53;
	v55 =	vmul.f32 v41, v11;
	v61 =	vmul.f32 v41, v9  }
0x10c: {  	v56 =	vmul.f32 v41, v13;
	v41 =	vmul.f32 v41, v20;
	v32 =	vadd.f32 v32, v63  }
0x10d: {  	v29 =	vadd.f32 v37, v29;
	v63 =	vmul.f32 v44, v16;
	v35 =	vadd.f32 v35, v55  }
0x10e: {  	v57 =	vmul.f32 v40, v5;
	v52 =	vmul.f32 v40, v6;
	v32 =	vadd.f32 v32, v50  }
0x10f: {  	v53 =	vadd.f32 v43, v63;
	v63 =	vmul.f32 v46, v22;
	v50 =	vmul.f32 v42, v18  }
0x110: {  	v35 =	vadd.f32 v35, v57;
	v60 =	vmul.f32 v39, v4;
	v62 =	vmul.f32 v36, v2  }
0x111: {  	v55 =	vmul.f32 v39, v3;
	v49 =	vmul.f32 v36, v8;
	v32 =	vmax.f32 v32, $0.0e+00  }
0x112: {  	v29 =	vmax.f32 v29, $0.0e+00;
	v54 =	vmul.f32 v32, v38;
	v32 =	vmul.f32 v32, v45  }
0x113: {  	v47 =	vld [tilespmem:$0x1D80];
	v38 =	vmul.f32 v29, v38;
	v35 =	vadd.f32 v35, v60;
	v29 =	vmul.f32 v29, v45  }
0x114: {  	v60 =	vmul.f32 v40, v10;
	v27 =	vadd.f32 v32, v27;
	v32 =	vadd.f32 v58, v59  }
0x115: {  	v28 =	vadd.f32 v54, v28;
	v35 =	vadd.f32 v35, v62;
	v54 =	vmul.f32 v46, v14  }
0x116: {  	v45 =	vld [tilespmem:$0x1D90];
	v30 =	vadd.f32 v38, v30;
	v58 =	vmul.f32 v36, v1;
	v32 =	vadd.f32 v32, v61  }
0x117: {  	v35 =	vmax.f32 v35, $0.0e+00;
	v37 =	vadd.f32 v53, v54;
	v61 =	vmul.f32 v44, v21;
	v44 =	vld [tilespmem:$0x1DB0]  }
0x118: {  	v25 =	vadd.f32 v29, v25;
	v57 =	vmul.f32 v35, v47;
	v32 =	vadd.f32 v32, v52  }
0x119: {  	v62 =	vmul.f32 v39, v7;
	v59 =	vadd.f32 v37, v56;
	v38 =	vadd.f32 v43, v61;
	v43 =	vld [tilespmem:$0x1DC0]  }
0x11a: {  	v36 =	vmul.f32 v36, v24;
	v52 =	vmul.f32 v40, v19;
	v40 =	vld [tilespmem:$0x1DD0];
	v34 =	vadd.f32 v57, v34  }
0x11b: {  	v35 =	vmul.f32 v35, v45;
	v32 =	vadd.f32 v32, v55;
	v29 =	vadd.f32 v59, v60  }
0x11c: {  	v46 =	vld [tilespmem:$0x1E00];
	v38 =	vadd.f32 v38, v63;
	v55 =	vmul.f32 v39, v23;
	v54 =	vmul.f32 v44, v15  }
0x11d: {  	v61 =	vmul.f32 v44, v12;
	v32 =	vadd.f32 v32, v58;
	v29 =	vadd.f32 v29, v62  }
0x11e: {  	v39 =	vld [tilespmem:$0x1DE0];
	v51 =	vadd.f32 v38, v41;
	v58 =	vmul.f32 v42, v17;
	v57 =	vmul.f32 v43, v11  }
0x11f: {  	v31 =	vadd.f32 v35, v31;
	v59 =	vmul.f32 v40, v5;
	v63 =	vmul.f32 v43, v9  }
0x120: {  	v32 =	vmax.f32 v32, $0.0e+00;
	v29 =	vadd.f32 v29, v49;
	v37 =	vadd.f32 v51, v52  }
0x121: {  	v38 =	vld [tilespmem:$0x1DF0];
	v60 =	vadd.f32 v46, v58;
	v52 =	vmul.f32 v40, v6;
	v58 =	vmul.f32 v43, v13  }
0x122: {  	v53 =	vadd.f32 v46, v50;
	v48 =	vmul.f32 v32, v47;
	v32 =	vmul.f32 v32, v45  }
0x123: {  	v62 =	vmul.f32 v39, v4;
	v29 =	vmax.f32 v29, $0.0e+00;
	v37 =	vadd.f32 v37, v55  }
0x124: {  	v55 =	vmul.f32 v44, v14;
	v33 =	vadd.f32 v48, v33;
	v26 =	vadd.f32 v32, v26  }
0x125: {  	v56 =	vmul.f32 v29, v47;
	v32 =	vadd.f32 v53, v54;
	v29 =	vmul.f32 v29, v45  }
0x126: {  	v50 =	vmul.f32 v38, v2;
	v53 =	vmul.f32 v42, v16;
	v36 =	vadd.f32 v37, v36  }
0x127: {  	v54 =	vmul.f32 v39, v3;
	v37 =	vadd.f32 v60, v61;
	v28 =	vadd.f32 v56, v28  }
0x128: {  	v60 =	vmul.f32 v40, v10;
	v32 =	vadd.f32 v32, v57;
	v27 =	vadd.f32 v29, v27  }
0x129: {  	v35 =	vadd.f32 v46, v53;
	v57 =	vmul.f32 v38, v1;
	v53 =	vmul.f32 v40, v19  }
0x12a: {  	v40 =	vld [tilespmem:$0x1E60];
	v36 =	vmax.f32 v36, $0.0e+00;
	v51 =	vadd.f32 v37, v63;
	v63 =	vmul.f32 v39, v7  }
0x12b: {  	v32 =	vadd.f32 v32, v59;
	v47 =	vmul.f32 v36, v47;
	v59 =	vmul.f32 v42, v21;
	v42 =	vld [tilespmem:$0x1E30]  }
0x12c: {  	v36 =	vmul.f32 v36, v45;
	v35 =	vadd.f32 v35, v55;
	v45 =	vld [tilespmem:$0x1E40];
	v29 =	vadd.f32 v51, v52  }
0x12d: {  	v41 =	vld [tilespmem:$0x1E20];
	v51 =	vmul.f32 v38, v8;
	v32 =	vadd.f32 v32, v62;
	v30 =	vadd.f32 v47, v30  }
0x12e: {  	v48 =	vld [tilespmem:$0x1E10];
	v35 =	vadd.f32 v35, v58;
	v61 =	vadd.f32 v46, v59;
	v62 =	vmul.f32 v44, v22  }
0x12f: {  	v44 =	vld [tilespmem:$0x1E90];
	v59 =	vmul.f32 v38, v24;
	v29 =	vadd.f32 v29, v54;
	v32 =	vadd.f32 v32, v50  }
0x130: {  	v35 =	vadd.f32 v35, v60;
	v50 =	vmul.f32 v43, v20;
	v60 =	vmul.f32 v40, v5  }
0x131: {  	v29 =	vadd.f32 v29, v57;
	v52 =	vmul.f32 v42, v18;
	v55 =	vmul.f32 v45, v15  }
0x132: {  	v43 =	vld [tilespmem:$0x1E50];
	v32 =	vmax.f32 v32, $0.0e+00;
	v35 =	vadd.f32 v35, v63;
	v63 =	vmul.f32 v45, v12  }
0x133: {  	v25 =	vadd.f32 v36, v25;
	v56 =	vmul.f32 v32, v48;
	v32 =	vmul.f32 v32, v41  }
0x134: {  	v29 =	vmax.f32 v29, $0.0e+00;
	v54 =	vadd.f32 v44, v52;
	v52 =	vmul.f32 v42, v16  }
0x135: {  	v49 =	vmul.f32 v29, v48;
	v35 =	vadd.f32 v35, v51;
	v34 =	vadd.f32 v56, v34  }
0x136: {  	v29 =	vmul.f32 v29, v41;
	v31 =	vadd.f32 v32, v31;
	v32 =	vadd.f32 v61, v62  }
0x137: {  	v56 =	vmul.f32 v39, v23;
	v37 =	vadd.f32 v54, v55;
	v57 =	vmul.f32 v43, v11  }
0x138: {  	v61 =	vmul.f32 v42, v17;
	v51 =	vmul.f32 v43, v9;
	v54 =	vadd.f32 v44, v52  }
0x139: {  	v55 =	vmul.f32 v45, v14;
	v42 =	vmul.f32 v42, v21;
	v33 =	vadd.f32 v49, v33  }
0x13a: {  	v39 =	vld [tilespmem:$0x1E70];
	v35 =	vmax.f32 v35, $0.0e+00;
	v26 =	vadd.f32 v29, v26;
	v32 =	vadd.f32 v32, v50  }
0x13b: {  	v29 =	vld [tilespmem:$0x1E80];
	v58 =	vmul.f32 v35, v48;
	v37 =	vadd.f32 v37, v57;
	v36 =	vadd.f32 v44, v61  }
0x13c: {  	v35 =	vmul.f32 v35, v41;
	v61 =	vadd.f32 v44, v42;
	v32 =	vadd.f32 v32, v53  }
0x13d: {  	v28 =	vadd.f32 v58, v28;
	v37 =	vadd.f32 v37, v60;
	v53 =	vmul.f32 v40, v6  }
0x13e: {  	v44 =	vld [tilespmem:$0x1EC0];
	v27 =	vadd.f32 v35, v27;
	v58 =	vmul.f32 v43, v13;
	v60 =	vmul.f32 v40, v10  }
0x13f: {  	v36 =	vadd.f32 v36, v63;
	v40 =	vmul.f32 v40, v19;
	v62 =	vmul.f32 v39, v4  }
0x140: {  	v63 =	vmul.f32 v39, v7;
	v32 =	vadd.f32 v32, v56;
	v50 =	vmul.f32 v29, v2  }
0x141: {  	v36 =	vadd.f32 v36, v51;
	v56 =	vmul.f32 v39, v3;
	v39 =	vmul.f32 v39, v23  }
0x142: {  	v38 =	vld [tilespmem:$0x1EA0];
	v37 =	vadd.f32 v37, v62;
	v62 =	vmul.f32 v45, v22;
	v32 =	vadd.f32 v32, v59  }
0x143: {  	v46 =	vld [tilespmem:$0x1EB0];
	v52 =	vmul.f32 v44, v18;
	v36 =	vadd.f32 v36, v53;
	v59 =	vmul.f32 v29, v1  }
0x144: {  	v37 =	vadd.f32 v37, v50;
	v50 =	vmul.f32 v29, v8;
	v32 =	vmax.f32 v32, $0.0e+00  }
0x145: {  	v29 =	vmul.f32 v29, v24;
	v36 =	vadd.f32 v36, v56;
	v49 =	vmul.f32 v32, v48  }
0x146: {  	v32 =	vmul.f32 v32, v41;
	v37 =	vmax.f32 v37, $0.0e+00;
	v41 =	vadd.f32 v61, v62  }
0x147: {  	v48 =	vmul.f32 v43, v20;
	v43 =	vld [tilespmem:$0x1F20];
	v57 =	vmul.f32 v37, v38;
	v36 =	vadd.f32 v36, v59  }
0x148: {  	v45 =	vld [tilespmem:$0x1ED0];
	v37 =	vmul.f32 v37, v46;
	v30 =	vadd.f32 v49, v30;
	v25 =	vadd.f32 v32, v25  }
0x149: {  	v56 =	vmul.f32 v44, v17;
	v32 =	vadd.f32 v54, v55;
	v51 =	vadd.f32 v41, v48  }
0x14a: {  	v41 =	vld [tilespmem:$0x1EE0];
	v34 =	vadd.f32 v57, v34;
	v36 =	vmax.f32 v36, $0.0e+00;
	v31 =	vadd.f32 v37, v31  }
0x14b: {  	v32 =	vadd.f32 v32, v58;
	v49 =	vmul.f32 v36, v38;
	v37 =	vadd.f32 v51, v40  }
0x14c: {  	v42 =	vld [tilespmem:$0x1F50];
	v36 =	vmul.f32 v36, v46;
	v35 =	vadd.f32 v43, v52;
	v58 =	vadd.f32 v43, v56  }
0x14d: {  	v53 =	vmul.f32 v45, v15;
	v40 =	vld [tilespmem:$0x1EF0];
	v32 =	vadd.f32 v32, v60;
	v33 =	vadd.f32 v49, v33  }
0x14e: {  	v59 =	vmul.f32 v45, v12;
	v26 =	vadd.f32 v36, v26;
	v37 =	vadd.f32 v37, v39;
	v39 =	vld [tilespmem:$0x1F00]  }
0x14f: {  	v36 =	vld [tilespmem:$0x1F10];
	v35 =	vadd.f32 v35, v53;
	v55 =	vmul.f32 v41, v11;
	v61 =	vmul.f32 v41, v9  }
0x150: {  	v56 =	vmul.f32 v41, v13;
	v41 =	vmul.f32 v41, v20;
	v32 =	vadd.f32 v32, v63  }
0x151: {  	v29 =	vadd.f32 v37, v29;
	v63 =	vmul.f32 v44, v16;
	v35 =	vadd.f32 v35, v55  }
0x152: {  	v57 =	vmul.f32 v40, v5;
	v52 =	vmul.f32 v40, v6;
	v32 =	vadd.f32 v32, v50  }
0x153: {  	v53 =	vadd.f32 v43, v63;
	v63 =	vmul.f32 v45, v22;
	v50 =	vmul.f32 v42, v18  }
0x154: {  	v35 =	vadd.f32 v35, v57;
	v60 =	vmul.f32 v39, v4;
	v62 =	vmul.f32 v36, v2  }
0x155: {  	v55 =	vmul.f32 v39, v3;
	v49 =	vmul.f32 v36, v8;
	v32 =	vmax.f32 v32, $0.0e+00  }
0x156: {  	v29 =	vmax.f32 v29, $0.0e+00;
	v54 =	vmul.f32 v32, v38;
	v32 =	vmul.f32 v32, v46  }
0x157: {  	v47 =	vld [tilespmem:$0x1F30];
	v38 =	vmul.f32 v29, v38;
	v35 =	vadd.f32 v35, v60;
	v29 =	vmul.f32 v29, v46  }
0x158: {  	v60 =	vmul.f32 v40, v10;
	v27 =	vadd.f32 v32, v27;
	v32 =	vadd.f32 v58, v59  }
0x159: {  	v28 =	vadd.f32 v54, v28;
	v35 =	vadd.f32 v35, v62;
	v54 =	vmul.f32 v45, v14  }
0x15a: {  	v46 =	vld [tilespmem:$0x1F40];
	v30 =	vadd.f32 v38, v30;
	v58 =	vmul.f32 v36, v1;
	v32 =	vadd.f32 v32, v61  }
0x15b: {  	v35 =	vmax.f32 v35, $0.0e+00;
	v37 =	vadd.f32 v53, v54;
	v61 =	vmul.f32 v44, v21;
	v44 =	vld [tilespmem:$0x1F60]  }
0x15c: {  	v25 =	vadd.f32 v29, v25;
	v57 =	vmul.f32 v35, v47;
	v32 =	vadd.f32 v32, v52  }
0x15d: {  	v62 =	vmul.f32 v39, v7;
	v59 =	vadd.f32 v37, v56;
	v38 =	vadd.f32 v43, v61;
	v43 =	vld [tilespmem:$0x1F70]  }
0x15e: {  	v36 =	vmul.f32 v36, v24;
	v52 =	vmul.f32 v40, v19;
	v40 =	vld [tilespmem:$0x1F80];
	v34 =	vadd.f32 v57, v34  }
0x15f: {  	v35 =	vmul.f32 v35, v46;
	v32 =	vadd.f32 v32, v55;
	v29 =	vadd.f32 v59, v60  }
0x160: {  	v45 =	vld [tilespmem:$0x1FB0];
	v38 =	vadd.f32 v38, v63;
	v55 =	vmul.f32 v39, v23;
	v54 =	vmul.f32 v44, v15  }
0x161: {  	v61 =	vmul.f32 v44, v12;
	v32 =	vadd.f32 v32, v58;
	v29 =	vadd.f32 v29, v62  }
0x162: {  	v39 =	vld [tilespmem:$0x1F90];
	v51 =	vadd.f32 v38, v41;
	v58 =	vmul.f32 v42, v17;
	v57 =	vmul.f32 v43, v11  }
0x163: {  	v31 =	vadd.f32 v35, v31;
	v59 =	vmul.f32 v40, v5;
	v63 =	vmul.f32 v43, v9  }
0x164: {  	v32 =	vmax.f32 v32, $0.0e+00;
	v29 =	vadd.f32 v29, v49;
	v37 =	vadd.f32 v51, v52  }
0x165: {  	v38 =	vld [tilespmem:$0x1FA0];
	v60 =	vadd.f32 v45, v58;
	v52 =	vmul.f32 v40, v6;
	v58 =	vmul.f32 v43, v13  }
0x166: {  	v53 =	vadd.f32 v45, v50;
	v48 =	vmul.f32 v32, v47;
	v32 =	vmul.f32 v32, v46  }
0x167: {  	v62 =	vmul.f32 v39, v4;
	v29 =	vmax.f32 v29, $0.0e+00;
	v37 =	vadd.f32 v37, v55  }
0x168: {  	v55 =	vmul.f32 v44, v14;
	v33 =	vadd.f32 v48, v33;
	v26 =	vadd.f32 v32, v26  }
0x169: {  	v56 =	vmul.f32 v29, v47;
	v32 =	vadd.f32 v53, v54;
	v29 =	vmul.f32 v29, v46  }
0x16a: {  	v50 =	vmul.f32 v38, v2;
	v53 =	vmul.f32 v42, v16;
	v36 =	vadd.f32 v37, v36  }
0x16b: {  	v54 =	vmul.f32 v39, v3;
	v37 =	vadd.f32 v60, v61;
	v28 =	vadd.f32 v56, v28  }
0x16c: {  	v60 =	vmul.f32 v40, v10;
	v32 =	vadd.f32 v32, v57;
	v27 =	vadd.f32 v29, v27  }
0x16d: {  	v35 =	vadd.f32 v45, v53;
	v57 =	vmul.f32 v38, v1;
	v53 =	vmul.f32 v40, v19  }
0x16e: {  	v40 =	vld [tilespmem:$0x2010];
	v36 =	vmax.f32 v36, $0.0e+00;
	v51 =	vadd.f32 v37, v63;
	v63 =	vmul.f32 v39, v7  }
0x16f: {  	v32 =	vadd.f32 v32, v59;
	v47 =	vmul.f32 v36, v47;
	v59 =	vmul.f32 v42, v21;
	v42 =	vld [tilespmem:$0x1FE0]  }
0x170: {  	v36 =	vmul.f32 v36, v46;
	v35 =	vadd.f32 v35, v55;
	v46 =	vld [tilespmem:$0x1FF0];
	v29 =	vadd.f32 v51, v52  }
0x171: {  	v41 =	vld [tilespmem:$0x1FD0];
	v51 =	vmul.f32 v38, v8;
	v32 =	vadd.f32 v32, v62;
	v30 =	vadd.f32 v47, v30  }
0x172: {  	v48 =	vld [tilespmem:$0x1FC0];
	v35 =	vadd.f32 v35, v58;
	v61 =	vadd.f32 v45, v59;
	v62 =	vmul.f32 v44, v22  }
0x173: {  	v44 =	vld [tilespmem:$0x2040];
	v59 =	vmul.f32 v38, v24;
	v29 =	vadd.f32 v29, v54;
	v32 =	vadd.f32 v32, v50  }
0x174: {  	v35 =	vadd.f32 v35, v60;
	v50 =	vmul.f32 v43, v20;
	v60 =	vmul.f32 v40, v5  }
0x175: {  	v29 =	vadd.f32 v29, v57;
	v52 =	vmul.f32 v42, v18;
	v55 =	vmul.f32 v46, v15  }
0x176: {  	v43 =	vld [tilespmem:$0x2000];
	v32 =	vmax.f32 v32, $0.0e+00;
	v35 =	vadd.f32 v35, v63;
	v63 =	vmul.f32 v46, v12  }
0x177: {  	v25 =	vadd.f32 v36, v25;
	v56 =	vmul.f32 v32, v48;
	v32 =	vmul.f32 v32, v41  }
0x178: {  	v29 =	vmax.f32 v29, $0.0e+00;
	v54 =	vadd.f32 v44, v52;
	v52 =	vmul.f32 v42, v16  }
0x179: {  	v49 =	vmul.f32 v29, v48;
	v35 =	vadd.f32 v35, v51;
	v34 =	vadd.f32 v56, v34  }
0x17a: {  	v29 =	vmul.f32 v29, v41;
	v31 =	vadd.f32 v32, v31;
	v32 =	vadd.f32 v61, v62  }
0x17b: {  	v56 =	vmul.f32 v39, v23;
	v37 =	vadd.f32 v54, v55;
	v57 =	vmul.f32 v43, v11  }
0x17c: {  	v61 =	vmul.f32 v42, v17;
	v51 =	vmul.f32 v43, v9;
	v54 =	vadd.f32 v44, v52  }
0x17d: {  	v55 =	vmul.f32 v46, v14;
	v42 =	vmul.f32 v42, v21;
	v33 =	vadd.f32 v49, v33  }
0x17e: {  	v39 =	vld [tilespmem:$0x2020];
	v35 =	vmax.f32 v35, $0.0e+00;
	v26 =	vadd.f32 v29, v26;
	v32 =	vadd.f32 v32, v50  }
0x17f: {  	v29 =	vld [tilespmem:$0x2030];
	v58 =	vmul.f32 v35, v48;
	v37 =	vadd.f32 v37, v57;
	v36 =	vadd.f32 v44, v61  }
0x180: {  	v35 =	vmul.f32 v35, v41;
	v61 =	vadd.f32 v44, v42;
	v32 =	vadd.f32 v32, v53  }
0x181: {  	v28 =	vadd.f32 v58, v28;
	v37 =	vadd.f32 v37, v60;
	v53 =	vmul.f32 v40, v6  }
0x182: {  	v44 =	vld [tilespmem:$0x2070];
	v27 =	vadd.f32 v35, v27;
	v58 =	vmul.f32 v43, v13;
	v60 =	vmul.f32 v40, v10  }
0x183: {  	v36 =	vadd.f32 v36, v63;
	v40 =	vmul.f32 v40, v19;
	v62 =	vmul.f32 v39, v4  }
0x184: {  	v63 =	vmul.f32 v39, v7;
	v32 =	vadd.f32 v32, v56;
	v50 =	vmul.f32 v29, v2  }
0x185: {  	v36 =	vadd.f32 v36, v51;
	v56 =	vmul.f32 v39, v3;
	v39 =	vmul.f32 v39, v23  }
0x186: {  	v38 =	vld [tilespmem:$0x2050];
	v37 =	vadd.f32 v37, v62;
	v62 =	vmul.f32 v46, v22;
	v32 =	vadd.f32 v32, v59  }
0x187: {  	v45 =	vld [tilespmem:$0x2060];
	v52 =	vmul.f32 v44, v18;
	v36 =	vadd.f32 v36, v53;
	v59 =	vmul.f32 v29, v1  }
0x188: {  	v37 =	vadd.f32 v37, v50;
	v50 =	vmul.f32 v29, v8;
	v32 =	vmax.f32 v32, $0.0e+00  }
0x189: {  	v29 =	vmul.f32 v29, v24;
	v36 =	vadd.f32 v36, v56;
	v49 =	vmul.f32 v32, v48  }
0x18a: {  	v32 =	vmul.f32 v32, v41;
	v37 =	vmax.f32 v37, $0.0e+00;
	v41 =	vadd.f32 v61, v62  }
0x18b: {  	v48 =	vmul.f32 v43, v20;
	v43 =	vld [tilespmem:$0x20D0];
	v57 =	vmul.f32 v37, v38;
	v36 =	vadd.f32 v36, v59  }
0x18c: {  	v46 =	vld [tilespmem:$0x2080];
	v37 =	vmul.f32 v37, v45;
	v30 =	vadd.f32 v49, v30;
	v25 =	vadd.f32 v32, v25  }
0x18d: {  	v56 =	vmul.f32 v44, v17;
	v32 =	vadd.f32 v54, v55;
	v51 =	vadd.f32 v41, v48  }
0x18e: {  	v41 =	vld [tilespmem:$0x2090];
	v34 =	vadd.f32 v57, v34;
	v36 =	vmax.f32 v36, $0.0e+00;
	v31 =	vadd.f32 v37, v31  }
0x18f: {  	v32 =	vadd.f32 v32, v58;
	v49 =	vmul.f32 v36, v38;
	v37 =	vadd.f32 v51, v40  }
0x190: {  	v42 =	vld [tilespmem:$0x2100];
	v36 =	vmul.f32 v36, v45;
	v35 =	vadd.f32 v43, v52;
	v58 =	vadd.f32 v43, v56  }
0x191: {  	v53 =	vmul.f32 v46, v15;
	v40 =	vld [tilespmem:$0x20A0];
	v32 =	vadd.f32 v32, v60;
	v33 =	vadd.f32 v49, v33  }
0x192: {  	v59 =	vmul.f32 v46, v12;
	v26 =	vadd.f32 v36, v26;
	v37 =	vadd.f32 v37, v39;
	v39 =	vld [tilespmem:$0x20B0]  }
0x193: {  	v36 =	vld [tilespmem:$0x20C0];
	v35 =	vadd.f32 v35, v53;
	v55 =	vmul.f32 v41, v11;
	v61 =	vmul.f32 v41, v9  }
0x194: {  	v56 =	vmul.f32 v41, v13;
	v41 =	vmul.f32 v41, v20;
	v32 =	vadd.f32 v32, v63  }
0x195: {  	v29 =	vadd.f32 v37, v29;
	v63 =	vmul.f32 v44, v16;
	v35 =	vadd.f32 v35, v55  }
0x196: {  	v57 =	vmul.f32 v40, v5;
	v52 =	vmul.f32 v40, v6;
	v32 =	vadd.f32 v32, v50  }
0x197: {  	v53 =	vadd.f32 v43, v63;
	v63 =	vmul.f32 v46, v22;
	v50 =	vmul.f32 v42, v18  }
0x198: {  	v35 =	vadd.f32 v35, v57;
	v60 =	vmul.f32 v39, v4;
	v62 =	vmul.f32 v36, v2  }
0x199: {  	v55 =	vmul.f32 v39, v3;
	v49 =	vmul.f32 v36, v8;
	v32 =	vmax.f32 v32, $0.0e+00  }
0x19a: {  	v29 =	vmax.f32 v29, $0.0e+00;
	v54 =	vmul.f32 v32, v38;
	v32 =	vmul.f32 v32, v45  }
0x19b: {  	v47 =	vld [tilespmem:$0x20E0];
	v38 =	vmul.f32 v29, v38;
	v35 =	vadd.f32 v35, v60;
	v29 =	vmul.f32 v29, v45  }
0x19c: {  	v60 =	vmul.f32 v40, v10;
	v27 =	vadd.f32 v32, v27;
	v32 =	vadd.f32 v58, v59  }
0x19d: {  	v28 =	vadd.f32 v54, v28;
	v35 =	vadd.f32 v35, v62;
	v54 =	vmul.f32 v46, v14  }
0x19e: {  	v45 =	vld [tilespmem:$0x20F0];
	v30 =	vadd.f32 v38, v30;
	v58 =	vmul.f32 v36, v1;
	v32 =	vadd.f32 v32, v61  }
0x19f: {  	v35 =	vmax.f32 v35, $0.0e+00;
	v37 =	vadd.f32 v53, v54;
	v61 =	vmul.f32 v44, v21;
	v44 =	vld [tilespmem:$0x2110]  }
0x1a0: {  	v25 =	vadd.f32 v29, v25;
	v57 =	vmul.f32 v35, v47;
	v32 =	vadd.f32 v32, v52  }
0x1a1: {  	v62 =	vmul.f32 v39, v7;
	v59 =	vadd.f32 v37, v56;
	v38 =	vadd.f32 v43, v61;
	v43 =	vld [tilespmem:$0x2120]  }
0x1a2: {  	v36 =	vmul.f32 v36, v24;
	v52 =	vmul.f32 v40, v19;
	v40 =	vld [tilespmem:$0x2130];
	v34 =	vadd.f32 v57, v34  }
0x1a3: {  	v35 =	vmul.f32 v35, v45;
	v32 =	vadd.f32 v32, v55;
	v29 =	vadd.f32 v59, v60  }
0x1a4: {  	v46 =	vld [tilespmem:$0x2160];
	v38 =	vadd.f32 v38, v63;
	v55 =	vmul.f32 v39, v23;
	v54 =	vmul.f32 v44, v15  }
0x1a5: {  	v61 =	vmul.f32 v44, v12;
	v32 =	vadd.f32 v32, v58;
	v29 =	vadd.f32 v29, v62  }
0x1a6: {  	v39 =	vld [tilespmem:$0x2140];
	v51 =	vadd.f32 v38, v41;
	v58 =	vmul.f32 v42, v17;
	v57 =	vmul.f32 v43, v11  }
0x1a7: {  	v31 =	vadd.f32 v35, v31;
	v59 =	vmul.f32 v40, v5;
	v63 =	vmul.f32 v43, v9  }
0x1a8: {  	v32 =	vmax.f32 v32, $0.0e+00;
	v29 =	vadd.f32 v29, v49;
	v37 =	vadd.f32 v51, v52  }
0x1a9: {  	v38 =	vld [tilespmem:$0x2150];
	v60 =	vadd.f32 v46, v58;
	v52 =	vmul.f32 v40, v6;
	v58 =	vmul.f32 v43, v13  }
0x1aa: {  	v53 =	vadd.f32 v46, v50;
	v48 =	vmul.f32 v32, v47;
	v32 =	vmul.f32 v32, v45  }
0x1ab: {  	v62 =	vmul.f32 v39, v4;
	v29 =	vmax.f32 v29, $0.0e+00;
	v37 =	vadd.f32 v37, v55  }
0x1ac: {  	v55 =	vmul.f32 v44, v14;
	v33 =	vadd.f32 v48, v33;
	v26 =	vadd.f32 v32, v26  }
0x1ad: {  	v56 =	vmul.f32 v29, v47;
	v32 =	vadd.f32 v53, v54;
	v29 =	vmul.f32 v29, v45  }
0x1ae: {  	v50 =	vmul.f32 v38, v2;
	v53 =	vmul.f32 v42, v16;
	v36 =	vadd.f32 v37, v36  }
0x1af: {  	v54 =	vmul.f32 v39, v3;
	v37 =	vadd.f32 v60, v61;
	v28 =	vadd.f32 v56, v28  }
0x1b0: {  	v60 =	vmul.f32 v40, v10;
	v32 =	vadd.f32 v32, v57;
	v27 =	vadd.f32 v29, v27  }
0x1b1: {  	v35 =	vadd.f32 v46, v53;
	v57 =	vmul.f32 v38, v1;
	v53 =	vmul.f32 v40, v19  }
0x1b2: {  	v40 =	vld [tilespmem:$0x21C0];
	v36 =	vmax.f32 v36, $0.0e+00;
	v51 =	vadd.f32 v37, v63;
	v63 =	vmul.f32 v39, v7  }
0x1b3: {  	v32 =	vadd.f32 v32, v59;
	v47 =	vmul.f32 v36, v47;
	v59 =	vmul.f32 v42, v21;
	v42 =	vld [tilespmem:$0x2190]  }
0x1b4: {  	v36 =	vmul.f32 v36, v45;
	v35 =	vadd.f32 v35, v55;
	v45 =	vld [tilespmem:$0x21A0];
	v29 =	vadd.f32 v51, v52  }
0x1b5: {  	v41 =	vld [tilespmem:$0x2180];
	v51 =	vmul.f32 v38, v8;
	v32 =	vadd.f32 v32, v62;
	v30 =	vadd.f32 v47, v30  }
0x1b6: {  	v48 =	vld [tilespmem:$0x2170];
	v35 =	vadd.f32 v35, v58;
	v61 =	vadd.f32 v46, v59;
	v62 =	vmul.f32 v44, v22  }
0x1b7: {  	v44 =	vld [tilespmem:$0x21F0];
	v59 =	vmul.f32 v38, v24;
	v29 =	vadd.f32 v29, v54;
	v32 =	vadd.f32 v32, v50  }
0x1b8: {  	v35 =	vadd.f32 v35, v60;
	v50 =	vmul.f32 v43, v20;
	v60 =	vmul.f32 v40, v5  }
0x1b9: {  	v29 =	vadd.f32 v29, v57;
	v52 =	vmul.f32 v42, v18;
	v55 =	vmul.f32 v45, v15  }
0x1ba: {  	v43 =	vld [tilespmem:$0x21B0];
	v32 =	vmax.f32 v32, $0.0e+00;
	v35 =	vadd.f32 v35, v63;
	v63 =	vmul.f32 v45, v12  }
0x1bb: {  	v25 =	vadd.f32 v36, v25;
	v56 =	vmul.f32 v32, v48;
	v32 =	vmul.f32 v32, v41  }
0x1bc: {  	v29 =	vmax.f32 v29, $0.0e+00;
	v54 =	vadd.f32 v44, v52;
	v52 =	vmul.f32 v42, v16  }
0x1bd: {  	v49 =	vmul.f32 v29, v48;
	v35 =	vadd.f32 v35, v51;
	v34 =	vadd.f32 v56, v34  }
0x1be: {  	v29 =	vmul.f32 v29, v41;
	v31 =	vadd.f32 v32, v31;
	v32 =	vadd.f32 v61, v62  }
0x1bf: {  	v56 =	vmul.f32 v39, v23;
	v37 =	vadd.f32 v54, v55;
	v57 =	vmul.f32 v43, v11  }
0x1c0: {  	v61 =	vmul.f32 v42, v17;
	v51 =	vmul.f32 v43, v9;
	v54 =	vadd.f32 v44, v52  }
0x1c1: {  	v55 =	vmul.f32 v45, v14;
	v42 =	vmul.f32 v42, v21;
	v33 =	vadd.f32 v49, v33  }
0x1c2: {  	v39 =	vld [tilespmem:$0x21D0];
	v35 =	vmax.f32 v35, $0.0e+00;
	v26 =	vadd.f32 v29, v26;
	v32 =	vadd.f32 v32, v50  }
0x1c3: {  	v29 =	vld [tilespmem:$0x21E0];
	v58 =	vmul.f32 v35, v48;
	v37 =	vadd.f32 v37, v57;
	v36 =	vadd.f32 v44, v61  }
0x1c4: {  	v35 =	vmul.f32 v35, v41;
	v61 =	vadd.f32 v44, v42;
	v32 =	vadd.f32 v32, v53  }
0x1c5: {  	v28 =	vadd.f32 v58, v28;
	v37 =	vadd.f32 v37, v60;
	v53 =	vmul.f32 v40, v6  }
0x1c6: {  	v44 =	vld [tilespmem:$0x2220];
	v27 =	vadd.f32 v35, v27;
	v58 =	vmul.f32 v43, v13;
	v60 =	vmul.f32 v40, v10  }
0x1c7: {  	v36 =	vadd.f32 v36, v63;
	v40 =	vmul.f32 v40, v19;
	v62 =	vmul.f32 v39, v4  }
0x1c8: {  	v63 =	vmul.f32 v39, v7;
	v32 =	vadd.f32 v32, v56;
	v50 =	vmul.f32 v29, v2  }
0x1c9: {  	v36 =	vadd.f32 v36, v51;
	v56 =	vmul.f32 v39, v3;
	v39 =	vmul.f32 v39, v23  }
0x1ca: {  	v38 =	vld [tilespmem:$0x2200];
	v37 =	vadd.f32 v37, v62;
	v62 =	vmul.f32 v45, v22;
	v32 =	vadd.f32 v32, v59  }
0x1cb: {  	v46 =	vld [tilespmem:$0x2210];
	v52 =	vmul.f32 v44, v18;
	v36 =	vadd.f32 v36, v53;
	v59 =	vmul.f32 v29, v1  }
0x1cc: {  	v37 =	vadd.f32 v37, v50;
	v50 =	vmul.f32 v29, v8;
	v32 =	vmax.f32 v32, $0.0e+00  }
0x1cd: {  	v29 =	vmul.f32 v29, v24;
	v36 =	vadd.f32 v36, v56;
	v49 =	vmul.f32 v32, v48  }
0x1ce: {  	v32 =	vmul.f32 v32, v41;
	v37 =	vmax.f32 v37, $0.0e+00;
	v41 =	vadd.f32 v61, v62  }
0x1cf: {  	v48 =	vmul.f32 v43, v20;
	v43 =	vld [tilespmem:$0x2280];
	v57 =	vmul.f32 v37, v38;
	v36 =	vadd.f32 v36, v59  }
0x1d0: {  	v45 =	vld [tilespmem:$0x2230];
	v37 =	vmul.f32 v37, v46;
	v30 =	vadd.f32 v49, v30;
	v25 =	vadd.f32 v32, v25  }
0x1d1: {  	v56 =	vmul.f32 v44, v17;
	v32 =	vadd.f32 v54, v55;
	v51 =	vadd.f32 v41, v48  }
0x1d2: {  	v41 =	vld [tilespmem:$0x2240];
	v34 =	vadd.f32 v57, v34;
	v36 =	vmax.f32 v36, $0.0e+00;
	v31 =	vadd.f32 v37, v31  }
0x1d3: {  	v32 =	vadd.f32 v32, v58;
	v49 =	vmul.f32 v36, v38;
	v37 =	vadd.f32 v51, v40  }
0x1d4: {  	v42 =	vld [tilespmem:$0x22B0];
	v36 =	vmul.f32 v36, v46;
	v35 =	vadd.f32 v43, v52;
	v58 =	vadd.f32 v43, v56  }
0x1d5: {  	v53 =	vmul.f32 v45, v15;
	v40 =	vld [tilespmem:$0x2250];
	v32 =	vadd.f32 v32, v60;
	v33 =	vadd.f32 v49, v33  }
0x1d6: {  	v59 =	vmul.f32 v45, v12;
	v26 =	vadd.f32 v36, v26;
	v37 =	vadd.f32 v37, v39;
	v39 =	vld [tilespmem:$0x2260]  }
0x1d7: {  	v36 =	vld [tilespmem:$0x2270];
	v35 =	vadd.f32 v35, v53;
	v55 =	vmul.f32 v41, v11;
	v61 =	vmul.f32 v41, v9  }
0x1d8: {  	v56 =	vmul.f32 v41, v13;
	v41 =	vmul.f32 v41, v20;
	v32 =	vadd.f32 v32, v63  }
0x1d9: {  	v29 =	vadd.f32 v37, v29;
	v63 =	vmul.f32 v44, v16;
	v35 =	vadd.f32 v35, v55  }
0x1da: {  	v57 =	vmul.f32 v40, v5;
	v52 =	vmul.f32 v40, v6;
	v32 =	vadd.f32 v32, v50  }
0x1db: {  	v53 =	vadd.f32 v43, v63;
	v63 =	vmul.f32 v45, v22;
	v50 =	vmul.f32 v42, v18  }
0x1dc: {  	v35 =	vadd.f32 v35, v57;
	v60 =	vmul.f32 v39, v4;
	v62 =	vmul.f32 v36, v2  }
0x1dd: {  	v55 =	vmul.f32 v39, v3;
	v49 =	vmul.f32 v36, v8;
	v32 =	vmax.f32 v32, $0.0e+00  }
0x1de: {  	v29 =	vmax.f32 v29, $0.0e+00;
	v54 =	vmul.f32 v32, v38;
	v32 =	vmul.f32 v32, v46  }
0x1df: {  	v47 =	vld [tilespmem:$0x2290];
	v38 =	vmul.f32 v29, v38;
	v35 =	vadd.f32 v35, v60;
	v29 =	vmul.f32 v29, v46  }
0x1e0: {  	v60 =	vmul.f32 v40, v10;
	v27 =	vadd.f32 v32, v27;
	v32 =	vadd.f32 v58, v59  }
0x1e1: {  	v28 =	vadd.f32 v54, v28;
	v35 =	vadd.f32 v35, v62;
	v54 =	vmul.f32 v45, v14  }
0x1e2: {  	v46 =	vld [tilespmem:$0x22A0];
	v30 =	vadd.f32 v38, v30;
	v58 =	vmul.f32 v36, v1;
	v32 =	vadd.f32 v32, v61  }
0x1e3: {  	v35 =	vmax.f32 v35, $0.0e+00;
	v37 =	vadd.f32 v53, v54;
	v61 =	vmul.f32 v44, v21;
	v44 =	vld [tilespmem:$0x22C0]  }
0x1e4: {  	v25 =	vadd.f32 v29, v25;
	v57 =	vmul.f32 v35, v47;
	v32 =	vadd.f32 v32, v52  }
0x1e5: {  	v62 =	vmul.f32 v39, v7;
	v59 =	vadd.f32 v37, v56;
	v38 =	vadd.f32 v43, v61;
	v43 =	vld [tilespmem:$0x22D0]  }
0x1e6: {  	v36 =	vmul.f32 v36, v24;
	v52 =	vmul.f32 v40, v19;
	v40 =	vld [tilespmem:$0x22E0];
	v34 =	vadd.f32 v57, v34  }
0x1e7: {  	v35 =	vmul.f32 v35, v46;
	v32 =	vadd.f32 v32, v55;
	v29 =	vadd.f32 v59, v60  }
0x1e8: {  	v45 =	vld [tilespmem:$0x2310];
	v38 =	vadd.f32 v38, v63;
	v55 =	vmul.f32 v39, v23;
	v54 =	vmul.f32 v44, v15  }
0x1e9: {  	v61 =	vmul.f32 v44, v12;
	v32 =	vadd.f32 v32, v58;
	v29 =	vadd.f32 v29, v62  }
0x1ea: {  	v39 =	vld [tilespmem:$0x22F0];
	v51 =	vadd.f32 v38, v41;
	v58 =	vmul.f32 v42, v17;
	v57 =	vmul.f32 v43, v11  }
0x1eb: {  	v31 =	vadd.f32 v35, v31;
	v59 =	vmul.f32 v40, v5;
	v63 =	vmul.f32 v43, v9  }
0x1ec: {  	v32 =	vmax.f32 v32, $0.0e+00;
	v29 =	vadd.f32 v29, v49;
	v37 =	vadd.f32 v51, v52  }
0x1ed: {  	v38 =	vld [tilespmem:$0x2300];
	v60 =	vadd.f32 v45, v58;
	v52 =	vmul.f32 v40, v6;
	v58 =	vmul.f32 v43, v13  }
0x1ee: {  	v53 =	vadd.f32 v45, v50;
	v48 =	vmul.f32 v32, v47;
	v32 =	vmul.f32 v32, v46  }
0x1ef: {  	v62 =	vmul.f32 v39, v4;
	v29 =	vmax.f32 v29, $0.0e+00;
	v37 =	vadd.f32 v37, v55  }
0x1f0: {  	v55 =	vmul.f32 v44, v14;
	v33 =	vadd.f32 v48, v33;
	v26 =	vadd.f32 v32, v26  }
0x1f1: {  	v56 =	vmul.f32 v29, v47;
	v32 =	vadd.f32 v53, v54;
	v29 =	vmul.f32 v29, v46  }
0x1f2: {  	v50 =	vmul.f32 v38, v2;
	v53 =	vmul.f32 v42, v16;
	v36 =	vadd.f32 v37, v36  }
0x1f3: {  	v54 =	vmul.f32 v39, v3;
	v37 =	vadd.f32 v60, v61;
	v28 =	vadd.f32 v56, v28  }
0x1f4: {  	v60 =	vmul.f32 v40, v10;
	v32 =	vadd.f32 v32, v57;
	v27 =	vadd.f32 v29, v27  }
0x1f5: {  	v35 =	vadd.f32 v45, v53;
	v57 =	vmul.f32 v38, v1;
	v53 =	vmul.f32 v40, v19  }
0x1f6: {  	v40 =	vld [tilespmem:$0x2370];
	v36 =	vmax.f32 v36, $0.0e+00;
	v51 =	vadd.f32 v37, v63;
	v63 =	vmul.f32 v39, v7  }
0x1f7: {  	v32 =	vadd.f32 v32, v59;
	v47 =	vmul.f32 v36, v47;
	v59 =	vmul.f32 v42, v21;
	v42 =	vld [tilespmem:$0x2340]  }
0x1f8: {  	v36 =	vmul.f32 v36, v46;
	v35 =	vadd.f32 v35, v55;
	v46 =	vld [tilespmem:$0x2350];
	v29 =	vadd.f32 v51, v52  }
0x1f9: {  	v41 =	vld [tilespmem:$0x2330];
	v51 =	vmul.f32 v38, v8;
	v32 =	vadd.f32 v32, v62;
	v30 =	vadd.f32 v47, v30  }
0x1fa: {  	v48 =	vld [tilespmem:$0x2320];
	v35 =	vadd.f32 v35, v58;
	v61 =	vadd.f32 v45, v59;
	v62 =	vmul.f32 v44, v22  }
0x1fb: {  	v44 =	vld [tilespmem:$0x23A0];
	v59 =	vmul.f32 v38, v24;
	v29 =	vadd.f32 v29, v54;
	v32 =	vadd.f32 v32, v50  }
0x1fc: {  	v35 =	vadd.f32 v35, v60;
	v50 =	vmul.f32 v43, v20;
	v60 =	vmul.f32 v40, v5  }
0x1fd: {  	v29 =	vadd.f32 v29, v57;
	v52 =	vmul.f32 v42, v18;
	v55 =	vmul.f32 v46, v15  }
0x1fe: {  	v43 =	vld [tilespmem:$0x2360];
	v32 =	vmax.f32 v32, $0.0e+00;
	v35 =	vadd.f32 v35, v63;
	v63 =	vmul.f32 v46, v12  }
0x1ff: {  	v25 =	vadd.f32 v36, v25;
	v56 =	vmul.f32 v32, v48;
	v32 =	vmul.f32 v32, v41  }
0x200: {  	v29 =	vmax.f32 v29, $0.0e+00;
	v54 =	vadd.f32 v44, v52;
	v52 =	vmul.f32 v42, v16  }
0x201: {  	v49 =	vmul.f32 v29, v48;
	v35 =	vadd.f32 v35, v51;
	v34 =	vadd.f32 v56, v34  }
0x202: {  	v29 =	vmul.f32 v29, v41;
	v31 =	vadd.f32 v32, v31;
	v32 =	vadd.f32 v61, v62  }
0x203: {  	v56 =	vmul.f32 v39, v23;
	v37 =	vadd.f32 v54, v55;
	v57 =	vmul.f32 v43, v11  }
0x204: {  	v61 =	vmul.f32 v42, v17;
	v51 =	vmul.f32 v43, v9;
	v54 =	vadd.f32 v44, v52  }
0x205: {  	v55 =	vmul.f32 v46, v14;
	v42 =	vmul.f32 v42, v21;
	v33 =	vadd.f32 v49, v33  }
0x206: {  	v39 =	vld [tilespmem:$0x2380];
	v35 =	vmax.f32 v35, $0.0e+00;
	v26 =	vadd.f32 v29, v26;
	v32 =	vadd.f32 v32, v50  }
0x207: {  	v29 =	vld [tilespmem:$0x2390];
	v58 =	vmul.f32 v35, v48;
	v37 =	vadd.f32 v37, v57;
	v36 =	vadd.f32 v44, v61  }
0x208: {  	v35 =	vmul.f32 v35, v41;
	v61 =	vadd.f32 v44, v42;
	v32 =	vadd.f32 v32, v53  }
0x209: {  	v28 =	vadd.f32 v58, v28;
	v37 =	vadd.f32 v37, v60;
	v53 =	vmul.f32 v40, v6  }
0x20a: {  	v44 =	vld [tilespmem:$0x23D0];
	v27 =	vadd.f32 v35, v27;
	v58 =	vmul.f32 v43, v13;
	v60 =	vmul.f32 v40, v10  }
0x20b: {  	v36 =	vadd.f32 v36, v63;
	v40 =	vmul.f32 v40, v19;
	v62 =	vmul.f32 v39, v4  }
0x20c: {  	v63 =	vmul.f32 v39, v7;
	v32 =	vadd.f32 v32, v56;
	v50 =	vmul.f32 v29, v2  }
0x20d: {  	v36 =	vadd.f32 v36, v51;
	v56 =	vmul.f32 v39, v3;
	v39 =	vmul.f32 v39, v23  }
0x20e: {  	v38 =	vld [tilespmem:$0x23B0];
	v37 =	vadd.f32 v37, v62;
	v62 =	vmul.f32 v46, v22;
	v32 =	vadd.f32 v32, v59  }
0x20f: {  	v45 =	vld [tilespmem:$0x23C0];
	v52 =	vmul.f32 v44, v18;
	v36 =	vadd.f32 v36, v53;
	v59 =	vmul.f32 v29, v1  }
0x210: {  	v37 =	vadd.f32 v37, v50;
	v50 =	vmul.f32 v29, v8;
	v32 =	vmax.f32 v32, $0.0e+00  }
0x211: {  	v29 =	vmul.f32 v29, v24;
	v36 =	vadd.f32 v36, v56;
	v49 =	vmul.f32 v32, v48  }
0x212: {  	v32 =	vmul.f32 v32, v41;
	v37 =	vmax.f32 v37, $0.0e+00;
	v41 =	vadd.f32 v61, v62  }
0x213: {  	v48 =	vmul.f32 v43, v20;
	v43 =	vld [tilespmem:$0x2430];
	v57 =	vmul.f32 v37, v38;
	v36 =	vadd.f32 v36, v59  }
0x214: {  	v46 =	vld [tilespmem:$0x23E0];
	v37 =	vmul.f32 v37, v45;
	v30 =	vadd.f32 v49, v30;
	v25 =	vadd.f32 v32, v25  }
0x215: {  	v56 =	vmul.f32 v44, v17;
	v32 =	vadd.f32 v54, v55;
	v51 =	vadd.f32 v41, v48  }
0x216: {  	v41 =	vld [tilespmem:$0x23F0];
	v34 =	vadd.f32 v57, v34;
	v36 =	vmax.f32 v36, $0.0e+00;
	v31 =	vadd.f32 v37, v31  }
0x217: {  	v32 =	vadd.f32 v32, v58;
	v49 =	vmul.f32 v36, v38;
	v37 =	vadd.f32 v51, v40  }
0x218: {  	v42 =	vld [tilespmem:$0x2460];
	v36 =	vmul.f32 v36, v45;
	v35 =	vadd.f32 v43, v52;
	v58 =	vadd.f32 v43, v56  }
0x219: {  	v53 =	vmul.f32 v46, v15;
	v40 =	vld [tilespmem:$0x2400];
	v32 =	vadd.f32 v32, v60;
	v33 =	vadd.f32 v49, v33  }
0x21a: {  	v59 =	vmul.f32 v46, v12;
	v26 =	vadd.f32 v36, v26;
	v37 =	vadd.f32 v37, v39;
	v39 =	vld [tilespmem:$0x2410]  }
0x21b: {  	v36 =	vld [tilespmem:$0x2420];
	v35 =	vadd.f32 v35, v53;
	v55 =	vmul.f32 v41, v11;
	v61 =	vmul.f32 v41, v9  }
0x21c: {  	v56 =	vmul.f32 v41, v13;
	v41 =	vmul.f32 v41, v20;
	v32 =	vadd.f32 v32, v63  }
0x21d: {  	v29 =	vadd.f32 v37, v29;
	v63 =	vmul.f32 v44, v16;
	v35 =	vadd.f32 v35, v55  }
0x21e: {  	v57 =	vmul.f32 v40, v5;
	v52 =	vmul.f32 v40, v6;
	v32 =	vadd.f32 v32, v50  }
0x21f: {  	v53 =	vadd.f32 v43, v63;
	v63 =	vmul.f32 v46, v22;
	v50 =	vmul.f32 v42, v18  }
0x220: {  	v35 =	vadd.f32 v35, v57;
	v60 =	vmul.f32 v39, v4;
	v62 =	vmul.f32 v36, v2  }
0x221: {  	v55 =	vmul.f32 v39, v3;
	v49 =	vmul.f32 v36, v8;
	v32 =	vmax.f32 v32, $0.0e+00  }
0x222: {  	v29 =	vmax.f32 v29, $0.0e+00;
	v54 =	vmul.f32 v32, v38;
	v32 =	vmul.f32 v32, v45  }
0x223: {  	v47 =	vld [tilespmem:$0x2440];
	v38 =	vmul.f32 v29, v38;
	v35 =	vadd.f32 v35, v60;
	v29 =	vmul.f32 v29, v45  }
0x224: {  	v60 =	vmul.f32 v40, v10;
	v27 =	vadd.f32 v32, v27;
	v32 =	vadd.f32 v58, v59  }
0x225: {  	v28 =	vadd.f32 v54, v28;
	v35 =	vadd.f32 v35, v62;
	v54 =	vmul.f32 v46, v14  }
0x226: {  	v45 =	vld [tilespmem:$0x2450];
	v30 =	vadd.f32 v38, v30;
	v58 =	vmul.f32 v36, v1;
	v32 =	vadd.f32 v32, v61  }
0x227: {  	v35 =	vmax.f32 v35, $0.0e+00;
	v37 =	vadd.f32 v53, v54;
	v61 =	vmul.f32 v44, v21;
	v44 =	vld [tilespmem:$0x2470]  }
0x228: {  	v25 =	vadd.f32 v29, v25;
	v57 =	vmul.f32 v35, v47;
	v32 =	vadd.f32 v32, v52  }
0x229: {  	v62 =	vmul.f32 v39, v7;
	v59 =	vadd.f32 v37, v56;
	v38 =	vadd.f32 v43, v61;
	v43 =	vld [tilespmem:$0x2480]  }
0x22a: {  	v36 =	vmul.f32 v36, v24;
	v52 =	vmul.f32 v40, v19;
	v40 =	vld [tilespmem:$0x2490];
	v34 =	vadd.f32 v57, v34  }
0x22b: {  	v35 =	vmul.f32 v35, v45;
	v32 =	vadd.f32 v32, v55;
	v29 =	vadd.f32 v59, v60  }
0x22c: {  	v46 =	vld [tilespmem:$0x24C0];
	v38 =	vadd.f32 v38, v63;
	v55 =	vmul.f32 v39, v23;
	v54 =	vmul.f32 v44, v15  }
0x22d: {  	v61 =	vmul.f32 v44, v12;
	v32 =	vadd.f32 v32, v58;
	v29 =	vadd.f32 v29, v62  }
0x22e: {  	v39 =	vld [tilespmem:$0x24A0];
	v51 =	vadd.f32 v38, v41;
	v58 =	vmul.f32 v42, v17;
	v57 =	vmul.f32 v43, v11  }
0x22f: {  	v31 =	vadd.f32 v35, v31;
	v59 =	vmul.f32 v40, v5;
	v63 =	vmul.f32 v43, v9  }
0x230: {  	v32 =	vmax.f32 v32, $0.0e+00;
	v29 =	vadd.f32 v29, v49;
	v37 =	vadd.f32 v51, v52  }
0x231: {  	v38 =	vld [tilespmem:$0x24B0];
	v60 =	vadd.f32 v46, v58;
	v52 =	vmul.f32 v40, v6;
	v58 =	vmul.f32 v43, v13  }
0x232: {  	v53 =	vadd.f32 v46, v50;
	v48 =	vmul.f32 v32, v47;
	v32 =	vmul.f32 v32, v45  }
0x233: {  	v62 =	vmul.f32 v39, v4;
	v29 =	vmax.f32 v29, $0.0e+00;
	v37 =	vadd.f32 v37, v55  }
0x234: {  	v55 =	vmul.f32 v44, v14;
	v33 =	vadd.f32 v48, v33;
	v26 =	vadd.f32 v32, v26  }
0x235: {  	v56 =	vmul.f32 v29, v47;
	v32 =	vadd.f32 v53, v54;
	v29 =	vmul.f32 v29, v45  }
0x236: {  	v50 =	vmul.f32 v38, v2;
	v53 =	vmul.f32 v42, v16;
	v36 =	vadd.f32 v37, v36  }
0x237: {  	v54 =	vmul.f32 v39, v3;
	v37 =	vadd.f32 v60, v61;
	v28 =	vadd.f32 v56, v28  }
0x238: {  	v60 =	vmul.f32 v40, v10;
	v32 =	vadd.f32 v32, v57;
	v27 =	vadd.f32 v29, v27  }
0x239: {  	v35 =	vadd.f32 v46, v53;
	v57 =	vmul.f32 v38, v1;
	v53 =	vmul.f32 v40, v19  }
0x23a: {  	v40 =	vld [tilespmem:$0x2520];
	v36 =	vmax.f32 v36, $0.0e+00;
	v51 =	vadd.f32 v37, v63;
	v63 =	vmul.f32 v39, v7  }
0x23b: {  	v32 =	vadd.f32 v32, v59;
	v47 =	vmul.f32 v36, v47;
	v59 =	vmul.f32 v42, v21;
	v42 =	vld [tilespmem:$0x24F0]  }
0x23c: {  	v36 =	vmul.f32 v36, v45;
	v35 =	vadd.f32 v35, v55;
	v45 =	vld [tilespmem:$0x2500];
	v29 =	vadd.f32 v51, v52  }
0x23d: {  	v41 =	vld [tilespmem:$0x24E0];
	v51 =	vmul.f32 v38, v8;
	v32 =	vadd.f32 v32, v62;
	v30 =	vadd.f32 v47, v30  }
0x23e: {  	v48 =	vld [tilespmem:$0x24D0];
	v35 =	vadd.f32 v35, v58;
	v61 =	vadd.f32 v46, v59;
	v62 =	vmul.f32 v44, v22  }
0x23f: {  	v44 =	vld [tilespmem:$0x2550];
	v59 =	vmul.f32 v38, v24;
	v29 =	vadd.f32 v29, v54;
	v32 =	vadd.f32 v32, v50  }
0x240: {  	v35 =	vadd.f32 v35, v60;
	v50 =	vmul.f32 v43, v20;
	v60 =	vmul.f32 v40, v5  }
0x241: {  	v29 =	vadd.f32 v29, v57;
	v52 =	vmul.f32 v42, v18;
	v55 =	vmul.f32 v45, v15  }
0x242: {  	v43 =	vld [tilespmem:$0x2510];
	v32 =	vmax.f32 v32, $0.0e+00;
	v35 =	vadd.f32 v35, v63;
	v63 =	vmul.f32 v45, v12  }
0x243: {  	v25 =	vadd.f32 v36, v25;
	v56 =	vmul.f32 v32, v48;
	v32 =	vmul.f32 v32, v41  }
0x244: {  	v29 =	vmax.f32 v29, $0.0e+00;
	v54 =	vadd.f32 v44, v52;
	v52 =	vmul.f32 v42, v16  }
0x245: {  	v49 =	vmul.f32 v29, v48;
	v35 =	vadd.f32 v35, v51;
	v34 =	vadd.f32 v56, v34  }
0x246: {  	v29 =	vmul.f32 v29, v41;
	v31 =	vadd.f32 v32, v31;
	v32 =	vadd.f32 v61, v62  }
0x247: {  	v56 =	vmul.f32 v39, v23;
	v37 =	vadd.f32 v54, v55;
	v57 =	vmul.f32 v43, v11  }
0x248: {  	v61 =	vmul.f32 v42, v17;
	v51 =	vmul.f32 v43, v9;
	v54 =	vadd.f32 v44, v52  }
0x249: {  	v55 =	vmul.f32 v45, v14;
	v42 =	vmul.f32 v42, v21;
	v33 =	vadd.f32 v49, v33  }
0x24a: {  	v39 =	vld [tilespmem:$0x2530];
	v35 =	vmax.f32 v35, $0.0e+00;
	v26 =	vadd.f32 v29, v26;
	v32 =	vadd.f32 v32, v50  }
0x24b: {  	v29 =	vld [tilespmem:$0x2540];
	v58 =	vmul.f32 v35, v48;
	v37 =	vadd.f32 v37, v57;
	v36 =	vadd.f32 v44, v61  }
0x24c: {  	v35 =	vmul.f32 v35, v41;
	v61 =	vadd.f32 v44, v42;
	v32 =	vadd.f32 v32, v53  }
0x24d: {  	v28 =	vadd.f32 v58, v28;
	v37 =	vadd.f32 v37, v60;
	v53 =	vmul.f32 v40, v6  }
0x24e: {  	v44 =	vld [tilespmem:$0x2580];
	v27 =	vadd.f32 v35, v27;
	v58 =	vmul.f32 v43, v13;
	v60 =	vmul.f32 v40, v10  }
0x24f: {  	v36 =	vadd.f32 v36, v63;
	v40 =	vmul.f32 v40, v19;
	v62 =	vmul.f32 v39, v4  }
0x250: {  	v63 =	vmul.f32 v39, v7;
	v32 =	vadd.f32 v32, v56;
	v50 =	vmul.f32 v29, v2  }
0x251: {  	v36 =	vadd.f32 v36, v51;
	v56 =	vmul.f32 v39, v3;
	v39 =	vmul.f32 v39, v23  }
0x252: {  	v38 =	vld [tilespmem:$0x2560];
	v37 =	vadd.f32 v37, v62;
	v62 =	vmul.f32 v45, v22;
	v32 =	vadd.f32 v32, v59  }
0x253: {  	v46 =	vld [tilespmem:$0x2570];
	v52 =	vmul.f32 v44, v18;
	v36 =	vadd.f32 v36, v53;
	v59 =	vmul.f32 v29, v1  }
0x254: {  	v37 =	vadd.f32 v37, v50;
	v50 =	vmul.f32 v29, v8;
	v32 =	vmax.f32 v32, $0.0e+00  }
0x255: {  	v29 =	vmul.f32 v29, v24;
	v36 =	vadd.f32 v36, v56;
	v49 =	vmul.f32 v32, v48  }
0x256: {  	v32 =	vmul.f32 v32, v41;
	v37 =	vmax.f32 v37, $0.0e+00;
	v41 =	vadd.f32 v61, v62  }
0x257: {  	v48 =	vmul.f32 v43, v20;
	v43 =	vld [tilespmem:$0x25E0];
	v57 =	vmul.f32 v37, v38;
	v36 =	vadd.f32 v36, v59  }
0x258: {  	v45 =	vld [tilespmem:$0x2590];
	v37 =	vmul.f32 v37, v46;
	v30 =	vadd.f32 v49, v30;
	v25 =	vadd.f32 v32, v25  }
0x259: {  	v56 =	vmul.f32 v44, v17;
	v32 =	vadd.f32 v54, v55;
	v51 =	vadd.f32 v41, v48  }
0x25a: {  	v41 =	vld [tilespmem:$0x25A0];
	v34 =	vadd.f32 v57, v34;
	v36 =	vmax.f32 v36, $0.0e+00;
	v31 =	vadd.f32 v37, v31  }
0x25b: {  	v32 =	vadd.f32 v32, v58;
	v49 =	vmul.f32 v36, v38;
	v37 =	vadd.f32 v51, v40  }
0x25c: {  	v42 =	vld [tilespmem:$0x2610];
	v36 =	vmul.f32 v36, v46;
	v35 =	vadd.f32 v43, v52;
	v58 =	vadd.f32 v43, v56  }
0x25d: {  	v53 =	vmul.f32 v45, v15;
	v40 =	vld [tilespmem:$0x25B0];
	v32 =	vadd.f32 v32, v60;
	v33 =	vadd.f32 v49, v33  }
0x25e: {  	v59 =	vmul.f32 v45, v12;
	v26 =	vadd.f32 v36, v26;
	v37 =	vadd.f32 v37, v39;
	v39 =	vld [tilespmem:$0x25C0]  }
0x25f: {  	v36 =	vld [tilespmem:$0x25D0];
	v35 =	vadd.f32 v35, v53;
	v55 =	vmul.f32 v41, v11;
	v61 =	vmul.f32 v41, v9  }
0x260: {  	v56 =	vmul.f32 v41, v13;
	v41 =	vmul.f32 v41, v20;
	v32 =	vadd.f32 v32, v63  }
0x261: {  	v29 =	vadd.f32 v37, v29;
	v63 =	vmul.f32 v44, v16;
	v35 =	vadd.f32 v35, v55  }
0x262: {  	v57 =	vmul.f32 v40, v5;
	v52 =	vmul.f32 v40, v6;
	v32 =	vadd.f32 v32, v50  }
0x263: {  	v53 =	vadd.f32 v43, v63;
	v63 =	vmul.f32 v45, v22;
	v50 =	vmul.f32 v42, v18  }
0x264: {  	v35 =	vadd.f32 v35, v57;
	v60 =	vmul.f32 v39, v4;
	v62 =	vmul.f32 v36, v2  }
0x265: {  	v55 =	vmul.f32 v39, v3;
	v49 =	vmul.f32 v36, v8;
	v32 =	vmax.f32 v32, $0.0e+00  }
0x266: {  	v29 =	vmax.f32 v29, $0.0e+00;
	v54 =	vmul.f32 v32, v38;
	v32 =	vmul.f32 v32, v46  }
0x267: {  	v47 =	vld [tilespmem:$0x25F0];
	v38 =	vmul.f32 v29, v38;
	v35 =	vadd.f32 v35, v60;
	v29 =	vmul.f32 v29, v46  }
0x268: {  	v60 =	vmul.f32 v40, v10;
	v27 =	vadd.f32 v32, v27;
	v32 =	vadd.f32 v58, v59  }
0x269: {  	v28 =	vadd.f32 v54, v28;
	v35 =	vadd.f32 v35, v62;
	v54 =	vmul.f32 v45, v14  }
0x26a: {  	v46 =	vld [tilespmem:$0x2600];
	v30 =	vadd.f32 v38, v30;
	v58 =	vmul.f32 v36, v1;
	v32 =	vadd.f32 v32, v61  }
0x26b: {  	v35 =	vmax.f32 v35, $0.0e+00;
	v37 =	vadd.f32 v53, v54;
	v61 =	vmul.f32 v44, v21;
	v44 =	vld [tilespmem:$0x2620]  }
0x26c: {  	v25 =	vadd.f32 v29, v25;
	v57 =	vmul.f32 v35, v47;
	v32 =	vadd.f32 v32, v52  }
0x26d: {  	v62 =	vmul.f32 v39, v7;
	v59 =	vadd.f32 v37, v56;
	v38 =	vadd.f32 v43, v61;
	v43 =	vld [tilespmem:$0x2630]  }
0x26e: {  	v36 =	vmul.f32 v36, v24;
	v52 =	vmul.f32 v40, v19;
	v40 =	vld [tilespmem:$0x2640];
	v34 =	vadd.f32 v57, v34  }
0x26f: {  	v35 =	vmul.f32 v35, v46;
	v32 =	vadd.f32 v32, v55;
	v29 =	vadd.f32 v59, v60  }
0x270: {  	v45 =	vld [tilespmem:$0x2670];
	v38 =	vadd.f32 v38, v63;
	v55 =	vmul.f32 v39, v23;
	v54 =	vmul.f32 v44, v15  }
0x271: {  	v61 =	vmul.f32 v44, v12;
	v32 =	vadd.f32 v32, v58;
	v29 =	vadd.f32 v29, v62  }
0x272: {  	v39 =	vld [tilespmem:$0x2650];
	v51 =	vadd.f32 v38, v41;
	v58 =	vmul.f32 v42, v17;
	v57 =	vmul.f32 v43, v11  }
0x273: {  	v31 =	vadd.f32 v35, v31;
	v59 =	vmul.f32 v40, v5;
	v63 =	vmul.f32 v43, v9  }
0x274: {  	v32 =	vmax.f32 v32, $0.0e+00;
	v29 =	vadd.f32 v29, v49;
	v37 =	vadd.f32 v51, v52  }
0x275: {  	v38 =	vld [tilespmem:$0x2660];
	v60 =	vadd.f32 v45, v58;
	v52 =	vmul.f32 v40, v6;
	v58 =	vmul.f32 v43, v13  }
0x276: {  	v53 =	vadd.f32 v45, v50;
	v48 =	vmul.f32 v32, v47;
	v32 =	vmul.f32 v32, v46  }
0x277: {  	v62 =	vmul.f32 v39, v4;
	v29 =	vmax.f32 v29, $0.0e+00;
	v37 =	vadd.f32 v37, v55  }
0x278: {  	v55 =	vmul.f32 v44, v14;
	v33 =	vadd.f32 v48, v33;
	v26 =	vadd.f32 v32, v26  }
0x279: {  	v56 =	vmul.f32 v29, v47;
	v32 =	vadd.f32 v53, v54;
	v29 =	vmul.f32 v29, v46  }
0x27a: {  	v50 =	vmul.f32 v38, v2;
	v53 =	vmul.f32 v42, v16;
	v36 =	vadd.f32 v37, v36  }
0x27b: {  	v54 =	vmul.f32 v39, v3;
	v37 =	vadd.f32 v60, v61;
	v28 =	vadd.f32 v56, v28  }
0x27c: {  	v60 =	vmul.f32 v40, v10;
	v32 =	vadd.f32 v32, v57;
	v27 =	vadd.f32 v29, v27  }
0x27d: {  	v35 =	vadd.f32 v45, v53;
	v57 =	vmul.f32 v38, v1;
	v53 =	vmul.f32 v40, v19  }
0x27e: {  	v40 =	vld [tilespmem:$0x26D0];
	v36 =	vmax.f32 v36, $0.0e+00;
	v51 =	vadd.f32 v37, v63;
	v63 =	vmul.f32 v39, v7  }
0x27f: {  	v32 =	vadd.f32 v32, v59;
	v47 =	vmul.f32 v36, v47;
	v59 =	vmul.f32 v42, v21;
	v42 =	vld [tilespmem:$0x26A0]  }
0x280: {  	v36 =	vmul.f32 v36, v46;
	v35 =	vadd.f32 v35, v55;
	v46 =	vld [tilespmem:$0x26B0];
	v29 =	vadd.f32 v51, v52  }
0x281: {  	v41 =	vld [tilespmem:$0x2690];
	v51 =	vmul.f32 v38, v8;
	v32 =	vadd.f32 v32, v62;
	v30 =	vadd.f32 v47, v30  }
0x282: {  	v48 =	vld [tilespmem:$0x2680];
	v35 =	vadd.f32 v35, v58;
	v61 =	vadd.f32 v45, v59;
	v62 =	vmul.f32 v44, v22  }
0x283: {  	v44 =	vld [tilespmem:$0x2700];
	v59 =	vmul.f32 v38, v24;
	v29 =	vadd.f32 v29, v54;
	v32 =	vadd.f32 v32, v50  }
0x284: {  	v35 =	vadd.f32 v35, v60;
	v50 =	vmul.f32 v43, v20;
	v60 =	vmul.f32 v40, v5  }
0x285: {  	v29 =	vadd.f32 v29, v57;
	v52 =	vmul.f32 v42, v18;
	v55 =	vmul.f32 v46, v15  }
0x286: {  	v43 =	vld [tilespmem:$0x26C0];
	v32 =	vmax.f32 v32, $0.0e+00;
	v35 =	vadd.f32 v35, v63;
	v63 =	vmul.f32 v46, v12  }
0x287: {  	v25 =	vadd.f32 v36, v25;
	v56 =	vmul.f32 v32, v48;
	v32 =	vmul.f32 v32, v41  }
0x288: {  	v29 =	vmax.f32 v29, $0.0e+00;
	v54 =	vadd.f32 v44, v52;
	v52 =	vmul.f32 v42, v16  }
0x289: {  	v49 =	vmul.f32 v29, v48;
	v35 =	vadd.f32 v35, v51;
	v34 =	vadd.f32 v56, v34  }
0x28a: {  	v29 =	vmul.f32 v29, v41;
	v31 =	vadd.f32 v32, v31;
	v32 =	vadd.f32 v61, v62  }
0x28b: {  	v56 =	vmul.f32 v39, v23;
	v37 =	vadd.f32 v54, v55;
	v57 =	vmul.f32 v43, v11  }
0x28c: {  	v61 =	vmul.f32 v42, v17;
	v51 =	vmul.f32 v43, v9;
	v54 =	vadd.f32 v44, v52  }
0x28d: {  	v55 =	vmul.f32 v46, v14;
	v42 =	vmul.f32 v42, v21;
	v33 =	vadd.f32 v49, v33  }
0x28e: {  	v39 =	vld [tilespmem:$0x26E0];
	v35 =	vmax.f32 v35, $0.0e+00;
	v26 =	vadd.f32 v29, v26;
	v32 =	vadd.f32 v32, v50  }
0x28f: {  	v29 =	vld [tilespmem:$0x26F0];
	v58 =	vmul.f32 v35, v48;
	v37 =	vadd.f32 v37, v57;
	v36 =	vadd.f32 v44, v61  }
0x290: {  	v35 =	vmul.f32 v35, v41;
	v61 =	vadd.f32 v44, v42;
	v32 =	vadd.f32 v32, v53  }
0x291: {  	v28 =	vadd.f32 v58, v28;
	v37 =	vadd.f32 v37, v60;
	v53 =	vmul.f32 v40, v6  }
0x292: {  	v44 =	vld [tilespmem:$0x2730];
	v27 =	vadd.f32 v35, v27;
	v58 =	vmul.f32 v43, v13;
	v60 =	vmul.f32 v40, v10  }
0x293: {  	v36 =	vadd.f32 v36, v63;
	v40 =	vmul.f32 v40, v19;
	v62 =	vmul.f32 v39, v4  }
0x294: {  	v63 =	vmul.f32 v39, v7;
	v32 =	vadd.f32 v32, v56;
	v50 =	vmul.f32 v29, v2  }
0x295: {  	v36 =	vadd.f32 v36, v51;
	v56 =	vmul.f32 v39, v3;
	v39 =	vmul.f32 v39, v23  }
0x296: {  	v38 =	vld [tilespmem:$0x2710];
	v37 =	vadd.f32 v37, v62;
	v62 =	vmul.f32 v46, v22;
	v32 =	vadd.f32 v32, v59  }
0x297: {  	v45 =	vld [tilespmem:$0x2720];
	v52 =	vmul.f32 v44, v18;
	v36 =	vadd.f32 v36, v53;
	v59 =	vmul.f32 v29, v1  }
0x298: {  	v37 =	vadd.f32 v37, v50;
	v50 =	vmul.f32 v29, v8;
	v32 =	vmax.f32 v32, $0.0e+00  }
0x299: {  	v29 =	vmul.f32 v29, v24;
	v36 =	vadd.f32 v36, v56;
	v49 =	vmul.f32 v32, v48  }
0x29a: {  	v32 =	vmul.f32 v32, v41;
	v37 =	vmax.f32 v37, $0.0e+00;
	v41 =	vadd.f32 v61, v62  }
0x29b: {  	v48 =	vmul.f32 v43, v20;
	v43 =	vld [tilespmem:$0x2790];
	v57 =	vmul.f32 v37, v38;
	v36 =	vadd.f32 v36, v59  }
0x29c: {  	v46 =	vld [tilespmem:$0x2740];
	v37 =	vmul.f32 v37, v45;
	v30 =	vadd.f32 v49, v30;
	v25 =	vadd.f32 v32, v25  }
0x29d: {  	v56 =	vmul.f32 v44, v17;
	v32 =	vadd.f32 v54, v55;
	v51 =	vadd.f32 v41, v48  }
0x29e: {  	v41 =	vld [tilespmem:$0x2750];
	v34 =	vadd.f32 v57, v34;
	v36 =	vmax.f32 v36, $0.0e+00;
	v31 =	vadd.f32 v37, v31  }
0x29f: {  	v32 =	vadd.f32 v32, v58;
	v49 =	vmul.f32 v36, v38;
	v37 =	vadd.f32 v51, v40  }
0x2a0: {  	v42 =	vld [tilespmem:$0x27C0];
	v36 =	vmul.f32 v36, v45;
	v35 =	vadd.f32 v43, v52;
	v58 =	vadd.f32 v43, v56  }
0x2a1: {  	v53 =	vmul.f32 v46, v15;
	v40 =	vld [tilespmem:$0x2760];
	v32 =	vadd.f32 v32, v60;
	v33 =	vadd.f32 v49, v33  }
0x2a2: {  	v59 =	vmul.f32 v46, v12;
	v26 =	vadd.f32 v36, v26;
	v37 =	vadd.f32 v37, v39;
	v39 =	vld [tilespmem:$0x2770]  }
0x2a3: {  	v36 =	vld [tilespmem:$0x2780];
	v35 =	vadd.f32 v35, v53;
	v55 =	vmul.f32 v41, v11;
	v61 =	vmul.f32 v41, v9  }
0x2a4: {  	v56 =	vmul.f32 v41, v13;
	v41 =	vmul.f32 v41, v20;
	v32 =	vadd.f32 v32, v63  }
0x2a5: {  	v29 =	vadd.f32 v37, v29;
	v63 =	vmul.f32 v44, v16;
	v35 =	vadd.f32 v35, v55  }
0x2a6: {  	v57 =	vmul.f32 v40, v5;
	v52 =	vmul.f32 v40, v6;
	v32 =	vadd.f32 v32, v50  }
0x2a7: {  	v53 =	vadd.f32 v43, v63;
	v63 =	vmul.f32 v46, v22;
	v50 =	vmul.f32 v42, v18  }
0x2a8: {  	v60 =	vmul.f32 v39, v4;
	v62 =	vmul.f32 v36, v2;
	v32 =	vmax.f32 v32, $0.0e+00  }
0x2a9: {  	v35 =	vadd.f32 v35, v57;
	v55 =	vmul.f32 v39, v3;
	v54 =	vmul.f32 v32, v38  }
0x2aa: {  	v29 =	vmax.f32 v29, $0.0e+00;
	v49 =	vmul.f32 v36, v8;
	v32 =	vmul.f32 v32, v45  }
0x2ab: {  	v47 =	vld [tilespmem:$0x27A0];
	v38 =	vmul.f32 v29, v38;
	v35 =	vadd.f32 v35, v60;
	v28 =	vadd.f32 v54, v28  }
0x2ac: {  	v29 =	vmul.f32 v29, v45;
	v45 =	vld [tilespmem:$0x27B0];
	v27 =	vadd.f32 v32, v27;
	v32 =	vadd.f32 v58, v59  }
0x2ad: {  	v60 =	vmul.f32 v40, v10;
	v30 =	vadd.f32 v38, v30;
	v35 =	vadd.f32 v35, v62  }
0x2ae: {  	v54 =	vmul.f32 v46, v14;
	v58 =	vmul.f32 v36, v1;
	v25 =	vadd.f32 v29, v25;
	v46 =	vld [tilespmem:$0x2820]  }
0x2af: {  	v32 =	vadd.f32 v32, v61;
	v35 =	vmax.f32 v35, $0.0e+00;
	v61 =	vmul.f32 v44, v21  }
0x2b0: {  	v62 =	vmul.f32 v39, v7;
	v37 =	vadd.f32 v53, v54;
	v44 =	vld [tilespmem:$0x27D0];
	v57 =	vmul.f32 v35, v47  }
0x2b1: {  	v35 =	vmul.f32 v35, v45;
	v32 =	vadd.f32 v32, v52;
	v38 =	vadd.f32 v43, v61;
	v43 =	vld [tilespmem:$0x27E0]  }
0x2b2: {  	v59 =	vadd.f32 v37, v56;
	v52 =	vmul.f32 v40, v19;
	v40 =	vld [tilespmem:$0x27F0];
	v34 =	vadd.f32 v57, v34  }
0x2b3: {  	v36 =	vmul.f32 v36, v24;
	v31 =	vadd.f32 v35, v31;
	v53 =	vadd.f32 v46, v50  }
0x2b4: {  	v32 =	vadd.f32 v32, v55;
	v29 =	vadd.f32 v59, v60;
	v55 =	vmul.f32 v39, v23  }
0x2b5: {  	v38 =	vadd.f32 v38, v63;
	v54 =	vmul.f32 v44, v15;
	v61 =	vmul.f32 v44, v12  }
0x2b6: {  	v39 =	vld [tilespmem:$0x2800];
	v32 =	vadd.f32 v32, v58;
	v29 =	vadd.f32 v29, v62;
	v58 =	vmul.f32 v42, v17  }
0x2b7: {  	v51 =	vadd.f32 v38, v41;
	v57 =	vmul.f32 v43, v11;
	v59 =	vmul.f32 v40, v5  }
0x2b8: {  	v63 =	vmul.f32 v43, v9;
	v32 =	vmax.f32 v32, $0.0e+00;
	v29 =	vadd.f32 v29, v49  }
0x2b9: {  	v38 =	vld [tilespmem:$0x2810];
	v37 =	vadd.f32 v51, v52;
	v51 =	vmul.f32 v40, v6;
	v52 =	vmul.f32 v42, v16  }
0x2ba: {  	v60 =	vadd.f32 v46, v58;
	v58 =	vmul.f32 v42, v21;
	v48 =	vmul.f32 v32, v47  }
0x2bb: {  	v32 =	vmul.f32 v32, v45;
	v62 =	vmul.f32 v39, v4;
	v29 =	vmax.f32 v29, $0.0e+00  }
0x2bc: {  	v37 =	vadd.f32 v37, v55;
	v35 =	vadd.f32 v46, v52;
	v52 =	vmul.f32 v43, v20  }
0x2bd: {  	v33 =	vadd.f32 v48, v33;
	v26 =	vadd.f32 v32, v26;
	v56 =	vmul.f32 v29, v47  }
0x2be: {  	v32 =	vadd.f32 v53, v54;
	v29 =	vmul.f32 v29, v45;
	v49 =	vmul.f32 v38, v2  }
0x2bf: {  	v53 =	vmul.f32 v39, v3;
	v36 =	vadd.f32 v37, v36;
	v37 =	vadd.f32 v60, v61  }
0x2c0: {  	v54 =	vmul.f32 v44, v14;
	v60 =	vadd.f32 v46, v58;
	v28 =	vadd.f32 v56, v28  }
0x2c1: {  	v61 =	vmul.f32 v44, v22;
	v32 =	vadd.f32 v32, v57;
	v27 =	vadd.f32 v29, v27  }
0x2c2: {  	v41 =	vld [tilespmem:$0x2840];
	v56 =	vmul.f32 v38, v1;
	v35 =	vadd.f32 v35, v54;
	v57 =	vmul.f32 v43, v13  }
0x2c3: {  	v43 =	vld [tilespmem:$0x2880];
	v54 =	vmul.f32 v40, v19;
	v36 =	vmax.f32 v36, $0.0e+00;
	v50 =	vadd.f32 v37, v63  }
0x2c4: {  	v37 =	vld [tilespmem:$0x2850];
	v63 =	vmul.f32 v39, v7;
	v32 =	vadd.f32 v32, v59;
	v47 =	vmul.f32 v36, v47  }
0x2c5: {  	v44 =	vld [tilespmem:$0x2870];
	v36 =	vmul.f32 v36, v45;
	v35 =	vadd.f32 v35, v57;
	v29 =	vadd.f32 v50, v51  }
0x2c6: {  	v48 =	vld [tilespmem:$0x2830];
	v59 =	vmul.f32 v40, v10;
	v32 =	vadd.f32 v32, v62;
	v30 =	vadd.f32 v47, v30  }
0x2c7: {  	v42 =	vld [tilespmem:$0x28B0];
	v57 =	vmul.f32 v39, v23;
	v25 =	vadd.f32 v36, v25;
	v29 =	vadd.f32 v29, v53  }
0x2c8: {  	v35 =	vadd.f32 v35, v59;
	v59 =	vmul.f32 v38, v24;
	v32 =	vadd.f32 v32, v49;
	v49 =	vld [tilespmem:$0x2860]  }
0x2c9: {  	v58 =	vmul.f32 v43, v5;
	v62 =	vmul.f32 v37, v18;
	v29 =	vadd.f32 v29, v56  }
0x2ca: {  	v39 =	vld [tilespmem:$0x28A0];
	v35 =	vadd.f32 v35, v63;
	v56 =	vmul.f32 v44, v11;
	v32 =	vmax.f32 v32, $0.0e+00  }
0x2cb: {  	v40 =	vld [tilespmem:$0x2890];
	v55 =	vmul.f32 v32, v48;
	v32 =	vmul.f32 v32, v41;
	v29 =	vmax.f32 v29, $0.0e+00  }
0x2cc: {  	v45 =	vadd.f32 v42, v62;
	v53 =	vmul.f32 v29, v48;
	v29 =	vmul.f32 v29, v41  }
0x2cd: {  	v31 =	vadd.f32 v32, v31;
	v32 =	vadd.f32 v60, v61;
	v50 =	vmul.f32 v49, v15  }
0x2ce: {  	v34 =	vadd.f32 v55, v34;
	v55 =	vmul.f32 v38, v8;
	v33 =	vadd.f32 v53, v33  }
0x2cf: {  	v63 =	vmul.f32 v39, v2;
	v32 =	vadd.f32 v32, v52;
	v45 =	vadd.f32 v45, v50  }
0x2d0: {  	v61 =	vmul.f32 v40, v4;
	v26 =	vadd.f32 v29, v26;
	v35 =	vadd.f32 v35, v55  }
0x2d1: {  	v50 =	vmul.f32 v37, v17;
	v32 =	vadd.f32 v32, v54;
	v45 =	vadd.f32 v45, v56  }
0x2d2: {  	v35 =	vmax.f32 v35, $0.0e+00;
	v54 =	vmul.f32 v49, v12;
	v56 =	vmul.f32 v44, v9  }
0x2d3: {  	v53 =	vadd.f32 v42, v50;
	v62 =	vmul.f32 v35, v48;
	v51 =	vmul.f32 v35, v41  }
0x2d4: {  	v32 =	vadd.f32 v32, v57;
	v60 =	vadd.f32 v45, v58;
	v58 =	vmul.f32 v37, v16  }
0x2d5: {  	v37 =	vmul.f32 v37, v21;
	v28 =	vadd.f32 v62, v28;
	v27 =	vadd.f32 v51, v27  }
0x2d6: {  	v62 =	vmul.f32 v49, v14;
	v32 =	vadd.f32 v32, v59;
	v38 =	vadd.f32 v60, v61  }
0x2d7: {  	v36 =	vld [tilespmem:$0x28C0];
	v51 =	vmul.f32 v49, v22;
	v60 =	vmul.f32 v43, v6;
	v61 =	vadd.f32 v42, v58  }
0x2d8: {  	v32 =	vmax.f32 v32, $0.0e+00;
	v52 =	vadd.f32 v38, v63;
	v63 =	vmul.f32 v40, v3  }
0x2d9: {  	v47 =	vld [tilespmem:$0x28F0];
	v38 =	vadd.f32 v53, v54;
	v53 =	vmul.f32 v39, v1;
	v54 =	vmul.f32 v44, v20  }
0x2da: {  	v50 =	vadd.f32 v42, v37;
	v55 =	vmul.f32 v32, v48;
	v32 =	vmul.f32 v32, v41;
	v41 =	vld [tilespmem:$0x28D0]  }
0x2db: {  	v48 =	vmul.f32 v44, v13;
	v44 =	vld [tilespmem:$0x2900];
	v35 =	vmax.f32 v52, $0.0e+00;
	v59 =	vadd.f32 v38, v56  }
0x2dc: {  	v38 =	vld [tilespmem:$0x28E0];
	v52 =	vmul.f32 v43, v10;
	v29 =	vadd.f32 v55, v30;
	v57 =	vmul.f32 v35, v36  }
0x2dd: {  	v32 =	vadd.f32 v32, v25;
	v55 =	vmul.f32 v40, v7;
	v25 =	vadd.f32 v59, v60  }
0x2de: {  	v42 =	vld [tilespmem:$0x2940];
	v59 =	vmul.f32 v47, v15;
	v60 =	vmul.f32 v39, v8;
	v30 =	vadd.f32 v57, v34  }
0x2df: {  	v34 =	vadd.f32 v61, v62;
	v57 =	vmul.f32 v43, v19;
	v43 =	vld [tilespmem:$0x2910];
	v35 =	vmul.f32 v35, v41  }
0x2e0: {  	v61 =	vmul.f32 v40, v23;
	v40 =	vld [tilespmem:$0x2920];
	v25 =	vadd.f32 v25, v63;
	v62 =	vmul.f32 v44, v11  }
0x2e1: {  	v34 =	vadd.f32 v34, v48;
	v56 =	vmul.f32 v38, v18;
	v31 =	vadd.f32 v35, v31  }
0x2e2: {  	v49 =	vmul.f32 v44, v20;
	v35 =	vadd.f32 v50, v51;
	v25 =	vadd.f32 v25, v53  }
0x2e3: {  	v48 =	vld [tilespmem:$0x2980];
	v51 =	vmul.f32 v39, v24;
	v34 =	vadd.f32 v34, v52;
	v58 =	vadd.f32 v42, v56  }
0x2e4: {  	v56 =	vmul.f32 v38, v17;
	v35 =	vadd.f32 v35, v54;
	v25 =	vmax.f32 v25, $0.0e+00  }
0x2e5: {  	v39 =	vld [tilespmem:$0x2930];
	v52 =	vmul.f32 v43, v5;
	v54 =	vmul.f32 v40, v4;
	v34 =	vadd.f32 v34, v55  }
0x2e6: {  	v45 =	vadd.f32 v58, v59;
	v63 =	vmul.f32 v25, v36;
	v25 =	vmul.f32 v25, v41  }
0x2e7: {  	v46 =	vadd.f32 v42, v56;
	v58 =	vmul.f32 v47, v12;
	v56 =	vmul.f32 v40, v3  }
0x2e8: {  	v35 =	vadd.f32 v35, v57;
	v15 =	vmul.f32 v48, v15;
	v34 =	vadd.f32 v34, v60  }
0x2e9: {  	v12 =	vmul.f32 v48, v12;
	v45 =	vadd.f32 v45, v62;
	v33 =	vadd.f32 v63, v33  }
0x2ea: {  	v26 =	vadd.f32 v25, v26;
	v57 =	vmul.f32 v39, v2;
	v62 =	vmul.f32 v44, v9  }
0x2eb: {  	v35 =	vadd.f32 v35, v61;
	v61 =	vadd.f32 v46, v58;
	v58 =	vmul.f32 v39, v1  }
0x2ec: {  	v34 =	vmax.f32 v34, $0.0e+00;
	v53 =	vadd.f32 v45, v52;
	v52 =	vmul.f32 v43, v6  }
0x2ed: {  	v35 =	vadd.f32 v35, v51;
	v55 =	vmul.f32 v34, v36;
	v34 =	vmul.f32 v34, v41  }
0x2ee: {  	v51 =	vmul.f32 v38, v16;
	v38 =	vmul.f32 v38, v21;
	v37 =	vadd.f32 v53, v54  }
0x2ef: {  	v54 =	vmul.f32 v47, v14;
	v35 =	vmax.f32 v35, $0.0e+00;
	v28 =	vadd.f32 v55, v28  }
0x2f0: {  	v45 =	vld [tilespmem:$0x2950];
	v27 =	vadd.f32 v34, v27;
	v59 =	vmul.f32 v35, v36;
	v60 =	vadd.f32 v37, v57  }
0x2f1: {  	v63 =	vmul.f32 v35, v41;
	v36 =	vadd.f32 v61, v62;
	v35 =	vadd.f32 v42, v51  }
0x2f2: {  	v57 =	vmul.f32 v44, v13;
	v61 =	vmul.f32 v47, v22;
	v25 =	vadd.f32 v59, v29  }
0x2f3: {  	v41 =	vld [tilespmem:$0x2960];
	v34 =	vmax.f32 v60, $0.0e+00;
	v29 =	vadd.f32 v63, v32;
	v55 =	vadd.f32 v36, v52  }
0x2f4: {  	v35 =	vadd.f32 v35, v54;
	v59 =	vmul.f32 v43, v10;
	v60 =	vadd.f32 v42, v38;
	v42 =	vld [tilespmem:$0x2970]  }
0x2f5: {  	v63 =	vmul.f32 v40, v7;
	v54 =	vld [tilespmem:$0x2990];
	v53 =	vmul.f32 v34, v45;
	v32 =	vadd.f32 v55, v56  }
0x2f6: {  	v52 =	vmul.f32 v39, v8;
	v35 =	vadd.f32 v35, v57;
	v36 =	vadd.f32 v60, v61  }
0x2f7: {  	v56 =	vmul.f32 v40, v23;
	v40 =	vmul.f32 v48, v22;
	v30 =	vadd.f32 v53, v30  }
0x2f8: {  	v50 =	vld [tilespmem:$0x29D0];
	v34 =	vmul.f32 v34, v41;
	v53 =	vmul.f32 v43, v19;
	v32 =	vadd.f32 v32, v58  }
0x2f9: {  	v57 =	vld [tilespmem:$0x29A0];
	v62 =	vadd.f32 v35, v59;
	v59 =	vmul.f32 v39, v24;
	v18 =	vmul.f32 v42, v18  }
0x2fa: {  	v60 =	vld [tilespmem:$0x29B0];
	v36 =	vadd.f32 v36, v49;
	v17 =	vmul.f32 v42, v17;
	v11 =	vmul.f32 v54, v11  }
0x2fb: {  	v31 =	vadd.f32 v34, v31;
	v9 =	vmul.f32 v54, v9;
	v16 =	vmul.f32 v42, v16  }
0x2fc: {  	v61 =	vld [tilespmem:$0x29C0];
	v39 =	vmul.f32 v54, v13;
	v32 =	vmax.f32 v32, $0.0e+00;
	v34 =	vadd.f32 v62, v63  }
0x2fd: {  	v55 =	vadd.f32 v36, v53;
	v51 =	vmul.f32 v32, v45;
	v32 =	vmul.f32 v32, v41  }
0x2fe: {  	v18 =	vadd.f32 v50, v18;
	v5 =	vmul.f32 v57, v5;
	v34 =	vadd.f32 v34, v52  }
0x2ff: {  	v4 =	vmul.f32 v60, v4;
	v6 =	vmul.f32 v57, v6;
	v26 =	vadd.f32 v32, v26  }
0x300: {  	v32 =	vadd.f32 v55, v56;
	v15 =	vadd.f32 v18, v15;
	v34 =	vmax.f32 v34, $0.0e+00  }
0x301: {  	v17 =	vadd.f32 v50, v17;
	v2 =	vmul.f32 v61, v2;
	v58 =	vmul.f32 v34, v45  }
0x302: {  	v34 =	vmul.f32 v34, v41;
	v32 =	vadd.f32 v32, v59;
	v11 =	vadd.f32 v15, v11  }
0x303: {  	v3 =	vmul.f32 v60, v3;
	v46 =	vmul.f32 v57, v10;
	v12 =	vadd.f32 v17, v12  }
0x304: {  	v62 =	vadd.f32 v34, v27;
	v63 =	vmax.f32 v32, $0.0e+00;
	v5 =	vadd.f32 v11, v5  }
0x305: {  	v27 =	vadd.f32 v50, v16;
	v32 =	vmul.f32 v48, v14;
	v34 =	vmul.f32 v42, v21  }
0x306: {  	v1 =	vmul.f32 v61, v1;
	v9 =	vadd.f32 v12, v9;
	v4 =	vadd.f32 v5, v4  }
0x307: {  	v7 =	vmul.f32 v60, v7;
	v38 =	vadd.f32 v27, v32;
	v5 =	vadd.f32 v50, v34  }
0x308: {  	v47 =	vld [tilespmem:$0x29F0];
	v52 =	vmul.f32 v60, v23;
	v33 =	vadd.f32 v51, v33;
	v6 =	vadd.f32 v9, v6  }
0x309: {  	v42 =	vld [tilespmem:$0x29E0];
	v48 =	vmul.f32 v54, v20;
	v44 =	vadd.f32 v38, v39;
	v5 =	vadd.f32 v5, v40  }
0x30a: {  	v51 =	vmul.f32 v61, v8;
	v3 =	vadd.f32 v6, v3;
	v2 =	vadd.f32 v4, v2  }
0x30b: {  	v50 =	vmul.f32 v57, v19;
	v4 =	vadd.f32 v44, v46;
	v5 =	vadd.f32 v5, v48  }
0x30c: {  	v55 =	vmul.f32 v61, v24;
	v49 =	vmul.f32 v63, v45;
	v1 =	vadd.f32 v3, v1  }
0x30d: {  	v2 =	vmax.f32 v2, $0.0e+00;
	v3 =	vadd.f32 v4, v7;
	v5 =	vadd.f32 v5, v50  }
0x30e: {  	v28 =	vadd.f32 v58, v28;
	v53 =	vmul.f32 v2, v42;
	v2 =	vmul.f32 v2, v47  }
0x30f: {  	v1 =	vmax.f32 v1, $0.0e+00;
	v3 =	vadd.f32 v3, v51;
	v54 =	vadd.f32 v5, v52  }
0x310: {  	v57 =	vmul.f32 v1, v47;
	v1 =	vmul.f32 v1, v42;
	v2 =	vadd.f32 v2, v31  }
0x311: {  	v56 =	vadd.f32 v53, v30;
	v3 =	vmax.f32 v3, $0.0e+00;
	v4 =	vadd.f32 v54, v55  }
0x312: {  	v58 =	vmul.f32 v63, v41;
	v7 =	vadd.f32 v57, v26;
	[tilespmem:s24+$0xFFFFFFE0] =	vst v2;
	v59 =	vmul.f32 v3, v47  }
0x313: {  	v1 =	vadd.f32 v1, v33;
	[tilespmem:s25+$0xFFFFFFE0] =	vst v56;
	v2 =	vmul.f32 v3, v42;
	v3 =	vmax.f32 v4, $0.0e+00  }
0x314: {  	p1 =	sne.s32 s26, $0x3C0;
	v60 =	vadd.f32 v58, v29;
	[tilespmem:s24+$0xFFFFFFF0] =	vst v7;
	v61 =	vadd.f32 v59, v62;
	v62 =	vmul.f32 v3, v47  }
.Ltmp0:
0x315: {  	v63 =	vadd.f32 v49, v25;
	[tilespmem:s25+$0xFFFFFFF0] =	vst v1;
	v2 =	vadd.f32 v2, v28;
	v3 =	vmul.f32 v3, v42;
	(pc) =	sbr.rel @p1 .LBB2_2-.Ltmp0, $4  }
0x316: {  	v1 =	vadd.f32 v62, v60;
	[tilespmem:s24+$0x0] =	vst v61  }
0x317: {  	v3 =	vadd.f32 v3, v63;
	[tilespmem:s25+$0x0] =	vst v2  }
0x318: {  	s26 =	sadd.s32 $0x40, s26;
	[tilespmem:s24+$0x10] =	vst v1  }
0x319: {  	s23 =	sadd.s32 $0x40, s23;
	s24 =	sadd.s32 $0x40, s24;
	[tilespmem:s25+$0x10] =	vst v3;
	s25 =	sadd.s32 $0x40, s25  }
0x31a: {  	s24 =	simm.s32 $0x0  }
0x31b: {  	v1 =	vimm.f32 $-Inf;
	s23 =	simm.s32 $0x40;
	v2 =	vld [tilespmem:s24+$0x2A00]  }
.LBB2_4:
0x31c: {  	p1 =	sne.s32 s23, $0xFC0  }
.Ltmp1:
0x31d: {  	_ = 	snop;
	(pc) =	sbr.rel @p1 .LBB2_4-.Ltmp1, $3  }
0x31e: {  	_ =	sdelay $0x1  }
0x31f: {  	s24 =	sshra.s32 s23, $0x2;
	s23 =	sadd.s32 $0x40, s23;
	v1 =	vmax.f32 v1, v2  }
0x320: {  	v2 =	vld [tilespmem:s24+$0x2A00]  }
0x321: {  	_ =	sdelay $0x3  }
0x322: {  	v1 =	vmax.f32 v1, v2  }
0x323: {  	(v2sf) =	vpush v1, $0x0  }
0x324: {  	(v2sf) =	vpush v1, $0x1  }
0x325: {  	(v2sf) =	vpush v1, $0x2  }
0x326: {  	(v2sf) =	vpush v1, $0x3  }
0x327: {  	(v2sf) =	vpush v1, $0x4  }
0x328: {  	(v2sf) =	vpush v1, $0x5  }
0x329: {  	(v2sf) =	vpush v1, $0x6  }
0x32a: {  	(v2sf) =	vpush v1, $0x7  }
0x32b: {  	(v2sf) =	vpush v1, $0x8  }
0x32c: {  	(v2sf) =	vpush v1, $0x9  }
0x32d: {  	(v2sf) =	vpush v1, $0xA  }
0x32e: {  	(v2sf) =	vpush v1, $0xB  }
0x32f: {  	(v2sf) =	vpush v1, $0xC  }
0x330: {  	(v2sf) =	vpush v1, $0xD  }
0x331: {  	(v2sf) =	vpush v1, $0xE  }
0x332: {  	s23 =	spop (v2sf);
	(v2sf) =	vpush v1, $0xF  }
0x333: {  	s24 =	spop (v2sf)  }
0x334: {  	s25 =	spop (v2sf);
	s23 =	smax.f32 s23, s24  }
0x335: {  	s30 =	spop (v2sf);
	s23 =	smax.f32 s23, s25  }
0x336: {  	s31 =	spop (v2sf);
	s23 =	smax.f32 s23, s30  }
0x337: {  	s26 =	spop (v2sf);
	s23 =	smax.f32 s23, s31  }
0x338: {  	s28 =	spop (v2sf);
	s23 =	smax.f32 s23, s26  }
0x339: {  	s29 =	spop (v2sf);
	s23 =	smax.f32 s23, s28  }
0x33a: {  	s30 =	spop (v2sf);
	s23 =	smax.f32 s23, s29  }
0x33b: {  	s31 =	spop (v2sf);
	s23 =	smax.f32 s23, s30  }
0x33c: {  	s26 =	spop (v2sf);
	s23 =	smax.f32 s23, s31  }
0x33d: {  	s28 =	spop (v2sf);
	s23 =	smax.f32 s23, s26  }
0x33e: {  	s29 =	spop (v2sf);
	s23 =	smax.f32 s23, s28;
	s28 =	simm.s32 $0x0  }
0x33f: {  	s26 =	spop (v2sf);
	s23 =	smax.f32 s23, s29;
	v2 =	vld [tilespmem:s28+$0x2A00]  }
0x340: {  	s30 =	spop (v2sf);
	s23 =	smax.f32 s23, s26  }
0x341: {  	s24 =	simm.s32 $0x10;
	s23 =	smax.f32 s23, s30;
	s31 =	spop (v2sf)  }
0x342: {  	v3 =	vld [tilespmem:s24+$0x2A00];
	s23 =	smax.f32 s23, s31  }
0x343: {  	v1 =	vmov s23  }
0x344: {  	v2 =	vsub.f32 v2, v1;
	_ =	sdelay $0x1  }
0x345: {  	v2 =	vmul.f32 $1.442695020e+00, v2  }
0x346: {  	v3 =	vsub.f32 v3, v1  }
0x347: {  	(erf) = vpow2.f32 v2  }
0x348: {  	v3 =	vmul.f32 $1.442695020e+00, v3  }
0x349: {  	s25 =	simm.s32 $0x20  }
0x34a: {  	v5 =	vld [tilespmem:s25+$0x2A00];
	(erf) = vpow2.f32 v3;
	_ =	sdelay $0x1  }
0x34b: {  	v4 =	vld [tilespmem:s28+$0x2E00]  }
0x34c: {  	s26 =	simm.s32 $0xC0;
	v2 =	vimm.f32 $0.0e+00;
	v3 =	vimm.f32 $0.0e+00  }
.LBB2_6:
0x34d: {  	p1 =	sne.s32 s26, $0xFC0  }
.Ltmp2:
0x34e: {  	s28 =	sshra.s32 s26, $0x2;
	s26 =	sadd.s32 $0x40, s26;
	v6 =	vsub.f32 v5, v1;
	(pc) =	sbr.rel @p1 .LBB2_6-.Ltmp2, $4  }
0x34f: {  	v5 =	vld [tilespmem:s28+$0x2A00];
	v7 =	vpop (erf)  }
0x350: {  	v6 =	vmul.f32 $1.442695020e+00, v6;
	v2 =	vadd.f32 v7, v2;
	v7 =	vmul.f32 v7, v4  }
0x351: {  	v4 =	vld [tilespmem:s24+$0x2E00];
	s24 =	smov.u32 s25;
	s25 =	smov.u32 s28  }
0x352: {  	(erf) = vpow2.f32 v6;
	v3 =	vadd.f32 v7, v3  }
0x353: {  	_ = 	snop  }
0x354: {  	v1 =	vsub.f32 v5, v1;
	_ =	sdelay $0x1  }
0x355: {  	v1 =	vmul.f32 $1.442695020e+00, v1;
	_ =	sdelay $0x1  }
0x356: {  	(erf) = vpow2.f32 v1;
	_ =	sdelay $0x2  }
0x357: {  	v1 =	vld [tilespmem:s24+$0x2E00];
	_ =	sdelay $0x1  }
0x358: {  	v61 =	vpop (erf);
	v6 =	vld [tilespmem:s25+$0x2E00]  }
0x359: {  	v4 =	vmul.f32 v61, v4  }
0x35a: {  	v2 =	vadd.f32 v61, v2;
	v62 =	vpop (erf)  }
0x35b: {  	v3 =	vadd.f32 v4, v3;
	v1 =	vmul.f32 v62, v1  }
0x35c: {  	v2 =	vadd.f32 v62, v2;
	v63 =	vpop (erf)  }
0x35d: {  	v1 =	vadd.f32 v1, v3;
	v3 =	vmul.f32 v63, v6  }
0x35e: {  	v2 =	vadd.f32 v63, v2  }
0x35f: {  	v1 =	vadd.f32 v3, v1  }
0x360: {  	(v2sf) =	vpush v2, $0x0  }
0x361: {  	(v2sf) =	vpush v1, $0x0  }
0x362: {  	(v2sf) =	vpush v2, $0x1  }
0x363: {  	(v2sf) =	vpush v1, $0x1  }
0x364: {  	(v2sf) =	vpush v2, $0x2  }
0x365: {  	(v2sf) =	vpush v1, $0x2  }
0x366: {  	(v2sf) =	vpush v2, $0x3  }
0x367: {  	(v2sf) =	vpush v1, $0x3  }
0x368: {  	(v2sf) =	vpush v2, $0x4  }
0x369: {  	(v2sf) =	vpush v1, $0x4  }
0x36a: {  	(v2sf) =	vpush v2, $0x5  }
0x36b: {  	(v2sf) =	vpush v1, $0x5  }
0x36c: {  	(v2sf) =	vpush v2, $0x6  }
0x36d: {  	(v2sf) =	vpush v1, $0x6  }
0x36e: {  	(v2sf) =	vpush v2, $0x7  }
0x36f: {  	s29 =	spop (v2sf);
	(v2sf) =	vpush v1, $0x7  }
0x370: {  	s30 =	spop (v2sf);
	(v2sf) =	vpush v2, $0x8  }
0x371: {  	s26 =	spop (v2sf);
	(v2sf) =	vpush v1, $0x8  }
0x372: {  	s28 =	spop (v2sf);
	(v2sf) =	vpush v2, $0x9  }
0x373: {  	s25 =	sadd.f32 s28, s30;
	s31 =	spop (v2sf);
	(v2sf) =	vpush v1, $0x9  }
0x374: {  	s24 =	sadd.f32 s26, s29;
	s29 =	spop (v2sf);
	(v2sf) =	vpush v2, $0xA  }
0x375: {  	s25 =	sadd.f32 s25, s29;
	s30 =	spop (v2sf);
	(v2sf) =	vpush v1, $0xA  }
0x376: {  	s24 =	sadd.f32 s24, s31;
	s31 =	spop (v2sf);
	(v2sf) =	vpush v2, $0xB  }
0x377: {  	s25 =	sadd.f32 s25, s31;
	s29 =	spop (v2sf);
	(v2sf) =	vpush v1, $0xB  }
0x378: {  	s24 =	sadd.f32 s24, s30;
	s30 =	spop (v2sf);
	(v2sf) =	vpush v2, $0xC  }
0x379: {  	s25 =	sadd.f32 s25, s30;
	s31 =	spop (v2sf);
	(v2sf) =	vpush v1, $0xC  }
0x37a: {  	s24 =	sadd.f32 s24, s29;
	s29 =	spop (v2sf);
	(v2sf) =	vpush v2, $0xD  }
0x37b: {  	s25 =	sadd.f32 s25, s29;
	s30 =	spop (v2sf);
	(v2sf) =	vpush v1, $0xD  }
0x37c: {  	s24 =	sadd.f32 s24, s31;
	s31 =	spop (v2sf);
	(v2sf) =	vpush v2, $0xE  }
0x37d: {  	s25 =	sadd.f32 s25, s31;
	s29 =	spop (v2sf);
	(v2sf) =	vpush v1, $0xE  }
0x37e: {  	s24 =	sadd.f32 s24, s30;
	s30 =	spop (v2sf);
	(v2sf) =	vpush v2, $0xF  }
0x37f: {  	s25 =	sadd.f32 s25, s30;
	s31 =	spop (v2sf);
	(v2sf) =	vpush v1, $0xF  }
0x380: {  	s24 =	sadd.f32 s24, s29;
	s29 =	spop (v2sf)  }
0x381: {  	s25 =	sadd.f32 s25, s29;
	s30 =	spop (v2sf)  }
0x382: {  	s24 =	sadd.f32 s24, s31;
	s31 =	spop (v2sf)  }
0x383: {  	s25 =	sadd.f32 s25, s31;
	s29 =	spop (v2sf)  }
0x384: {  	s24 =	sadd.f32 s24, s30;
	s30 =	spop (v2sf)  }
0x385: {  	s25 =	sadd.f32 s25, s30;
	s31 =	spop (v2sf)  }
0x386: {  	s24 =	sadd.f32 s24, s29;
	s29 =	spop (v2sf)  }
0x387: {  	s25 =	sadd.f32 s25, s29;
	s30 =	spop (v2sf)  }
0x388: {  	s24 =	sadd.f32 s24, s31;
	s31 =	spop (v2sf)  }
0x389: {  	s25 =	sadd.f32 s25, s31;
	s29 =	spop (v2sf)  }
0x38a: {  	s24 =	sadd.f32 s24, s30;
	s30 =	spop (v2sf)  }
0x38b: {  	s25 =	sadd.f32 s25, s30;
	s31 =	spop (v2sf)  }
0x38c: {  	s24 =	sadd.f32 s24, s29;
	s29 =	spop (v2sf)  }
0x38d: {  	s25 =	sadd.f32 s25, s29;
	s30 =	spop (v2sf)  }
0x38e: {  	s24 =	sadd.f32 s24, s31;
	s31 =	spop (v2sf)  }
0x38f: {  	s25 =	sadd.f32 s25, s31;
	_ =	sdelay $0x1  }
0x390: {  	vm0 =	veq.s32 v0, $0x0;
	s24 =	sadd.f32 s24, s30;
	v1 =	vmov s25  }
0x391: {  	vm15 =	veq.s32 v0, $0x1;
	v1 =	vsel vm0, s23, v1  }
0x392: {  	v1 =	vsel vm15, s24, v1  }
0x393: {  	[tilespmem:$0x3200] =	vst v1  }
0x394: {  	[spmem:s10] =	stream.linear.scatter [tilespmem:s21], [sflag:$0x1], $0x10, $0x38;
	[tilespmem:$0x3410] =	vst v63  }
0x395: {  	v1 =	vlaneseq.u32 @!p0;
	_ =	swait.ge [sflag:s15], $0x10  }
0x396: {  	v1 =	vand.u32 @!p0 $0x7, v1;
	[sflag:s15] =	ssyncset.done $0x0  }
0x397: {  	v1 =	vmul.u32 @!p0 $0x20, v1;
	[sflag:s15] =	ssyncadd.s32 $0xFFFFFFF0  }
0x398: {  	s23 =	simm.s32 @!p0 $0x3310;
	s24 =	simm.s32 @!p0 $0x1;
	[bflag:$0x0] =	sbarrier.arrive $0xFFFF  }
0x399: {  	v2 =	vor.u32 @!p0 $0x10, v1;
	[tilespmem:s23], [sflag:$0x1] =	stream.linear.gather @!p0 [spmem:s1], $0x100, $0x38;
	[tilespmem:$0x3410] =	vst v63  }
0x39a: {  	_ =	swait.ge @!p0 [sflag:s24], $0x100  }
0x39b: {  	[sflag:s24] =	ssyncset.done @!p0 $0x0  }
0x39c: {  	[sflag:s24] =	ssyncadd.s32 @!p0 $0xFFFFFF00  }
0x39d: {  	v3 =	vld.idx.msk @!p0 [tilespmem:v1+s23+$0x0], $0xffff  }
0x39e: {  	v2 =	vld.idx.msk @!p0 [tilespmem:v2+s23+$0x0], $0xffff;
	_ =	sdelay $0x4  }
0x39f: {  	v4 =	vmax.f32 @!p0 v3, v2  }
0x3a0: {  	v3 =	vsub.f32 @!p0 v3, v4  }
0x3a1: {  	v2 =	vsub.f32 @!p0 v2, v4  }
0x3a2: {  	v3 =	vmul.f32 @!p0 $1.442695020e+00, v3  }
0x3a3: {  	v2 =	vmul.f32 @!p0 $1.442695020e+00, v2  }
0x3a4: {  	v4 =	vor.u32 @!p0 $0x1, v1;
	(erf) = vpow2.f32 @!p0 v3  }
0x3a5: {  	v3 =	vor.u32 @!p0 $0x11, v1;
	(erf) = vpow2.f32 @!p0 v2;
	_ =	sdelay $0x3  }
0x3a6: {  	v2 =	vld.idx.msk @!p0 [tilespmem:v4+s23+$0x0], $0xffff  }
0x3a7: {  	v3 =	vld.idx.msk @!p0 [tilespmem:v3+s23+$0x0], $0xffff;
	_ =	sdelay $0x2  }
0x3a8: {  	v4 =	vpop @!p0 (erf)  }
0x3a9: {  	v5 =	vor.u32 @!p0 $0x2, v1;
	v6 =	vpop @!p0 (erf)  }
0x3aa: {  	v1 =	vor.u32 @!p0 $0x12, v1;
	v2 =	vmul.f32 @!p0 v4, v2;
	v3 =	vmul.f32 @!p0 v6, v3;
	_ =	sdelay $0x1  }
0x3ab: {  	v2 =	vadd.f32 @!p0 v3, v2;
	_ =	sdelay $0x1  }
0x3ac: {  	v3 =	vld.idx.msk @!p0 [tilespmem:v5+s23+$0x0], $0xffff;
	(erf) = vrcp.f32 @!p0 v2  }
0x3ad: {  	v1 =	vld.idx.msk @!p0 [tilespmem:v1+s23+$0x0], $0xffff;
	_ =	sdelay $0x3  }
0x3ae: {  	v2 =	vmul.f32 @!p0 v4, v3  }
0x3af: {  	v1 =	vmul.f32 @!p0 v6, v1;
	_ =	sdelay $0x1  }
0x3b0: {  	v1 =	vadd.f32 @!p0 v1, v2  }
0x3b1: {  	v2 =	vpop @!p0 (erf)  }
0x3b2: {  	s22 =	sadd.s32 $0x1, s22;
	v1 =	vmul.f32 @!p0 v2, v1  }
0x3b3: {  	p1 =	sne.s32 s22, s12  }
.Ltmp3:
0x3b4: {  	s25 =	simm.s32 @!p0 $0x3280;
	s23 =	simm.s32 @!p0 $0x0;
	[tilespmem:$0x3280] =	vst @!p0 v1;
	(pc) =	sbr.rel @p1 .LBB2_1-.Ltmp3, $4  }
0x3b5: {  	[hbm4b:s11+s23] =	stream.linear.scatter @!p0 [tilespmem:s25], [sflag:$0x1], $0x80, $0x38;
	[tilespmem:$0x3410] =	vst v63  }
0x3b6: {  	_ =	swait.ge @!p0 [sflag:s24], $0x80  }
0x3b7: {  	[sflag:s24] =	ssyncset.done @!p0 $0x0  }
0x3b8: {  	[sflag:s24] =	ssyncadd.s32 @!p0 $0xFFFFFF80  }
0x3b9: {  	_ =	sfence.sel $0x180000  }
0x3ba: {  	[bflag:$0x0] =	sbarrier.arrive $0xFFFF  }
0x3bb: {  	_ =	strace $0x90000047  }
0x3bc: {  	s0 =	sadd.s32 @!p0 $0x100000, s0;
	[bflag:$0x2] =	sbarrier.arrive $0xFFFF  }
0x3bd: {  	[sflag:s0] =	ssyncadd.tile.s32 @!p0 $0x1;
	_ =	shalt  }
.Lfunc_end2:
_tile_overlayer_lowered:
.L_overlay_start_2:
0x3be: {  	(tag) =	ssettag $0x2  }
0x3bf: {  	s0 =	rddreg [dreg:$0x0];
	s2 =	stileid.u32  }
0x3c0: {  	s1 =	rddreg [dreg:$0x1];
	p0 =	sne.s32 s2, $0x0  }
0x3c1: {  	s3 =	rddreg [dreg:$0x2];
	[bflag:$0x3] =	sbarrier.arrive $0xFFFF;
	s2 =	simm.s32 @!p0 $0x1C01  }
0x3c2: {  	[timem:s3], [sflag:s2] =	dma.local @!p0 [hbm:s0], s1  }
0x3c3: {  	s0 =	simm.s32 @!p0 $0x1  }
0x3c4: {  	_ =	swait.ge @!p0 [sflag:s0], s1  }
0x3c5: {  	s1 =	ssub.s32 @!p0 $0x0, s1;
	[sflag:s0] =	ssyncset.done @!p0 $0x0  }
0x3c6: {  	[sflag:s0] =	ssyncadd.s32 @!p0 s1  }
0x3c7: {  	[bflag:$0x3] =	sbarrier.arrive $0xFFFF  }
0x3c8: {  	_ =	shalt  }

</sc_bundles>
